<compile_context>
chip_gen: v7x
topology: tpu7x:2x2x1
jax: 0.10.2.dev20260603
libtpu: 0.0.44.dev20260713+nightly
codegen_flags: <defaults>
</compile_context>

<pallas_src>
import functools

import jax
import jax.numpy as jnp
from jax import lax
from jax.experimental import pallas as pl
from jax.experimental.pallas import tpu as pltpu
from jax.experimental.pallas import tpu_sc as plsc

D = 64
L = 16
NC, NS = 2, 16
NW = NC * NS
N = 64 * 64 * 64
PER_W = N // NW
CHUNK = 128
NCHUNK = PER_W // CHUNK
MAXPOS = 512
EPS = 1e-12

_mesh = plsc.VectorSubcoreMesh(core_axis_name="c", subcore_axis_name="s")


@functools.partial(
    pl.kernel,
    mesh=_mesh,
    out_type=jax.ShapeDtypeStruct((N, D), jnp.float32),
    scratch_types=[
        pltpu.VMEM((2, CHUNK), jnp.int32),
        pltpu.VMEM((2, CHUNK), jnp.int32),
        pltpu.VMEM((2, 1, CHUNK), jnp.int32),
        pltpu.VMEM((2, CHUNK, 2 * D), jnp.float32),
        pltpu.VMEM((2, CHUNK, D), jnp.float32),
        pltpu.VMEM((MAXPOS // 2, 2 * D), jnp.float32),
        pltpu.VMEM((D,), jnp.float32),
        pltpu.VMEM((D,), jnp.float32),
        pltpu.SemaphoreType.DMA,
        pltpu.SemaphoreType.DMA,
        pltpu.SemaphoreType.DMA,
        pltpu.SemaphoreType.DMA,
    ],
    compiler_params=pltpu.CompilerParams(
        use_tc_tiling_on_sc=True, needs_layout_passes=False),
)
def _emb_ln(ids_hbm, pids_hbm, wt_hbm, pt_hbm, lw_hbm, lb_hbm, out_hbm,
            wids_v, pidx_v, idx_v, wrows, outb, pt_v, lw_v, lb_v,
            semw0, semw1, semo0, semo1):
    wid = lax.axis_index("s") * NC + lax.axis_index("c")
    tok0 = wid * PER_W
    semw = (semw0, semw1)
    semo = (semo0, semo1)

    pltpu.sync_copy(pt_hbm, pt_v)
    pltpu.sync_copy(lw_hbm, lw_v)
    pltpu.sync_copy(lb_hbm, lb_v)
    lw = [lw_v[pl.ds(k * L, L)] for k in range(D // L)]
    lb = [lb_v[pl.ds(k * L, L)] for k in range(D // L)]
    lanes = lax.iota(jnp.int32, L)
    perms = [lanes ^ m for m in (8, 4, 2, 1)]
    cols = [k * L + lanes for k in range(D // L)]

    _gdn = lax.GatherDimensionNumbers(
        offset_dims=(), collapsed_slice_dims=(0,), start_index_map=(0,))

    def hsum(v):
        for p in perms:
            v = v + lax.gather(v, p[:, None], _gdn, (1,),
                               mode=lax.GatherScatterMode.PROMISE_IN_BOUNDS)
        return v

    def stage_and_fire(c, b):
        pltpu.sync_copy(ids_hbm.at[pl.ds(tok0 + c * CHUNK, CHUNK)],
                        wids_v.at[b])
        pltpu.sync_copy(pids_hbm.at[pl.ds(tok0 + c * CHUNK, CHUNK)],
                        pidx_v.at[b])
        for g in range(CHUNK // L):
            idx_v[b, 0, pl.ds(g * L, L)] = lax.shift_right_logical(
                wids_v[b, pl.ds(g * L, L)], 1)
        pltpu.async_copy(wt_hbm.at[idx_v.at[b, 0]], wrows.at[b], semw[b])

    def wait_gather(b):
        pltpu.make_async_copy(wt_hbm.at[pl.ds(0, CHUNK)], wrows.at[b],
                              semw[b]).wait()

    def wait_out(b):
        pltpu.make_async_copy(outb.at[b], out_hbm.at[pl.ds(0, CHUNK)],
                              semo[b]).wait()

    def compute(c, b):
        @plsc.parallel_loop(0, CHUNK, unroll=8)
        def tok(t):
            tb = jnp.full((L,), t, jnp.int32)
            wid_b = plsc.load_gather(wids_v.at[b], [tb])
            pid_b = plsc.load_gather(pidx_v.at[b], [tb])
            wcol = lax.shift_left(wid_b & 1, 6)
            prow = lax.shift_right_logical(pid_b, 1)
            pcol = lax.shift_left(pid_b & 1, 6)
            xs = []
            for k in range(D // L):
                w_k = plsc.load_gather(wrows.at[b], [tb, wcol + cols[k]])
                p_k = plsc.load_gather(pt_v, [prow, pcol + cols[k]])
                xs.append(w_k + p_k)
            s = (xs[0] + xs[1]) + (xs[2] + xs[3])
            q = (xs[0] * xs[0] + xs[1] * xs[1]) + (xs[2] * xs[2] + xs[3] * xs[3])
            u = hsum(s) * (1.0 / D)
            var = hsum(q) * (1.0 / D) - u * u
            vv = jnp.maximum(var, 0.0) + EPS
            seed = jnp.int32(0x5F3759DF) - lax.shift_right_arithmetic(
                lax.bitcast_convert_type(vv, jnp.int32), 1)
            y = lax.bitcast_convert_type(seed, jnp.float32)
            y = y * (1.5 - 0.5 * vv * y * y)
            y = y * (1.5 - 0.5 * vv * y * y)
            for k in range(D // L):
                outb[b, t, pl.ds(k * L, L)] = (xs[k] - u) * y * lw[k] + lb[k]

        pltpu.async_copy(outb.at[b],
                         out_hbm.at[pl.ds(tok0 + c * CHUNK, CHUNK)], semo[b])

    stage_and_fire(0, 0)

    def pair_body(c2, carry):
        for b in range(2):
            c = c2 * 2 + b
            if b == 0:
                stage_and_fire(c + 1, 1)
            else:
                @pl.when(c2 < NCHUNK // 2 - 1)
                def _():
                    stage_and_fire(c + 1, 0)

            wait_gather(b)

            @pl.when(c2 >= 1)
            def _():
                wait_out(b)

            compute(c, b)
        return carry

    lax.fori_loop(0, NCHUNK // 2, pair_body, 0)
    wait_out(0)
    wait_out(1)


def kernel(input_ids, position_ids, word_table, pos_table, ln_weight, ln_bias):
    ids = input_ids.reshape(N)
    pids = position_ids.reshape(N)
    wt = word_table.reshape(500000, 2 * D)
    pt = pos_table.reshape(MAXPOS // 2, 2 * D)
    out = _emb_ln(ids, pids, wt, pt, ln_weight, ln_bias)
    return out.reshape(*input_ids.shape, D)

# --- scband reference (transcript-rebuilt; emitter-appended) ---
"""Pipeline reference for scband-semantic-map-embeddings-28157805592737 (READ-ONLY COPY).

The authoritative reference and input builder live on the scoring server;
editing this copy changes nothing except your own understanding.
"""

import jax, jax.numpy as jnp
import numpy as np

MAP_SIZE = 1000000
EMB_DIM = 64
MAX_POS = 512
B, H, W = 64, 64, 64
EPS = 1e-12

def setup_inputs(seed: int = 0) -> dict:
    key = jax.random.key(seed)
    k1, k2, k3, k4 = jax.random.split(key, 4)
    input_ids = jax.random.randint(k1, (B, H, W), 0, MAP_SIZE, dtype=jnp.int64 if jax.config.jax_enable_x64 else jnp.int32)
    position_ids = jax.random.randint(k2, (B, H, W), 0, MAX_POS, dtype=jnp.int64 if jax.config.jax_enable_x64 else jnp.int32)
    word_table = jax.random.normal(k3, (MAP_SIZE, EMB_DIM), dtype=jnp.float32) * 0.02
    # padding_idx=0 -> row 0 initialized to zeros (matches nn.Embedding padding_idx init)
    word_table = word_table.at[0].set(0.0)
    pos_table = jax.random.normal(k4, (MAX_POS, EMB_DIM), dtype=jnp.float32) * 0.02
    ln_weight = jnp.ones((EMB_DIM,), dtype=jnp.float32)
    ln_bias = jnp.zeros((EMB_DIM,), dtype=jnp.float32)
    return {"input_ids": input_ids, "position_ids": position_ids, "word_table": word_table, "pos_table": pos_table, "ln_weight": ln_weight, "ln_bias": ln_bias}

def reference(input_ids, position_ids, word_table, pos_table, ln_weight, ln_bias):
    words_embeddings = jnp.take(word_table, input_ids, axis=0)
    position_embeddings = jnp.take(pos_table, position_ids, axis=0)
    embeddings = words_embeddings + position_embeddings
    u = jnp.mean(embeddings, axis=-1, keepdims=True)
    s = jnp.mean((embeddings - u) ** 2, axis=-1, keepdims=True)
    x = (embeddings - u) / jnp.sqrt(s + EPS)
    out = ln_weight * x + ln_bias
    # dropout p=0.0 (eval / identity)
    return out

if __name__ == "__main__":
    import jax
    _d = setup_inputs()
    print(jax.jit(kernel)(*tuple(_d.values())))

</pallas_src>

<mosaic_0001>
#map = affine_map<(d0, d1) -> (0)>
#map1 = affine_map<(d0, d1) -> (0, 0)>
module attributes {stable_mosaic.version = 14 : i64} {
  func.func @_emb_ln(%arg0: i32, %arg1: i32, %arg2: memref<262144xi32, #tpu.memory_space<hbm>>, %arg3: memref<262144xi32, #tpu.memory_space<hbm>>, %arg4: memref<500000x128xf32, #tpu.memory_space<hbm>>, %arg5: memref<256x128xf32, #tpu.memory_space<hbm>>, %arg6: memref<64xf32, #tpu.memory_space<hbm>>, %arg7: memref<64xf32, #tpu.memory_space<hbm>>, %arg8: memref<262144x64xf32, #tpu.memory_space<hbm>>, %arg9: memref<2x128xi32, #tpu.memory_space<vmem>>, %arg10: memref<2x128xi32, #tpu.memory_space<vmem>>, %arg11: memref<2x1x128xi32, #tpu.memory_space<vmem>>, %arg12: memref<2x128x128xf32, #tpu.memory_space<vmem>>, %arg13: memref<2x128x64xf32, #tpu.memory_space<vmem>>, %arg14: memref<256x128xf32, #tpu.memory_space<vmem>>, %arg15: memref<64xf32, #tpu.memory_space<vmem>>, %arg16: memref<64xf32, #tpu.memory_space<vmem>>, %arg17: memref<!tpu.dma_semaphore, #tpu.memory_space<semaphore_mem>>, %arg18: memref<!tpu.dma_semaphore, #tpu.memory_space<semaphore_mem>>, %arg19: memref<!tpu.dma_semaphore, #tpu.memory_space<semaphore_mem>>, %arg20: memref<!tpu.dma_semaphore, #tpu.memory_space<semaphore_mem>>) attributes {dimension_semantics = [#tpu.dimension_semantics<core_parallel>, #tpu.dimension_semantics<subcore_parallel>], iteration_bounds = array<i64: 2, 16>, scalar_prefetch = 0 : i64, scratch_operands = 12 : i64, tpu.core_type = #tpu.core_type<sc_vector_subcore>, window_params = [{transform_indices = #map}, {transform_indices = #map}, {transform_indices = #map1}, {transform_indices = #map1}, {transform_indices = #map}, {transform_indices = #map}, {transform_indices = #map1}]} {
    %mul3A = arith.constant 2 : i32
    %mul3A_0 = arith.muli %arg1, %mul3A : i32
    %add3A = arith.addi %mul3A_0, %arg0 : i32
    %mul3A_1 = arith.constant 8192 : i32
    %mul3A_2 = arith.muli %add3A, %mul3A_1 : i32
    "tpu.region"() ({
      %run_scoped3A_194 = tpu.sem_alloc : memref<!tpu.dma_semaphore, #tpu.memory_space<semaphore_mem>>
      tpu.enqueue_dma source(%arg5 : memref<256x128xf32, #tpu.memory_space<hbm>>) target(%arg14 : memref<256x128xf32, #tpu.memory_space<vmem>>) target_semaphore(%run_scoped3A_194 : memref<!tpu.dma_semaphore, #tpu.memory_space<semaphore_mem>>)
      tpu.wait_dma2 semaphore(%run_scoped3A_194 : memref<!tpu.dma_semaphore, #tpu.memory_space<semaphore_mem>>) src(%arg5 : memref<256x128xf32, #tpu.memory_space<hbm>>) dst(%arg14 : memref<256x128xf32, #tpu.memory_space<vmem>>)
      tpu.yield
    }) : () -> ()
    "tpu.region"() ({
      %run_scoped3A_194 = tpu.sem_alloc : memref<!tpu.dma_semaphore, #tpu.memory_space<semaphore_mem>>
      tpu.enqueue_dma source(%arg6 : memref<64xf32, #tpu.memory_space<hbm>>) target(%arg15 : memref<64xf32, #tpu.memory_space<vmem>>) target_semaphore(%run_scoped3A_194 : memref<!tpu.dma_semaphore, #tpu.memory_space<semaphore_mem>>)
      tpu.wait_dma2 semaphore(%run_scoped3A_194 : memref<!tpu.dma_semaphore, #tpu.memory_space<semaphore_mem>>) src(%arg6 : memref<64xf32, #tpu.memory_space<hbm>>) dst(%arg15 : memref<64xf32, #tpu.memory_space<vmem>>)
      tpu.yield
    }) : () -> ()
    "tpu.region"() ({
      %run_scoped3A_194 = tpu.sem_alloc : memref<!tpu.dma_semaphore, #tpu.memory_space<semaphore_mem>>
      tpu.enqueue_dma source(%arg7 : memref<64xf32, #tpu.memory_space<hbm>>) target(%arg16 : memref<64xf32, #tpu.memory_space<vmem>>) target_semaphore(%run_scoped3A_194 : memref<!tpu.dma_semaphore, #tpu.memory_space<semaphore_mem>>)
      tpu.wait_dma2 semaphore(%run_scoped3A_194 : memref<!tpu.dma_semaphore, #tpu.memory_space<semaphore_mem>>) src(%arg7 : memref<64xf32, #tpu.memory_space<hbm>>) dst(%arg16 : memref<64xf32, #tpu.memory_space<vmem>>)
      tpu.yield
    }) : () -> ()
    %get3A = arith.constant 0 : index
    %get3A_3 = tpu.vector_load %arg15[%get3A] {strides = array<i32>} : memref<64xf32, #tpu.memory_space<vmem>>, vector<16xf32>,
    %get3A_4 = arith.constant 16 : index
    %get3A_5 = tpu.vector_load %arg15[%get3A_4] {strides = array<i32>} : memref<64xf32, #tpu.memory_space<vmem>>, vector<16xf32>,
    %get3A_6 = arith.constant 32 : index
    %get3A_7 = tpu.vector_load %arg15[%get3A_6] {strides = array<i32>} : memref<64xf32, #tpu.memory_space<vmem>>, vector<16xf32>,
    %get3A_8 = arith.constant 48 : index
    %get3A_9 = tpu.vector_load %arg15[%get3A_8] {strides = array<i32>} : memref<64xf32, #tpu.memory_space<vmem>>, vector<16xf32>,
    %get3A_10 = arith.constant 0 : index
    %get3A_11 = tpu.vector_load %arg16[%get3A_10] {strides = array<i32>} : memref<64xf32, #tpu.memory_space<vmem>>, vector<16xf32>,
    %get3A_12 = arith.constant 16 : index
    %get3A_13 = tpu.vector_load %arg16[%get3A_12] {strides = array<i32>} : memref<64xf32, #tpu.memory_space<vmem>>, vector<16xf32>,
    %get3A_14 = arith.constant 32 : index
    %get3A_15 = tpu.vector_load %arg16[%get3A_14] {strides = array<i32>} : memref<64xf32, #tpu.memory_space<vmem>>, vector<16xf32>,
    %get3A_16 = arith.constant 48 : index
    %get3A_17 = tpu.vector_load %arg16[%get3A_16] {strides = array<i32>} : memref<64xf32, #tpu.memory_space<vmem>>, vector<16xf32>,
    %iota3A = tpu.iota {dimensions = array<i32: 0>} : vector<16xi32>
    %xor3A = arith.constant 8 : i32
    %xor3A_18 = vector.broadcast %xor3A : i32 to vector<16xi32>
    %xor3A_19 = arith.xori %iota3A, %xor3A_18 : vector<16xi32>
    %xor3A_20 = arith.constant 4 : i32
    %xor3A_21 = vector.broadcast %xor3A_20 : i32 to vector<16xi32>
    %xor3A_22 = arith.xori %iota3A, %xor3A_21 : vector<16xi32>
    %xor3A_23 = arith.constant 2 : i32
    %xor3A_24 = vector.broadcast %xor3A_23 : i32 to vector<16xi32>
    %xor3A_25 = arith.xori %iota3A, %xor3A_24 : vector<16xi32>
    %xor3A_26 = arith.constant 1 : i32
    %xor3A_27 = vector.broadcast %xor3A_26 : i32 to vector<16xi32>
    %xor3A_28 = arith.xori %iota3A, %xor3A_27 : vector<16xi32>
    %add3A_29 = arith.constant 0 : i32
    %add3A_30 = vector.broadcast %add3A_29 : i32 to vector<16xi32>
    %add3A_31 = arith.addi %add3A_30, %iota3A : vector<16xi32>
    %add3A_32 = arith.constant 16 : i32
    %add3A_33 = vector.broadcast %add3A_32 : i32 to vector<16xi32>
    %add3A_34 = arith.addi %add3A_33, %iota3A : vector<16xi32>
    %add3A_35 = arith.constant 32 : i32
    %add3A_36 = vector.broadcast %add3A_35 : i32 to vector<16xi32>
    %add3A_37 = arith.addi %add3A_36, %iota3A : vector<16xi32>
    %add3A_38 = arith.constant 48 : i32
    %add3A_39 = vector.broadcast %add3A_38 : i32 to vector<16xi32>
    %add3A_40 = arith.addi %add3A_39, %iota3A : vector<16xi32>
    %add3A_41 = arith.constant 0 : i32
    %add3A_42 = arith.addi %mul3A_2, %add3A_41 : i32
    %run_scoped3A = arith.constant 0 : i32
    "tpu.region"() ({
      %run_scoped3A_194 = tpu.sem_alloc : memref<!tpu.dma_semaphore, #tpu.memory_space<semaphore_mem>>
      %dma_start3A_195 = arith.constant 0 : i32
      %dma_start3A_196 = tpu.memref_slice %arg9[%run_scoped3A, %dma_start3A_195] : memref<2x128xi32, #tpu.memory_space<vmem>> -> memref<1x128xi32, #tpu.memory_space<vmem>>
      %dma_start3A_197 = tpu.memref_squeeze %dma_start3A_196 : memref<1x128xi32, #tpu.memory_space<vmem>> -> memref<128xi32, #tpu.memory_space<vmem>>
      %dma_start3A_198 = tpu.memref_slice %arg2[%add3A_42] : memref<262144xi32, #tpu.memory_space<hbm>> -> memref<128xi32, #tpu.memory_space<hbm>>
      %dma_start3A_199 = arith.constant 0 : i32
      %dma_start3A_200 = tpu.memref_slice %arg9[%run_scoped3A, %dma_start3A_199] : memref<2x128xi32, #tpu.memory_space<vmem>> -> memref<1x128xi32, #tpu.memory_space<vmem>>
      %dma_start3A_201 = tpu.memref_squeeze %dma_start3A_200 : memref<1x128xi32, #tpu.memory_space<vmem>> -> memref<128xi32, #tpu.memory_space<vmem>>
      %dma_start3A_202 = tpu.memref_slice %arg2[%add3A_42] : memref<262144xi32, #tpu.memory_space<hbm>> -> memref<128xi32, #tpu.memory_space<hbm>>
      tpu.enqueue_dma source(%dma_start3A_202 : memref<128xi32, #tpu.memory_space<hbm>>) target(%dma_start3A_201 : memref<128xi32, #tpu.memory_space<vmem>>) target_semaphore(%run_scoped3A_194 : memref<!tpu.dma_semaphore, #tpu.memory_space<semaphore_mem>>)
      %dma_wait3A_203 = arith.constant 0 : i32
      %dma_wait3A_204 = tpu.memref_slice %arg9[%run_scoped3A, %dma_wait3A_203] : memref<2x128xi32, #tpu.memory_space<vmem>> -> memref<1x128xi32, #tpu.memory_space<vmem>>
      %dma_wait3A_205 = tpu.memref_squeeze %dma_wait3A_204 : memref<1x128xi32, #tpu.memory_space<vmem>> -> memref<128xi32, #tpu.memory_space<vmem>>
      %dma_wait3A_206 = tpu.memref_slice %arg2[%add3A_42] : memref<262144xi32, #tpu.memory_space<hbm>> -> memref<128xi32, #tpu.memory_space<hbm>>
      %dma_wait3A_207 = arith.constant 0 : i32
      %dma_wait3A_208 = tpu.memref_slice %arg9[%run_scoped3A, %dma_wait3A_207] : memref<2x128xi32, #tpu.memory_space<vmem>> -> memref<1x128xi32, #tpu.memory_space<vmem>>
      %dma_wait3A_209 = tpu.memref_squeeze %dma_wait3A_208 : memref<1x128xi32, #tpu.memory_space<vmem>> -> memref<128xi32, #tpu.memory_space<vmem>>
      %dma_wait3A_210 = tpu.memref_slice %arg2[%add3A_42] : memref<262144xi32, #tpu.memory_space<hbm>> -> memref<128xi32, #tpu.memory_space<hbm>>
      tpu.wait_dma2 semaphore(%run_scoped3A_194 : memref<!tpu.dma_semaphore, #tpu.memory_space<semaphore_mem>>) src(%dma_wait3A_210 : memref<128xi32, #tpu.memory_space<hbm>>) dst(%dma_wait3A_209 : memref<128xi32, #tpu.memory_space<vmem>>)
      tpu.yield
    }) : () -> ()
    %add3A_43 = arith.constant 0 : i32
    %add3A_44 = arith.addi %mul3A_2, %add3A_43 : i32
    %run_scoped3A_45 = arith.constant 0 : i32
    "tpu.region"() ({
      %run_scoped3A_194 = tpu.sem_alloc : memref<!tpu.dma_semaphore, #tpu.memory_space<semaphore_mem>>
      %dma_start3A_195 = arith.constant 0 : i32
      %dma_start3A_196 = tpu.memref_slice %arg10[%run_scoped3A_45, %dma_start3A_195] : memref<2x128xi32, #tpu.memory_space<vmem>> -> memref<1x128xi32, #tpu.memory_space<vmem>>
      %dma_start3A_197 = tpu.memref_squeeze %dma_start3A_196 : memref<1x128xi32, #tpu.memory_space<vmem>> -> memref<128xi32, #tpu.memory_space<vmem>>
      %dma_start3A_198 = tpu.memref_slice %arg3[%add3A_44] : memref<262144xi32, #tpu.memory_space<hbm>> -> memref<128xi32, #tpu.memory_space<hbm>>
      %dma_start3A_199 = arith.constant 0 : i32
      %dma_start3A_200 = tpu.memref_slice %arg10[%run_scoped3A_45, %dma_start3A_199] : memref<2x128xi32, #tpu.memory_space<vmem>> -> memref<1x128xi32, #tpu.memory_space<vmem>>
      %dma_start3A_201 = tpu.memref_squeeze %dma_start3A_200 : memref<1x128xi32, #tpu.memory_space<vmem>> -> memref<128xi32, #tpu.memory_space<vmem>>
      %dma_start3A_202 = tpu.memref_slice %arg3[%add3A_44] : memref<262144xi32, #tpu.memory_space<hbm>> -> memref<128xi32, #tpu.memory_space<hbm>>
      tpu.enqueue_dma source(%dma_start3A_202 : memref<128xi32, #tpu.memory_space<hbm>>) target(%dma_start3A_201 : memref<128xi32, #tpu.memory_space<vmem>>) target_semaphore(%run_scoped3A_194 : memref<!tpu.dma_semaphore, #tpu.memory_space<semaphore_mem>>)
      %dma_wait3A_203 = arith.constant 0 : i32
      %dma_wait3A_204 = tpu.memref_slice %arg10[%run_scoped3A_45, %dma_wait3A_203] : memref<2x128xi32, #tpu.memory_space<vmem>> -> memref<1x128xi32, #tpu.memory_space<vmem>>
      %dma_wait3A_205 = tpu.memref_squeeze %dma_wait3A_204 : memref<1x128xi32, #tpu.memory_space<vmem>> -> memref<128xi32, #tpu.memory_space<vmem>>
      %dma_wait3A_206 = tpu.memref_slice %arg3[%add3A_44] : memref<262144xi32, #tpu.memory_space<hbm>> -> memref<128xi32, #tpu.memory_space<hbm>>
      %dma_wait3A_207 = arith.constant 0 : i32
      %dma_wait3A_208 = tpu.memref_slice %arg10[%run_scoped3A_45, %dma_wait3A_207] : memref<2x128xi32, #tpu.memory_space<vmem>> -> memref<1x128xi32, #tpu.memory_space<vmem>>
      %dma_wait3A_209 = tpu.memref_squeeze %dma_wait3A_208 : memref<1x128xi32, #tpu.memory_space<vmem>> -> memref<128xi32, #tpu.memory_space<vmem>>
      %dma_wait3A_210 = tpu.memref_slice %arg3[%add3A_44] : memref<262144xi32, #tpu.memory_space<hbm>> -> memref<128xi32, #tpu.memory_space<hbm>>
      tpu.wait_dma2 semaphore(%run_scoped3A_194 : memref<!tpu.dma_semaphore, #tpu.memory_space<semaphore_mem>>) src(%dma_wait3A_210 : memref<128xi32, #tpu.memory_space<hbm>>) dst(%dma_wait3A_209 : memref<128xi32, #tpu.memory_space<vmem>>)
      tpu.yield
    }) : () -> ()
    %get3A_46 = arith.constant 0 : i32
    %get3A_47 = arith.index_cast %get3A_46 : i32 to index
    %get3A_48 = arith.constant 0 : index
    %get3A_49 = tpu.vector_load %arg9[%get3A_47, %get3A_48] {strides = array<i32>} : memref<2x128xi32, #tpu.memory_space<vmem>>, vector<16xi32>,
    %shift_right_logical3A = arith.constant 1 : i32
    %shift_right_logical3A_50 = vector.broadcast %shift_right_logical3A : i32 to vector<16xi32>
    %shift_right_logical3A_51 = arith.shrui %get3A_49, %shift_right_logical3A_50 : vector<16xi32>
    %swap3A = arith.constant 0 : i32
    %swap3A_52 = arith.constant 0 : i32
    %swap3A_53 = arith.index_cast %swap3A : i32 to index
    %swap3A_54 = arith.index_cast %swap3A_52 : i32 to index
    %swap3A_55 = arith.constant 0 : index
    %swap3A_56 = tpu.vector_load %arg11[%swap3A_53, %swap3A_54, %swap3A_55] {strides = array<i32>} : memref<2x1x128xi32, #tpu.memory_space<vmem>>, vector<16xi32>,
    tpu.vector_store %arg11[%swap3A_53, %swap3A_54, %swap3A_55], %shift_right_logical3A_51 {strides = array<i32>} : memref<2x1x128xi32, #tpu.memory_space<vmem>>, vector<16xi32>,
    %get3A_57 = arith.constant 0 : i32
    %get3A_58 = arith.index_cast %get3A_57 : i32 to index
    %get3A_59 = arith.constant 16 : index
    %get3A_60 = tpu.vector_load %arg9[%get3A_58, %get3A_59] {strides = array<i32>} : memref<2x128xi32, #tpu.memory_space<vmem>>, vector<16xi32>,
    %shift_right_logical3A_61 = arith.constant 1 : i32
    %shift_right_logical3A_62 = vector.broadcast %shift_right_logical3A_61 : i32 to vector<16xi32>
    %shift_right_logical3A_63 = arith.shrui %get3A_60, %shift_right_logical3A_62 : vector<16xi32>
    %swap3A_64 = arith.constant 0 : i32
    %swap3A_65 = arith.constant 0 : i32
    %swap3A_66 = arith.index_cast %swap3A_64 : i32 to index
    %swap3A_67 = arith.index_cast %swap3A_65 : i32 to index
    %swap3A_68 = arith.constant 16 : index
    %swap3A_69 = tpu.vector_load %arg11[%swap3A_66, %swap3A_67, %swap3A_68] {strides = array<i32>} : memref<2x1x128xi32, #tpu.memory_space<vmem>>, vector<16xi32>,
    tpu.vector_store %arg11[%swap3A_66, %swap3A_67, %swap3A_68], %shift_right_logical3A_63 {strides = array<i32>} : memref<2x1x128xi32, #tpu.memory_space<vmem>>, vector<16xi32>,
    %get3A_70 = arith.constant 0 : i32
    %get3A_71 = arith.index_cast %get3A_70 : i32 to index
    %get3A_72 = arith.constant 32 : index
    %get3A_73 = tpu.vector_load %arg9[%get3A_71, %get3A_72] {strides = array<i32>} : memref<2x128xi32, #tpu.memory_space<vmem>>, vector<16xi32>,
    %shift_right_logical3A_74 = arith.constant 1 : i32
    %shift_right_logical3A_75 = vector.broadcast %shift_right_logical3A_74 : i32 to vector<16xi32>
    %shift_right_logical3A_76 = arith.shrui %get3A_73, %shift_right_logical3A_75 : vector<16xi32>
    %swap3A_77 = arith.constant 0 : i32
    %swap3A_78 = arith.constant 0 : i32
    %swap3A_79 = arith.index_cast %swap3A_77 : i32 to index
    %swap3A_80 = arith.index_cast %swap3A_78 : i32 to index
    %swap3A_81 = arith.constant 32 : index
    %swap3A_82 = tpu.vector_load %arg11[%swap3A_79, %swap3A_80, %swap3A_81] {strides = array<i32>} : memref<2x1x128xi32, #tpu.memory_space<vmem>>, vector<16xi32>,
    tpu.vector_store %arg11[%swap3A_79, %swap3A_80, %swap3A_81], %shift_right_logical3A_76 {strides = array<i32>} : memref<2x1x128xi32, #tpu.memory_space<vmem>>, vector<16xi32>,
    %get3A_83 = arith.constant 0 : i32
    %get3A_84 = arith.index_cast %get3A_83 : i32 to index
    %get3A_85 = arith.constant 48 : index
    %get3A_86 = tpu.vector_load %arg9[%get3A_84, %get3A_85] {strides = array<i32>} : memref<2x128xi32, #tpu.memory_space<vmem>>, vector<16xi32>,
    %shift_right_logical3A_87 = arith.constant 1 : i32
    %shift_right_logical3A_88 = vector.broadcast %shift_right_logical3A_87 : i32 to vector<16xi32>
    %shift_right_logical3A_89 = arith.shrui %get3A_86, %shift_right_logical3A_88 : vector<16xi32>
    %swap3A_90 = arith.constant 0 : i32
    %swap3A_91 = arith.constant 0 : i32
    %swap3A_92 = arith.index_cast %swap3A_90 : i32 to index
    %swap3A_93 = arith.index_cast %swap3A_91 : i32 to index
    %swap3A_94 = arith.constant 48 : index
    %swap3A_95 = tpu.vector_load %arg11[%swap3A_92, %swap3A_93, %swap3A_94] {strides = array<i32>} : memref<2x1x128xi32, #tpu.memory_space<vmem>>, vector<16xi32>,
    tpu.vector_store %arg11[%swap3A_92, %swap3A_93, %swap3A_94], %shift_right_logical3A_89 {strides = array<i32>} : memref<2x1x128xi32, #tpu.memory_space<vmem>>, vector<16xi32>,
    %get3A_96 = arith.constant 0 : i32
    %get3A_97 = arith.index_cast %get3A_96 : i32 to index
    %get3A_98 = arith.constant 64 : index
    %get3A_99 = tpu.vector_load %arg9[%get3A_97, %get3A_98] {strides = array<i32>} : memref<2x128xi32, #tpu.memory_space<vmem>>, vector<16xi32>,
    %shift_right_logical3A_100 = arith.constant 1 : i32
    %shift_right_logical3A_101 = vector.broadcast %shift_right_logical3A_100 : i32 to vector<16xi32>
    %shift_right_logical3A_102 = arith.shrui %get3A_99, %shift_right_logical3A_101 : vector<16xi32>
    %swap3A_103 = arith.constant 0 : i32
    %swap3A_104 = arith.constant 0 : i32
    %swap3A_105 = arith.index_cast %swap3A_103 : i32 to index
    %swap3A_106 = arith.index_cast %swap3A_104 : i32 to index
    %swap3A_107 = arith.constant 64 : index
    %swap3A_108 = tpu.vector_load %arg11[%swap3A_105, %swap3A_106, %swap3A_107] {strides = array<i32>} : memref<2x1x128xi32, #tpu.memory_space<vmem>>, vector<16xi32>,
    tpu.vector_store %arg11[%swap3A_105, %swap3A_106, %swap3A_107], %shift_right_logical3A_102 {strides = array<i32>} : memref<2x1x128xi32, #tpu.memory_space<vmem>>, vector<16xi32>,
    %get3A_109 = arith.constant 0 : i32
    %get3A_110 = arith.index_cast %get3A_109 : i32 to index
    %get3A_111 = arith.constant 80 : index
    %get3A_112 = tpu.vector_load %arg9[%get3A_110, %get3A_111] {strides = array<i32>} : memref<2x128xi32, #tpu.memory_space<vmem>>, vector<16xi32>,
    %shift_right_logical3A_113 = arith.constant 1 : i32
    %shift_right_logical3A_114 = vector.broadcast %shift_right_logical3A_113 : i32 to vector<16xi32>
    %shift_right_logical3A_115 = arith.shrui %get3A_112, %shift_right_logical3A_114 : vector<16xi32>
    %swap3A_116 = arith.constant 0 : i32
    %swap3A_117 = arith.constant 0 : i32
    %swap3A_118 = arith.index_cast %swap3A_116 : i32 to index
    %swap3A_119 = arith.index_cast %swap3A_117 : i32 to index
    %swap3A_120 = arith.constant 80 : index
    %swap3A_121 = tpu.vector_load %arg11[%swap3A_118, %swap3A_119, %swap3A_120] {strides = array<i32>} : memref<2x1x128xi32, #tpu.memory_space<vmem>>, vector<16xi32>,
    tpu.vector_store %arg11[%swap3A_118, %swap3A_119, %swap3A_120], %shift_right_logical3A_115 {strides = array<i32>} : memref<2x1x128xi32, #tpu.memory_space<vmem>>, vector<16xi32>,
    %get3A_122 = arith.constant 0 : i32
    %get3A_123 = arith.index_cast %get3A_122 : i32 to index
    %get3A_124 = arith.constant 96 : index
    %get3A_125 = tpu.vector_load %arg9[%get3A_123, %get3A_124] {strides = array<i32>} : memref<2x128xi32, #tpu.memory_space<vmem>>, vector<16xi32>,
    %shift_right_logical3A_126 = arith.constant 1 : i32
    %shift_right_logical3A_127 = vector.broadcast %shift_right_logical3A_126 : i32 to vector<16xi32>
    %shift_right_logical3A_128 = arith.shrui %get3A_125, %shift_right_logical3A_127 : vector<16xi32>
    %swap3A_129 = arith.constant 0 : i32
    %swap3A_130 = arith.constant 0 : i32
    %swap3A_131 = arith.index_cast %swap3A_129 : i32 to index
    %swap3A_132 = arith.index_cast %swap3A_130 : i32 to index
    %swap3A_133 = arith.constant 96 : index
    %swap3A_134 = tpu.vector_load %arg11[%swap3A_131, %swap3A_132, %swap3A_133] {strides = array<i32>} : memref<2x1x128xi32, #tpu.memory_space<vmem>>, vector<16xi32>,
    tpu.vector_store %arg11[%swap3A_131, %swap3A_132, %swap3A_133], %shift_right_logical3A_128 {strides = array<i32>} : memref<2x1x128xi32, #tpu.memory_space<vmem>>, vector<16xi32>,
    %get3A_135 = arith.constant 0 : i32
    %get3A_136 = arith.index_cast %get3A_135 : i32 to index
    %get3A_137 = arith.constant 112 : index
    %get3A_138 = tpu.vector_load %arg9[%get3A_136, %get3A_137] {strides = array<i32>} : memref<2x128xi32, #tpu.memory_space<vmem>>, vector<16xi32>,
    %shift_right_logical3A_139 = arith.constant 1 : i32
    %shift_right_logical3A_140 = vector.broadcast %shift_right_logical3A_139 : i32 to vector<16xi32>
    %shift_right_logical3A_141 = arith.shrui %get3A_138, %shift_right_logical3A_140 : vector<16xi32>
    %swap3A_142 = arith.constant 0 : i32
    %swap3A_143 = arith.constant 0 : i32
    %swap3A_144 = arith.index_cast %swap3A_142 : i32 to index
    %swap3A_145 = arith.index_cast %swap3A_143 : i32 to index
    %swap3A_146 = arith.constant 112 : index
    %swap3A_147 = tpu.vector_load %arg11[%swap3A_144, %swap3A_145, %swap3A_146] {strides = array<i32>} : memref<2x1x128xi32, #tpu.memory_space<vmem>>, vector<16xi32>,
    tpu.vector_store %arg11[%swap3A_144, %swap3A_145, %swap3A_146], %shift_right_logical3A_141 {strides = array<i32>} : memref<2x1x128xi32, #tpu.memory_space<vmem>>, vector<16xi32>,
    %dma_start3A = arith.constant 0 : i32
    %dma_start3A_148 = arith.constant 0 : i32
    %dma_start3A_149 = arith.constant 0 : i32
    %dma_start3A_150 = arith.constant 0 : i32
    %dma_start3A_151 = arith.constant 0 : i32
    %dma_start3A_152 = tpu.memref_slice %arg12[%dma_start3A_149, %dma_start3A_150, %dma_start3A_151] : memref<2x128x128xf32, #tpu.memory_space<vmem>> -> memref<1x128x128xf32, #tpu.memory_space<vmem>>
    %dma_start3A_153 = tpu.memref_squeeze %dma_start3A_152 : memref<1x128x128xf32, #tpu.memory_space<vmem>> -> memref<128x128xf32, #tpu.memory_space<vmem>>
    %dma_start3A_154 = arith.constant 0 : i32
    %dma_start3A_155 = tpu.memref_slice %arg11[%dma_start3A, %dma_start3A_148, %dma_start3A_154] : memref<2x1x128xi32, #tpu.memory_space<vmem>> -> memref<1x1x128xi32, #tpu.memory_space<vmem>>
    %dma_start3A_156 = tpu.memref_squeeze %dma_start3A_155 : memref<1x1x128xi32, #tpu.memory_space<vmem>> -> memref<128xi32, #tpu.memory_space<vmem>>
    %dma_start3A_157 = arith.constant 0 : i32
    %dma_start3A_158 = arith.constant 0 : i32
    %dma_start3A_159 = tpu.memref_slice %arg4[%dma_start3A_157, %dma_start3A_158] : memref<500000x128xf32, #tpu.memory_space<hbm>> -> memref<500000x128xf32, #tpu.memory_space<hbm>>
    tpu.enqueue_indirect_dma source(%dma_start3A_159 : memref<500000x128xf32, #tpu.memory_space<hbm>>) target(%dma_start3A_153 : memref<128x128xf32, #tpu.memory_space<vmem>>) offsets(%dma_start3A_156 : memref<128xi32, #tpu.memory_space<vmem>>) semaphore(%arg17 : memref<!tpu.dma_semaphore, #tpu.memory_space<semaphore_mem>>)
    %scan3A = arith.constant 0 : i32
    %scan3A_160 = arith.constant 0 : i32
    %scan3A_161 = arith.constant 32 : i32
    %scan3A_162 = arith.addi %scan3A_160, %scan3A_161 : i32
    %scan3A_163 = arith.constant 1 : i32
    scf.for %scan3A_194 = %scan3A_160 to %scan3A_162 step %scan3A_163  : i32 {
      %mul3A_195 = arith.constant 2 : i32
      %mul3A_196 = arith.muli %scan3A_194, %mul3A_195 : i32
      %add3A_197 = arith.constant 0 : i32
      %add3A_198 = arith.addi %mul3A_196, %add3A_197 : i32
      %add3A_199 = arith.constant 1 : i32
      %add3A_200 = arith.addi %add3A_198, %add3A_199 : i32
      %mul3A_201 = arith.constant 128 : i32
      %mul3A_202 = arith.muli %add3A_200, %mul3A_201 : i32
      %add3A_203 = arith.addi %mul3A_2, %mul3A_202 : i32
      %run_scoped3A_204 = arith.constant 1 : i32
      "tpu.region"() ({
        %run_scoped3A_408 = tpu.sem_alloc : memref<!tpu.dma_semaphore, #tpu.memory_space<semaphore_mem>>
        %dma_start3A_409 = arith.constant 0 : i32
        %dma_start3A_410 = tpu.memref_slice %arg9[%run_scoped3A_204, %dma_start3A_409] : memref<2x128xi32, #tpu.memory_space<vmem>> -> memref<1x128xi32, #tpu.memory_space<vmem>>
        %dma_start3A_411 = tpu.memref_squeeze %dma_start3A_410 : memref<1x128xi32, #tpu.memory_space<vmem>> -> memref<128xi32, #tpu.memory_space<vmem>>
        %dma_start3A_412 = tpu.memref_slice %arg2[%add3A_203] : memref<262144xi32, #tpu.memory_space<hbm>> -> memref<128xi32, #tpu.memory_space<hbm>>
        %dma_start3A_413 = arith.constant 0 : i32
        %dma_start3A_414 = tpu.memref_slice %arg9[%run_scoped3A_204, %dma_start3A_413] : memref<2x128xi32, #tpu.memory_space<vmem>> -> memref<1x128xi32, #tpu.memory_space<vmem>>
        %dma_start3A_415 = tpu.memref_squeeze %dma_start3A_414 : memref<1x128xi32, #tpu.memory_space<vmem>> -> memref<128xi32, #tpu.memory_space<vmem>>
        %dma_start3A_416 = tpu.memref_slice %arg2[%add3A_203] : memref<262144xi32, #tpu.memory_space<hbm>> -> memref<128xi32, #tpu.memory_space<hbm>>
        tpu.enqueue_dma source(%dma_start3A_416 : memref<128xi32, #tpu.memory_space<hbm>>) target(%dma_start3A_415 : memref<128xi32, #tpu.memory_space<vmem>>) target_semaphore(%run_scoped3A_408 : memref<!tpu.dma_semaphore, #tpu.memory_space<semaphore_mem>>)
        %dma_wait3A_417 = arith.constant 0 : i32
        %dma_wait3A_418 = tpu.memref_slice %arg9[%run_scoped3A_204, %dma_wait3A_417] : memref<2x128xi32, #tpu.memory_space<vmem>> -> memref<1x128xi32, #tpu.memory_space<vmem>>
        %dma_wait3A_419 = tpu.memref_squeeze %dma_wait3A_418 : memref<1x128xi32, #tpu.memory_space<vmem>> -> memref<128xi32, #tpu.memory_space<vmem>>
        %dma_wait3A_420 = tpu.memref_slice %arg2[%add3A_203] : memref<262144xi32, #tpu.memory_space<hbm>> -> memref<128xi32, #tpu.memory_space<hbm>>
        %dma_wait3A_421 = arith.constant 0 : i32
        %dma_wait3A_422 = tpu.memref_slice %arg9[%run_scoped3A_204, %dma_wait3A_421] : memref<2x128xi32, #tpu.memory_space<vmem>> -> memref<1x128xi32, #tpu.memory_space<vmem>>
        %dma_wait3A_423 = tpu.memref_squeeze %dma_wait3A_422 : memref<1x128xi32, #tpu.memory_space<vmem>> -> memref<128xi32, #tpu.memory_space<vmem>>
        %dma_wait3A_424 = tpu.memref_slice %arg2[%add3A_203] : memref<262144xi32, #tpu.memory_space<hbm>> -> memref<128xi32, #tpu.memory_space<hbm>>
        tpu.wait_dma2 semaphore(%run_scoped3A_408 : memref<!tpu.dma_semaphore, #tpu.memory_space<semaphore_mem>>) src(%dma_wait3A_424 : memref<128xi32, #tpu.memory_space<hbm>>) dst(%dma_wait3A_423 : memref<128xi32, #tpu.memory_space<vmem>>)
        tpu.yield
      }) : () -> ()
      %mul3A_205 = arith.constant 128 : i32
      %mul3A_206 = arith.muli %add3A_200, %mul3A_205 : i32
      %add3A_207 = arith.addi %mul3A_2, %mul3A_206 : i32
      %run_scoped3A_208 = arith.constant 1 : i32
      "tpu.region"() ({
        %run_scoped3A_408 = tpu.sem_alloc : memref<!tpu.dma_semaphore, #tpu.memory_space<semaphore_mem>>
        %dma_start3A_409 = arith.constant 0 : i32
        %dma_start3A_410 = tpu.memref_slice %arg10[%run_scoped3A_208, %dma_start3A_409] : memref<2x128xi32, #tpu.memory_space<vmem>> -> memref<1x128xi32, #tpu.memory_space<vmem>>
        %dma_start3A_411 = tpu.memref_squeeze %dma_start3A_410 : memref<1x128xi32, #tpu.memory_space<vmem>> -> memref<128xi32, #tpu.memory_space<vmem>>
        %dma_start3A_412 = tpu.memref_slice %arg3[%add3A_207] : memref<262144xi32, #tpu.memory_space<hbm>> -> memref<128xi32, #tpu.memory_space<hbm>>
        %dma_start3A_413 = arith.constant 0 : i32
        %dma_start3A_414 = tpu.memref_slice %arg10[%run_scoped3A_208, %dma_start3A_413] : memref<2x128xi32, #tpu.memory_space<vmem>> -> memref<1x128xi32, #tpu.memory_space<vmem>>
        %dma_start3A_415 = tpu.memref_squeeze %dma_start3A_414 : memref<1x128xi32, #tpu.memory_space<vmem>> -> memref<128xi32, #tpu.memory_space<vmem>>
        %dma_start3A_416 = tpu.memref_slice %arg3[%add3A_207] : memref<262144xi32, #tpu.memory_space<hbm>> -> memref<128xi32, #tpu.memory_space<hbm>>
        tpu.enqueue_dma source(%dma_start3A_416 : memref<128xi32, #tpu.memory_space<hbm>>) target(%dma_start3A_415 : memref<128xi32, #tpu.memory_space<vmem>>) target_semaphore(%run_scoped3A_408 : memref<!tpu.dma_semaphore, #tpu.memory_space<semaphore_mem>>)
        %dma_wait3A_417 = arith.constant 0 : i32
        %dma_wait3A_418 = tpu.memref_slice %arg10[%run_scoped3A_208, %dma_wait3A_417] : memref<2x128xi32, #tpu.memory_space<vmem>> -> memref<1x128xi32, #tpu.memory_space<vmem>>
        %dma_wait3A_419 = tpu.memref_squeeze %dma_wait3A_418 : memref<1x128xi32, #tpu.memory_space<vmem>> -> memref<128xi32, #tpu.memory_space<vmem>>
        %dma_wait3A_420 = tpu.memref_slice %arg3[%add3A_207] : memref<262144xi32, #tpu.memory_space<hbm>> -> memref<128xi32, #tpu.memory_space<hbm>>
        %dma_wait3A_421 = arith.constant 0 : i32
        %dma_wait3A_422 = tpu.memref_slice %arg10[%run_scoped3A_208, %dma_wait3A_421] : memref<2x128xi32, #tpu.memory_space<vmem>> -> memref<1x128xi32, #tpu.memory_space<vmem>>
        %dma_wait3A_423 = tpu.memref_squeeze %dma_wait3A_422 : memref<1x128xi32, #tpu.memory_space<vmem>> -> memref<128xi32, #tpu.memory_space<vmem>>
        %dma_wait3A_424 = tpu.memref_slice %arg3[%add3A_207] : memref<262144xi32, #tpu.memory_space<hbm>> -> memref<128xi32, #tpu.memory_space<hbm>>
        tpu.wait_dma2 semaphore(%run_scoped3A_408 : memref<!tpu.dma_semaphore, #tpu.memory_space<semaphore_mem>>) src(%dma_wait3A_424 : memref<128xi32, #tpu.memory_space<hbm>>) dst(%dma_wait3A_423 : memref<128xi32, #tpu.memory_space<vmem>>)
        tpu.yield
      }) : () -> ()
      %get3A_209 = arith.constant 1 : i32
      %get3A_210 = arith.index_cast %get3A_209 : i32 to index
      %get3A_211 = arith.constant 0 : index
      %get3A_212 = tpu.vector_load %arg9[%get3A_210, %get3A_211] {strides = array<i32>} : memref<2x128xi32, #tpu.memory_space<vmem>>, vector<16xi32>,
      %shift_right_logical3A_213 = arith.constant 1 : i32
      %shift_right_logical3A_214 = vector.broadcast %shift_right_logical3A_213 : i32 to vector<16xi32>
      %shift_right_logical3A_215 = arith.shrui %get3A_212, %shift_right_logical3A_214 : vector<16xi32>
      %swap3A_216 = arith.constant 1 : i32
      %swap3A_217 = arith.constant 0 : i32
      %swap3A_218 = arith.index_cast %swap3A_216 : i32 to index
      %swap3A_219 = arith.index_cast %swap3A_217 : i32 to index
      %swap3A_220 = arith.constant 0 : index
      %swap3A_221 = tpu.vector_load %arg11[%swap3A_218, %swap3A_219, %swap3A_220] {strides = array<i32>} : memref<2x1x128xi32, #tpu.memory_space<vmem>>, vector<16xi32>,
      tpu.vector_store %arg11[%swap3A_218, %swap3A_219, %swap3A_220], %shift_right_logical3A_215 {strides = array<i32>} : memref<2x1x128xi32, #tpu.memory_space<vmem>>, vector<16xi32>,
      %get3A_222 = arith.constant 1 : i32
      %get3A_223 = arith.index_cast %get3A_222 : i32 to index
      %get3A_224 = arith.constant 16 : index
      %get3A_225 = tpu.vector_load %arg9[%get3A_223, %get3A_224] {strides = array<i32>} : memref<2x128xi32, #tpu.memory_space<vmem>>, vector<16xi32>,
      %shift_right_logical3A_226 = arith.constant 1 : i32
      %shift_right_logical3A_227 = vector.broadcast %shift_right_logical3A_226 : i32 to vector<16xi32>
      %shift_right_logical3A_228 = arith.shrui %get3A_225, %shift_right_logical3A_227 : vector<16xi32>
      %swap3A_229 = arith.constant 1 : i32
      %swap3A_230 = arith.constant 0 : i32
      %swap3A_231 = arith.index_cast %swap3A_229 : i32 to index
      %swap3A_232 = arith.index_cast %swap3A_230 : i32 to index
      %swap3A_233 = arith.constant 16 : index
      %swap3A_234 = tpu.vector_load %arg11[%swap3A_231, %swap3A_232, %swap3A_233] {strides = array<i32>} : memref<2x1x128xi32, #tpu.memory_space<vmem>>, vector<16xi32>,
      tpu.vector_store %arg11[%swap3A_231, %swap3A_232, %swap3A_233], %shift_right_logical3A_228 {strides = array<i32>} : memref<2x1x128xi32, #tpu.memory_space<vmem>>, vector<16xi32>,
      %get3A_235 = arith.constant 1 : i32
      %get3A_236 = arith.index_cast %get3A_235 : i32 to index
      %get3A_237 = arith.constant 32 : index
      %get3A_238 = tpu.vector_load %arg9[%get3A_236, %get3A_237] {strides = array<i32>} : memref<2x128xi32, #tpu.memory_space<vmem>>, vector<16xi32>,
      %shift_right_logical3A_239 = arith.constant 1 : i32
      %shift_right_logical3A_240 = vector.broadcast %shift_right_logical3A_239 : i32 to vector<16xi32>
      %shift_right_logical3A_241 = arith.shrui %get3A_238, %shift_right_logical3A_240 : vector<16xi32>
      %swap3A_242 = arith.constant 1 : i32
      %swap3A_243 = arith.constant 0 : i32
      %swap3A_244 = arith.index_cast %swap3A_242 : i32 to index
      %swap3A_245 = arith.index_cast %swap3A_243 : i32 to index
      %swap3A_246 = arith.constant 32 : index
      %swap3A_247 = tpu.vector_load %arg11[%swap3A_244, %swap3A_245, %swap3A_246] {strides = array<i32>} : memref<2x1x128xi32, #tpu.memory_space<vmem>>, vector<16xi32>,
      tpu.vector_store %arg11[%swap3A_244, %swap3A_245, %swap3A_246], %shift_right_logical3A_241 {strides = array<i32>} : memref<2x1x128xi32, #tpu.memory_space<vmem>>, vector<16xi32>,
      %get3A_248 = arith.constant 1 : i32
      %get3A_249 = arith.index_cast %get3A_248 : i32 to index
      %get3A_250 = arith.constant 48 : index
      %get3A_251 = tpu.vector_load %arg9[%get3A_249, %get3A_250] {strides = array<i32>} : memref<2x128xi32, #tpu.memory_space<vmem>>, vector<16xi32>,
      %shift_right_logical3A_252 = arith.constant 1 : i32
      %shift_right_logical3A_253 = vector.broadcast %shift_right_logical3A_252 : i32 to vector<16xi32>
      %shift_right_logical3A_254 = arith.shrui %get3A_251, %shift_right_logical3A_253 : vector<16xi32>
      %swap3A_255 = arith.constant 1 : i32
      %swap3A_256 = arith.constant 0 : i32
      %swap3A_257 = arith.index_cast %swap3A_255 : i32 to index
      %swap3A_258 = arith.index_cast %swap3A_256 : i32 to index
      %swap3A_259 = arith.constant 48 : index
      %swap3A_260 = tpu.vector_load %arg11[%swap3A_257, %swap3A_258, %swap3A_259] {strides = array<i32>} : memref<2x1x128xi32, #tpu.memory_space<vmem>>, vector<16xi32>,
      tpu.vector_store %arg11[%swap3A_257, %swap3A_258, %swap3A_259], %shift_right_logical3A_254 {strides = array<i32>} : memref<2x1x128xi32, #tpu.memory_space<vmem>>, vector<16xi32>,
      %get3A_261 = arith.constant 1 : i32
      %get3A_262 = arith.index_cast %get3A_261 : i32 to index
      %get3A_263 = arith.constant 64 : index
      %get3A_264 = tpu.vector_load %arg9[%get3A_262, %get3A_263] {strides = array<i32>} : memref<2x128xi32, #tpu.memory_space<vmem>>, vector<16xi32>,
      %shift_right_logical3A_265 = arith.constant 1 : i32
      %shift_right_logical3A_266 = vector.broadcast %shift_right_logical3A_265 : i32 to vector<16xi32>
      %shift_right_logical3A_267 = arith.shrui %get3A_264, %shift_right_logical3A_266 : vector<16xi32>
      %swap3A_268 = arith.constant 1 : i32
      %swap3A_269 = arith.constant 0 : i32
      %swap3A_270 = arith.index_cast %swap3A_268 : i32 to index
      %swap3A_271 = arith.index_cast %swap3A_269 : i32 to index
      %swap3A_272 = arith.constant 64 : index
      %swap3A_273 = tpu.vector_load %arg11[%swap3A_270, %swap3A_271, %swap3A_272] {strides = array<i32>} : memref<2x1x128xi32, #tpu.memory_space<vmem>>, vector<16xi32>,
      tpu.vector_store %arg11[%swap3A_270, %swap3A_271, %swap3A_272], %shift_right_logical3A_267 {strides = array<i32>} : memref<2x1x128xi32, #tpu.memory_space<vmem>>, vector<16xi32>,
      %get3A_274 = arith.constant 1 : i32
      %get3A_275 = arith.index_cast %get3A_274 : i32 to index
      %get3A_276 = arith.constant 80 : index
      %get3A_277 = tpu.vector_load %arg9[%get3A_275, %get3A_276] {strides = array<i32>} : memref<2x128xi32, #tpu.memory_space<vmem>>, vector<16xi32>,
      %shift_right_logical3A_278 = arith.constant 1 : i32
      %shift_right_logical3A_279 = vector.broadcast %shift_right_logical3A_278 : i32 to vector<16xi32>
      %shift_right_logical3A_280 = arith.shrui %get3A_277, %shift_right_logical3A_279 : vector<16xi32>
      %swap3A_281 = arith.constant 1 : i32
      %swap3A_282 = arith.constant 0 : i32
      %swap3A_283 = arith.index_cast %swap3A_281 : i32 to index
      %swap3A_284 = arith.index_cast %swap3A_282 : i32 to index
      %swap3A_285 = arith.constant 80 : index
      %swap3A_286 = tpu.vector_load %arg11[%swap3A_283, %swap3A_284, %swap3A_285] {strides = array<i32>} : memref<2x1x128xi32, #tpu.memory_space<vmem>>, vector<16xi32>,
      tpu.vector_store %arg11[%swap3A_283, %swap3A_284, %swap3A_285], %shift_right_logical3A_280 {strides = array<i32>} : memref<2x1x128xi32, #tpu.memory_space<vmem>>, vector<16xi32>,
      %get3A_287 = arith.constant 1 : i32
      %get3A_288 = arith.index_cast %get3A_287 : i32 to index
      %get3A_289 = arith.constant 96 : index
      %get3A_290 = tpu.vector_load %arg9[%get3A_288, %get3A_289] {strides = array<i32>} : memref<2x128xi32, #tpu.memory_space<vmem>>, vector<16xi32>,
      %shift_right_logical3A_291 = arith.constant 1 : i32
      %shift_right_logical3A_292 = vector.broadcast %shift_right_logical3A_291 : i32 to vector<16xi32>
      %shift_right_logical3A_293 = arith.shrui %get3A_290, %shift_right_logical3A_292 : vector<16xi32>
      %swap3A_294 = arith.constant 1 : i32
      %swap3A_295 = arith.constant 0 : i32
      %swap3A_296 = arith.index_cast %swap3A_294 : i32 to index
      %swap3A_297 = arith.index_cast %swap3A_295 : i32 to index
      %swap3A_298 = arith.constant 96 : index
      %swap3A_299 = tpu.vector_load %arg11[%swap3A_296, %swap3A_297, %swap3A_298] {strides = array<i32>} : memref<2x1x128xi32, #tpu.memory_space<vmem>>, vector<16xi32>,
      tpu.vector_store %arg11[%swap3A_296, %swap3A_297, %swap3A_298], %shift_right_logical3A_293 {strides = array<i32>} : memref<2x1x128xi32, #tpu.memory_space<vmem>>, vector<16xi32>,
      %get3A_300 = arith.constant 1 : i32
      %get3A_301 = arith.index_cast %get3A_300 : i32 to index
      %get3A_302 = arith.constant 112 : index
      %get3A_303 = tpu.vector_load %arg9[%get3A_301, %get3A_302] {strides = array<i32>} : memref<2x128xi32, #tpu.memory_space<vmem>>, vector<16xi32>,
      %shift_right_logical3A_304 = arith.constant 1 : i32
      %shift_right_logical3A_305 = vector.broadcast %shift_right_logical3A_304 : i32 to vector<16xi32>
      %shift_right_logical3A_306 = arith.shrui %get3A_303, %shift_right_logical3A_305 : vector<16xi32>
      %swap3A_307 = arith.constant 1 : i32
      %swap3A_308 = arith.constant 0 : i32
      %swap3A_309 = arith.index_cast %swap3A_307 : i32 to index
      %swap3A_310 = arith.index_cast %swap3A_308 : i32 to index
      %swap3A_311 = arith.constant 112 : index
      %swap3A_312 = tpu.vector_load %arg11[%swap3A_309, %swap3A_310, %swap3A_311] {strides = array<i32>} : memref<2x1x128xi32, #tpu.memory_space<vmem>>, vector<16xi32>,
      tpu.vector_store %arg11[%swap3A_309, %swap3A_310, %swap3A_311], %shift_right_logical3A_306 {strides = array<i32>} : memref<2x1x128xi32, #tpu.memory_space<vmem>>, vector<16xi32>,
      %dma_start3A_313 = arith.constant 1 : i32
      %dma_start3A_314 = arith.constant 0 : i32
      %dma_start3A_315 = arith.constant 1 : i32
      %dma_start3A_316 = arith.constant 0 : i32
      %dma_start3A_317 = arith.constant 0 : i32
      %dma_start3A_318 = tpu.memref_slice %arg12[%dma_start3A_315, %dma_start3A_316, %dma_start3A_317] : memref<2x128x128xf32, #tpu.memory_space<vmem>> -> memref<1x128x128xf32, #tpu.memory_space<vmem>>
      %dma_start3A_319 = tpu.memref_squeeze %dma_start3A_318 : memref<1x128x128xf32, #tpu.memory_space<vmem>> -> memref<128x128xf32, #tpu.memory_space<vmem>>
      %dma_start3A_320 = arith.constant 0 : i32
      %dma_start3A_321 = tpu.memref_slice %arg11[%dma_start3A_313, %dma_start3A_314, %dma_start3A_320] : memref<2x1x128xi32, #tpu.memory_space<vmem>> -> memref<1x1x128xi32, #tpu.memory_space<vmem>>
      %dma_start3A_322 = tpu.memref_squeeze %dma_start3A_321 : memref<1x1x128xi32, #tpu.memory_space<vmem>> -> memref<128xi32, #tpu.memory_space<vmem>>
      %dma_start3A_323 = arith.constant 0 : i32
      %dma_start3A_324 = arith.constant 0 : i32
      %dma_start3A_325 = tpu.memref_slice %arg4[%dma_start3A_323, %dma_start3A_324] : memref<500000x128xf32, #tpu.memory_space<hbm>> -> memref<500000x128xf32, #tpu.memory_space<hbm>>
      tpu.enqueue_indirect_dma source(%dma_start3A_325 : memref<500000x128xf32, #tpu.memory_space<hbm>>) target(%dma_start3A_319 : memref<128x128xf32, #tpu.memory_space<vmem>>) offsets(%dma_start3A_322 : memref<128xi32, #tpu.memory_space<vmem>>) semaphore(%arg18 : memref<!tpu.dma_semaphore, #tpu.memory_space<semaphore_mem>>)
      %dma_wait3A_326 = arith.constant 0 : i32
      %dma_wait3A_327 = arith.constant 0 : i32
      %dma_wait3A_328 = arith.constant 0 : i32
      %dma_wait3A_329 = tpu.memref_slice %arg12[%dma_wait3A_326, %dma_wait3A_327, %dma_wait3A_328] : memref<2x128x128xf32, #tpu.memory_space<vmem>> -> memref<1x128x128xf32, #tpu.memory_space<vmem>>
      %dma_wait3A_330 = tpu.memref_squeeze %dma_wait3A_329 : memref<1x128x128xf32, #tpu.memory_space<vmem>> -> memref<128x128xf32, #tpu.memory_space<vmem>>
      %dma_wait3A_331 = arith.constant 0 : i32
      %dma_wait3A_332 = arith.constant 0 : i32
      %dma_wait3A_333 = tpu.memref_slice %arg4[%dma_wait3A_331, %dma_wait3A_332] : memref<500000x128xf32, #tpu.memory_space<hbm>> -> memref<128x128xf32, #tpu.memory_space<hbm>>
      %dma_wait3A_334 = arith.constant 0 : i32
      %dma_wait3A_335 = arith.constant 0 : i32
      %dma_wait3A_336 = tpu.memref_slice %arg12[%dma_wait3A_326, %dma_wait3A_334, %dma_wait3A_335] : memref<2x128x128xf32, #tpu.memory_space<vmem>> -> memref<1x128x128xf32, #tpu.memory_space<vmem>>
      %dma_wait3A_337 = tpu.memref_squeeze %dma_wait3A_336 : memref<1x128x128xf32, #tpu.memory_space<vmem>> -> memref<128x128xf32, #tpu.memory_space<vmem>>
      %dma_wait3A_338 = arith.constant 0 : i32
      %dma_wait3A_339 = arith.constant 0 : i32
      %dma_wait3A_340 = tpu.memref_slice %arg4[%dma_wait3A_338, %dma_wait3A_339] : memref<500000x128xf32, #tpu.memory_space<hbm>> -> memref<128x128xf32, #tpu.memory_space<hbm>>
      tpu.wait_dma2 semaphore(%arg17 : memref<!tpu.dma_semaphore, #tpu.memory_space<semaphore_mem>>) src(%dma_wait3A_340 : memref<128x128xf32, #tpu.memory_space<hbm>>) dst(%dma_wait3A_337 : memref<128x128xf32, #tpu.memory_space<vmem>>)
      %ge3A = arith.constant 1 : i32
      %ge3A_341 = arith.cmpi sge, %scan3A_194, %ge3A : i32
      %convert_element_type3A = arith.extui %ge3A_341 : i1 to i32
      %cond3A = arith.constant 0 : i32
      %cond3A_342 = arith.cmpi ne, %convert_element_type3A, %cond3A : i32
      scf.if %cond3A_342 {
        %dma_wait3A_408 = arith.constant 0 : i32
        %dma_wait3A_409 = arith.constant 0 : i32
        %dma_wait3A_410 = arith.constant 0 : i32
        %dma_wait3A_411 = tpu.memref_slice %arg13[%dma_wait3A_408, %dma_wait3A_409, %dma_wait3A_410] : memref<2x128x64xf32, #tpu.memory_space<vmem>> -> memref<1x128x64xf32, #tpu.memory_space<vmem>>
        %dma_wait3A_412 = tpu.memref_squeeze %dma_wait3A_411 : memref<1x128x64xf32, #tpu.memory_space<vmem>> -> memref<128x64xf32, #tpu.memory_space<vmem>>
        %dma_wait3A_413 = arith.constant 0 : i32
        %dma_wait3A_414 = arith.constant 0 : i32
        %dma_wait3A_415 = tpu.memref_slice %arg8[%dma_wait3A_413, %dma_wait3A_414] : memref<262144x64xf32, #tpu.memory_space<hbm>> -> memref<128x64xf32, #tpu.memory_space<hbm>>
        %dma_wait3A_416 = arith.constant 0 : i32
        %dma_wait3A_417 = arith.constant 0 : i32
        %dma_wait3A_418 = tpu.memref_slice %arg8[%dma_wait3A_416, %dma_wait3A_417] : memref<262144x64xf32, #tpu.memory_space<hbm>> -> memref<128x64xf32, #tpu.memory_space<hbm>>
        %dma_wait3A_419 = arith.constant 0 : i32
        %dma_wait3A_420 = arith.constant 0 : i32
        %dma_wait3A_421 = tpu.memref_slice %arg13[%dma_wait3A_408, %dma_wait3A_419, %dma_wait3A_420] : memref<2x128x64xf32, #tpu.memory_space<vmem>> -> memref<1x128x64xf32, #tpu.memory_space<vmem>>
        %dma_wait3A_422 = tpu.memref_squeeze %dma_wait3A_421 : memref<1x128x64xf32, #tpu.memory_space<vmem>> -> memref<128x64xf32, #tpu.memory_space<vmem>>
        tpu.wait_dma2 semaphore(%arg19 : memref<!tpu.dma_semaphore, #tpu.memory_space<semaphore_mem>>) src(%dma_wait3A_422 : memref<128x64xf32, #tpu.memory_space<vmem>>) dst(%dma_wait3A_418 : memref<128x64xf32, #tpu.memory_space<hbm>>)
      } else {
      }
      %parallel_loop3A = arith.constant 0 : i32
      %parallel_loop3A_343 = arith.constant 128 : i32
      %parallel_loop3A_344 = arith.constant 1 : i32
      scf.for %parallel_loop3A_408 = %parallel_loop3A to %parallel_loop3A_343 step %parallel_loop3A_344  : i32 {
        %parallel_loop3A_409 = vector.broadcast %parallel_loop3A_408 : i32 to vector<16xi32>
        %parallel_loop3A_410 = arith.constant 0 : i32
        %parallel_loop3A_411 = arith.constant 0 : i32
        %parallel_loop3A_412 = tpu.memref_slice %arg9[%parallel_loop3A_410, %parallel_loop3A_411] : memref<2x128xi32, #tpu.memory_space<vmem>> -> memref<1x128xi32, #tpu.memory_space<vmem>>
        %parallel_loop3A_413 = tpu.memref_squeeze %parallel_loop3A_412 : memref<1x128xi32, #tpu.memory_space<vmem>> -> memref<128xi32, #tpu.memory_space<vmem>>
        %parallel_loop3A_414 = tpu.vector_load_idx %parallel_loop3A_413[%parallel_loop3A_409] : memref<128xi32, #tpu.memory_space<vmem>>[vector<16xi32>], vector<16xi32>,
        %parallel_loop3A_415 = arith.constant 0 : i32
        %parallel_loop3A_416 = arith.constant 0 : i32
        %parallel_loop3A_417 = tpu.memref_slice %arg10[%parallel_loop3A_415, %parallel_loop3A_416] : memref<2x128xi32, #tpu.memory_space<vmem>> -> memref<1x128xi32, #tpu.memory_space<vmem>>
        %parallel_loop3A_418 = tpu.memref_squeeze %parallel_loop3A_417 : memref<1x128xi32, #tpu.memory_space<vmem>> -> memref<128xi32, #tpu.memory_space<vmem>>
        %parallel_loop3A_419 = tpu.vector_load_idx %parallel_loop3A_418[%parallel_loop3A_409] : memref<128xi32, #tpu.memory_space<vmem>>[vector<16xi32>], vector<16xi32>,
        %parallel_loop3A_420 = arith.constant 1 : i32
        %parallel_loop3A_421 = vector.broadcast %parallel_loop3A_420 : i32 to vector<16xi32>
        %parallel_loop3A_422 = arith.andi %parallel_loop3A_414, %parallel_loop3A_421 : vector<16xi32>
        %parallel_loop3A_423 = arith.constant 6 : i32
        %parallel_loop3A_424 = vector.broadcast %parallel_loop3A_423 : i32 to vector<16xi32>
        %parallel_loop3A_425 = arith.shli %parallel_loop3A_422, %parallel_loop3A_424 : vector<16xi32>
        %parallel_loop3A_426 = arith.constant 1 : i32
        %parallel_loop3A_427 = vector.broadcast %parallel_loop3A_426 : i32 to vector<16xi32>
        %parallel_loop3A_428 = arith.shrui %parallel_loop3A_419, %parallel_loop3A_427 : vector<16xi32>
        %parallel_loop3A_429 = arith.constant 1 : i32
        %parallel_loop3A_430 = vector.broadcast %parallel_loop3A_429 : i32 to vector<16xi32>
        %parallel_loop3A_431 = arith.andi %parallel_loop3A_419, %parallel_loop3A_430 : vector<16xi32>
        %parallel_loop3A_432 = arith.constant 6 : i32
        %parallel_loop3A_433 = vector.broadcast %parallel_loop3A_432 : i32 to vector<16xi32>
        %parallel_loop3A_434 = arith.shli %parallel_loop3A_431, %parallel_loop3A_433 : vector<16xi32>
        %parallel_loop3A_435 = arith.addi %parallel_loop3A_425, %add3A_31 : vector<16xi32>
        %parallel_loop3A_436 = arith.constant 0 : i32
        %parallel_loop3A_437 = arith.constant 0 : i32
        %parallel_loop3A_438 = arith.constant 0 : i32
        %parallel_loop3A_439 = tpu.memref_slice %arg12[%parallel_loop3A_436, %parallel_loop3A_437, %parallel_loop3A_438] : memref<2x128x128xf32, #tpu.memory_space<vmem>> -> memref<1x128x128xf32, #tpu.memory_space<vmem>>
        %parallel_loop3A_440 = tpu.memref_squeeze %parallel_loop3A_439 : memref<1x128x128xf32, #tpu.memory_space<vmem>> -> memref<128x128xf32, #tpu.memory_space<vmem>>
        %parallel_loop3A_441 = tpu.vector_load_idx %parallel_loop3A_440[%parallel_loop3A_409, %parallel_loop3A_435] : memref<128x128xf32, #tpu.memory_space<vmem>>[vector<16xi32>, vector<16xi32>], vector<16xf32>,
        %parallel_loop3A_442 = arith.addi %parallel_loop3A_434, %add3A_31 : vector<16xi32>
        %parallel_loop3A_443 = tpu.vector_load_idx %arg14[%parallel_loop3A_428, %parallel_loop3A_442] : memref<256x128xf32, #tpu.memory_space<vmem>>[vector<16xi32>, vector<16xi32>], vector<16xf32>,
        %parallel_loop3A_444 = arith.addf %parallel_loop3A_441, %parallel_loop3A_443 : vector<16xf32>
        %parallel_loop3A_445 = arith.addi %parallel_loop3A_425, %add3A_34 : vector<16xi32>
        %parallel_loop3A_446 = arith.constant 0 : i32
        %parallel_loop3A_447 = arith.constant 0 : i32
        %parallel_loop3A_448 = arith.constant 0 : i32
        %parallel_loop3A_449 = tpu.memref_slice %arg12[%parallel_loop3A_446, %parallel_loop3A_447, %parallel_loop3A_448] : memref<2x128x128xf32, #tpu.memory_space<vmem>> -> memref<1x128x128xf32, #tpu.memory_space<vmem>>
        %parallel_loop3A_450 = tpu.memref_squeeze %parallel_loop3A_449 : memref<1x128x128xf32, #tpu.memory_space<vmem>> -> memref<128x128xf32, #tpu.memory_space<vmem>>
        %parallel_loop3A_451 = tpu.vector_load_idx %parallel_loop3A_450[%parallel_loop3A_409, %parallel_loop3A_445] : memref<128x128xf32, #tpu.memory_space<vmem>>[vector<16xi32>, vector<16xi32>], vector<16xf32>,
        %parallel_loop3A_452 = arith.addi %parallel_loop3A_434, %add3A_34 : vector<16xi32>
        %parallel_loop3A_453 = tpu.vector_load_idx %arg14[%parallel_loop3A_428, %parallel_loop3A_452] : memref<256x128xf32, #tpu.memory_space<vmem>>[vector<16xi32>, vector<16xi32>], vector<16xf32>,
        %parallel_loop3A_454 = arith.addf %parallel_loop3A_451, %parallel_loop3A_453 : vector<16xf32>
        %parallel_loop3A_455 = arith.addi %parallel_loop3A_425, %add3A_37 : vector<16xi32>
        %parallel_loop3A_456 = arith.constant 0 : i32
        %parallel_loop3A_457 = arith.constant 0 : i32
        %parallel_loop3A_458 = arith.constant 0 : i32
        %parallel_loop3A_459 = tpu.memref_slice %arg12[%parallel_loop3A_456, %parallel_loop3A_457, %parallel_loop3A_458] : memref<2x128x128xf32, #tpu.memory_space<vmem>> -> memref<1x128x128xf32, #tpu.memory_space<vmem>>
        %parallel_loop3A_460 = tpu.memref_squeeze %parallel_loop3A_459 : memref<1x128x128xf32, #tpu.memory_space<vmem>> -> memref<128x128xf32, #tpu.memory_space<vmem>>
        %parallel_loop3A_461 = tpu.vector_load_idx %parallel_loop3A_460[%parallel_loop3A_409, %parallel_loop3A_455] : memref<128x128xf32, #tpu.memory_space<vmem>>[vector<16xi32>, vector<16xi32>], vector<16xf32>,
        %parallel_loop3A_462 = arith.addi %parallel_loop3A_434, %add3A_37 : vector<16xi32>
        %parallel_loop3A_463 = tpu.vector_load_idx %arg14[%parallel_loop3A_428, %parallel_loop3A_462] : memref<256x128xf32, #tpu.memory_space<vmem>>[vector<16xi32>, vector<16xi32>], vector<16xf32>,
        %parallel_loop3A_464 = arith.addf %parallel_loop3A_461, %parallel_loop3A_463 : vector<16xf32>
        %parallel_loop3A_465 = arith.addi %parallel_loop3A_425, %add3A_40 : vector<16xi32>
        %parallel_loop3A_466 = arith.constant 0 : i32
        %parallel_loop3A_467 = arith.constant 0 : i32
        %parallel_loop3A_468 = arith.constant 0 : i32
        %parallel_loop3A_469 = tpu.memref_slice %arg12[%parallel_loop3A_466, %parallel_loop3A_467, %parallel_loop3A_468] : memref<2x128x128xf32, #tpu.memory_space<vmem>> -> memref<1x128x128xf32, #tpu.memory_space<vmem>>
        %parallel_loop3A_470 = tpu.memref_squeeze %parallel_loop3A_469 : memref<1x128x128xf32, #tpu.memory_space<vmem>> -> memref<128x128xf32, #tpu.memory_space<vmem>>
        %parallel_loop3A_471 = tpu.vector_load_idx %parallel_loop3A_470[%parallel_loop3A_409, %parallel_loop3A_465] : memref<128x128xf32, #tpu.memory_space<vmem>>[vector<16xi32>, vector<16xi32>], vector<16xf32>,
        %parallel_loop3A_472 = arith.addi %parallel_loop3A_434, %add3A_40 : vector<16xi32>
        %parallel_loop3A_473 = tpu.vector_load_idx %arg14[%parallel_loop3A_428, %parallel_loop3A_472] : memref<256x128xf32, #tpu.memory_space<vmem>>[vector<16xi32>, vector<16xi32>], vector<16xf32>,
        %parallel_loop3A_474 = arith.addf %parallel_loop3A_471, %parallel_loop3A_473 : vector<16xf32>
        %parallel_loop3A_475 = arith.addf %parallel_loop3A_444, %parallel_loop3A_454 : vector<16xf32>
        %parallel_loop3A_476 = arith.addf %parallel_loop3A_464, %parallel_loop3A_474 : vector<16xf32>
        %parallel_loop3A_477 = arith.addf %parallel_loop3A_475, %parallel_loop3A_476 : vector<16xf32>
        %parallel_loop3A_478 = arith.mulf %parallel_loop3A_444, %parallel_loop3A_444 : vector<16xf32>
        %parallel_loop3A_479 = arith.mulf %parallel_loop3A_454, %parallel_loop3A_454 : vector<16xf32>
        %parallel_loop3A_480 = arith.addf %parallel_loop3A_478, %parallel_loop3A_479 : vector<16xf32>
        %parallel_loop3A_481 = arith.mulf %parallel_loop3A_464, %parallel_loop3A_464 : vector<16xf32>
        %parallel_loop3A_482 = arith.mulf %parallel_loop3A_474, %parallel_loop3A_474 : vector<16xf32>
        %parallel_loop3A_483 = arith.addf %parallel_loop3A_481, %parallel_loop3A_482 : vector<16xf32>
        %parallel_loop3A_484 = arith.addf %parallel_loop3A_480, %parallel_loop3A_483 : vector<16xf32>
        %parallel_loop3A_485 = vector.shape_cast %xor3A_19 : vector<16xi32> to vector<16x1xi32>
        %parallel_loop3A_486 = vector.shape_cast %parallel_loop3A_485 : vector<16x1xi32> to vector<16xi32>
        %parallel_loop3A_487 = tpu.dynamic_gather %parallel_loop3A_477[%parallel_loop3A_486] in [0] : vector<16xf32>, vector<16xi32> -> vector<16xf32>
        %parallel_loop3A_488 = arith.addf %parallel_loop3A_477, %parallel_loop3A_487 : vector<16xf32>
        %parallel_loop3A_489 = vector.shape_cast %xor3A_22 : vector<16xi32> to vector<16x1xi32>
        %parallel_loop3A_490 = vector.shape_cast %parallel_loop3A_489 : vector<16x1xi32> to vector<16xi32>
        %parallel_loop3A_491 = tpu.dynamic_gather %parallel_loop3A_488[%parallel_loop3A_490] in [0] : vector<16xf32>, vector<16xi32> -> vector<16xf32>
        %parallel_loop3A_492 = arith.addf %parallel_loop3A_488, %parallel_loop3A_491 : vector<16xf32>
        %parallel_loop3A_493 = vector.shape_cast %xor3A_25 : vector<16xi32> to vector<16x1xi32>
        %parallel_loop3A_494 = vector.shape_cast %parallel_loop3A_493 : vector<16x1xi32> to vector<16xi32>
        %parallel_loop3A_495 = tpu.dynamic_gather %parallel_loop3A_492[%parallel_loop3A_494] in [0] : vector<16xf32>, vector<16xi32> -> vector<16xf32>
        %parallel_loop3A_496 = arith.addf %parallel_loop3A_492, %parallel_loop3A_495 : vector<16xf32>
        %parallel_loop3A_497 = vector.shape_cast %xor3A_28 : vector<16xi32> to vector<16x1xi32>
        %parallel_loop3A_498 = vector.shape_cast %parallel_loop3A_497 : vector<16x1xi32> to vector<16xi32>
        %parallel_loop3A_499 = tpu.dynamic_gather %parallel_loop3A_496[%parallel_loop3A_498] in [0] : vector<16xf32>, vector<16xi32> -> vector<16xf32>
        %parallel_loop3A_500 = arith.addf %parallel_loop3A_496, %parallel_loop3A_499 : vector<16xf32>
        %parallel_loop3A_501 = arith.constant 1.562500e-02 : f32
        %parallel_loop3A_502 = vector.broadcast %parallel_loop3A_501 : f32 to vector<16xf32>
        %parallel_loop3A_503 = arith.mulf %parallel_loop3A_500, %parallel_loop3A_502 : vector<16xf32>
        %parallel_loop3A_504 = vector.shape_cast %xor3A_19 : vector<16xi32> to vector<16x1xi32>
        %parallel_loop3A_505 = vector.shape_cast %parallel_loop3A_504 : vector<16x1xi32> to vector<16xi32>
        %parallel_loop3A_506 = tpu.dynamic_gather %parallel_loop3A_484[%parallel_loop3A_505] in [0] : vector<16xf32>, vector<16xi32> -> vector<16xf32>
        %parallel_loop3A_507 = arith.addf %parallel_loop3A_484, %parallel_loop3A_506 : vector<16xf32>
        %parallel_loop3A_508 = vector.shape_cast %xor3A_22 : vector<16xi32> to vector<16x1xi32>
        %parallel_loop3A_509 = vector.shape_cast %parallel_loop3A_508 : vector<16x1xi32> to vector<16xi32>
        %parallel_loop3A_510 = tpu.dynamic_gather %parallel_loop3A_507[%parallel_loop3A_509] in [0] : vector<16xf32>, vector<16xi32> -> vector<16xf32>
        %parallel_loop3A_511 = arith.addf %parallel_loop3A_507, %parallel_loop3A_510 : vector<16xf32>
        %parallel_loop3A_512 = vector.shape_cast %xor3A_25 : vector<16xi32> to vector<16x1xi32>
        %parallel_loop3A_513 = vector.shape_cast %parallel_loop3A_512 : vector<16x1xi32> to vector<16xi32>
        %parallel_loop3A_514 = tpu.dynamic_gather %parallel_loop3A_511[%parallel_loop3A_513] in [0] : vector<16xf32>, vector<16xi32> -> vector<16xf32>
        %parallel_loop3A_515 = arith.addf %parallel_loop3A_511, %parallel_loop3A_514 : vector<16xf32>
        %parallel_loop3A_516 = vector.shape_cast %xor3A_28 : vector<16xi32> to vector<16x1xi32>
        %parallel_loop3A_517 = vector.shape_cast %parallel_loop3A_516 : vector<16x1xi32> to vector<16xi32>
        %parallel_loop3A_518 = tpu.dynamic_gather %parallel_loop3A_515[%parallel_loop3A_517] in [0] : vector<16xf32>, vector<16xi32> -> vector<16xf32>
        %parallel_loop3A_519 = arith.addf %parallel_loop3A_515, %parallel_loop3A_518 : vector<16xf32>
        %parallel_loop3A_520 = arith.constant 1.562500e-02 : f32
        %parallel_loop3A_521 = vector.broadcast %parallel_loop3A_520 : f32 to vector<16xf32>
        %parallel_loop3A_522 = arith.mulf %parallel_loop3A_519, %parallel_loop3A_521 : vector<16xf32>
        %parallel_loop3A_523 = arith.mulf %parallel_loop3A_503, %parallel_loop3A_503 : vector<16xf32>
        %parallel_loop3A_524 = arith.subf %parallel_loop3A_522, %parallel_loop3A_523 : vector<16xf32>
        %parallel_loop3A_525 = arith.constant 0.000000e+00 : f32
        %parallel_loop3A_526 = vector.broadcast %parallel_loop3A_525 : f32 to vector<16xf32>
        %parallel_loop3A_527 = arith.maximumf %parallel_loop3A_524, %parallel_loop3A_526 : vector<16xf32>
        %parallel_loop3A_528 = arith.constant 9.99999996E-13 : f32
        %parallel_loop3A_529 = vector.broadcast %parallel_loop3A_528 : f32 to vector<16xf32>
        %parallel_loop3A_530 = arith.addf %parallel_loop3A_527, %parallel_loop3A_529 : vector<16xf32>
        %parallel_loop3A_531 = tpu.bitcast %parallel_loop3A_530 : vector<16xf32> -> vector<16xi32>
        %parallel_loop3A_532 = arith.constant 1 : i32
        %parallel_loop3A_533 = vector.broadcast %parallel_loop3A_532 : i32 to vector<16xi32>
        %parallel_loop3A_534 = arith.shrsi %parallel_loop3A_531, %parallel_loop3A_533 : vector<16xi32>
        %parallel_loop3A_535 = arith.constant 1597463007 : i32
        %parallel_loop3A_536 = vector.broadcast %parallel_loop3A_535 : i32 to vector<16xi32>
        %parallel_loop3A_537 = arith.subi %parallel_loop3A_536, %parallel_loop3A_534 : vector<16xi32>
        %parallel_loop3A_538 = tpu.bitcast %parallel_loop3A_537 : vector<16xi32> -> vector<16xf32>
        %parallel_loop3A_539 = arith.constant 5.000000e-01 : f32
        %parallel_loop3A_540 = vector.broadcast %parallel_loop3A_539 : f32 to vector<16xf32>
        %parallel_loop3A_541 = arith.mulf %parallel_loop3A_540, %parallel_loop3A_530 : vector<16xf32>
        %parallel_loop3A_542 = arith.mulf %parallel_loop3A_541, %parallel_loop3A_538 : vector<16xf32>
        %parallel_loop3A_543 = arith.mulf %parallel_loop3A_542, %parallel_loop3A_538 : vector<16xf32>
        %parallel_loop3A_544 = arith.constant 1.500000e+00 : f32
        %parallel_loop3A_545 = vector.broadcast %parallel_loop3A_544 : f32 to vector<16xf32>
        %parallel_loop3A_546 = arith.subf %parallel_loop3A_545, %parallel_loop3A_543 : vector<16xf32>
        %parallel_loop3A_547 = arith.mulf %parallel_loop3A_538, %parallel_loop3A_546 : vector<16xf32>
        %parallel_loop3A_548 = arith.constant 5.000000e-01 : f32
        %parallel_loop3A_549 = vector.broadcast %parallel_loop3A_548 : f32 to vector<16xf32>
        %parallel_loop3A_550 = arith.mulf %parallel_loop3A_549, %parallel_loop3A_530 : vector<16xf32>
        %parallel_loop3A_551 = arith.mulf %parallel_loop3A_550, %parallel_loop3A_547 : vector<16xf32>
        %parallel_loop3A_552 = arith.mulf %parallel_loop3A_551, %parallel_loop3A_547 : vector<16xf32>
        %parallel_loop3A_553 = arith.constant 1.500000e+00 : f32
        %parallel_loop3A_554 = vector.broadcast %parallel_loop3A_553 : f32 to vector<16xf32>
        %parallel_loop3A_555 = arith.subf %parallel_loop3A_554, %parallel_loop3A_552 : vector<16xf32>
        %parallel_loop3A_556 = arith.mulf %parallel_loop3A_547, %parallel_loop3A_555 : vector<16xf32>
        %parallel_loop3A_557 = arith.subf %parallel_loop3A_444, %parallel_loop3A_503 : vector<16xf32>
        %parallel_loop3A_558 = arith.mulf %parallel_loop3A_557, %parallel_loop3A_556 : vector<16xf32>
        %parallel_loop3A_559 = arith.mulf %parallel_loop3A_558, %get3A_3 : vector<16xf32>
        %parallel_loop3A_560 = arith.addf %parallel_loop3A_559, %get3A_11 : vector<16xf32>
        %parallel_loop3A_561 = arith.constant 0 : i32
        %parallel_loop3A_562 = arith.index_cast %parallel_loop3A_561 : i32 to index
        %parallel_loop3A_563 = arith.index_cast %parallel_loop3A_408 : i32 to index
        %parallel_loop3A_564 = arith.constant 0 : index
        %parallel_loop3A_565 = tpu.vector_load %arg13[%parallel_loop3A_562, %parallel_loop3A_563, %parallel_loop3A_564] {strides = array<i32>} : memref<2x128x64xf32, #tpu.memory_space<vmem>>, vector<16xf32>,
        tpu.vector_store %arg13[%parallel_loop3A_562, %parallel_loop3A_563, %parallel_loop3A_564], %parallel_loop3A_560 {strides = array<i32>} : memref<2x128x64xf32, #tpu.memory_space<vmem>>, vector<16xf32>,
        %parallel_loop3A_566 = arith.subf %parallel_loop3A_454, %parallel_loop3A_503 : vector<16xf32>
        %parallel_loop3A_567 = arith.mulf %parallel_loop3A_566, %parallel_loop3A_556 : vector<16xf32>
        %parallel_loop3A_568 = arith.mulf %parallel_loop3A_567, %get3A_5 : vector<16xf32>
        %parallel_loop3A_569 = arith.addf %parallel_loop3A_568, %get3A_13 : vector<16xf32>
        %parallel_loop3A_570 = arith.constant 0 : i32
        %parallel_loop3A_571 = arith.index_cast %parallel_loop3A_570 : i32 to index
        %parallel_loop3A_572 = arith.index_cast %parallel_loop3A_408 : i32 to index
        %parallel_loop3A_573 = arith.constant 16 : index
        %parallel_loop3A_574 = tpu.vector_load %arg13[%parallel_loop3A_571, %parallel_loop3A_572, %parallel_loop3A_573] {strides = array<i32>} : memref<2x128x64xf32, #tpu.memory_space<vmem>>, vector<16xf32>,
        tpu.vector_store %arg13[%parallel_loop3A_571, %parallel_loop3A_572, %parallel_loop3A_573], %parallel_loop3A_569 {strides = array<i32>} : memref<2x128x64xf32, #tpu.memory_space<vmem>>, vector<16xf32>,
        %parallel_loop3A_575 = arith.subf %parallel_loop3A_464, %parallel_loop3A_503 : vector<16xf32>
        %parallel_loop3A_576 = arith.mulf %parallel_loop3A_575, %parallel_loop3A_556 : vector<16xf32>
        %parallel_loop3A_577 = arith.mulf %parallel_loop3A_576, %get3A_7 : vector<16xf32>
        %parallel_loop3A_578 = arith.addf %parallel_loop3A_577, %get3A_15 : vector<16xf32>
        %parallel_loop3A_579 = arith.constant 0 : i32
        %parallel_loop3A_580 = arith.index_cast %parallel_loop3A_579 : i32 to index
        %parallel_loop3A_581 = arith.index_cast %parallel_loop3A_408 : i32 to index
        %parallel_loop3A_582 = arith.constant 32 : index
        %parallel_loop3A_583 = tpu.vector_load %arg13[%parallel_loop3A_580, %parallel_loop3A_581, %parallel_loop3A_582] {strides = array<i32>} : memref<2x128x64xf32, #tpu.memory_space<vmem>>, vector<16xf32>,
        tpu.vector_store %arg13[%parallel_loop3A_580, %parallel_loop3A_581, %parallel_loop3A_582], %parallel_loop3A_578 {strides = array<i32>} : memref<2x128x64xf32, #tpu.memory_space<vmem>>, vector<16xf32>,
        %parallel_loop3A_584 = arith.subf %parallel_loop3A_474, %parallel_loop3A_503 : vector<16xf32>
        %parallel_loop3A_585 = arith.mulf %parallel_loop3A_584, %parallel_loop3A_556 : vector<16xf32>
        %parallel_loop3A_586 = arith.mulf %parallel_loop3A_585, %get3A_9 : vector<16xf32>
        %parallel_loop3A_587 = arith.addf %parallel_loop3A_586, %get3A_17 : vector<16xf32>
        %parallel_loop3A_588 = arith.constant 0 : i32
        %parallel_loop3A_589 = arith.index_cast %parallel_loop3A_588 : i32 to index
        %parallel_loop3A_590 = arith.index_cast %parallel_loop3A_408 : i32 to index
        %parallel_loop3A_591 = arith.constant 48 : index
        %parallel_loop3A_592 = tpu.vector_load %arg13[%parallel_loop3A_589, %parallel_loop3A_590, %parallel_loop3A_591] {strides = array<i32>} : memref<2x128x64xf32, #tpu.memory_space<vmem>>, vector<16xf32>,
        tpu.vector_store %arg13[%parallel_loop3A_589, %parallel_loop3A_590, %parallel_loop3A_591], %parallel_loop3A_587 {strides = array<i32>} : memref<2x128x64xf32, #tpu.memory_space<vmem>>, vector<16xf32>,
      } {sc.loop_unroll_factor = 8 : i64, sc.parallel_access}
      %mul3A_345 = arith.constant 128 : i32
      %mul3A_346 = arith.muli %add3A_198, %mul3A_345 : i32
      %add3A_347 = arith.addi %mul3A_2, %mul3A_346 : i32
      %dma_start3A_348 = arith.constant 0 : i32
      %dma_start3A_349 = arith.constant 0 : i32
      %dma_start3A_350 = arith.constant 0 : i32
      %dma_start3A_351 = tpu.memref_slice %arg13[%dma_start3A_348, %dma_start3A_349, %dma_start3A_350] : memref<2x128x64xf32, #tpu.memory_space<vmem>> -> memref<1x128x64xf32, #tpu.memory_space<vmem>>
      %dma_start3A_352 = tpu.memref_squeeze %dma_start3A_351 : memref<1x128x64xf32, #tpu.memory_space<vmem>> -> memref<128x64xf32, #tpu.memory_space<vmem>>
      %dma_start3A_353 = arith.constant 0 : i32
      %dma_start3A_354 = tpu.memref_slice %arg8[%add3A_347, %dma_start3A_353] : memref<262144x64xf32, #tpu.memory_space<hbm>> -> memref<128x64xf32, #tpu.memory_space<hbm>>
      %dma_start3A_355 = arith.constant 0 : i32
      %dma_start3A_356 = tpu.memref_slice %arg8[%add3A_347, %dma_start3A_355] : memref<262144x64xf32, #tpu.memory_space<hbm>> -> memref<128x64xf32, #tpu.memory_space<hbm>>
      %dma_start3A_357 = arith.constant 0 : i32
      %dma_start3A_358 = arith.constant 0 : i32
      %dma_start3A_359 = tpu.memref_slice %arg13[%dma_start3A_348, %dma_start3A_357, %dma_start3A_358] : memref<2x128x64xf32, #tpu.memory_space<vmem>> -> memref<1x128x64xf32, #tpu.memory_space<vmem>>
      %dma_start3A_360 = tpu.memref_squeeze %dma_start3A_359 : memref<1x128x64xf32, #tpu.memory_space<vmem>> -> memref<128x64xf32, #tpu.memory_space<vmem>>
      tpu.enqueue_dma source(%dma_start3A_360 : memref<128x64xf32, #tpu.memory_space<vmem>>) target(%dma_start3A_356 : memref<128x64xf32, #tpu.memory_space<hbm>>) target_semaphore(%arg19 : memref<!tpu.dma_semaphore, #tpu.memory_space<semaphore_mem>>)
      %mul3A_361 = arith.constant 2 : i32
      %mul3A_362 = arith.muli %scan3A_194, %mul3A_361 : i32
      %add3A_363 = arith.constant 1 : i32
      %add3A_364 = arith.addi %mul3A_362, %add3A_363 : i32
      %lt3A = arith.constant 31 : i32
      %lt3A_365 = arith.cmpi slt, %scan3A_194, %lt3A : i32
      %convert_element_type3A_366 = arith.extui %lt3A_365 : i1 to i32
      %cond3A_367 = arith.constant 0 : i32
      %cond3A_368 = arith.cmpi ne, %convert_element_type3A_366, %cond3A_367 : i32
      scf.if %cond3A_368 {
        %add3A_408 = arith.constant 1 : i32
        %add3A_409 = arith.addi %add3A_364, %add3A_408 : i32
        %mul3A_410 = arith.constant 128 : i32
        %mul3A_411 = arith.muli %add3A_409, %mul3A_410 : i32
        %add3A_412 = arith.addi %mul3A_2, %mul3A_411 : i32
        %run_scoped3A_413 = arith.constant 0 : i32
        "tpu.region"() ({
          %run_scoped3A_535 = tpu.sem_alloc : memref<!tpu.dma_semaphore, #tpu.memory_space<semaphore_mem>>
          %dma_start3A_536 = arith.constant 0 : i32
          %dma_start3A_537 = tpu.memref_slice %arg9[%run_scoped3A_413, %dma_start3A_536] : memref<2x128xi32, #tpu.memory_space<vmem>> -> memref<1x128xi32, #tpu.memory_space<vmem>>
          %dma_start3A_538 = tpu.memref_squeeze %dma_start3A_537 : memref<1x128xi32, #tpu.memory_space<vmem>> -> memref<128xi32, #tpu.memory_space<vmem>>
          %dma_start3A_539 = tpu.memref_slice %arg2[%add3A_412] : memref<262144xi32, #tpu.memory_space<hbm>> -> memref<128xi32, #tpu.memory_space<hbm>>
          %dma_start3A_540 = arith.constant 0 : i32
          %dma_start3A_541 = tpu.memref_slice %arg9[%run_scoped3A_413, %dma_start3A_540] : memref<2x128xi32, #tpu.memory_space<vmem>> -> memref<1x128xi32, #tpu.memory_space<vmem>>
          %dma_start3A_542 = tpu.memref_squeeze %dma_start3A_541 : memref<1x128xi32, #tpu.memory_space<vmem>> -> memref<128xi32, #tpu.memory_space<vmem>>
          %dma_start3A_543 = tpu.memref_slice %arg2[%add3A_412] : memref<262144xi32, #tpu.memory_space<hbm>> -> memref<128xi32, #tpu.memory_space<hbm>>
          tpu.enqueue_dma source(%dma_start3A_543 : memref<128xi32, #tpu.memory_space<hbm>>) target(%dma_start3A_542 : memref<128xi32, #tpu.memory_space<vmem>>) target_semaphore(%run_scoped3A_535 : memref<!tpu.dma_semaphore, #tpu.memory_space<semaphore_mem>>)
          %dma_wait3A_544 = arith.constant 0 : i32
          %dma_wait3A_545 = tpu.memref_slice %arg9[%run_scoped3A_413, %dma_wait3A_544] : memref<2x128xi32, #tpu.memory_space<vmem>> -> memref<1x128xi32, #tpu.memory_space<vmem>>
          %dma_wait3A_546 = tpu.memref_squeeze %dma_wait3A_545 : memref<1x128xi32, #tpu.memory_space<vmem>> -> memref<128xi32, #tpu.memory_space<vmem>>
          %dma_wait3A_547 = tpu.memref_slice %arg2[%add3A_412] : memref<262144xi32, #tpu.memory_space<hbm>> -> memref<128xi32, #tpu.memory_space<hbm>>
          %dma_wait3A_548 = arith.constant 0 : i32
          %dma_wait3A_549 = tpu.memref_slice %arg9[%run_scoped3A_413, %dma_wait3A_548] : memref<2x128xi32, #tpu.memory_space<vmem>> -> memref<1x128xi32, #tpu.memory_space<vmem>>
          %dma_wait3A_550 = tpu.memref_squeeze %dma_wait3A_549 : memref<1x128xi32, #tpu.memory_space<vmem>> -> memref<128xi32, #tpu.memory_space<vmem>>
          %dma_wait3A_551 = tpu.memref_slice %arg2[%add3A_412] : memref<262144xi32, #tpu.memory_space<hbm>> -> memref<128xi32, #tpu.memory_space<hbm>>
          tpu.wait_dma2 semaphore(%run_scoped3A_535 : memref<!tpu.dma_semaphore, #tpu.memory_space<semaphore_mem>>) src(%dma_wait3A_551 : memref<128xi32, #tpu.memory_space<hbm>>) dst(%dma_wait3A_550 : memref<128xi32, #tpu.memory_space<vmem>>)
          tpu.yield
        }) : () -> ()
        %mul3A_414 = arith.constant 128 : i32
        %mul3A_415 = arith.muli %add3A_409, %mul3A_414 : i32
        %add3A_416 = arith.addi %mul3A_2, %mul3A_415 : i32
        %run_scoped3A_417 = arith.constant 0 : i32
        "tpu.region"() ({
          %run_scoped3A_535 = tpu.sem_alloc : memref<!tpu.dma_semaphore, #tpu.memory_space<semaphore_mem>>
          %dma_start3A_536 = arith.constant 0 : i32
          %dma_start3A_537 = tpu.memref_slice %arg10[%run_scoped3A_417, %dma_start3A_536] : memref<2x128xi32, #tpu.memory_space<vmem>> -> memref<1x128xi32, #tpu.memory_space<vmem>>
          %dma_start3A_538 = tpu.memref_squeeze %dma_start3A_537 : memref<1x128xi32, #tpu.memory_space<vmem>> -> memref<128xi32, #tpu.memory_space<vmem>>
          %dma_start3A_539 = tpu.memref_slice %arg3[%add3A_416] : memref<262144xi32, #tpu.memory_space<hbm>> -> memref<128xi32, #tpu.memory_space<hbm>>
          %dma_start3A_540 = arith.constant 0 : i32
          %dma_start3A_541 = tpu.memref_slice %arg10[%run_scoped3A_417, %dma_start3A_540] : memref<2x128xi32, #tpu.memory_space<vmem>> -> memref<1x128xi32, #tpu.memory_space<vmem>>
          %dma_start3A_542 = tpu.memref_squeeze %dma_start3A_541 : memref<1x128xi32, #tpu.memory_space<vmem>> -> memref<128xi32, #tpu.memory_space<vmem>>
          %dma_start3A_543 = tpu.memref_slice %arg3[%add3A_416] : memref<262144xi32, #tpu.memory_space<hbm>> -> memref<128xi32, #tpu.memory_space<hbm>>
          tpu.enqueue_dma source(%dma_start3A_543 : memref<128xi32, #tpu.memory_space<hbm>>) target(%dma_start3A_542 : memref<128xi32, #tpu.memory_space<vmem>>) target_semaphore(%run_scoped3A_535 : memref<!tpu.dma_semaphore, #tpu.memory_space<semaphore_mem>>)
          %dma_wait3A_544 = arith.constant 0 : i32
          %dma_wait3A_545 = tpu.memref_slice %arg10[%run_scoped3A_417, %dma_wait3A_544] : memref<2x128xi32, #tpu.memory_space<vmem>> -> memref<1x128xi32, #tpu.memory_space<vmem>>
          %dma_wait3A_546 = tpu.memref_squeeze %dma_wait3A_545 : memref<1x128xi32, #tpu.memory_space<vmem>> -> memref<128xi32, #tpu.memory_space<vmem>>
          %dma_wait3A_547 = tpu.memref_slice %arg3[%add3A_416] : memref<262144xi32, #tpu.memory_space<hbm>> -> memref<128xi32, #tpu.memory_space<hbm>>
          %dma_wait3A_548 = arith.constant 0 : i32
          %dma_wait3A_549 = tpu.memref_slice %arg10[%run_scoped3A_417, %dma_wait3A_548] : memref<2x128xi32, #tpu.memory_space<vmem>> -> memref<1x128xi32, #tpu.memory_space<vmem>>
          %dma_wait3A_550 = tpu.memref_squeeze %dma_wait3A_549 : memref<1x128xi32, #tpu.memory_space<vmem>> -> memref<128xi32, #tpu.memory_space<vmem>>
          %dma_wait3A_551 = tpu.memref_slice %arg3[%add3A_416] : memref<262144xi32, #tpu.memory_space<hbm>> -> memref<128xi32, #tpu.memory_space<hbm>>
          tpu.wait_dma2 semaphore(%run_scoped3A_535 : memref<!tpu.dma_semaphore, #tpu.memory_space<semaphore_mem>>) src(%dma_wait3A_551 : memref<128xi32, #tpu.memory_space<hbm>>) dst(%dma_wait3A_550 : memref<128xi32, #tpu.memory_space<vmem>>)
          tpu.yield
        }) : () -> ()
        %get3A_418 = arith.constant 0 : i32
        %get3A_419 = arith.index_cast %get3A_418 : i32 to index
        %get3A_420 = arith.constant 0 : index
        %get3A_421 = tpu.vector_load %arg9[%get3A_419, %get3A_420] {strides = array<i32>} : memref<2x128xi32, #tpu.memory_space<vmem>>, vector<16xi32>,
        %shift_right_logical3A_422 = arith.constant 1 : i32
        %shift_right_logical3A_423 = vector.broadcast %shift_right_logical3A_422 : i32 to vector<16xi32>
        %shift_right_logical3A_424 = arith.shrui %get3A_421, %shift_right_logical3A_423 : vector<16xi32>
        %swap3A_425 = arith.constant 0 : i32
        %swap3A_426 = arith.constant 0 : i32
        %swap3A_427 = arith.index_cast %swap3A_425 : i32 to index
        %swap3A_428 = arith.index_cast %swap3A_426 : i32 to index
        %swap3A_429 = arith.constant 0 : index
        %swap3A_430 = tpu.vector_load %arg11[%swap3A_427, %swap3A_428, %swap3A_429] {strides = array<i32>} : memref<2x1x128xi32, #tpu.memory_space<vmem>>, vector<16xi32>,
        tpu.vector_store %arg11[%swap3A_427, %swap3A_428, %swap3A_429], %shift_right_logical3A_424 {strides = array<i32>} : memref<2x1x128xi32, #tpu.memory_space<vmem>>, vector<16xi32>,
        %get3A_431 = arith.constant 0 : i32
        %get3A_432 = arith.index_cast %get3A_431 : i32 to index
        %get3A_433 = arith.constant 16 : index
        %get3A_434 = tpu.vector_load %arg9[%get3A_432, %get3A_433] {strides = array<i32>} : memref<2x128xi32, #tpu.memory_space<vmem>>, vector<16xi32>,
        %shift_right_logical3A_435 = arith.constant 1 : i32
        %shift_right_logical3A_436 = vector.broadcast %shift_right_logical3A_435 : i32 to vector<16xi32>
        %shift_right_logical3A_437 = arith.shrui %get3A_434, %shift_right_logical3A_436 : vector<16xi32>
        %swap3A_438 = arith.constant 0 : i32
        %swap3A_439 = arith.constant 0 : i32
        %swap3A_440 = arith.index_cast %swap3A_438 : i32 to index
        %swap3A_441 = arith.index_cast %swap3A_439 : i32 to index
        %swap3A_442 = arith.constant 16 : index
        %swap3A_443 = tpu.vector_load %arg11[%swap3A_440, %swap3A_441, %swap3A_442] {strides = array<i32>} : memref<2x1x128xi32, #tpu.memory_space<vmem>>, vector<16xi32>,
        tpu.vector_store %arg11[%swap3A_440, %swap3A_441, %swap3A_442], %shift_right_logical3A_437 {strides = array<i32>} : memref<2x1x128xi32, #tpu.memory_space<vmem>>, vector<16xi32>,
        %get3A_444 = arith.constant 0 : i32
        %get3A_445 = arith.index_cast %get3A_444 : i32 to index
        %get3A_446 = arith.constant 32 : index
        %get3A_447 = tpu.vector_load %arg9[%get3A_445, %get3A_446] {strides = array<i32>} : memref<2x128xi32, #tpu.memory_space<vmem>>, vector<16xi32>,
        %shift_right_logical3A_448 = arith.constant 1 : i32
        %shift_right_logical3A_449 = vector.broadcast %shift_right_logical3A_448 : i32 to vector<16xi32>
        %shift_right_logical3A_450 = arith.shrui %get3A_447, %shift_right_logical3A_449 : vector<16xi32>
        %swap3A_451 = arith.constant 0 : i32
        %swap3A_452 = arith.constant 0 : i32
        %swap3A_453 = arith.index_cast %swap3A_451 : i32 to index
        %swap3A_454 = arith.index_cast %swap3A_452 : i32 to index
        %swap3A_455 = arith.constant 32 : index
        %swap3A_456 = tpu.vector_load %arg11[%swap3A_453, %swap3A_454, %swap3A_455] {strides = array<i32>} : memref<2x1x128xi32, #tpu.memory_space<vmem>>, vector<16xi32>,
        tpu.vector_store %arg11[%swap3A_453, %swap3A_454, %swap3A_455], %shift_right_logical3A_450 {strides = array<i32>} : memref<2x1x128xi32, #tpu.memory_space<vmem>>, vector<16xi32>,
        %get3A_457 = arith.constant 0 : i32
        %get3A_458 = arith.index_cast %get3A_457 : i32 to index
        %get3A_459 = arith.constant 48 : index
        %get3A_460 = tpu.vector_load %arg9[%get3A_458, %get3A_459] {strides = array<i32>} : memref<2x128xi32, #tpu.memory_space<vmem>>, vector<16xi32>,
        %shift_right_logical3A_461 = arith.constant 1 : i32
        %shift_right_logical3A_462 = vector.broadcast %shift_right_logical3A_461 : i32 to vector<16xi32>
        %shift_right_logical3A_463 = arith.shrui %get3A_460, %shift_right_logical3A_462 : vector<16xi32>
        %swap3A_464 = arith.constant 0 : i32
        %swap3A_465 = arith.constant 0 : i32
        %swap3A_466 = arith.index_cast %swap3A_464 : i32 to index
        %swap3A_467 = arith.index_cast %swap3A_465 : i32 to index
        %swap3A_468 = arith.constant 48 : index
        %swap3A_469 = tpu.vector_load %arg11[%swap3A_466, %swap3A_467, %swap3A_468] {strides = array<i32>} : memref<2x1x128xi32, #tpu.memory_space<vmem>>, vector<16xi32>,
        tpu.vector_store %arg11[%swap3A_466, %swap3A_467, %swap3A_468], %shift_right_logical3A_463 {strides = array<i32>} : memref<2x1x128xi32, #tpu.memory_space<vmem>>, vector<16xi32>,
        %get3A_470 = arith.constant 0 : i32
        %get3A_471 = arith.index_cast %get3A_470 : i32 to index
        %get3A_472 = arith.constant 64 : index
        %get3A_473 = tpu.vector_load %arg9[%get3A_471, %get3A_472] {strides = array<i32>} : memref<2x128xi32, #tpu.memory_space<vmem>>, vector<16xi32>,
        %shift_right_logical3A_474 = arith.constant 1 : i32
        %shift_right_logical3A_475 = vector.broadcast %shift_right_logical3A_474 : i32 to vector<16xi32>
        %shift_right_logical3A_476 = arith.shrui %get3A_473, %shift_right_logical3A_475 : vector<16xi32>
        %swap3A_477 = arith.constant 0 : i32
        %swap3A_478 = arith.constant 0 : i32
        %swap3A_479 = arith.index_cast %swap3A_477 : i32 to index
        %swap3A_480 = arith.index_cast %swap3A_478 : i32 to index
        %swap3A_481 = arith.constant 64 : index
        %swap3A_482 = tpu.vector_load %arg11[%swap3A_479, %swap3A_480, %swap3A_481] {strides = array<i32>} : memref<2x1x128xi32, #tpu.memory_space<vmem>>, vector<16xi32>,
        tpu.vector_store %arg11[%swap3A_479, %swap3A_480, %swap3A_481], %shift_right_logical3A_476 {strides = array<i32>} : memref<2x1x128xi32, #tpu.memory_space<vmem>>, vector<16xi32>,
        %get3A_483 = arith.constant 0 : i32
        %get3A_484 = arith.index_cast %get3A_483 : i32 to index
        %get3A_485 = arith.constant 80 : index
        %get3A_486 = tpu.vector_load %arg9[%get3A_484, %get3A_485] {strides = array<i32>} : memref<2x128xi32, #tpu.memory_space<vmem>>, vector<16xi32>,
        %shift_right_logical3A_487 = arith.constant 1 : i32
        %shift_right_logical3A_488 = vector.broadcast %shift_right_logical3A_487 : i32 to vector<16xi32>
        %shift_right_logical3A_489 = arith.shrui %get3A_486, %shift_right_logical3A_488 : vector<16xi32>
        %swap3A_490 = arith.constant 0 : i32
        %swap3A_491 = arith.constant 0 : i32
        %swap3A_492 = arith.index_cast %swap3A_490 : i32 to index
        %swap3A_493 = arith.index_cast %swap3A_491 : i32 to index
        %swap3A_494 = arith.constant 80 : index
        %swap3A_495 = tpu.vector_load %arg11[%swap3A_492, %swap3A_493, %swap3A_494] {strides = array<i32>} : memref<2x1x128xi32, #tpu.memory_space<vmem>>, vector<16xi32>,
        tpu.vector_store %arg11[%swap3A_492, %swap3A_493, %swap3A_494], %shift_right_logical3A_489 {strides = array<i32>} : memref<2x1x128xi32, #tpu.memory_space<vmem>>, vector<16xi32>,
        %get3A_496 = arith.constant 0 : i32
        %get3A_497 = arith.index_cast %get3A_496 : i32 to index
        %get3A_498 = arith.constant 96 : index
        %get3A_499 = tpu.vector_load %arg9[%get3A_497, %get3A_498] {strides = array<i32>} : memref<2x128xi32, #tpu.memory_space<vmem>>, vector<16xi32>,
        %shift_right_logical3A_500 = arith.constant 1 : i32
        %shift_right_logical3A_501 = vector.broadcast %shift_right_logical3A_500 : i32 to vector<16xi32>
        %shift_right_logical3A_502 = arith.shrui %get3A_499, %shift_right_logical3A_501 : vector<16xi32>
        %swap3A_503 = arith.constant 0 : i32
        %swap3A_504 = arith.constant 0 : i32
        %swap3A_505 = arith.index_cast %swap3A_503 : i32 to index
        %swap3A_506 = arith.index_cast %swap3A_504 : i32 to index
        %swap3A_507 = arith.constant 96 : index
        %swap3A_508 = tpu.vector_load %arg11[%swap3A_505, %swap3A_506, %swap3A_507] {strides = array<i32>} : memref<2x1x128xi32, #tpu.memory_space<vmem>>, vector<16xi32>,
        tpu.vector_store %arg11[%swap3A_505, %swap3A_506, %swap3A_507], %shift_right_logical3A_502 {strides = array<i32>} : memref<2x1x128xi32, #tpu.memory_space<vmem>>, vector<16xi32>,
        %get3A_509 = arith.constant 0 : i32
        %get3A_510 = arith.index_cast %get3A_509 : i32 to index
        %get3A_511 = arith.constant 112 : index
        %get3A_512 = tpu.vector_load %arg9[%get3A_510, %get3A_511] {strides = array<i32>} : memref<2x128xi32, #tpu.memory_space<vmem>>, vector<16xi32>,
        %shift_right_logical3A_513 = arith.constant 1 : i32
        %shift_right_logical3A_514 = vector.broadcast %shift_right_logical3A_513 : i32 to vector<16xi32>
        %shift_right_logical3A_515 = arith.shrui %get3A_512, %shift_right_logical3A_514 : vector<16xi32>
        %swap3A_516 = arith.constant 0 : i32
        %swap3A_517 = arith.constant 0 : i32
        %swap3A_518 = arith.index_cast %swap3A_516 : i32 to index
        %swap3A_519 = arith.index_cast %swap3A_517 : i32 to index
        %swap3A_520 = arith.constant 112 : index
        %swap3A_521 = tpu.vector_load %arg11[%swap3A_518, %swap3A_519, %swap3A_520] {strides = array<i32>} : memref<2x1x128xi32, #tpu.memory_space<vmem>>, vector<16xi32>,
        tpu.vector_store %arg11[%swap3A_518, %swap3A_519, %swap3A_520], %shift_right_logical3A_515 {strides = array<i32>} : memref<2x1x128xi32, #tpu.memory_space<vmem>>, vector<16xi32>,
        %dma_start3A_522 = arith.constant 0 : i32
        %dma_start3A_523 = arith.constant 0 : i32
        %dma_start3A_524 = arith.constant 0 : i32
        %dma_start3A_525 = arith.constant 0 : i32
        %dma_start3A_526 = arith.constant 0 : i32
        %dma_start3A_527 = tpu.memref_slice %arg12[%dma_start3A_524, %dma_start3A_525, %dma_start3A_526] : memref<2x128x128xf32, #tpu.memory_space<vmem>> -> memref<1x128x128xf32, #tpu.memory_space<vmem>>
        %dma_start3A_528 = tpu.memref_squeeze %dma_start3A_527 : memref<1x128x128xf32, #tpu.memory_space<vmem>> -> memref<128x128xf32, #tpu.memory_space<vmem>>
        %dma_start3A_529 = arith.constant 0 : i32
        %dma_start3A_530 = tpu.memref_slice %arg11[%dma_start3A_522, %dma_start3A_523, %dma_start3A_529] : memref<2x1x128xi32, #tpu.memory_space<vmem>> -> memref<1x1x128xi32, #tpu.memory_space<vmem>>
        %dma_start3A_531 = tpu.memref_squeeze %dma_start3A_530 : memref<1x1x128xi32, #tpu.memory_space<vmem>> -> memref<128xi32, #tpu.memory_space<vmem>>
        %dma_start3A_532 = arith.constant 0 : i32
        %dma_start3A_533 = arith.constant 0 : i32
        %dma_start3A_534 = tpu.memref_slice %arg4[%dma_start3A_532, %dma_start3A_533] : memref<500000x128xf32, #tpu.memory_space<hbm>> -> memref<500000x128xf32, #tpu.memory_space<hbm>>
        tpu.enqueue_indirect_dma source(%dma_start3A_534 : memref<500000x128xf32, #tpu.memory_space<hbm>>) target(%dma_start3A_528 : memref<128x128xf32, #tpu.memory_space<vmem>>) offsets(%dma_start3A_531 : memref<128xi32, #tpu.memory_space<vmem>>) semaphore(%arg17 : memref<!tpu.dma_semaphore, #tpu.memory_space<semaphore_mem>>)
      } else {
      }
      %dma_wait3A_369 = arith.constant 1 : i32
      %dma_wait3A_370 = arith.constant 0 : i32
      %dma_wait3A_371 = arith.constant 0 : i32
      %dma_wait3A_372 = tpu.memref_slice %arg12[%dma_wait3A_369, %dma_wait3A_370, %dma_wait3A_371] : memref<2x128x128xf32, #tpu.memory_space<vmem>> -> memref<1x128x128xf32, #tpu.memory_space<vmem>>
      %dma_wait3A_373 = tpu.memref_squeeze %dma_wait3A_372 : memref<1x128x128xf32, #tpu.memory_space<vmem>> -> memref<128x128xf32, #tpu.memory_space<vmem>>
      %dma_wait3A_374 = arith.constant 0 : i32
      %dma_wait3A_375 = arith.constant 0 : i32
      %dma_wait3A_376 = tpu.memref_slice %arg4[%dma_wait3A_374, %dma_wait3A_375] : memref<500000x128xf32, #tpu.memory_space<hbm>> -> memref<128x128xf32, #tpu.memory_space<hbm>>
      %dma_wait3A_377 = arith.constant 0 : i32
      %dma_wait3A_378 = arith.constant 0 : i32
      %dma_wait3A_379 = tpu.memref_slice %arg12[%dma_wait3A_369, %dma_wait3A_377, %dma_wait3A_378] : memref<2x128x128xf32, #tpu.memory_space<vmem>> -> memref<1x128x128xf32, #tpu.memory_space<vmem>>
      %dma_wait3A_380 = tpu.memref_squeeze %dma_wait3A_379 : memref<1x128x128xf32, #tpu.memory_space<vmem>> -> memref<128x128xf32, #tpu.memory_space<vmem>>
      %dma_wait3A_381 = arith.constant 0 : i32
      %dma_wait3A_382 = arith.constant 0 : i32
      %dma_wait3A_383 = tpu.memref_slice %arg4[%dma_wait3A_381, %dma_wait3A_382] : memref<500000x128xf32, #tpu.memory_space<hbm>> -> memref<128x128xf32, #tpu.memory_space<hbm>>
      tpu.wait_dma2 semaphore(%arg18 : memref<!tpu.dma_semaphore, #tpu.memory_space<semaphore_mem>>) src(%dma_wait3A_383 : memref<128x128xf32, #tpu.memory_space<hbm>>) dst(%dma_wait3A_380 : memref<128x128xf32, #tpu.memory_space<vmem>>)
      %ge3A_384 = arith.constant 1 : i32
      %ge3A_385 = arith.cmpi sge, %scan3A_194, %ge3A_384 : i32
      %convert_element_type3A_386 = arith.extui %ge3A_385 : i1 to i32
      %cond3A_387 = arith.constant 0 : i32
      %cond3A_388 = arith.cmpi ne, %convert_element_type3A_386, %cond3A_387 : i32
      scf.if %cond3A_388 {
        %dma_wait3A_408 = arith.constant 1 : i32
        %dma_wait3A_409 = arith.constant 0 : i32
        %dma_wait3A_410 = arith.constant 0 : i32
        %dma_wait3A_411 = tpu.memref_slice %arg13[%dma_wait3A_408, %dma_wait3A_409, %dma_wait3A_410] : memref<2x128x64xf32, #tpu.memory_space<vmem>> -> memref<1x128x64xf32, #tpu.memory_space<vmem>>
        %dma_wait3A_412 = tpu.memref_squeeze %dma_wait3A_411 : memref<1x128x64xf32, #tpu.memory_space<vmem>> -> memref<128x64xf32, #tpu.memory_space<vmem>>
        %dma_wait3A_413 = arith.constant 0 : i32
        %dma_wait3A_414 = arith.constant 0 : i32
        %dma_wait3A_415 = tpu.memref_slice %arg8[%dma_wait3A_413, %dma_wait3A_414] : memref<262144x64xf32, #tpu.memory_space<hbm>> -> memref<128x64xf32, #tpu.memory_space<hbm>>
        %dma_wait3A_416 = arith.constant 0 : i32
        %dma_wait3A_417 = arith.constant 0 : i32
        %dma_wait3A_418 = tpu.memref_slice %arg8[%dma_wait3A_416, %dma_wait3A_417] : memref<262144x64xf32, #tpu.memory_space<hbm>> -> memref<128x64xf32, #tpu.memory_space<hbm>>
        %dma_wait3A_419 = arith.constant 0 : i32
        %dma_wait3A_420 = arith.constant 0 : i32
        %dma_wait3A_421 = tpu.memref_slice %arg13[%dma_wait3A_408, %dma_wait3A_419, %dma_wait3A_420] : memref<2x128x64xf32, #tpu.memory_space<vmem>> -> memref<1x128x64xf32, #tpu.memory_space<vmem>>
        %dma_wait3A_422 = tpu.memref_squeeze %dma_wait3A_421 : memref<1x128x64xf32, #tpu.memory_space<vmem>> -> memref<128x64xf32, #tpu.memory_space<vmem>>
        tpu.wait_dma2 semaphore(%arg20 : memref<!tpu.dma_semaphore, #tpu.memory_space<semaphore_mem>>) src(%dma_wait3A_422 : memref<128x64xf32, #tpu.memory_space<vmem>>) dst(%dma_wait3A_418 : memref<128x64xf32, #tpu.memory_space<hbm>>)
      } else {
      }
      %parallel_loop3A_389 = arith.constant 0 : i32
      %parallel_loop3A_390 = arith.constant 128 : i32
      %parallel_loop3A_391 = arith.constant 1 : i32
      scf.for %parallel_loop3A_408 = %parallel_loop3A_389 to %parallel_loop3A_390 step %parallel_loop3A_391  : i32 {
        %parallel_loop3A_409 = vector.broadcast %parallel_loop3A_408 : i32 to vector<16xi32>
        %parallel_loop3A_410 = arith.constant 1 : i32
        %parallel_loop3A_411 = arith.constant 0 : i32
        %parallel_loop3A_412 = tpu.memref_slice %arg9[%parallel_loop3A_410, %parallel_loop3A_411] : memref<2x128xi32, #tpu.memory_space<vmem>> -> memref<1x128xi32, #tpu.memory_space<vmem>>
        %parallel_loop3A_413 = tpu.memref_squeeze %parallel_loop3A_412 : memref<1x128xi32, #tpu.memory_space<vmem>> -> memref<128xi32, #tpu.memory_space<vmem>>
        %parallel_loop3A_414 = tpu.vector_load_idx %parallel_loop3A_413[%parallel_loop3A_409] : memref<128xi32, #tpu.memory_space<vmem>>[vector<16xi32>], vector<16xi32>,
        %parallel_loop3A_415 = arith.constant 1 : i32
        %parallel_loop3A_416 = arith.constant 0 : i32
        %parallel_loop3A_417 = tpu.memref_slice %arg10[%parallel_loop3A_415, %parallel_loop3A_416] : memref<2x128xi32, #tpu.memory_space<vmem>> -> memref<1x128xi32, #tpu.memory_space<vmem>>
        %parallel_loop3A_418 = tpu.memref_squeeze %parallel_loop3A_417 : memref<1x128xi32, #tpu.memory_space<vmem>> -> memref<128xi32, #tpu.memory_space<vmem>>
        %parallel_loop3A_419 = tpu.vector_load_idx %parallel_loop3A_418[%parallel_loop3A_409] : memref<128xi32, #tpu.memory_space<vmem>>[vector<16xi32>], vector<16xi32>,
        %parallel_loop3A_420 = arith.constant 1 : i32
        %parallel_loop3A_421 = vector.broadcast %parallel_loop3A_420 : i32 to vector<16xi32>
        %parallel_loop3A_422 = arith.andi %parallel_loop3A_414, %parallel_loop3A_421 : vector<16xi32>
        %parallel_loop3A_423 = arith.constant 6 : i32
        %parallel_loop3A_424 = vector.broadcast %parallel_loop3A_423 : i32 to vector<16xi32>
        %parallel_loop3A_425 = arith.shli %parallel_loop3A_422, %parallel_loop3A_424 : vector<16xi32>
        %parallel_loop3A_426 = arith.constant 1 : i32
        %parallel_loop3A_427 = vector.broadcast %parallel_loop3A_426 : i32 to vector<16xi32>
        %parallel_loop3A_428 = arith.shrui %parallel_loop3A_419, %parallel_loop3A_427 : vector<16xi32>
        %parallel_loop3A_429 = arith.constant 1 : i32
        %parallel_loop3A_430 = vector.broadcast %parallel_loop3A_429 : i32 to vector<16xi32>
        %parallel_loop3A_431 = arith.andi %parallel_loop3A_419, %parallel_loop3A_430 : vector<16xi32>
        %parallel_loop3A_432 = arith.constant 6 : i32
        %parallel_loop3A_433 = vector.broadcast %parallel_loop3A_432 : i32 to vector<16xi32>
        %parallel_loop3A_434 = arith.shli %parallel_loop3A_431, %parallel_loop3A_433 : vector<16xi32>
        %parallel_loop3A_435 = arith.addi %parallel_loop3A_425, %add3A_31 : vector<16xi32>
        %parallel_loop3A_436 = arith.constant 1 : i32
        %parallel_loop3A_437 = arith.constant 0 : i32
        %parallel_loop3A_438 = arith.constant 0 : i32
        %parallel_loop3A_439 = tpu.memref_slice %arg12[%parallel_loop3A_436, %parallel_loop3A_437, %parallel_loop3A_438] : memref<2x128x128xf32, #tpu.memory_space<vmem>> -> memref<1x128x128xf32, #tpu.memory_space<vmem>>
        %parallel_loop3A_440 = tpu.memref_squeeze %parallel_loop3A_439 : memref<1x128x128xf32, #tpu.memory_space<vmem>> -> memref<128x128xf32, #tpu.memory_space<vmem>>
        %parallel_loop3A_441 = tpu.vector_load_idx %parallel_loop3A_440[%parallel_loop3A_409, %parallel_loop3A_435] : memref<128x128xf32, #tpu.memory_space<vmem>>[vector<16xi32>, vector<16xi32>], vector<16xf32>,
        %parallel_loop3A_442 = arith.addi %parallel_loop3A_434, %add3A_31 : vector<16xi32>
        %parallel_loop3A_443 = tpu.vector_load_idx %arg14[%parallel_loop3A_428, %parallel_loop3A_442] : memref<256x128xf32, #tpu.memory_space<vmem>>[vector<16xi32>, vector<16xi32>], vector<16xf32>,
        %parallel_loop3A_444 = arith.addf %parallel_loop3A_441, %parallel_loop3A_443 : vector<16xf32>
        %parallel_loop3A_445 = arith.addi %parallel_loop3A_425, %add3A_34 : vector<16xi32>
        %parallel_loop3A_446 = arith.constant 1 : i32
        %parallel_loop3A_447 = arith.constant 0 : i32
        %parallel_loop3A_448 = arith.constant 0 : i32
        %parallel_loop3A_449 = tpu.memref_slice %arg12[%parallel_loop3A_446, %parallel_loop3A_447, %parallel_loop3A_448] : memref<2x128x128xf32, #tpu.memory_space<vmem>> -> memref<1x128x128xf32, #tpu.memory_space<vmem>>
        %parallel_loop3A_450 = tpu.memref_squeeze %parallel_loop3A_449 : memref<1x128x128xf32, #tpu.memory_space<vmem>> -> memref<128x128xf32, #tpu.memory_space<vmem>>
        %parallel_loop3A_451 = tpu.vector_load_idx %parallel_loop3A_450[%parallel_loop3A_409, %parallel_loop3A_445] : memref<128x128xf32, #tpu.memory_space<vmem>>[vector<16xi32>, vector<16xi32>], vector<16xf32>,
        %parallel_loop3A_452 = arith.addi %parallel_loop3A_434, %add3A_34 : vector<16xi32>
        %parallel_loop3A_453 = tpu.vector_load_idx %arg14[%parallel_loop3A_428, %parallel_loop3A_452] : memref<256x128xf32, #tpu.memory_space<vmem>>[vector<16xi32>, vector<16xi32>], vector<16xf32>,
        %parallel_loop3A_454 = arith.addf %parallel_loop3A_451, %parallel_loop3A_453 : vector<16xf32>
        %parallel_loop3A_455 = arith.addi %parallel_loop3A_425, %add3A_37 : vector<16xi32>
        %parallel_loop3A_456 = arith.constant 1 : i32
        %parallel_loop3A_457 = arith.constant 0 : i32
        %parallel_loop3A_458 = arith.constant 0 : i32
        %parallel_loop3A_459 = tpu.memref_slice %arg12[%parallel_loop3A_456, %parallel_loop3A_457, %parallel_loop3A_458] : memref<2x128x128xf32, #tpu.memory_space<vmem>> -> memref<1x128x128xf32, #tpu.memory_space<vmem>>
        %parallel_loop3A_460 = tpu.memref_squeeze %parallel_loop3A_459 : memref<1x128x128xf32, #tpu.memory_space<vmem>> -> memref<128x128xf32, #tpu.memory_space<vmem>>
        %parallel_loop3A_461 = tpu.vector_load_idx %parallel_loop3A_460[%parallel_loop3A_409, %parallel_loop3A_455] : memref<128x128xf32, #tpu.memory_space<vmem>>[vector<16xi32>, vector<16xi32>], vector<16xf32>,
        %parallel_loop3A_462 = arith.addi %parallel_loop3A_434, %add3A_37 : vector<16xi32>
        %parallel_loop3A_463 = tpu.vector_load_idx %arg14[%parallel_loop3A_428, %parallel_loop3A_462] : memref<256x128xf32, #tpu.memory_space<vmem>>[vector<16xi32>, vector<16xi32>], vector<16xf32>,
        %parallel_loop3A_464 = arith.addf %parallel_loop3A_461, %parallel_loop3A_463 : vector<16xf32>
        %parallel_loop3A_465 = arith.addi %parallel_loop3A_425, %add3A_40 : vector<16xi32>
        %parallel_loop3A_466 = arith.constant 1 : i32
        %parallel_loop3A_467 = arith.constant 0 : i32
        %parallel_loop3A_468 = arith.constant 0 : i32
        %parallel_loop3A_469 = tpu.memref_slice %arg12[%parallel_loop3A_466, %parallel_loop3A_467, %parallel_loop3A_468] : memref<2x128x128xf32, #tpu.memory_space<vmem>> -> memref<1x128x128xf32, #tpu.memory_space<vmem>>
        %parallel_loop3A_470 = tpu.memref_squeeze %parallel_loop3A_469 : memref<1x128x128xf32, #tpu.memory_space<vmem>> -> memref<128x128xf32, #tpu.memory_space<vmem>>
        %parallel_loop3A_471 = tpu.vector_load_idx %parallel_loop3A_470[%parallel_loop3A_409, %parallel_loop3A_465] : memref<128x128xf32, #tpu.memory_space<vmem>>[vector<16xi32>, vector<16xi32>], vector<16xf32>,
        %parallel_loop3A_472 = arith.addi %parallel_loop3A_434, %add3A_40 : vector<16xi32>
        %parallel_loop3A_473 = tpu.vector_load_idx %arg14[%parallel_loop3A_428, %parallel_loop3A_472] : memref<256x128xf32, #tpu.memory_space<vmem>>[vector<16xi32>, vector<16xi32>], vector<16xf32>,
        %parallel_loop3A_474 = arith.addf %parallel_loop3A_471, %parallel_loop3A_473 : vector<16xf32>
        %parallel_loop3A_475 = arith.addf %parallel_loop3A_444, %parallel_loop3A_454 : vector<16xf32>
        %parallel_loop3A_476 = arith.addf %parallel_loop3A_464, %parallel_loop3A_474 : vector<16xf32>
        %parallel_loop3A_477 = arith.addf %parallel_loop3A_475, %parallel_loop3A_476 : vector<16xf32>
        %parallel_loop3A_478 = arith.mulf %parallel_loop3A_444, %parallel_loop3A_444 : vector<16xf32>
        %parallel_loop3A_479 = arith.mulf %parallel_loop3A_454, %parallel_loop3A_454 : vector<16xf32>
        %parallel_loop3A_480 = arith.addf %parallel_loop3A_478, %parallel_loop3A_479 : vector<16xf32>
        %parallel_loop3A_481 = arith.mulf %parallel_loop3A_464, %parallel_loop3A_464 : vector<16xf32>
        %parallel_loop3A_482 = arith.mulf %parallel_loop3A_474, %parallel_loop3A_474 : vector<16xf32>
        %parallel_loop3A_483 = arith.addf %parallel_loop3A_481, %parallel_loop3A_482 : vector<16xf32>
        %parallel_loop3A_484 = arith.addf %parallel_loop3A_480, %parallel_loop3A_483 : vector<16xf32>
        %parallel_loop3A_485 = vector.shape_cast %xor3A_19 : vector<16xi32> to vector<16x1xi32>
        %parallel_loop3A_486 = vector.shape_cast %parallel_loop3A_485 : vector<16x1xi32> to vector<16xi32>
        %parallel_loop3A_487 = tpu.dynamic_gather %parallel_loop3A_477[%parallel_loop3A_486] in [0] : vector<16xf32>, vector<16xi32> -> vector<16xf32>
        %parallel_loop3A_488 = arith.addf %parallel_loop3A_477, %parallel_loop3A_487 : vector<16xf32>
        %parallel_loop3A_489 = vector.shape_cast %xor3A_22 : vector<16xi32> to vector<16x1xi32>
        %parallel_loop3A_490 = vector.shape_cast %parallel_loop3A_489 : vector<16x1xi32> to vector<16xi32>
        %parallel_loop3A_491 = tpu.dynamic_gather %parallel_loop3A_488[%parallel_loop3A_490] in [0] : vector<16xf32>, vector<16xi32> -> vector<16xf32>
        %parallel_loop3A_492 = arith.addf %parallel_loop3A_488, %parallel_loop3A_491 : vector<16xf32>
        %parallel_loop3A_493 = vector.shape_cast %xor3A_25 : vector<16xi32> to vector<16x1xi32>
        %parallel_loop3A_494 = vector.shape_cast %parallel_loop3A_493 : vector<16x1xi32> to vector<16xi32>
        %parallel_loop3A_495 = tpu.dynamic_gather %parallel_loop3A_492[%parallel_loop3A_494] in [0] : vector<16xf32>, vector<16xi32> -> vector<16xf32>
        %parallel_loop3A_496 = arith.addf %parallel_loop3A_492, %parallel_loop3A_495 : vector<16xf32>
        %parallel_loop3A_497 = vector.shape_cast %xor3A_28 : vector<16xi32> to vector<16x1xi32>
        %parallel_loop3A_498 = vector.shape_cast %parallel_loop3A_497 : vector<16x1xi32> to vector<16xi32>
        %parallel_loop3A_499 = tpu.dynamic_gather %parallel_loop3A_496[%parallel_loop3A_498] in [0] : vector<16xf32>, vector<16xi32> -> vector<16xf32>
        %parallel_loop3A_500 = arith.addf %parallel_loop3A_496, %parallel_loop3A_499 : vector<16xf32>
        %parallel_loop3A_501 = arith.constant 1.562500e-02 : f32
        %parallel_loop3A_502 = vector.broadcast %parallel_loop3A_501 : f32 to vector<16xf32>
        %parallel_loop3A_503 = arith.mulf %parallel_loop3A_500, %parallel_loop3A_502 : vector<16xf32>
        %parallel_loop3A_504 = vector.shape_cast %xor3A_19 : vector<16xi32> to vector<16x1xi32>
        %parallel_loop3A_505 = vector.shape_cast %parallel_loop3A_504 : vector<16x1xi32> to vector<16xi32>
        %parallel_loop3A_506 = tpu.dynamic_gather %parallel_loop3A_484[%parallel_loop3A_505] in [0] : vector<16xf32>, vector<16xi32> -> vector<16xf32>
        %parallel_loop3A_507 = arith.addf %parallel_loop3A_484, %parallel_loop3A_506 : vector<16xf32>
        %parallel_loop3A_508 = vector.shape_cast %xor3A_22 : vector<16xi32> to vector<16x1xi32>
        %parallel_loop3A_509 = vector.shape_cast %parallel_loop3A_508 : vector<16x1xi32> to vector<16xi32>
        %parallel_loop3A_510 = tpu.dynamic_gather %parallel_loop3A_507[%parallel_loop3A_509] in [0] : vector<16xf32>, vector<16xi32> -> vector<16xf32>
        %parallel_loop3A_511 = arith.addf %parallel_loop3A_507, %parallel_loop3A_510 : vector<16xf32>
        %parallel_loop3A_512 = vector.shape_cast %xor3A_25 : vector<16xi32> to vector<16x1xi32>
        %parallel_loop3A_513 = vector.shape_cast %parallel_loop3A_512 : vector<16x1xi32> to vector<16xi32>
        %parallel_loop3A_514 = tpu.dynamic_gather %parallel_loop3A_511[%parallel_loop3A_513] in [0] : vector<16xf32>, vector<16xi32> -> vector<16xf32>
        %parallel_loop3A_515 = arith.addf %parallel_loop3A_511, %parallel_loop3A_514 : vector<16xf32>
        %parallel_loop3A_516 = vector.shape_cast %xor3A_28 : vector<16xi32> to vector<16x1xi32>
        %parallel_loop3A_517 = vector.shape_cast %parallel_loop3A_516 : vector<16x1xi32> to vector<16xi32>
        %parallel_loop3A_518 = tpu.dynamic_gather %parallel_loop3A_515[%parallel_loop3A_517] in [0] : vector<16xf32>, vector<16xi32> -> vector<16xf32>
        %parallel_loop3A_519 = arith.addf %parallel_loop3A_515, %parallel_loop3A_518 : vector<16xf32>
        %parallel_loop3A_520 = arith.constant 1.562500e-02 : f32
        %parallel_loop3A_521 = vector.broadcast %parallel_loop3A_520 : f32 to vector<16xf32>
        %parallel_loop3A_522 = arith.mulf %parallel_loop3A_519, %parallel_loop3A_521 : vector<16xf32>
        %parallel_loop3A_523 = arith.mulf %parallel_loop3A_503, %parallel_loop3A_503 : vector<16xf32>
        %parallel_loop3A_524 = arith.subf %parallel_loop3A_522, %parallel_loop3A_523 : vector<16xf32>
        %parallel_loop3A_525 = arith.constant 0.000000e+00 : f32
        %parallel_loop3A_526 = vector.broadcast %parallel_loop3A_525 : f32 to vector<16xf32>
        %parallel_loop3A_527 = arith.maximumf %parallel_loop3A_524, %parallel_loop3A_526 : vector<16xf32>
        %parallel_loop3A_528 = arith.constant 9.99999996E-13 : f32
        %parallel_loop3A_529 = vector.broadcast %parallel_loop3A_528 : f32 to vector<16xf32>
        %parallel_loop3A_530 = arith.addf %parallel_loop3A_527, %parallel_loop3A_529 : vector<16xf32>
        %parallel_loop3A_531 = tpu.bitcast %parallel_loop3A_530 : vector<16xf32> -> vector<16xi32>
        %parallel_loop3A_532 = arith.constant 1 : i32
        %parallel_loop3A_533 = vector.broadcast %parallel_loop3A_532 : i32 to vector<16xi32>
        %parallel_loop3A_534 = arith.shrsi %parallel_loop3A_531, %parallel_loop3A_533 : vector<16xi32>
        %parallel_loop3A_535 = arith.constant 1597463007 : i32
        %parallel_loop3A_536 = vector.broadcast %parallel_loop3A_535 : i32 to vector<16xi32>
        %parallel_loop3A_537 = arith.subi %parallel_loop3A_536, %parallel_loop3A_534 : vector<16xi32>
        %parallel_loop3A_538 = tpu.bitcast %parallel_loop3A_537 : vector<16xi32> -> vector<16xf32>
        %parallel_loop3A_539 = arith.constant 5.000000e-01 : f32
        %parallel_loop3A_540 = vector.broadcast %parallel_loop3A_539 : f32 to vector<16xf32>
        %parallel_loop3A_541 = arith.mulf %parallel_loop3A_540, %parallel_loop3A_530 : vector<16xf32>
        %parallel_loop3A_542 = arith.mulf %parallel_loop3A_541, %parallel_loop3A_538 : vector<16xf32>
        %parallel_loop3A_543 = arith.mulf %parallel_loop3A_542, %parallel_loop3A_538 : vector<16xf32>
        %parallel_loop3A_544 = arith.constant 1.500000e+00 : f32
        %parallel_loop3A_545 = vector.broadcast %parallel_loop3A_544 : f32 to vector<16xf32>
        %parallel_loop3A_546 = arith.subf %parallel_loop3A_545, %parallel_loop3A_543 : vector<16xf32>
        %parallel_loop3A_547 = arith.mulf %parallel_loop3A_538, %parallel_loop3A_546 : vector<16xf32>
        %parallel_loop3A_548 = arith.constant 5.000000e-01 : f32
        %parallel_loop3A_549 = vector.broadcast %parallel_loop3A_548 : f32 to vector<16xf32>
        %parallel_loop3A_550 = arith.mulf %parallel_loop3A_549, %parallel_loop3A_530 : vector<16xf32>
        %parallel_loop3A_551 = arith.mulf %parallel_loop3A_550, %parallel_loop3A_547 : vector<16xf32>
        %parallel_loop3A_552 = arith.mulf %parallel_loop3A_551, %parallel_loop3A_547 : vector<16xf32>
        %parallel_loop3A_553 = arith.constant 1.500000e+00 : f32
        %parallel_loop3A_554 = vector.broadcast %parallel_loop3A_553 : f32 to vector<16xf32>
        %parallel_loop3A_555 = arith.subf %parallel_loop3A_554, %parallel_loop3A_552 : vector<16xf32>
        %parallel_loop3A_556 = arith.mulf %parallel_loop3A_547, %parallel_loop3A_555 : vector<16xf32>
        %parallel_loop3A_557 = arith.subf %parallel_loop3A_444, %parallel_loop3A_503 : vector<16xf32>
        %parallel_loop3A_558 = arith.mulf %parallel_loop3A_557, %parallel_loop3A_556 : vector<16xf32>
        %parallel_loop3A_559 = arith.mulf %parallel_loop3A_558, %get3A_3 : vector<16xf32>
        %parallel_loop3A_560 = arith.addf %parallel_loop3A_559, %get3A_11 : vector<16xf32>
        %parallel_loop3A_561 = arith.constant 1 : i32
        %parallel_loop3A_562 = arith.index_cast %parallel_loop3A_561 : i32 to index
        %parallel_loop3A_563 = arith.index_cast %parallel_loop3A_408 : i32 to index
        %parallel_loop3A_564 = arith.constant 0 : index
        %parallel_loop3A_565 = tpu.vector_load %arg13[%parallel_loop3A_562, %parallel_loop3A_563, %parallel_loop3A_564] {strides = array<i32>} : memref<2x128x64xf32, #tpu.memory_space<vmem>>, vector<16xf32>,
        tpu.vector_store %arg13[%parallel_loop3A_562, %parallel_loop3A_563, %parallel_loop3A_564], %parallel_loop3A_560 {strides = array<i32>} : memref<2x128x64xf32, #tpu.memory_space<vmem>>, vector<16xf32>,
        %parallel_loop3A_566 = arith.subf %parallel_loop3A_454, %parallel_loop3A_503 : vector<16xf32>
        %parallel_loop3A_567 = arith.mulf %parallel_loop3A_566, %parallel_loop3A_556 : vector<16xf32>
        %parallel_loop3A_568 = arith.mulf %parallel_loop3A_567, %get3A_5 : vector<16xf32>
        %parallel_loop3A_569 = arith.addf %parallel_loop3A_568, %get3A_13 : vector<16xf32>
        %parallel_loop3A_570 = arith.constant 1 : i32
        %parallel_loop3A_571 = arith.index_cast %parallel_loop3A_570 : i32 to index
        %parallel_loop3A_572 = arith.index_cast %parallel_loop3A_408 : i32 to index
        %parallel_loop3A_573 = arith.constant 16 : index
        %parallel_loop3A_574 = tpu.vector_load %arg13[%parallel_loop3A_571, %parallel_loop3A_572, %parallel_loop3A_573] {strides = array<i32>} : memref<2x128x64xf32, #tpu.memory_space<vmem>>, vector<16xf32>,
        tpu.vector_store %arg13[%parallel_loop3A_571, %parallel_loop3A_572, %parallel_loop3A_573], %parallel_loop3A_569 {strides = array<i32>} : memref<2x128x64xf32, #tpu.memory_space<vmem>>, vector<16xf32>,
        %parallel_loop3A_575 = arith.subf %parallel_loop3A_464, %parallel_loop3A_503 : vector<16xf32>
        %parallel_loop3A_576 = arith.mulf %parallel_loop3A_575, %parallel_loop3A_556 : vector<16xf32>
        %parallel_loop3A_577 = arith.mulf %parallel_loop3A_576, %get3A_7 : vector<16xf32>
        %parallel_loop3A_578 = arith.addf %parallel_loop3A_577, %get3A_15 : vector<16xf32>
        %parallel_loop3A_579 = arith.constant 1 : i32
        %parallel_loop3A_580 = arith.index_cast %parallel_loop3A_579 : i32 to index
        %parallel_loop3A_581 = arith.index_cast %parallel_loop3A_408 : i32 to index
        %parallel_loop3A_582 = arith.constant 32 : index
        %parallel_loop3A_583 = tpu.vector_load %arg13[%parallel_loop3A_580, %parallel_loop3A_581, %parallel_loop3A_582] {strides = array<i32>} : memref<2x128x64xf32, #tpu.memory_space<vmem>>, vector<16xf32>,
        tpu.vector_store %arg13[%parallel_loop3A_580, %parallel_loop3A_581, %parallel_loop3A_582], %parallel_loop3A_578 {strides = array<i32>} : memref<2x128x64xf32, #tpu.memory_space<vmem>>, vector<16xf32>,
        %parallel_loop3A_584 = arith.subf %parallel_loop3A_474, %parallel_loop3A_503 : vector<16xf32>
        %parallel_loop3A_585 = arith.mulf %parallel_loop3A_584, %parallel_loop3A_556 : vector<16xf32>
        %parallel_loop3A_586 = arith.mulf %parallel_loop3A_585, %get3A_9 : vector<16xf32>
        %parallel_loop3A_587 = arith.addf %parallel_loop3A_586, %get3A_17 : vector<16xf32>
        %parallel_loop3A_588 = arith.constant 1 : i32
        %parallel_loop3A_589 = arith.index_cast %parallel_loop3A_588 : i32 to index
        %parallel_loop3A_590 = arith.index_cast %parallel_loop3A_408 : i32 to index
        %parallel_loop3A_591 = arith.constant 48 : index
        %parallel_loop3A_592 = tpu.vector_load %arg13[%parallel_loop3A_589, %parallel_loop3A_590, %parallel_loop3A_591] {strides = array<i32>} : memref<2x128x64xf32, #tpu.memory_space<vmem>>, vector<16xf32>,
        tpu.vector_store %arg13[%parallel_loop3A_589, %parallel_loop3A_590, %parallel_loop3A_591], %parallel_loop3A_587 {strides = array<i32>} : memref<2x128x64xf32, #tpu.memory_space<vmem>>, vector<16xf32>,
      } {sc.loop_unroll_factor = 8 : i64, sc.parallel_access}
      %mul3A_392 = arith.constant 128 : i32
      %mul3A_393 = arith.muli %add3A_364, %mul3A_392 : i32
      %add3A_394 = arith.addi %mul3A_2, %mul3A_393 : i32
      %dma_start3A_395 = arith.constant 1 : i32
      %dma_start3A_396 = arith.constant 0 : i32
      %dma_start3A_397 = arith.constant 0 : i32
      %dma_start3A_398 = tpu.memref_slice %arg13[%dma_start3A_395, %dma_start3A_396, %dma_start3A_397] : memref<2x128x64xf32, #tpu.memory_space<vmem>> -> memref<1x128x64xf32, #tpu.memory_space<vmem>>
      %dma_start3A_399 = tpu.memref_squeeze %dma_start3A_398 : memref<1x128x64xf32, #tpu.memory_space<vmem>> -> memref<128x64xf32, #tpu.memory_space<vmem>>
      %dma_start3A_400 = arith.constant 0 : i32
      %dma_start3A_401 = tpu.memref_slice %arg8[%add3A_394, %dma_start3A_400] : memref<262144x64xf32, #tpu.memory_space<hbm>> -> memref<128x64xf32, #tpu.memory_space<hbm>>
      %dma_start3A_402 = arith.constant 0 : i32
      %dma_start3A_403 = tpu.memref_slice %arg8[%add3A_394, %dma_start3A_402] : memref<262144x64xf32, #tpu.memory_space<hbm>> -> memref<128x64xf32, #tpu.memory_space<hbm>>
      %dma_start3A_404 = arith.constant 0 : i32
      %dma_start3A_405 = arith.constant 0 : i32
      %dma_start3A_406 = tpu.memref_slice %arg13[%dma_start3A_395, %dma_start3A_404, %dma_start3A_405] : memref<2x128x64xf32, #tpu.memory_space<vmem>> -> memref<1x128x64xf32, #tpu.memory_space<vmem>>
      %dma_start3A_407 = tpu.memref_squeeze %dma_start3A_406 : memref<1x128x64xf32, #tpu.memory_space<vmem>> -> memref<128x64xf32, #tpu.memory_space<vmem>>
      tpu.enqueue_dma source(%dma_start3A_407 : memref<128x64xf32, #tpu.memory_space<vmem>>) target(%dma_start3A_403 : memref<128x64xf32, #tpu.memory_space<hbm>>) target_semaphore(%arg20 : memref<!tpu.dma_semaphore, #tpu.memory_space<semaphore_mem>>)
    }
    %scan3A_164 = arith.constant 32 : i32
    %dma_wait3A = arith.constant 0 : i32
    %dma_wait3A_165 = arith.constant 0 : i32
    %dma_wait3A_166 = arith.constant 0 : i32
    %dma_wait3A_167 = tpu.memref_slice %arg13[%dma_wait3A, %dma_wait3A_165, %dma_wait3A_166] : memref<2x128x64xf32, #tpu.memory_space<vmem>> -> memref<1x128x64xf32, #tpu.memory_space<vmem>>
    %dma_wait3A_168 = tpu.memref_squeeze %dma_wait3A_167 : memref<1x128x64xf32, #tpu.memory_space<vmem>> -> memref<128x64xf32, #tpu.memory_space<vmem>>
    %dma_wait3A_169 = arith.constant 0 : i32
    %dma_wait3A_170 = arith.constant 0 : i32
    %dma_wait3A_171 = tpu.memref_slice %arg8[%dma_wait3A_169, %dma_wait3A_170] : memref<262144x64xf32, #tpu.memory_space<hbm>> -> memref<128x64xf32, #tpu.memory_space<hbm>>
    %dma_wait3A_172 = arith.constant 0 : i32
    %dma_wait3A_173 = arith.constant 0 : i32
    %dma_wait3A_174 = tpu.memref_slice %arg8[%dma_wait3A_172, %dma_wait3A_173] : memref<262144x64xf32, #tpu.memory_space<hbm>> -> memref<128x64xf32, #tpu.memory_space<hbm>>
    %dma_wait3A_175 = arith.constant 0 : i32
    %dma_wait3A_176 = arith.constant 0 : i32
    %dma_wait3A_177 = tpu.memref_slice %arg13[%dma_wait3A, %dma_wait3A_175, %dma_wait3A_176] : memref<2x128x64xf32, #tpu.memory_space<vmem>> -> memref<1x128x64xf32, #tpu.memory_space<vmem>>
    %dma_wait3A_178 = tpu.memref_squeeze %dma_wait3A_177 : memref<1x128x64xf32, #tpu.memory_space<vmem>> -> memref<128x64xf32, #tpu.memory_space<vmem>>
    tpu.wait_dma2 semaphore(%arg19 : memref<!tpu.dma_semaphore, #tpu.memory_space<semaphore_mem>>) src(%dma_wait3A_178 : memref<128x64xf32, #tpu.memory_space<vmem>>) dst(%dma_wait3A_174 : memref<128x64xf32, #tpu.memory_space<hbm>>)
    %dma_wait3A_179 = arith.constant 1 : i32
    %dma_wait3A_180 = arith.constant 0 : i32
    %dma_wait3A_181 = arith.constant 0 : i32
    %dma_wait3A_182 = tpu.memref_slice %arg13[%dma_wait3A_179, %dma_wait3A_180, %dma_wait3A_181] : memref<2x128x64xf32, #tpu.memory_space<vmem>> -> memref<1x128x64xf32, #tpu.memory_space<vmem>>
    %dma_wait3A_183 = tpu.memref_squeeze %dma_wait3A_182 : memref<1x128x64xf32, #tpu.memory_space<vmem>> -> memref<128x64xf32, #tpu.memory_space<vmem>>
    %dma_wait3A_184 = arith.constant 0 : i32
    %dma_wait3A_185 = arith.constant 0 : i32
    %dma_wait3A_186 = tpu.memref_slice %arg8[%dma_wait3A_184, %dma_wait3A_185] : memref<262144x64xf32, #tpu.memory_space<hbm>> -> memref<128x64xf32, #tpu.memory_space<hbm>>
    %dma_wait3A_187 = arith.constant 0 : i32
    %dma_wait3A_188 = arith.constant 0 : i32
    %dma_wait3A_189 = tpu.memref_slice %arg8[%dma_wait3A_187, %dma_wait3A_188] : memref<262144x64xf32, #tpu.memory_space<hbm>> -> memref<128x64xf32, #tpu.memory_space<hbm>>
    %dma_wait3A_190 = arith.constant 0 : i32
    %dma_wait3A_191 = arith.constant 0 : i32
    %dma_wait3A_192 = tpu.memref_slice %arg13[%dma_wait3A_179, %dma_wait3A_190, %dma_wait3A_191] : memref<2x128x64xf32, #tpu.memory_space<vmem>> -> memref<1x128x64xf32, #tpu.memory_space<vmem>>
    %dma_wait3A_193 = tpu.memref_squeeze %dma_wait3A_192 : memref<1x128x64xf32, #tpu.memory_space<vmem>> -> memref<128x64xf32, #tpu.memory_space<vmem>>
    tpu.wait_dma2 semaphore(%arg20 : memref<!tpu.dma_semaphore, #tpu.memory_space<semaphore_mem>>) src(%dma_wait3A_193 : memref<128x64xf32, #tpu.memory_space<vmem>>) dst(%dma_wait3A_189 : memref<128x64xf32, #tpu.memory_space<hbm>>)
    return
  }
}

</mosaic_0001>

<sc_bundles>
// kernel: kernel.3.cloned.1.call-start
scs
__scs_entry_jumppad:
0x0: {  	(pc) =	sbr.rel $0x88, $3  }
0x1: {  	(tag) =	ssettag $0x0;
	lr =	simm.s32 $0x1  }
0x2: {  	[smem:$0x3F9B] =	sst lr;
	_ =	strace $0xD0000000  }
0x3: {  	_ = 	snop  }
0x4: {  	_ = 	snop  }
0x5: {  	_ = 	snop  }
0x6: {  	_ = 	snop  }
0x7: {  	_ = 	snop  }
__scs_overlays_trampoline_lowered:
0x8: {  	[smem:$0x3FAA] =	sst s0  }
0x9: {  	[smem:$0x3FAB] =	sst s1  }
0xa: {  	[smem:$0x3FAC] =	sst s2  }
0xb: {  	[smem:$0x3FAD] =	sst s3  }
0xc: {  	[smem:$0x3FAE] =	sst s4  }
0xd: {  	[smem:$0x3FAF] =	sst s5  }
0xe: {  	[smem:$0x3FB0] =	sst s6  }
0xf: {  	[smem:$0x3FB1] =	sst s7  }
0x10: {  	[smem:$0x3FB2] =	sst s8  }
0x11: {  	[smem:$0x3FB3] =	sst s9;
	s0 =	simm.s32 @!p0 $0x0  }
0x12: {  	s1 =	sld [smem:$0x3F99];
	s0 =	simm.s32 @p0 $0x1  }
0x13: {  	[smem:$0x3FB4] =	sst s0;
	s0 =	simm.s32 @!p1 $0x0  }
0x14: {  	s2 =	sld [smem:$0x3F98];
	s0 =	simm.s32 @p1 $0x1  }
0x15: {  	[smem:$0x3FB5] =	sst s0;
	s0 =	simm.s32 @!p2 $0x0  }
0x16: {  	s3 =	sld [smem:$0x3FDB];
	s0 =	simm.s32 @p2 $0x1  }
0x17: {  	s4 =	simm.s32 $0x1BF5;
	[smem:$0x3FB7] =	sst s0  }
0x18: {  	s0 =	sld [smem:$0x3F9A];
	_ =	swait.ge [sflag:s4], $0x0  }
0x19: {  	s7 =	sld [smem:$0x3F9B]  }
0x1a: {  	s8 =	sadd.s32 $0xFFFFE003, lr  }
0x1b: {  	s9 =	sadd.s32 $0xFFFFFEF7, lr;
	s5 =	simm.s32 $0xFFFFFFFF;
	p2 =	slt.u32 s8, $0xFFFFF086  }
0x1c: {  	p1 =	slt.u32 s9, $0xF7A;
	s5 =	simm.s32 @!p2 $0x0  }
0x1d: {  	s5 =	simm.s32 @p1 $0x1;
	p0 =	seq.s32 s7, s2  }
0x1e: {  	s7 =	smul.u32 @!p0 $0xF7A, s2;
	p2 =	seq.s32 @!p0 s5, $0x0  }
0x1f: {  	s9 =	smul.u32 $0xF7A, s1;
	s8 =	simm.s32 @!p0 $0x1BF5;
	p2 =	por !p2, p0  }
0x20: {  	[sflag:s8] =	ssyncset.s32 @!p0 $0xFFFFF086;
	s6 =	sadd.s32 @!p0 s3, s7;
	s7 =	simm.s32 @!p0 $0x108  }
0x21: {  	s3 =	sadd.s32 s3, s9;
	s6 =	sadd.s32 @!p0 $0x88, s6;
	s7 =	simm.s32 @p2 $0x1082  }
0x22: {  	[simem:s7], [sflag:s8] =	dma.local @!p0 [hbm:s6], $0xF7A  }
0x23: {  	s9 =	sor.u32 $0xD0000000, s2;
	s6 =	simm.s32 $0x108;
	_ =	swait.ge @!p0 [sflag:s8], $0x0  }
0x24: {  	s3 =	sadd.s32 $0x88, s3;
	s6 =	simm.s32 @!p1 $0x1082;
	[sflag:s4] =	ssyncset.s32 $0xFFFFF086  }
0x25: {  	[simem:s6], [sflag:s4] =	dma.local [hbm:s3], $0xF7A  }
0x26: {  	[smem:$0x3F9B] =	sst s1;
	(tag) =	ssettag s2;
	_ =	strace s9  }
0x27: {  	s1 =	sld [smem:$0x3FAB]  }
0x28: {  	s2 =	sld [smem:$0x3FAC]  }
0x29: {  	s4 =	sld [smem:$0x3FAE]  }
0x2a: {  	p0 =	seq.s32 s5, $0x0;
	s5 =	sld [smem:$0x3FAF]  }
0x2b: {  	s6 =	sld [smem:$0x3FB0]  }
0x2c: {  	s7 =	sld [smem:$0x3FB1]  }
0x2d: {  	s3 =	simm.s32 $0x108;
	s8 =	sld [smem:$0x3FB2]  }
0x2e: {  	s3 =	simm.s32 @!p0 $0x1082;
	s9 =	sld [smem:$0x3FB3]  }
0x2f: {  	lr =	sadd.s32 s0, s3;
	s0 =	sld [smem:$0x3FAA]  }
0x30: {  	s3 =	sld [smem:$0x3FAD]  }
0x31: {  	[smem:$0x3FB6] =	sst s10  }
0x32: {  	s10 =	sld [smem:$0x3FB4];
	_ =	sdelay $0x3  }
0x33: {  	p0 =	seq.s32 s10, $0x1;
	s10 =	sld [smem:$0x3FB6];
	_ =	sdelay $0x3  }
0x34: {  	[smem:$0x3FB6] =	sst s10  }
0x35: {  	s10 =	sld [smem:$0x3FB5];
	_ =	sdelay $0x3  }
0x36: {  	p1 =	seq.s32 s10, $0x1;
	s10 =	sld [smem:$0x3FB6];
	_ =	sdelay $0x3  }
0x37: {  	[smem:$0x3FB6] =	sst s10  }
0x38: {  	s10 =	sld [smem:$0x3FB7]  }
0x39: {  	_ = 	snop;
	(pc) =	sbr.ind lr, $3  }
0x3a: {  	_ = 	snop  }
0x3b: {  	_ = 	snop  }
0x3c: {  	p2 =	seq.s32 s10, $0x1;
	s10 =	sld [smem:$0x3FB6]  }
0x3d: {  	_ =	shalt  }
0x3e: {  	_ =	shalt  }
0x3f: {  	_ =	shalt  }
0x40: {  	_ =	shalt  }
0x41: {  	_ =	shalt  }
0x42: {  	_ =	shalt  }
0x43: {  	_ =	shalt  }
0x44: {  	_ =	shalt  }
0x45: {  	_ =	shalt  }
0x46: {  	_ =	shalt  }
0x47: {  	_ =	shalt  }
0x48: {  	_ =	shalt  }
0x49: {  	_ =	shalt  }
0x4a: {  	_ =	shalt  }
0x4b: {  	_ =	shalt  }
0x4c: {  	_ =	shalt  }
0x4d: {  	_ =	shalt  }
0x4e: {  	_ =	shalt  }
0x4f: {  	_ =	shalt  }
0x50: {  	_ =	shalt  }
0x51: {  	_ =	shalt  }
0x52: {  	_ =	shalt  }
0x53: {  	_ =	shalt  }
0x54: {  	_ =	shalt  }
0x55: {  	_ =	shalt  }
0x56: {  	_ =	shalt  }
0x57: {  	_ =	shalt  }
0x58: {  	_ =	shalt  }
0x59: {  	_ =	shalt  }
0x5a: {  	_ =	shalt  }
0x5b: {  	_ =	shalt  }
0x5c: {  	_ =	shalt  }
0x5d: {  	_ =	shalt  }
0x5e: {  	_ =	shalt  }
0x5f: {  	_ =	shalt  }
0x60: {  	_ =	shalt  }
0x61: {  	_ =	shalt  }
0x62: {  	_ =	shalt  }
0x63: {  	_ =	shalt  }
0x64: {  	_ =	shalt  }
0x65: {  	_ =	shalt  }
0x66: {  	_ =	shalt  }
0x67: {  	_ =	shalt  }
0x68: {  	_ =	shalt  }
0x69: {  	_ =	shalt  }
0x6a: {  	_ =	shalt  }
0x6b: {  	_ =	shalt  }
0x6c: {  	_ =	shalt  }
0x6d: {  	_ =	shalt  }
0x6e: {  	_ =	shalt  }
0x6f: {  	_ =	shalt  }
0x70: {  	_ =	shalt  }
0x71: {  	_ =	shalt  }
0x72: {  	_ =	shalt  }
0x73: {  	_ =	shalt  }
0x74: {  	_ =	shalt  }
0x75: {  	_ =	shalt  }
0x76: {  	_ =	shalt  }
0x77: {  	_ =	shalt  }
0x78: {  	_ =	shalt  }
0x79: {  	_ =	shalt  }
0x7a: {  	_ =	shalt  }
0x7b: {  	_ =	shalt  }
0x7c: {  	_ =	shalt  }
0x7d: {  	_ =	shalt  }
0x7e: {  	_ =	shalt  }
0x7f: {  	_ =	shalt  }
0x80: {  	_ =	shalt  }
0x81: {  	_ =	shalt  }
0x82: {  	_ =	shalt  }
0x83: {  	_ =	shalt  }
0x84: {  	_ =	shalt  }
0x85: {  	_ =	shalt  }
0x86: {  	_ =	shalt  }
0x87: {  	_ =	shalt  }
.Lfunc_end0:
.L_simem_size_0:
called_computation_lowered:
.L_overlay_start_0:
0x88: {  	s2 =	sld [smem:$0x3FD9]  }
0x89: {  	s3 =	sld [smem:$0x3FFE];
	_ =	sdelay $0x1  }
0x8a: {  	s1 =	srdreg.scid  }
0x8b: {  	s0 =	sand.u32 $0x1, s1  }
0x8c: {  	s17 =	sshll.u32 s0, $0xA;
	s2 =	sadd.s32 s3, s2  }
0x8d: {  	s2 =	sadd.s32 s2, s17  }
0x8e: {  	[smem:$0x3FC2] =	sst s2  }
0x8f: {  	_ = 	snop  }
0x90: {  	s2 =	sld [smem:$0x3FC5]  }
0x91: {  	s18 =	sld [smem:$0x3FC4]  }
0x92: {  	s4 =	sld [smem:$0x3FD0];
	(tm) =	ssettm $0x1  }
0x93: {  	s5 =	sld [smem:$0x3FFB];
	_ =	sdelay $0x3  }
0x94: {  	_ =	strace s5  }
0x95: {  	s5 =	sld [smem:$0x3FFC];
	_ =	sdelay $0x3  }
0x96: {  	_ =	strace s5  }
0x97: {  	s5 =	sld [smem:$0x3FFD];
	_ =	sdelay $0x3  }
0x98: {  	_ =	strace s5  }
0x99: {  	_ =	strace $0x8FFFFFFF  }
0x9a: {  	s19 =	sld [smem:$0x3FDB];
	_ =	sdelay $0x1  }
0x9b: {  	s6 =	simm.s32 $_scs_section_size  }
0x9c: {  	s7 =	simm.s32 $_size__tile_overlayer_lowered;
	s8 =	simm.s32 $_tile_overlayer_lowered  }
0x9d: {  	s22 =	simm.s32 $0x1BFF;
	s21 =	sshll.u32 s8, $0x1;
	s5 =	sadd.s32 s6, s19  }
0x9e: {  	s9 =	simm.s32 $0x0;
	s20 =	sshll.u32 s7, $0x1;
	s7 =	sadd.s32 s21, s5  }
0x9f: {  	[timem:s9], [sflag:s22] =	dma.local [hbm:s7], s20  }
0xa0: {  	_ =	swait.ge [sflag:s22], s20  }
0xa1: {  	s6 =	ssub.s32 $0x0, s20;
	[sflag:s22] =	ssyncset.done $0x0  }
0xa2: {  	[sflag:s22] =	ssyncadd.s32 s6;
	_ =	sdelay $0x1  }
0xa3: {  	s23 =	simm.s32 $0x1B8B  }
0xa4: {  	_ =	swait.ge [sflag:s23], $0x1  }
0xa5: {  	[sflag:s23] =	ssyncset.done $0x0  }
0xa6: {  	s25 =	simm.s32 $0x1B8E;
	s24 =	sld [smem:$0x3FFE];
	[sflag:s23] =	ssyncadd.s32 $0xFFFFFFFF  }
0xa7: {  	s26 =	simm.s32 $execute0_lowered;
	[smem:$0x3FD2] =	sst s25  }
0xa8: {  	s7 =	sshll.u32 s26, $0x1;
	_ =	strace $0x80000046;
	[dreg:$0x1] =	wrdreg $0xFFFFFFFF  }
0xa9: {  	s28 =	simm.s32 $_size_execute0_lowered;
	s5 =	sadd.s32 s5, s7;
	[dreg:$0x0] =	wrdreg $0x0  }
0xaa: {  	s7 =	sshll.u32 s28, $0x1;
	[dreg:$0x2] =	wrdreg s5  }
0xab: {  	[dreg:$0x3] =	wrdreg s7  }
0xac: {  	[dreg:$0x4] =	wrdreg $0xC0  }
0xad: {  	_ =	task [dreg:s9], $0x5FFFF  }
0xae: {  	[dreg:$0x1] =	wrdreg $0xFFFFFFFF  }
0xaf: {  	[dreg:$0x0] =	wrdreg $0x60  }
0xb0: {  	[dreg:$0x2] =	wrdreg s24  }
0xb1: {  	[dreg:$0x3] =	wrdreg s2  }
0xb2: {  	[dreg:$0x4] =	wrdreg s18  }
0xb3: {  	[dreg:$0x5] =	wrdreg s4  }
0xb4: {  	[dreg:$0x6] =	wrdreg $0x9  }
0xb5: {  	_ =	task.clear_ibuf [dreg:s9], $0x7FFFF;
	_ =	strace $0x90000046  }
0xb6: {  	s29 =	simm.s32 $0x9;
	_ =	strace $0x80000048  }
0xb7: {  	_ =	swait.ge [sflag:s29], $0x1  }
0xb8: {  	[sflag:s29] =	ssyncadd.s32 $0xFFFFFFFF  }
0xb9: {  	_ =	strace $0x90000048  }
0xba: {  	_ =	sfence  }
0xbb: {  	s30 =	sld [smem:$0x0];
	_ =	sdelay $0x2  }
0xbc: {  	s31 =	sshll.u32 s1, $0xD;
	s1 =	sshrl.u32 s1, $0x2  }
0xbd: {  	s3 =	sand.u32 $0x4000, s31;
	s1 =	sadd.s32 s1, s30  }
0xbe: {  	s0 =	sor.u32 s3, s0;
	s1 =	sshll.u32 s1, $0x11  }
0xbf: {  	s0 =	sor.u32 s1, s0  }
0xc0: {  	s0 =	sadd.s32 $0x8F2B, s0  }
0xc1: {  	[sflag:s0] =	ssyncadd.remote.s32 $0x1  }
0xc2: {  	_ =	sfence.sel $0xFFFF  }
0xc3: {  	[dreg:$0x0] =	wrdreg $0xFFFFFFFF;
	(pc) =	sbr.abs _section_cstart, $3  }
0xc4: {  	[dreg:$0x1] =	wrdreg $0xFFFFFFFF  }
0xc5: {  	_ =	task.clear_ibuf [dreg:s9], $0x2FFFF;
	_ =	strace $0x9FFFFFFF  }
0xc6: {  	(tm) =	ssettm $0x7FFFFFFF  }
0xc7: {  	_ =	shalt  }
tec
execute0_lowered:
.L_overlay_start_1:
0x0: {  	(tag) =	ssettag $0x1  }
0x1: {  	s0 =	rddreg [dreg:$0x0];
	v0 =	vimm.s32 $0xFEDCBA98  }
0x2: {  	s3 =	rddreg [dreg:$0x3];
	s4 =	simm.s32 $0x0;
	v1 =	vimm.s32 $0x76543210;
	v3 =	vimm.s32 $0x32107654;
	v4 =	vimm.s32 $0xDCFE98BA  }
0x3: {  	s1 =	srdreg.scid;
	s2 =	stileid.u32;
	v9 =	vlaneseq.u32;
	v5 =	vimm.s32 $0x54761032;
	v6 =	vimm.s32 $0xEFCDAB89;
	s16 =	simm.s32 $0x10300  }
0x4: {  	v7 =	vimm.s32 $0x67452301;
	s17 =	simm.s32 $0x5;
	s20 =	simm.s32 $0x100;
	s21 =	simm.s32 $0x80;
	v63 =	vlaneseq.u32;
	v0 =	vunpack.c.l.s4.s8 v0  }
0x5: {  	s22 =	simm.s32 $0x200;
	s23 =	simm.s32 $0x300;
	s24 =	simm.s32 $0x180;
	v2 =	vunpack.c.l.s4.s8 v1;
	v1 =	vimm.s32 $0xBA98FEDC;
	v3 =	vunpack.c.l.s4.s8 v3  }
0x6: {  	s28 =	simm.s32 $0x1;
	s29 =	simm.s32 $0x8300;
	s30 =	simm.s32 $0x2;
	v4 =	vunpack.c.l.s4.s8 v4;
	v6 =	vunpack.c.l.s4.s8 v6;
	v7 =	vunpack.c.l.s4.s8 v7  }
0x7: {  	s31 =	simm.s32 $0x4;
	[smem:$0x7FF] =	sst s4;
	s5 =	sadd.s32 $0xA00, s0;
	v5 =	vunpack.c.l.s4.s8 v5;
	v13 =	vor.u32 $0x20, v63;
	v1 =	vunpack.c.l.s4.s8 v1  }
0x8: {  	s6 =	sadd.s32 $0x8A00, s0;
	s8 =	sadd.s32 $0xF42E00, s0;
	s0 =	sadd.s32 $0x10A00, s0;
	v3 =	vunpack.c.0.s8.s32 v3;
	v6 =	vunpack.c.0.s8.s32 v6;
	v7 =	vunpack.c.0.s8.s32 v7  }
0x9: {  	s25 =	sand.u32 $0x1, s1;
	s2 =	sshll.u32 s2, $0xE;
	_ =	strace $0x80000047;
	v4 =	vunpack.c.0.s8.s32 v4;
	v5 =	vunpack.c.0.s8.s32 v5;
	v1 =	vunpack.c.0.s8.s32 v1  }
0xa: {  	v62 =	vor.u32 $0x30, v63;
	[dreg:$0x5] =	wrdreg s0;
	s1 =	ssub.s32 $0x2, s25;
	s0 =	sshll.u32 s25, $0xD;
	[tilespmem:$0x1FFB0] =	vst v13;
	v0 =	vunpack.c.0.s8.s32 v0;
	v7 =	vcombine.low v7, v6  }
0xb: {  	s25 =	simm.s32 $0x280;
	[tilespmem:$0x1FFE0] =	vst v62;
	s7 =	sshrl.u32 s1, $0x1;
	s0 =	sor.u32 s0, s2;
	v10 =	vcombine.low v5, v4;
	v8 =	vcombine.low v3, v1;
	v3 =	vor.u32 $0x10, v9  }
0xc: {  	s1 =	ssub.s32 s1, s7;
	s2 =	sshrl.u32 s0, $0x3;
	s26 =	sshll.u32 s0, $0x4;
	v9 =	vunpack.c.0.s8.s32 v2;
	v14 =	vand.u32 $0xF, v7;
	[tilespmem:$0x1FFA0] =	vst v3  }
0xd: {  	s13 =	sor.u32 $0x100, s0;
	s15 =	sor.u32 $0x80, s0;
	s0 =	simm.s32 $0xC300;
	v0 =	vand.u32 $0xF, v0;
	v2 =	vand.u32 $0xF, v10;
	[tilespmem:$0x1FF90] =	vst v14  }
0xe: {  	s7 =	simm.s32 $0x3;
	s9 =	sadd.s32 s5, s2;
	s2 =	sadd.s32 s6, s2;
	v6 =	vcombine.low v0, v9;
	v11 =	vand.u32 $0xF, v8;
	[tilespmem:$0x1FFC0] =	vst v2  }
0xf: {  	s12 =	sadd.s32 s3, s26;
	s14 =	smax.u32 s1, $0x1;
	[dreg:$0x6] =	wrdreg s9;
	[tilespmem:$0x1FFF0] =	vst v11  }
0x10: {  	s26 =	simm.s32 $0x4300;
	s1 =	simm.s32 $0x0;
	[dreg:$0x7] =	wrdreg s2;
	[tilespmem:$0x1FFD0] =	vst v6  }
.LBB2_1:
0x11: {  	s2 =	rddreg [dreg:$0x5]  }
0x12: {  	[tilespmem:s16], [sflag:$0x5] =	stream.linear.gather [hbm4b:s2+s4], $0x8000, $0x38;
	[tilespmem:$0x18400] =	vst v63  }
0x13: {  	_ =	swait.ge [sflag:s17], $0x8000  }
0x14: {  	[sflag:s17] =	ssyncset.done $0x0  }
0x15: {  	[sflag:s17] =	ssyncadd.s32 $0xFFFF8000  }
0x16: {  	s9 =	simm.s32 $0x18300;
	s19 =	rddreg [dreg:$0x1]  }
0x17: {  	[tilespmem:s9], [sflag:$0x5] =	stream.linear.gather [hbm4b:s19+s4], $0x80, $0x38;
	[tilespmem:$0x18400] =	vst v63  }
0x18: {  	_ =	swait.ge [sflag:s17], $0x80  }
0x19: {  	[sflag:s17] =	ssyncset.done $0x0  }
0x1a: {  	[sflag:s17] =	ssyncadd.s32 $0xFFFFFF80  }
0x1b: {  	s11 =	simm.s32 $0x18380;
	s10 =	rddreg [dreg:$0x2]  }
0x1c: {  	[tilespmem:s11], [sflag:$0x5] =	stream.linear.gather [hbm4b:s10+s4], $0x80, $0x38;
	[tilespmem:$0x18400] =	vst v63  }
0x1d: {  	_ =	swait.ge [sflag:s17], $0x80  }
0x1e: {  	[sflag:s17] =	ssyncset.done $0x0  }
0x1f: {  	[sflag:s17] =	ssyncadd.s32 $0xFFFFFF80  }
0x20: {  	v37 =	vld [tilespmem:$0x18300]  }
0x21: {  	v39 =	vld [tilespmem:$0x18310]  }
0x22: {  	v42 =	vld [tilespmem:$0x18320]  }
0x23: {  	v0 =	vld [tilespmem:$0x18330]  }
0x24: {  	v40 =	vld [tilespmem:$0x18380]  }
0x25: {  	v45 =	vld [tilespmem:$0x18390]  }
0x26: {  	s18 =	rddreg [dreg:$0x6];
	v32 =	vld [tilespmem:$0x183A0]  }
0x27: {  	v43 =	vld [tilespmem:$0x183B0];
	[tilespmem:s4], [sflag:$0x5] =	stream.linear.gather [hbm4b:s18+s4], $0x80, $0x38  }
0x28: {  	[tilespmem:$0x1FF10] =	vst v0  }
0x29: {  	_ =	swait.ge [sflag:s17], $0x80  }
0x2a: {  	[sflag:s17] =	ssyncset.done $0x0  }
0x2b: {  	s19 =	rddreg [dreg:$0x7];
	[sflag:s17] =	ssyncadd.s32 $0xFFFFFF80  }
0x2c: {  	[tilespmem:s20], [sflag:$0x5] =	stream.linear.gather [hbm4b:s19+s4], $0x80, $0x38;
	[tilespmem:$0x18400] =	vst v63  }
0x2d: {  	_ =	swait.ge [sflag:s17], $0x80  }
0x2e: {  	[sflag:s17] =	ssyncset.done $0x0  }
0x2f: {  	[tilespmem:$0x1FF20] =	vst v37;
	[sflag:s17] =	ssyncadd.s32 $0xFFFFFF80  }
0x30: {  	[tilespmem:$0x1FF30] =	vst v39;
	v0 =	vld [tilespmem:$0x0]  }
0x31: {  	[tilespmem:$0x1FF40] =	vst v40;
	v8 =	vld [tilespmem:$0x10]  }
0x32: {  	[tilespmem:$0x1FF50] =	vst v42;
	v9 =	vld [tilespmem:$0x20]  }
0x33: {  	[tilespmem:$0x1FF60] =	vst v43;
	v16 =	vld [tilespmem:$0x30]  }
0x34: {  	[tilespmem:$0x1FF70] =	vst v45;
	v17 =	vld [tilespmem:$0x40]  }
0x35: {  	[tilespmem:$0x1FF80] =	vst v32;
	v18 =	vld [tilespmem:$0x50];
	v0 =	vshrl.u32 v0, $0x1  }
0x36: {  	[tilespmem:$0x200] =	vst v0;
	v0 =	vshrl.u32 v8, $0x1;
	v8 =	vld [tilespmem:$0x60]  }
0x37: {  	[tilespmem:$0x210] =	vst v0;
	v0 =	vshrl.u32 v9, $0x1;
	v9 =	vld [tilespmem:$0x70]  }
0x38: {  	[tilespmem:$0x220] =	vst v0;
	v0 =	vshrl.u32 v16, $0x1  }
0x39: {  	[tilespmem:$0x230] =	vst v0;
	v0 =	vshrl.u32 v17, $0x1  }
0x3a: {  	[tilespmem:$0x240] =	vst v0;
	v0 =	vshrl.u32 v18, $0x1  }
0x3b: {  	[tilespmem:$0x250] =	vst v0;
	v0 =	vshrl.u32 v8, $0x1  }
0x3c: {  	[tilespmem:$0x260] =	vst v0;
	v0 =	vshrl.u32 v9, $0x1  }
0x3d: {  	s2 =	simm.s32 $0x0;
	[tilespmem:$0x270] =	vst v0  }
0x3e: {  	[tilespmem:s23], [sflag:$0x1] =	stream.indirect.gather [hbm4b:s8+s21], $0x80, s22, s21, $0xb8;
	[tilespmem:$0x18400] =	vst v63  }
.LBB2_2:
0x3f: {  	s19 =	sshll.u32 s2, $0x8  }
0x40: {  	s18 =	sor.u32 s15, s19  }
0x41: {  	s9 =	sshrl.u32 s18, $0x3  }
0x42: {  	s10 =	sadd.s32 s5, s9  }
0x43: {  	[tilespmem:s21], [sflag:$0x5] =	stream.linear.gather [hbm4b:s10+s4], $0x80, $0x38;
	[tilespmem:$0x18400] =	vst v63  }
0x44: {  	_ =	swait.ge [sflag:s17], $0x80  }
0x45: {  	[sflag:s17] =	ssyncset.done $0x0  }
0x46: {  	s9 =	sadd.s32 s6, s9;
	[sflag:s17] =	ssyncadd.s32 $0xFFFFFF80  }
0x47: {  	[tilespmem:s24], [sflag:$0x5] =	stream.linear.gather [hbm4b:s9+s4], $0x80, $0x38;
	[tilespmem:$0x18400] =	vst v63  }
0x48: {  	_ =	swait.ge [sflag:s17], $0x80  }
0x49: {  	[sflag:s17] =	ssyncset.done $0x0  }
0x4a: {  	[sflag:s17] =	ssyncadd.s32 $0xFFFFFF80  }
0x4b: {  	v0 =	vld [tilespmem:$0x80]  }
0x4c: {  	v8 =	vld [tilespmem:$0x90]  }
0x4d: {  	v9 =	vld [tilespmem:$0xA0]  }
0x4e: {  	v16 =	vld [tilespmem:$0xB0]  }
0x4f: {  	v17 =	vld [tilespmem:$0xC0]  }
0x50: {  	v18 =	vld [tilespmem:$0xD0];
	v0 =	vshrl.u32 v0, $0x1  }
0x51: {  	[tilespmem:$0x280] =	vst v0;
	v0 =	vshrl.u32 v8, $0x1;
	v8 =	vld [tilespmem:$0xE0]  }
0x52: {  	[tilespmem:$0x290] =	vst v0;
	v0 =	vshrl.u32 v9, $0x1;
	v9 =	vld [tilespmem:$0xF0]  }
0x53: {  	[tilespmem:$0x2A0] =	vst v0;
	v0 =	vshrl.u32 v16, $0x1  }
0x54: {  	[tilespmem:$0x2B0] =	vst v0;
	v0 =	vshrl.u32 v17, $0x1  }
0x55: {  	[tilespmem:$0x2C0] =	vst v0;
	v0 =	vshrl.u32 v18, $0x1  }
0x56: {  	[tilespmem:$0x2D0] =	vst v0;
	v0 =	vshrl.u32 v8, $0x1  }
0x57: {  	[tilespmem:$0x2E0] =	vst v0;
	v0 =	vshrl.u32 v9, $0x1  }
0x58: {  	[tilespmem:$0x2F0] =	vst v0  }
0x59: {  	[tilespmem:s26], [sflag:$0x2] =	stream.indirect.gather [hbm4b:s8+s21], $0x80, s25, s21, $0xb8;
	[tilespmem:$0x18400] =	vst v63  }
0x5a: {  	s10 =	simm.s32 $0x0;
	_ =	swait.ge [sflag:s28], $0x4000  }
0x5b: {  	p0 =	seq.s32 s2, $0x0;
	v0 =	vmov s10;
	[sflag:s28] =	ssyncset.done $0x0  }
0x5c: {  	s9 =	simm.s32 @!p0 $0x3;
	[sflag:s28] =	ssyncadd.s32 $0xFFFFC000  }
0x5d: {  	s11 =	simm.s32 $0x1;
	_ =	swait.ge @!p0 [sflag:s9], $0x4000  }
0x5e: {  	v8 =	vmov s11;
	s11 =	simm.s32 $0x2;
	[sflag:s9] =	ssyncset.done @!p0 $0x0  }
0x5f: {  	v9 =	vmov s11;
	s11 =	simm.s32 $0x3;
	[sflag:s9] =	ssyncadd.s32 @!p0 $0xFFFFC000  }
0x60: {  	v18 =	vmov s11;
	s10 =	simm.s32 $0x4;
	v19 =	vld.idx.msk [tilespmem:v0+s20+$0x0], $0xffff  }
0x61: {  	s11 =	simm.s32 $0x5;
	v20 =	vmov s10  }
0x62: {  	v17 =	vmov s11;
	s10 =	simm.s32 $0x6;
	v21 =	vld.idx.msk [tilespmem:v0+s4+$0x0], $0xffff  }
0x63: {  	v37 =	vmov s10;
	v22 =	vld.idx.msk [tilespmem:v8+s20+$0x0], $0xffff  }
0x64: {  	v23 =	vld.idx.msk [tilespmem:v9+s20+$0x0], $0xffff  }
0x65: {  	v24 =	vld.idx.msk [tilespmem:v18+s20+$0x0], $0xffff;
	v19 =	vshll.u32 v19, $0x6  }
0x66: {  	v25 =	vld.idx.msk [tilespmem:v20+s20+$0x0], $0xffff;
	v31 =	vor.u32 v3, v19  }
0x67: {  	v26 =	vld.idx.msk [tilespmem:v17+s20+$0x0], $0xffff  }
0x68: {  	v27 =	vld.idx.msk [tilespmem:v37+s20+$0x0], $0xffff  }
0x69: {  	v28 =	vld.idx.msk [tilespmem:v8+s4+$0x0], $0xffff  }
0x6a: {  	v30 =	vld.idx.msk [tilespmem:v9+s4+$0x0], $0xffff  }
0x6b: {  	v29 =	vor.u32 v63, v19;
	v2 =	vld.idx.msk [tilespmem:v31+s16+$0x0], $0xffff  }
0x6c: {  	v32 =	vld.idx.msk [tilespmem:v18+s4+$0x0], $0xffff;
	v33 =	vor.u32 v13, v19  }
0x6d: {  	v34 =	vld.idx.msk [tilespmem:v20+s4+$0x0], $0xffff;
	v22 =	vshll.u32 v22, $0x6;
	v19 =	vor.u32 v62, v19  }
0x6e: {  	v35 =	vld.idx.msk [tilespmem:v17+s4+$0x0], $0xffff;
	v36 =	vor.u32 v63, v22  }
0x6f: {  	v47 =	vld.idx.msk [tilespmem:v37+s4+$0x0], $0xffff;
	v38 =	vor.u32 v3, v22  }
0x70: {  	v39 =	vor.u32 v13, v22;
	v4 =	vld.idx.msk [tilespmem:v29+s16+$0x0], $0xffff;
	[tilespmem:$0x1F890] =	vst v2  }
0x71: {  	v23 =	vshll.u32 v23, $0x6;
	v22 =	vor.u32 v62, v22;
	v15 =	vld.idx.msk [tilespmem:v33+s16+$0x0], $0xffff  }
0x72: {  	v40 =	vor.u32 v63, v23;
	v33 =	vld.idx.msk [tilespmem:v19+s16+$0x0], $0xffff  }
0x73: {  	v41 =	vor.u32 v3, v23;
	v36 =	vld.idx.msk [tilespmem:v36+s16+$0x0], $0xffff  }
0x74: {  	v42 =	vor.u32 v13, v23;
	v38 =	vld.idx.msk [tilespmem:v38+s16+$0x0], $0xffff  }
0x75: {  	v24 =	vshll.u32 v24, $0x6;
	v23 =	vor.u32 v62, v23;
	v39 =	vld.idx.msk [tilespmem:v39+s16+$0x0], $0xffff  }
0x76: {  	v43 =	vor.u32 v63, v24;
	v31 =	vld.idx.msk [tilespmem:v22+s16+$0x0], $0xffff  }
0x77: {  	v44 =	vor.u32 v3, v24;
	v40 =	vld.idx.msk [tilespmem:v40+s16+$0x0], $0xffff  }
0x78: {  	v45 =	vor.u32 v13, v24;
	v41 =	vld.idx.msk [tilespmem:v41+s16+$0x0], $0xffff  }
0x79: {  	v25 =	vshll.u32 v25, $0x6;
	v24 =	vor.u32 v62, v24;
	v29 =	vld.idx.msk [tilespmem:v42+s16+$0x0], $0xffff  }
0x7a: {  	v54 =	vor.u32 v63, v25;
	v23 =	vld.idx.msk [tilespmem:v23+s16+$0x0], $0xffff  }
0x7b: {  	v55 =	vor.u32 v3, v25;
	v48 =	vld.idx.msk [tilespmem:v43+s16+$0x0], $0xffff  }
0x7c: {  	v56 =	vor.u32 v13, v25;
	v49 =	vld.idx.msk [tilespmem:v44+s16+$0x0], $0xffff  }
0x7d: {  	v26 =	vshll.u32 v26, $0x6;
	v25 =	vor.u32 v62, v25;
	v50 =	vld.idx.msk [tilespmem:v45+s16+$0x0], $0xffff  }
0x7e: {  	v0 =	vshll.u32 v0, $0x7;
	v9 =	vshll.u32 v9, $0x7;
	v57 =	vor.u32 v63, v26;
	v24 =	vld.idx.msk [tilespmem:v24+s16+$0x0], $0xffff  }
0x7f: {  	v18 =	vshll.u32 v18, $0x7;
	v20 =	vshll.u32 v20, $0x7;
	v58 =	vor.u32 v3, v26;
	v51 =	vld.idx.msk [tilespmem:v54+s16+$0x0], $0xffff  }
0x80: {  	v27 =	vshll.u32 v27, $0x6;
	v21 =	vshll.u32 v21, $0x6;
	v59 =	vor.u32 v13, v26;
	v52 =	vld.idx.msk [tilespmem:v55+s16+$0x0], $0xffff  }
0x81: {  	v30 =	vshll.u32 v30, $0x6;
	v32 =	vshll.u32 v32, $0x6;
	v60 =	vor.u32 v63, v27;
	v53 =	vld.idx.msk [tilespmem:v56+s16+$0x0], $0xffff  }
0x82: {  	v34 =	vshll.u32 v34, $0x6;
	v61 =	vor.u32 v3, v27;
	v21 =	vand.u32 $0x40, v21;
	v25 =	vld.idx.msk [tilespmem:v25+s16+$0x0], $0xffff  }
0x83: {  	v16 =	vor.u32 v13, v27;
	v30 =	vand.u32 $0x40, v30;
	v0 =	vor.u32 v0, v21;
	v54 =	vld.idx.msk [tilespmem:v57+s16+$0x0], $0xffff  }
0x84: {  	v32 =	vand.u32 $0x40, v32;
	v9 =	vor.u32 v9, v30;
	v46 =	vor.u32 v3, v0;
	v55 =	vld.idx.msk [tilespmem:v58+s16+$0x0], $0xffff  }
0x85: {  	v34 =	vand.u32 $0x40, v34;
	v18 =	vor.u32 v18, v32;
	v30 =	vor.u32 v63, v9;
	v10 =	vld.idx.msk [tilespmem:v59+s16+$0x0], $0xffff  }
0x86: {  	v28 =	vshll.u32 v28, $0x6;
	v20 =	vor.u32 v20, v34;
	v32 =	vor.u32 v63, v18;
	v56 =	vld.idx.msk [tilespmem:v60+s16+$0x0], $0xffff  }
0x87: {  	v8 =	vshll.u32 v8, $0x7;
	v28 =	vand.u32 $0x40, v28;
	v34 =	vor.u32 v63, v20;
	v60 =	vld.idx.msk [tilespmem:v61+s16+$0x0], $0xffff  }
0x88: {  	v8 =	vor.u32 v8, v28;
	v28 =	vld.idx.msk [tilespmem:v16+s16+$0x0], $0xffff  }
0x89: {  	v19 =	vor.u32 v63, v0;
	v46 =	vld.idx.msk [tilespmem:v46+s23+$0x0], $0xffff  }
0x8a: {  	v44 =	vor.u32 v13, v0;
	v30 =	vld.idx.msk [tilespmem:v30+s23+$0x0], $0xffff  }
0x8b: {  	v0 =	vor.u32 v62, v0;
	v16 =	vor.u32 v63, v8;
	v63 =	vld.idx.msk [tilespmem:v32+s23+$0x0], $0xffff  }
0x8c: {  	v34 =	vld.idx.msk [tilespmem:v34+s23+$0x0], $0xffff  }
0x8d: {  	v57 =	vor.u32 v13, v8;
	v1 =	vld [tilespmem:$0x1F890]  }
0x8e: {  	v58 =	vor.u32 v3, v9;
	v43 =	vld.idx.msk [tilespmem:v19+s23+$0x0], $0xffff  }
0x8f: {  	v59 =	vor.u32 v13, v9;
	v44 =	vld.idx.msk [tilespmem:v44+s23+$0x0], $0xffff  }
0x90: {  	v9 =	vor.u32 v62, v9;
	v21 =	vld.idx.msk [tilespmem:v0+s23+$0x0], $0xffff  }
0x91: {  	v61 =	vor.u32 v3, v18;
	v42 =	vld.idx.msk [tilespmem:v16+s23+$0x0], $0xffff  }
0x92: {  	v12 =	vlaneseq.u32;
	v32 =	vor.u32 v3, v20;
	v57 =	vld.idx.msk [tilespmem:v57+s23+$0x0], $0xffff  }
0x93: {  	v17 =	vshll.u32 v17, $0x7;
	v37 =	vshll.u32 v37, $0x7;
	v19 =	vor.u32 v3, v8;
	v58 =	vld.idx.msk [tilespmem:v58+s23+$0x0], $0xffff  }
0x94: {  	v5 =	vmovc v62;
	v35 =	vshll.u32 v35, $0x6;
	v47 =	vshll.u32 v47, $0x6;
	v8 =	vor.u32 v62, v8;
	v59 =	vld.idx.msk [tilespmem:v59+s23+$0x0], $0xffff  }
0x95: {  	v26 =	vor.u32 v62, v26;
	v27 =	vor.u32 v62, v27;
	v62 =	vor.u32 v13, v18;
	v16 =	vld.idx.msk [tilespmem:v9+s23+$0x0], $0xffff  }
0x96: {  	v35 =	vand.u32 $0x40, v35;
	v61 =	vld.idx.msk [tilespmem:v61+s23+$0x0], $0xffff;
	v0 =	vor.u32 v13, v20;
	v20 =	vor.u32 v5, v20  }
0x97: {  	v47 =	vand.u32 $0x40, v47;
	v17 =	vor.u32 v17, v35;
	v18 =	vor.u32 v5, v18;
	v32 =	vld.idx.msk [tilespmem:v32+s23+$0x0], $0xffff  }
0x98: {  	v37 =	vor.u32 v37, v47;
	v35 =	vor.u32 v12, v17;
	v45 =	vld.idx.msk [tilespmem:v19+s23+$0x0], $0xffff  }
0x99: {  	v2 =	vmov v6;
	v9 =	vor.u32 v13, v17;
	v6 =	vadd.f32 v1, v46;
	v19 =	vld.idx.msk [tilespmem:v8+s23+$0x0], $0xffff  }
0x9a: {  	v62 =	vld.idx.msk [tilespmem:v62+s23+$0x0], $0xffff;
	v4 =	vadd.f32 v4, v43;
	v43 =	vor.u32 v12, v37;
	v12 =	vadd.f32 v15, v44  }
0x9b: {  	v8 =	vor.u32 v3, v17;
	v47 =	vld.idx.msk [tilespmem:v20+s23+$0x0], $0xffff;
	v22 =	vadd.f32 v33, v21;
	v20 =	vadd.f32 v36, v42  }
0x9c: {  	v18 =	vld.idx.msk [tilespmem:v18+s23+$0x0], $0xffff;
	v17 =	vor.u32 v5, v17;
	v44 =	vadd.f32 v39, v57;
	v42 =	vadd.f32 v40, v30  }
0x9d: {  	v0 =	vld.idx.msk [tilespmem:v0+s23+$0x0], $0xffff;
	v39 =	vadd.f32 v23, v16;
	v1 =	vadd.f32 v6, v4  }
0x9e: {  	v21 =	vld.idx.msk [tilespmem:v35+s23+$0x0], $0xffff;
	v35 =	vadd.f32 v38, v45;
	v46 =	vadd.f32 v31, v19  }
0x9f: {  	v33 =	vor.u32 v3, v37;
	v19 =	vld.idx.msk [tilespmem:v9+s23+$0x0], $0xffff;
	v9 =	vadd.f32 v41, v58;
	v45 =	vadd.f32 v29, v59  }
0xa0: {  	v16 =	vmul.f32 v6, v6;
	v36 =	vld.idx.msk [tilespmem:v8+s23+$0x0], $0xffff;
	v38 =	vadd.f32 v48, v63;
	v59 =	vadd.f32 v49, v61  }
0xa1: {  	v8 =	vor.u32 v13, v37;
	v30 =	vld.idx.msk [tilespmem:v17+s23+$0x0], $0xffff;
	v17 =	vadd.f32 v50, v62;
	v57 =	vadd.f32 v24, v18  }
0xa2: {  	v31 =	vor.u32 v5, v37;
	v61 =	vadd.f32 v51, v34;
	v49 =	vadd.f32 v52, v32  }
0xa3: {  	v26 =	vld.idx.msk [tilespmem:v26+s16+$0x0], $0xffff;
	v63 =	vadd.f32 v53, v0;
	v0 =	vadd.f32 v54, v21;
	v21 =	vmul.f32 v22, v22  }
0xa4: {  	v23 =	vld.idx.msk [tilespmem:v33+s23+$0x0], $0xffff;
	v53 =	vadd.f32 v25, v47;
	v29 =	vmul.f32 v42, v42;
	v33 =	vmul.f32 v39, v39  }
0xa5: {  	v43 =	vld.idx.msk [tilespmem:v43+s23+$0x0], $0xffff;
	v18 =	vadd.f32 v22, v12;
	v24 =	vmul.f32 v35, v35;
	v32 =	vmul.f32 v45, v45  }
0xa6: {  	v25 =	vadd.f32 v46, v44;
	v47 =	vmul.f32 v17, v17;
	v48 =	vmul.f32 v57, v57  }
0xa7: {  	v34 =	vadd.f32 v59, v38;
	v37 =	vmul.f32 v59, v59;
	v1 =	vadd.f32 v18, v1  }
0xa8: {  	v27 =	vld.idx.msk [tilespmem:v27+s16+$0x0], $0xffff;
	v51 =	vmul.f32 v61, v61;
	v48 =	vadd.f32 v48, v47;
	v7 =	vadd.f32 v55, v36  }
0xa9: {  	v18 =	vmul.f32 v53, v53;
	v8 =	vld.idx.msk [tilespmem:v8+s23+$0x0], $0xffff;
	v58 =	vadd.f32 v10, v19;
	v15 =	vadd.f32 v26, v30  }
0xaa: {  	v50 =	vld.idx.msk [tilespmem:v31+s23+$0x0], $0xffff;
	v62 =	vadd.f32 v56, v43;
	v40 =	vadd.f32 v60, v23;
	v19 =	vmul.f32 v12, v12  }
0xab: {  	[tilespmem:$0x1F940] =	vst v22;
	v22 =	vadd.f32 v35, v20;
	v23 =	vmul.f32 v20, v20;
	v26 =	vmul.f32 v44, v44  }
0xac: {  	v31 =	vadd.f32 v39, v45;
	v43 =	vadd.f32 v57, v17;
	v56 =	vmul.f32 v63, v63  }
0xad: {  	[tilespmem:$0x1F920] =	vst v4;
	v30 =	vmul.f32 v9, v9;
	v54 =	vadd.f32 v7, v0;
	v55 =	vadd.f32 v15, v58  }
0xae: {  	[tilespmem:$0x1F930] =	vst v12;
	v36 =	vmul.f32 v38, v38;
	v60 =	vadd.f32 v40, v62;
	v18 =	vadd.f32 v18, v56  }
0xaf: {  	[tilespmem:$0x1F8A0] =	vst v49;
	v56 =	vperm.xlane v1, v2;
	v55 =	vadd.f32 v55, v54;
	v10 =	vadd.f32 v28, v8  }
0xb0: {  	v12 =	vmovc v62;
	v8 =	vmul.f32 v4, v4;
	v41 =	vadd.f32 v27, v50;
	v28 =	vadd.f32 v9, v42  }
0xb1: {  	v27 =	vmul.f32 v46, v46;
	v4 =	vmovc v49;
	v49 =	vadd.f32 v49, v61;
	v50 =	vadd.f32 v53, v63  }
0xb2: {  	[tilespmem:$0x1F8F0] =	vst v62;
	v52 =	vmul.f32 v4, v4;
	v62 =	vadd.f32 v41, v10;
	v8 =	vadd.f32 v16, v8  }
0xb3: {  	v16 =	vadd.f32 v21, v19;
	v19 =	vmul.f32 v0, v0;
	v21 =	vadd.f32 v25, v22  }
0xb4: {  	v22 =	vadd.f32 v24, v23;
	v23 =	vmul.f32 v7, v7;
	v24 =	vadd.f32 v27, v26  }
0xb5: {  	v25 =	vadd.f32 v31, v28;
	v26 =	vmul.f32 v58, v58;
	v27 =	vadd.f32 v30, v29  }
0xb6: {  	v28 =	vadd.f32 v33, v32;
	v29 =	vmul.f32 v15, v15;
	v30 =	vadd.f32 v43, v34  }
0xb7: {  	[tilespmem:$0x1F8D0] =	vst v58;
	v31 =	vadd.f32 v37, v36;
	v58 =	vmul.f32 v12, v12;
	v49 =	vadd.f32 v50, v49  }
0xb8: {  	[tilespmem:$0x1F8B0] =	vst v0;
	v50 =	vmul.f32 v40, v40;
	v0 =	vadd.f32 v1, v56;
	v51 =	vadd.f32 v52, v51  }
0xb9: {  	[tilespmem:$0x1F8C0] =	vst v7;
	v7 =	vlaneseq.u32;
	v19 =	vadd.f32 v23, v19;
	v26 =	vadd.f32 v29, v26  }
0xba: {  	v52 =	vmul.f32 v10, v10;
	v29 =	vadd.f32 v62, v60;
	v32 =	vadd.f32 v50, v58  }
0xbb: {  	v23 =	vmul.f32 v41, v41;
	v8 =	vadd.f32 v16, v8;
	v22 =	vadd.f32 v24, v22  }
0xbc: {  	v24 =	vperm.xlane v21, v2;
	v27 =	vadd.f32 v28, v27;
	v28 =	vperm.xlane v25, v2  }
0xbd: {  	v31 =	vadd.f32 v48, v31;
	v58 =	vperm.xlane v30, v2;
	v18 =	vadd.f32 v18, v51  }
0xbe: {  	v60 =	vperm.xlane v49, v2;
	v23 =	vadd.f32 v23, v52;
	v19 =	vadd.f32 v26, v19  }
0xbf: {  	v26 =	vperm.xlane v55, v2;
	v43 =	vperm.xlane v8, v2;
	v21 =	vadd.f32 v21, v24  }
0xc0: {  	v24 =	vperm.xlane v22, v2;
	v25 =	vadd.f32 v25, v28;
	v28 =	vperm.xlane v27, v2  }
0xc1: {  	v30 =	vadd.f32 v30, v58;
	v48 =	vperm.xlane v31, v2;
	v34 =	vadd.f32 v49, v60  }
0xc2: {  	v49 =	vperm.xlane v18, v2;
	v62 =	vadd.f32 v23, v32;
	v23 =	vperm.xlane v29, v2  }
0xc3: {  	v26 =	vadd.f32 v55, v26;
	v50 =	vperm.xlane v19, v2;
	v8 =	vadd.f32 v43, v8  }
0xc4: {  	v52 =	vperm.xlane v21, v11;
	v22 =	vadd.f32 v24, v22;
	v24 =	vperm.xlane v25, v11  }
0xc5: {  	s11 =	simm.s32 $0x7;
	v27 =	vadd.f32 v28, v27;
	v28 =	vperm.xlane v30, v11;
	v31 =	vadd.f32 v48, v31  }
0xc6: {  	v54 =	vperm.xlane v34, v11;
	v32 =	vmov s11;
	v18 =	vadd.f32 v49, v18  }
0xc7: {  	v23 =	vadd.f32 v29, v23;
	v29 =	vperm.xlane v0, v11;
	v51 =	vperm.xlane v62, v2  }
0xc8: {  	v1 =	vld [tilespmem:$0x1FFC0];
	v55 =	vperm.xlane v26, v11;
	v19 =	vadd.f32 v50, v19;
	v21 =	vadd.f32 v21, v52  }
0xc9: {  	v58 =	vperm.xlane v22, v11;
	v24 =	vadd.f32 v25, v24;
	v25 =	vperm.xlane v27, v11  }
0xca: {  	v28 =	vadd.f32 v30, v28;
	v30 =	vperm.xlane v31, v11;
	v33 =	vadd.f32 v34, v54  }
0xcb: {  	v60 =	vperm.xlane v18, v11;
	v56 =	vperm.xlane v23, v11;
	v16 =	vadd.f32 v51, v62  }
0xcc: {  	v0 =	vadd.f32 v0, v29;
	v29 =	vperm.xlane v8, v11;
	v26 =	vadd.f32 v26, v55  }
0xcd: {  	v62 =	vperm.xlane v19, v11;
	v22 =	vadd.f32 v58, v22;
	v49 =	vperm.xlane v24, v1  }
0xce: {  	v25 =	vadd.f32 v25, v27;
	v27 =	vperm.xlane v28, v1;
	v30 =	vadd.f32 v30, v31  }
0xcf: {  	v31 =	vperm.xlane v33, v1;
	v18 =	vadd.f32 v60, v18;
	v47 =	vperm.xlane v0, v1  }
0xd0: {  	v23 =	vadd.f32 v23, v56;
	v48 =	vperm.xlane v16, v11;
	v8 =	vadd.f32 v29, v8  }
0xd1: {  	v29 =	vperm.xlane v21, v1;
	v50 =	vperm.xlane v26, v1;
	v19 =	vadd.f32 v62, v19  }
0xd2: {  	v24 =	vadd.f32 v24, v49;
	v54 =	vperm.xlane v25, v1;
	v27 =	vadd.f32 v28, v27  }
0xd3: {  	v28 =	vperm.xlane v30, v1;
	v31 =	vadd.f32 v33, v31;
	v55 =	vperm.xlane v18, v1  }
0xd4: {  	v51 =	vperm.xlane v23, v1;
	v0 =	vadd.f32 v0, v47;
	v16 =	vadd.f32 v48, v16  }
0xd5: {  	v21 =	vadd.f32 v21, v29;
	v29 =	vperm.xlane v22, v1;
	v26 =	vadd.f32 v26, v50  }
0xd6: {  	[tilespmem:$0x1F910] =	vst v41;
	v56 =	vperm.xlane v19, v1;
	v25 =	vadd.f32 v54, v25;
	v41 =	vperm.xlane v27, v14  }
0xd7: {  	v28 =	vadd.f32 v28, v30;
	v30 =	vperm.xlane v31, v14;
	v60 =	vperm.xlane v0, v14  }
0xd8: {  	[tilespmem:$0x1F8E0] =	vst v15;
	v18 =	vadd.f32 v55, v18;
	v23 =	vadd.f32 v23, v51;
	v58 =	vperm.xlane v16, v1  }
0xd9: {  	[tilespmem:$0x1F900] =	vst v40;
	v62 =	vperm.xlane v21, v14;
	v22 =	vadd.f32 v29, v22;
	v0 =	vadd.f32 v0, v60  }
0xda: {  	v29 =	vperm.xlane v24, v14;
	v19 =	vadd.f32 v56, v19;
	v48 =	vadd.f32 v58, v16;
	v58 =	vld.idx.msk [tilespmem:v32+s20+$0x0], $0xffff  }
0xdb: {  	v27 =	vadd.f32 v27, v41;
	v30 =	vadd.f32 v31, v30;
	v50 =	vmul.f32 $1.562500000e-02, v0;
	v0 =	vld.idx.msk [tilespmem:v32+s4+$0x0], $0xffff  }
0xdc: {  	v31 =	vperm.xlane v18, v14;
	v54 =	vperm.xlane v23, v14;
	v21 =	vadd.f32 v21, v62  }
0xdd: {  	v56 =	vperm.xlane v22, v14;
	v24 =	vadd.f32 v24, v29;
	v29 =	vperm.xlane v25, v14  }
0xde: {  	v16 =	vmul.f32 $1.562500000e-02, v27;
	v18 =	vadd.f32 v31, v18;
	v31 =	vshll.u32 v32, $0x7  }
0xdf: {  	v23 =	vadd.f32 v23, v54;
	v21 =	vmul.f32 $1.562500000e-02, v21;
	v27 =	vshll.u32 v58, $0x6  }
0xe0: {  	v25 =	vadd.f32 v29, v25;
	v29 =	vor.u32 v7, v27;
	v0 =	vshll.u32 v0, $0x6  }
0xe1: {  	v22 =	vadd.f32 v56, v22;
	v56 =	vmul.f32 $1.562500000e-02, v30;
	v0 =	vand.u32 $0x40, v0  }
0xe2: {  	v41 =	vmul.f32 $1.562500000e-02, v23;
	v30 =	vor.u32 v3, v27;
	v0 =	vor.u32 v31, v0  }
0xe3: {  	v23 =	vor.u32 v7, v0;
	v31 =	vor.u32 v3, v0;
	v7 =	vmovc v3;
	v3 =	vsub.f32 v20, v21;
	_ =	sdelay $0x1  }
0xe4: {  	v52 =	vperm.xlane v8, v1;
	v29 =	vld.idx.msk [tilespmem:v29+s16+$0x0], $0xffff;
	[tilespmem:$0x1F9F0] =	vst v3;
	v3 =	vsub.f32 v35, v21  }
0xe5: {  	v62 =	vperm.xlane v28, v14  }
0xe6: {  	v8 =	vadd.f32 v52, v8;
	[tilespmem:$0x1FA00] =	vst v3;
	v3 =	vsub.f32 v44, v21  }
0xe7: {  	v52 =	vperm.xlane v26, v14;
	v28 =	vadd.f32 v62, v28;
	v62 =	vor.u32 v13, v27  }
0xe8: {  	v24 =	vmul.f32 $1.562500000e-02, v24;
	v20 =	vld.idx.msk [tilespmem:v30+s16+$0x0], $0xffff;
	[tilespmem:$0x1FA10] =	vst v3;
	v3 =	vsub.f32 v46, v21  }
0xe9: {  	v26 =	vadd.f32 v26, v52  }
0xea: {  	[tilespmem:$0x1FA20] =	vst v3;
	v3 =	vsub.f32 v42, v24  }
0xeb: {  	v40 =	vmul.f32 $1.562500000e-02, v26;
	v26 =	vor.u32 v5, v27  }
0xec: {  	v32 =	vld.idx.msk [tilespmem:v62+s16+$0x0], $0xffff;
	[tilespmem:$0x1FAA0] =	vst v3;
	v3 =	vsub.f32 v9, v24;
	_ =	sdelay $0x1  }
0xed: {  	[tilespmem:$0x1FAC0] =	vst v3;
	v3 =	vsub.f32 v45, v24;
	_ =	sdelay $0x1  }
0xee: {  	v9 =	vld.idx.msk [tilespmem:v26+s16+$0x0], $0xffff;
	[tilespmem:$0x1FAD0] =	vst v3;
	v3 =	vsub.f32 v39, v24  }
0xef: {  	v30 =	vor.u32 v13, v0  }
0xf0: {  	v23 =	vld.idx.msk [tilespmem:v23+s23+$0x0], $0xffff;
	[tilespmem:$0x1FAE0] =	vst v3;
	v3 =	vsub.f32 v38, v16;
	_ =	sdelay $0x1  }
0xf1: {  	v0 =	vor.u32 v5, v0;
	v26 =	vld.idx.msk [tilespmem:v31+s23+$0x0], $0xffff;
	[tilespmem:$0x1FB00] =	vst v3;
	v3 =	vsub.f32 v59, v16;
	_ =	sdelay $0x1  }
0xf2: {  	v30 =	vld.idx.msk [tilespmem:v30+s23+$0x0], $0xffff;
	[tilespmem:$0x1FB10] =	vst v3;
	v3 =	vsub.f32 v17, v16;
	_ =	sdelay $0x1  }
0xf3: {  	v52 =	vperm.xlane v19, v14;
	v60 =	vperm.xlane v48, v14;
	[tilespmem:$0x1FB20] =	vst v3  }
0xf4: {  	v22 =	vmul.f32 $1.562500000e-02, v22;
	v21 =	vmul.f32 v21, v21;
	v0 =	vld.idx.msk [tilespmem:v0+s23+$0x0], $0xffff  }
0xf5: {  	v25 =	vmul.f32 $1.562500000e-02, v25;
	v27 =	vadd.f32 v60, v48;
	v24 =	vmul.f32 v24, v24  }
0xf6: {  	v55 =	vperm.xlane v8, v14;
	v19 =	vadd.f32 v52, v19;
	v21 =	vsub.f32 v22, v21  }
0xf7: {  	v22 =	vsub.f32 v25, v24;
	v24 =	vmul.f32 $1.562500000e-02, v27;
	v47 =	vadd.f32 v29, v23  }
0xf8: {  	v27 =	vmul.f32 v41, v41;
	v52 =	vadd.f32 v20, v26;
	v54 =	vadd.f32 v32, v30  }
0xf9: {  	v8 =	vadd.f32 v55, v8;
	v20 =	vmul.f32 v47, v47;
	v58 =	vadd.f32 v9, v0  }
0xfa: {  	v24 =	vsub.f32 v24, v27;
	v23 =	vmul.f32 v52, v52;
	v26 =	vmul.f32 v54, v54  }
0xfb: {  	v9 =	vadd.f32 v52, v47;
	v39 =	vadd.f32 v58, v54;
	v27 =	vmul.f32 v58, v58  }
0xfc: {  	v8 =	vmul.f32 $1.562500000e-02, v8;
	v20 =	vadd.f32 v23, v20  }
0xfd: {  	v42 =	vmax.f32 v22, $0.0e+00;
	v9 =	vadd.f32 v39, v9;
	v22 =	vadd.f32 v27, v26  }
0xfe: {  	v28 =	vmul.f32 $1.562500000e-02, v28;
	v31 =	vmul.f32 v16, v16  }
0xff: {  	v36 =	vmul.f32 v50, v50;
	v20 =	vadd.f32 v22, v20;
	v22 =	vperm.xlane v9, v2  }
0x100: {  	v25 =	vsub.f32 v28, v31  }
0x101: {  	v8 =	vsub.f32 v8, v36;
	v9 =	vadd.f32 v9, v22;
	v22 =	vperm.xlane v20, v2  }
0x102: {  	v23 =	vmax.f32 v25, $0.0e+00  }
0x103: {  	s10 =	simm.s32 $0x8;
	v0 =	vmax.f32 v8, $0.0e+00;
	v26 =	vperm.xlane v9, v11;
	v22 =	vadd.f32 v22, v20  }
0x104: {  	v60 =	vmov s10;
	v23 =	vadd.f32 $9.999999960e-13, v23;
	v0 =	vadd.f32 $9.999999960e-13, v0  }
0x105: {  	v9 =	vadd.f32 v9, v26;
	v26 =	vperm.xlane v22, v11  }
0x106: {  	v43 =	vshra.s32 v23, $0x1;
	v3 =	vmul.f32 $5.000000000e-01, v0  }
0x107: {  	v39 =	vmul.f32 $5.000000000e-01, v23;
	v23 =	vperm.xlane v9, v1;
	v26 =	vadd.f32 v26, v22  }
0x108: {  	[tilespmem:$0x1FB80] =	vst v3  }
0x109: {  	v25 =	vshra.s32 v0, $0x1;
	v30 =	vld.idx.msk [tilespmem:v60+s20+$0x0], $0xffff;
	v9 =	vadd.f32 v9, v23;
	v23 =	vperm.xlane v26, v1  }
0x10a: {  	v25 =	vsub.s32 $0x5F3759DF, v25  }
0x10b: {  	v29 =	vmul.f32 v25, v3;
	v51 =	vperm.xlane v9, v14;
	v23 =	vadd.f32 v23, v26  }
0x10c: {  	v15 =	vlaneseq.u32  }
0x10d: {  	v26 =	vmul.f32 v25, v29;
	v9 =	vadd.f32 v9, v51;
	v29 =	vperm.xlane v23, v14  }
0x10e: {  	v19 =	vmul.f32 $1.562500000e-02, v19;
	v38 =	vmul.f32 v40, v40;
	v30 =	vshll.u32 v30, $0x6  }
0x10f: {  	v22 =	vmul.f32 $1.562500000e-02, v9;
	v9 =	vadd.f32 v29, v23;
	v23 =	vor.u32 v15, v30  }
0x110: {  	v8 =	vsub.f32 v19, v38  }
0x111: {  	v19 =	vadd.f32 $9.999999960e-13, v42;
	v3 =	vsub.f32 v57, v16  }
0x112: {  	s11 =	simm.s32 $0x9  }
0x113: {  	s10 =	simm.s32 $0xA;
	v62 =	vmov s11;
	v28 =	vshra.s32 v19, $0x1;
	v38 =	vmul.f32 $5.000000000e-01, v19;
	[tilespmem:$0x1FB70] =	vst v3  }
0x114: {  	v49 =	vmov s10;
	v28 =	vsub.s32 $0x5F3759DF, v28;
	v3 =	vld.idx.msk [tilespmem:v23+s16+$0x0], $0xffff  }
0x115: {  	v45 =	vmul.f32 v28, v38;
	v59 =	vor.u32 v7, v30;
	_ =	sdelay $0x1  }
0x116: {  	v55 =	vmul.f32 v28, v45  }
0x117: {  	v57 =	vld.idx.msk [tilespmem:v62+s20+$0x0], $0xffff  }
0x118: {  	v17 =	vsub.f32 $1.500000000e+00, v55;
	v55 =	vld.idx.msk [tilespmem:v49+s20+$0x0], $0xffff;
	[tilespmem:$0x1F950] =	vst v3  }
0x119: {  	v3 =	vld.idx.msk [tilespmem:v59+s16+$0x0], $0xffff  }
0x11a: {  	v48 =	vor.u32 v13, v30;
	_ =	sdelay $0x3  }
0x11b: {  	[tilespmem:$0x1F960] =	vst v3  }
0x11c: {  	v3 =	vld.idx.msk [tilespmem:v48+s16+$0x0], $0xffff  }
0x11d: {  	v30 =	vor.u32 v5, v30;
	_ =	sdelay $0x2  }
0x11e: {  	v18 =	vmul.f32 $1.562500000e-02, v18;
	v21 =	vmax.f32 v21, $0.0e+00  }
0x11f: {  	v37 =	vmul.f32 v56, v56;
	v21 =	vadd.f32 $9.999999960e-13, v21;
	v26 =	vsub.f32 $1.500000000e+00, v26;
	[tilespmem:$0x1F970] =	vst v3  }
0x120: {  	v24 =	vmax.f32 v24, $0.0e+00;
	v31 =	vsub.s32 $0x5F3759DF, v43;
	v32 =	vshll.u32 v57, $0x6;
	v3 =	vld.idx.msk [tilespmem:v30+s16+$0x0], $0xffff  }
0x121: {  	v4 =	vmovc v10;
	v46 =	vmul.f32 v31, v39;
	v10 =	vmul.f32 v25, v26;
	v26 =	vor.u32 v13, v32  }
0x122: {  	v18 =	vsub.f32 v18, v37;
	v0 =	vadd.f32 $9.999999960e-13, v24  }
0x123: {  	s11 =	simm.s32 $0xB;
	v24 =	vshra.s32 v21, $0x1;
	v27 =	vmul.f32 $5.000000000e-01, v21;
	v29 =	vmul.f32 v31, v46  }
0x124: {  	v46 =	vmov s11;
	v9 =	vmul.f32 $1.562500000e-02, v9;
	v37 =	vmul.f32 v22, v22  }
0x125: {  	v24 =	vsub.s32 $0x5F3759DF, v24;
	v35 =	vmul.f32 $5.000000000e-01, v0;
	v25 =	vor.u32 v15, v32;
	[tilespmem:$0x1F980] =	vst v3  }
0x126: {  	v57 =	vshra.s32 v0, $0x1;
	v9 =	vsub.f32 v9, v37;
	v37 =	vor.u32 v7, v32;
	v0 =	vld.idx.msk [tilespmem:v26+s16+$0x0], $0xffff  }
0x127: {  	v44 =	vmul.f32 v24, v27;
	v29 =	vsub.f32 $1.500000000e+00, v29;
	v48 =	vor.u32 v5, v32;
	_ =	sdelay $0x1  }
0x128: {  	v19 =	vmul.f32 v24, v44;
	v59 =	vmul.f32 v31, v29;
	v31 =	vld.idx.msk [tilespmem:v46+s20+$0x0], $0xffff  }
0x129: {  	v42 =	vld.idx.msk [tilespmem:v25+s16+$0x0], $0xffff  }
0x12a: {  	v51 =	vsub.f32 $1.500000000e+00, v19;
	v43 =	vld.idx.msk [tilespmem:v37+s16+$0x0], $0xffff;
	[tilespmem:$0x1F990] =	vst v0  }
0x12b: {  	v29 =	vshll.u32 v55, $0x6;
	v0 =	vld.idx.msk [tilespmem:v48+s16+$0x0], $0xffff  }
0x12c: {  	v23 =	vmul.f32 v24, v51;
	v51 =	vor.u32 v15, v29;
	_ =	sdelay $0x3  }
0x12d: {  	[tilespmem:$0x1F9A0] =	vst v0  }
0x12e: {  	v0 =	vld.idx.msk [tilespmem:v51+s16+$0x0], $0xffff  }
0x12f: {  	v45 =	vmul.f32 v28, v17;
	v17 =	vor.u32 v7, v29;
	_ =	sdelay $0x3  }
0x130: {  	s10 =	simm.s32 $0xC;
	[tilespmem:$0x1F9B0] =	vst v0  }
0x131: {  	v55 =	vmov s10;
	v3 =	vld.idx.msk [tilespmem:v17+s16+$0x0], $0xffff  }
0x132: {  	v18 =	vmax.f32 v18, $0.0e+00;
	v26 =	vor.u32 v13, v29  }
0x133: {  	v18 =	vadd.f32 $9.999999960e-13, v18;
	_ =	sdelay $0x1  }
0x134: {  	v36 =	vmul.f32 $5.000000000e-01, v18;
	v9 =	vmax.f32 v9, $0.0e+00  }
0x135: {  	v18 =	vshra.s32 v18, $0x1;
	v8 =	vmax.f32 v8, $0.0e+00;
	v9 =	vadd.f32 $9.999999960e-13, v9;
	v44 =	vld.idx.msk [tilespmem:v55+s20+$0x0], $0xffff;
	[tilespmem:$0x1F9C0] =	vst v3  }
0x136: {  	v8 =	vadd.f32 $9.999999960e-13, v8;
	v28 =	vsub.s32 $0x5F3759DF, v18;
	v31 =	vshll.u32 v31, $0x6;
	v3 =	vld.idx.msk [tilespmem:v26+s16+$0x0], $0xffff  }
0x137: {  	v18 =	vshra.s32 v9, $0x1;
	v33 =	vmul.f32 $5.000000000e-01, v9;
	v9 =	vor.u32 v7, v31  }
0x138: {  	v30 =	vmul.f32 v28, v36  }
0x139: {  	v19 =	vmul.f32 $5.000000000e-01, v8;
	v24 =	vshra.s32 v8, $0x1  }
0x13a: {  	s11 =	simm.s32 $0xD;
	v24 =	vsub.s32 $0x5F3759DF, v24;
	v25 =	vmul.f32 v28, v30;
	v29 =	vor.u32 v5, v29  }
0x13b: {  	v30 =	vsub.s32 $0x5F3759DF, v57;
	v37 =	vmov s11;
	v57 =	vmul.f32 v24, v19;
	[tilespmem:$0x1F9D0] =	vst v3  }
0x13c: {  	v51 =	vor.u32 v15, v31;
	v3 =	vld.idx.msk [tilespmem:v9+s16+$0x0], $0xffff  }
0x13d: {  	v8 =	vmul.f32 v24, v57;
	v57 =	vor.u32 v13, v31;
	v0 =	vsub.s32 $0x5F3759DF, v18  }
0x13e: {  	v26 =	vmul.f32 v0, v33  }
0x13f: {  	v32 =	vmul.f32 v30, v35;
	v25 =	vsub.f32 $1.500000000e+00, v25;
	v34 =	vld.idx.msk [tilespmem:v29+s16+$0x0], $0xffff  }
0x140: {  	v8 =	vsub.f32 $1.500000000e+00, v8;
	v26 =	vmul.f32 v0, v26;
	v29 =	vld.idx.msk [tilespmem:v37+s20+$0x0], $0xffff  }
0x141: {  	v25 =	vmul.f32 v28, v25;
	v28 =	vmul.f32 v30, v32;
	v32 =	vld.idx.msk [tilespmem:v51+s16+$0x0], $0xffff;
	[tilespmem:$0x1F9E0] =	vst v3  }
0x142: {  	v8 =	vmul.f32 v24, v8;
	v24 =	vsub.f32 $1.500000000e+00, v26;
	v3 =	vld.idx.msk [tilespmem:v57+s16+$0x0], $0xffff  }
0x143: {  	v48 =	vor.u32 v5, v31  }
0x144: {  	v20 =	vmul.f32 v0, v24;
	v0 =	vsub.f32 v61, v56;
	_ =	sdelay $0x1  }
0x145: {  	[tilespmem:$0x1FB90] =	vst v0  }
0x146: {  	[tilespmem:$0x1FA30] =	vst v3  }
0x147: {  	v0 =	vld.idx.msk [tilespmem:v48+s16+$0x0], $0xffff;
	_ =	sdelay $0x4  }
0x148: {  	[tilespmem:$0x1FA40] =	vst v0;
	v0 =	vld [tilespmem:$0x1F8A0]  }
0x149: {  	s10 =	simm.s32 $0xE  }
0x14a: {  	v31 =	vmov s10;
	_ =	sdelay $0x2  }
0x14b: {  	v0 =	vsub.f32 v0, v56  }
0x14c: {  	v44 =	vshll.u32 v44, $0x6  }
0x14d: {  	v9 =	vor.u32 v15, v44;
	v57 =	vld.idx.msk [tilespmem:v31+s20+$0x0], $0xffff;
	[tilespmem:$0x1FBA0] =	vst v0;
	v0 =	vsub.f32 v63, v56;
	_ =	sdelay $0x1  }
0x14e: {  	[tilespmem:$0x1FBB0] =	vst v0;
	v0 =	vsub.f32 v53, v56;
	_ =	sdelay $0x1  }
0x14f: {  	v61 =	vld.idx.msk [tilespmem:v60+s4+$0x0], $0xffff;
	[tilespmem:$0x1FBC0] =	vst v0  }
0x150: {  	v0 =	vld.idx.msk [tilespmem:v9+s16+$0x0], $0xffff  }
0x151: {  	v16 =	vor.u32 v13, v44;
	_ =	sdelay $0x1  }
0x152: {  	v27 =	vmul.f32 v23, v27;
	_ =	sdelay $0x1  }
0x153: {  	v26 =	vmul.f32 v27, v23;
	[tilespmem:$0x1FA50] =	vst v0  }
0x154: {  	v27 =	vor.u32 v7, v44;
	v0 =	vld.idx.msk [tilespmem:v16+s16+$0x0], $0xffff  }
0x155: {  	v24 =	vsub.f32 $1.500000000e+00, v26;
	v26 =	vor.u32 v5, v44;
	_ =	sdelay $0x1  }
0x156: {  	v28 =	vsub.f32 $1.500000000e+00, v28;
	_ =	sdelay $0x1  }
0x157: {  	v21 =	vmul.f32 v30, v28;
	v30 =	vld.idx.msk [tilespmem:v27+s16+$0x0], $0xffff;
	[tilespmem:$0x1FA60] =	vst v0  }
0x158: {  	v44 =	vshll.u32 v29, $0x6;
	v0 =	vld.idx.msk [tilespmem:v26+s16+$0x0], $0xffff  }
0x159: {  	v63 =	vor.u32 v15, v44;
	_ =	sdelay $0x3  }
0x15a: {  	[tilespmem:$0x1FA70] =	vst v0  }
0x15b: {  	v0 =	vld.idx.msk [tilespmem:v63+s16+$0x0], $0xffff  }
0x15c: {  	v51 =	vor.u32 v13, v44;
	_ =	sdelay $0x3  }
0x15d: {  	[tilespmem:$0x1FA80] =	vst v0  }
0x15e: {  	v48 =	vor.u32 v7, v44;
	v3 =	vld.idx.msk [tilespmem:v51+s16+$0x0], $0xffff  }
0x15f: {  	v53 =	vmul.f32 v24, v23;
	v23 =	vmul.f32 v45, v38;
	v38 =	vor.u32 v5, v44;
	_ =	sdelay $0x2  }
0x160: {  	v18 =	vld.idx.msk [tilespmem:v62+s4+$0x0], $0xffff  }
0x161: {  	v24 =	vmul.f32 v25, v36;
	v63 =	vshll.u32 v60, $0x7;
	v60 =	vld.idx.msk [tilespmem:v48+s16+$0x0], $0xffff;
	[tilespmem:$0x1FA90] =	vst v3  }
0x162: {  	v57 =	vshll.u32 v57, $0x6;
	v3 =	vld.idx.msk [tilespmem:v38+s16+$0x0], $0xffff  }
0x163: {  	v56 =	vmul.f32 v24, v25;
	v24 =	vshll.u32 v61, $0x6;
	v61 =	vor.u32 v15, v57;
	_ =	sdelay $0x3  }
0x164: {  	[tilespmem:$0x1FAB0] =	vst v3  }
0x165: {  	v3 =	vld.idx.msk [tilespmem:v61+s16+$0x0], $0xffff;
	_ =	sdelay $0x3  }
0x166: {  	v19 =	vmul.f32 v8, v19;
	v17 =	vor.u32 v7, v57  }
0x167: {  	[tilespmem:$0x1FAF0] =	vst v3;
	v3 =	vld [tilespmem:$0x1F8B0]  }
0x168: {  	v19 =	vmul.f32 v19, v8;
	v51 =	vor.u32 v13, v57;
	_ =	sdelay $0x1  }
0x169: {  	v19 =	vsub.f32 $1.500000000e+00, v19;
	v24 =	vand.u32 $0x40, v24  }
0x16a: {  	v0 =	vor.u32 v63, v24;
	v63 =	vld.idx.msk [tilespmem:v17+s16+$0x0], $0xffff  }
0x16b: {  	v12 =	vmul.f32 v19, v8;
	v8 =	vshll.u32 v18, $0x6;
	v18 =	vld.idx.msk [tilespmem:v49+s4+$0x0], $0xffff;
	v3 =	vsub.f32 v3, v40  }
0x16c: {  	v51 =	vld.idx.msk [tilespmem:v51+s16+$0x0], $0xffff  }
0x16d: {  	[tilespmem:$0x1FBD0] =	vst v3;
	v3 =	vld [tilespmem:$0x1F8C0]  }
0x16e: {  	v38 =	vor.u32 v15, v0;
	_ =	sdelay $0x3  }
0x16f: {  	v3 =	vsub.f32 v3, v40  }
0x170: {  	v19 =	vld.idx.msk [tilespmem:v38+s23+$0x0], $0xffff  }
0x171: {  	[tilespmem:$0x1FBE0] =	vst v3;
	v3 =	vld [tilespmem:$0x1F8D0];
	_ =	sdelay $0x2  }
0x172: {  	v9 =	vmul.f32 v59, v39;
	_ =	sdelay $0x1  }
0x173: {  	v9 =	vmul.f32 v9, v59;
	v3 =	vsub.f32 v3, v40  }
0x174: {  	v23 =	vmul.f32 v23, v45  }
0x175: {  	v39 =	vsub.f32 $1.500000000e+00, v56;
	v48 =	vsub.f32 $1.500000000e+00, v9;
	[tilespmem:$0x1FBF0] =	vst v3;
	v3 =	vld [tilespmem:$0x1F8E0]  }
0x176: {  	v23 =	vsub.f32 $1.500000000e+00, v23  }
0x177: {  	v44 =	vmul.f32 v48, v59;
	v59 =	vmul.f32 v39, v25;
	v25 =	vor.u32 v7, v0  }
0x178: {  	v56 =	vmul.f32 v23, v45;
	v45 =	vmul.f32 v21, v35  }
0x179: {  	v35 =	vor.u32 v13, v0;
	v0 =	vor.u32 v5, v0  }
0x17a: {  	v61 =	vshll.u32 v62, $0x7;
	v62 =	vmul.f32 v45, v21;
	v3 =	vsub.f32 v3, v40;
	_ =	sdelay $0x1  }
0x17b: {  	v8 =	vand.u32 $0x40, v8;
	v16 =	vsub.f32 $1.500000000e+00, v62;
	v27 =	vld.idx.msk [tilespmem:v25+s23+$0x0], $0xffff;
	[tilespmem:$0x1FC00] =	vst v3  }
0x17c: {  	v17 =	vor.u32 v61, v8;
	v61 =	vld.idx.msk [tilespmem:v46+s4+$0x0], $0xffff  }
0x17d: {  	v45 =	vor.u32 v15, v17;
	v26 =	vld.idx.msk [tilespmem:v0+s23+$0x0], $0xffff;
	v0 =	vmul.f32 v16, v21  }
0x17e: {  	v35 =	vld.idx.msk [tilespmem:v35+s23+$0x0], $0xffff  }
0x17f: {  	v62 =	vor.u32 v7, v17;
	[tilespmem:$0x1FC60] =	vst v0;
	v0 =	vld [tilespmem:$0x1F8F0]  }
0x180: {  	v40 =	vor.u32 v13, v17  }
0x181: {  	v18 =	vshll.u32 v18, $0x6  }
0x182: {  	v49 =	vshll.u32 v49, $0x7;
	v18 =	vand.u32 $0x40, v18;
	v25 =	vld.idx.msk [tilespmem:v45+s23+$0x0], $0xffff  }
0x183: {  	v16 =	vor.u32 v49, v18;
	v18 =	vld.idx.msk [tilespmem:v55+s4+$0x0], $0xffff  }
0x184: {  	v38 =	vld.idx.msk [tilespmem:v62+s23+$0x0], $0xffff;
	v0 =	vsub.f32 v0, v41  }
0x185: {  	v40 =	vld.idx.msk [tilespmem:v40+s23+$0x0], $0xffff  }
0x186: {  	[tilespmem:$0x1FC70] =	vst v0;
	v0 =	vld [tilespmem:$0x1F900];
	_ =	sdelay $0x1  }
0x187: {  	v17 =	vor.u32 v5, v17;
	_ =	sdelay $0x2  }
0x188: {  	v0 =	vsub.f32 v0, v41  }
0x189: {  	v33 =	vmul.f32 v20, v33  }
0x18a: {  	v39 =	vld.idx.msk [tilespmem:v17+s23+$0x0], $0xffff;
	[tilespmem:$0x1FC80] =	vst v0;
	v0 =	vsub.f32 v4, v41  }
0x18b: {  	v33 =	vmul.f32 v33, v20  }
0x18c: {  	[tilespmem:$0x1FC90] =	vst v0;
	v0 =	vld [tilespmem:$0x1F910]  }
0x18d: {  	v33 =	vsub.f32 $1.500000000e+00, v33;
	v4 =	vld [tilespmem:$0x1F920];
	_ =	sdelay $0x1  }
0x18e: {  	v20 =	vmul.f32 v33, v20;
	v33 =	vor.u32 v15, v16;
	_ =	sdelay $0x1  }
0x18f: {  	v62 =	vshll.u32 v46, $0x7;
	v46 =	vor.u32 v7, v16;
	v0 =	vsub.f32 v0, v41  }
0x190: {  	v3 =	vsub.f32 v4, v50;
	v4 =	vld [tilespmem:$0x1F930]  }
0x191: {  	v45 =	vsub.f32 v52, v22;
	v61 =	vshll.u32 v61, $0x6;
	v52 =	vld.idx.msk [tilespmem:v37+s4+$0x0], $0xffff;
	[tilespmem:$0x1FCA0] =	vst v0  }
0x192: {  	v36 =	vand.u32 $0x40, v61;
	v9 =	vld.idx.msk [tilespmem:v33+s23+$0x0], $0xffff  }
0x193: {  	v36 =	vor.u32 v62, v36;
	v62 =	vld.idx.msk [tilespmem:v31+s4+$0x0], $0xffff;
	[tilespmem:$0x1FCB0] =	vst v3;
	v3 =	vsub.f32 v6, v50  }
0x194: {  	v46 =	vld.idx.msk [tilespmem:v46+s23+$0x0], $0xffff  }
0x195: {  	[tilespmem:$0x1FCC0] =	vst v3;
	v3 =	vsub.f32 v4, v50;
	v4 =	vld [tilespmem:$0x1F940]  }
0x196: {  	v61 =	vor.u32 v13, v16;
	_ =	sdelay $0x3  }
0x197: {  	[tilespmem:$0x1FCD0] =	vst v3;
	v3 =	vsub.f32 v4, v50  }
0x198: {  	v17 =	vor.u32 v13, v36;
	v23 =	vld.idx.msk [tilespmem:v61+s23+$0x0], $0xffff  }
0x199: {  	[tilespmem:$0x1FCE0] =	vst v3;
	v3 =	vld [tilespmem:$0x1F960];
	_ =	sdelay $0x2  }
0x19a: {  	v16 =	vor.u32 v5, v16  }
0x19b: {  	v29 =	vld.idx.msk [tilespmem:v17+s23+$0x0], $0xffff  }
0x19c: {  	v48 =	vsub.f32 v47, v22;
	v18 =	vshll.u32 v18, $0x6;
	v17 =	vadd.f32 v3, v27;
	v3 =	vld [tilespmem:$0x1F970]  }
0x19d: {  	v47 =	vsub.f32 v58, v22;
	v58 =	vshll.u32 v55, $0x7;
	v18 =	vand.u32 $0x40, v18  }
0x19e: {  	v18 =	vor.u32 v58, v18;
	v58 =	vshll.u32 v52, $0x6;
	v0 =	vor.u32 v7, v36  }
0x19f: {  	v37 =	vshll.u32 v37, $0x7;
	v61 =	vshll.u32 v62, $0x6;
	v50 =	vld.idx.msk [tilespmem:v16+s23+$0x0], $0xffff;
	v16 =	vand.u32 $0x40, v58  }
0x1a0: {  	v58 =	vshll.u32 v31, $0x7;
	v37 =	vor.u32 v37, v16;
	v16 =	vand.u32 $0x40, v61  }
0x1a1: {  	v31 =	vor.u32 v58, v16;
	v16 =	vadd.f32 v3, v35;
	v3 =	vld [tilespmem:$0x1F980];
	_ =	sdelay $0x1  }
0x1a2: {  	v21 =	vld.idx.msk [tilespmem:v0+s23+$0x0], $0xffff  }
0x1a3: {  	v0 =	vld [tilespmem:$0x1F950]  }
0x1a4: {  	v41 =	vor.u32 v7, v18  }
0x1a5: {  	v6 =	vadd.f32 v3, v26;
	v3 =	vld [tilespmem:$0x1F990];
	_ =	sdelay $0x1  }
0x1a6: {  	v8 =	vor.u32 v5, v18;
	v52 =	vor.u32 v15, v18  }
0x1a7: {  	v62 =	vor.u32 v13, v18;
	v18 =	vadd.f32 v0, v19;
	v0 =	vor.u32 v15, v37  }
0x1a8: {  	v19 =	vld.idx.msk [tilespmem:v41+s23+$0x0], $0xffff  }
0x1a9: {  	v41 =	vadd.f32 v3, v40;
	v3 =	vld [tilespmem:$0x1F9A0];
	_ =	sdelay $0x2  }
0x1aa: {  	v49 =	vsub.f32 v54, v22;
	v33 =	vor.u32 v15, v36;
	v22 =	vld.idx.msk [tilespmem:v0+s23+$0x0], $0xffff  }
0x1ab: {  	v0 =	vld [tilespmem:$0x1F9E0]  }
0x1ac: {  	v40 =	vadd.f32 v3, v39;
	v3 =	vld [tilespmem:$0x1F9B0]  }
0x1ad: {  	v36 =	vor.u32 v5, v36;
	_ =	sdelay $0x1  }
0x1ae: {  	v43 =	vadd.f32 v43, v38;
	v33 =	vld.idx.msk [tilespmem:v33+s23+$0x0], $0xffff  }
0x1af: {  	v38 =	vadd.f32 v34, v50;
	v34 =	vadd.f32 v0, v21;
	v0 =	vld [tilespmem:$0x1F9F0]  }
0x1b0: {  	v61 =	vor.u32 v7, v37;
	v39 =	vadd.f32 v3, v9;
	v3 =	vld [tilespmem:$0x1F9C0]  }
0x1b1: {  	v28 =	vld.idx.msk [tilespmem:v36+s23+$0x0], $0xffff  }
0x1b2: {  	v4 =	vld.idx.msk [tilespmem:v8+s23+$0x0], $0xffff  }
0x1b3: {  	v27 =	vld.idx.msk [tilespmem:v52+s23+$0x0], $0xffff  }
0x1b4: {  	v52 =	vld.idx.msk [tilespmem:v62+s23+$0x0], $0xffff;
	v0 =	vmul.f32 v53, v0  }
0x1b5: {  	v36 =	vadd.f32 v3, v46;
	v46 =	vld.idx.msk [tilespmem:v61+s23+$0x0], $0xffff  }
0x1b6: {  	[tilespmem:$0x1FCF0] =	vst v0;
	v0 =	vld [tilespmem:$0x1FA00]  }
0x1b7: {  	v26 =	vor.u32 v13, v37;
	_ =	sdelay $0x2  }
0x1b8: {  	v3 =	vld [tilespmem:$0x1F9D0]  }
0x1b9: {  	v0 =	vmul.f32 v53, v0  }
0x1ba: {  	v21 =	vor.u32 v5, v57;
	v57 =	vld.idx.msk [tilespmem:v26+s23+$0x0], $0xffff  }
0x1bb: {  	[tilespmem:$0x1FD40] =	vst v0;
	v0 =	vld [tilespmem:$0x1FA10];
	_ =	sdelay $0x1  }
0x1bc: {  	v62 =	vor.u32 v5, v37;
	v37 =	vadd.f32 v3, v23;
	v3 =	vld [tilespmem:$0x1FA20];
	_ =	sdelay $0x2  }
0x1bd: {  	v0 =	vmul.f32 v53, v0  }
0x1be: {  	v8 =	vor.u32 v15, v31;
	v50 =	vor.u32 v13, v31  }
0x1bf: {  	v23 =	vor.u32 v7, v31;
	[tilespmem:$0x1FD50] =	vst v0;
	v0 =	vor.u32 v5, v31;
	v31 =	vmul.f32 v53, v3;
	v3 =	vld [tilespmem:$0x1FA30];
	_ =	sdelay $0x4  }
0x1c0: {  	v35 =	vadd.f32 v3, v29;
	v3 =	vld [tilespmem:$0x1FA40];
	_ =	sdelay $0x4  }
0x1c1: {  	v33 =	vadd.f32 v32, v33;
	v32 =	vadd.f32 v3, v28;
	v3 =	vld [tilespmem:$0x1FA50];
	_ =	sdelay $0x4  }
0x1c2: {  	v24 =	vadd.f32 v42, v25;
	v9 =	vld.idx.msk [tilespmem:v62+s23+$0x0], $0xffff;
	v25 =	vadd.f32 v3, v27;
	v3 =	vmul.f32 v20, v48  }
0x1c3: {  	v61 =	vld.idx.msk [tilespmem:v8+s23+$0x0], $0xffff  }
0x1c4: {  	[tilespmem:$0x1FD00] =	vst v3;
	v3 =	vld [tilespmem:$0x1FA60];
	_ =	sdelay $0x4  }
0x1c5: {  	v28 =	vadd.f32 v3, v52;
	v3 =	vmul.f32 v20, v47;
	_ =	sdelay $0x1  }
0x1c6: {  	v62 =	vld.idx.msk [tilespmem:v23+s23+$0x0], $0xffff;
	[tilespmem:$0x1FD10] =	vst v3;
	v3 =	vmul.f32 v20, v45;
	_ =	sdelay $0x1  }
0x1c7: {  	[tilespmem:$0x1FD20] =	vst v3;
	v3 =	vmul.f32 v20, v49  }
0x1c8: {  	v54 =	vld.idx.msk [tilespmem:v50+s23+$0x0], $0xffff  }
0x1c9: {  	[tilespmem:$0x1FD30] =	vst v3;
	v3 =	vld [tilespmem:$0x1FA70];
	_ =	sdelay $0x4  }
0x1ca: {  	v29 =	vadd.f32 v3, v4;
	v3 =	vld [tilespmem:$0x1FA80];
	_ =	sdelay $0x4  }
0x1cb: {  	v27 =	vadd.f32 v3, v22;
	v3 =	vld [tilespmem:$0x1FA90];
	_ =	sdelay $0x4  }
0x1cc: {  	v30 =	vadd.f32 v30, v19;
	v19 =	vadd.f32 v3, v57;
	v3 =	vld [tilespmem:$0x1FAA0];
	_ =	sdelay $0x4  }
0x1cd: {  	v3 =	vmul.f32 v56, v3;
	_ =	sdelay $0x1  }
0x1ce: {  	v22 =	vld.idx.msk [tilespmem:v21+s16+$0x0], $0xffff;
	[tilespmem:$0x1FD60] =	vst v3  }
0x1cf: {  	v55 =	vld.idx.msk [tilespmem:v0+s23+$0x0], $0xffff  }
0x1d0: {  	v0 =	vld [tilespmem:$0x1FAB0];
	_ =	sdelay $0x4  }
0x1d1: {  	v13 =	vadd.f32 v0, v9;
	v0 =	vld [tilespmem:$0x1FAC0];
	_ =	sdelay $0x4  }
0x1d2: {  	v0 =	vmul.f32 v56, v0;
	_ =	sdelay $0x1  }
0x1d3: {  	[tilespmem:$0x1FD70] =	vst v0;
	v0 =	vld [tilespmem:$0x1FAD0];
	_ =	sdelay $0x4  }
0x1d4: {  	v0 =	vmul.f32 v56, v0;
	_ =	sdelay $0x1  }
0x1d5: {  	[tilespmem:$0x1FD80] =	vst v0;
	v0 =	vld [tilespmem:$0x1FAE0];
	_ =	sdelay $0x4  }
0x1d6: {  	v0 =	vmul.f32 v56, v0;
	_ =	sdelay $0x1  }
0x1d7: {  	[tilespmem:$0x1FD90] =	vst v0;
	v0 =	vld [tilespmem:$0x1FAF0];
	_ =	sdelay $0x4  }
0x1d8: {  	v5 =	vadd.f32 v0, v61;
	v0 =	vld [tilespmem:$0x1FB00];
	_ =	sdelay $0x4  }
0x1d9: {  	v0 =	vmul.f32 v44, v0;
	_ =	sdelay $0x1  }
0x1da: {  	[tilespmem:$0x1FDA0] =	vst v0;
	v0 =	vld [tilespmem:$0x1FB10];
	_ =	sdelay $0x4  }
0x1db: {  	v0 =	vmul.f32 v44, v0;
	_ =	sdelay $0x1  }
0x1dc: {  	[tilespmem:$0x1FDB0] =	vst v0;
	v0 =	vld [tilespmem:$0x1FB20];
	_ =	sdelay $0x4  }
0x1dd: {  	v0 =	vmul.f32 v44, v0;
	_ =	sdelay $0x1  }
0x1de: {  	[tilespmem:$0x1FDC0] =	vst v0;
	v0 =	vld [tilespmem:$0x1FB70];
	_ =	sdelay $0x4  }
0x1df: {  	v0 =	vmul.f32 v44, v0;
	_ =	sdelay $0x1  }
0x1e0: {  	[tilespmem:$0x1FDD0] =	vst v0;
	v0 =	vld [tilespmem:$0x1FB80];
	_ =	sdelay $0x4  }
0x1e1: {  	v47 =	vmul.f32 v10, v0;
	v0 =	vld [tilespmem:$0x1FB90];
	_ =	sdelay $0x4  }
0x1e2: {  	v0 =	vmul.f32 v59, v0;
	_ =	sdelay $0x1  }
0x1e3: {  	[tilespmem:$0x1FDE0] =	vst v0;
	v0 =	vld [tilespmem:$0x1FBA0];
	_ =	sdelay $0x4  }
0x1e4: {  	v0 =	vmul.f32 v59, v0;
	_ =	sdelay $0x1  }
0x1e5: {  	[tilespmem:$0x1FDF0] =	vst v0;
	v0 =	vld [tilespmem:$0x1FBB0];
	_ =	sdelay $0x4  }
0x1e6: {  	v0 =	vmul.f32 v59, v0;
	_ =	sdelay $0x1  }
0x1e7: {  	[tilespmem:$0x1FE00] =	vst v0;
	v0 =	vld [tilespmem:$0x1FBC0];
	_ =	sdelay $0x4  }
0x1e8: {  	v0 =	vmul.f32 v59, v0;
	_ =	sdelay $0x1  }
0x1e9: {  	[tilespmem:$0x1FE10] =	vst v0;
	v0 =	vld [tilespmem:$0x1FBD0];
	_ =	sdelay $0x4  }
0x1ea: {  	v26 =	vadd.f32 v60, v46;
	v0 =	vmul.f32 v12, v0  }
0x1eb: {  	v58 =	vmul.f32 v18, v18;
	v53 =	vadd.f32 v43, v24;
	v23 =	vadd.f32 v63, v62  }
0x1ec: {  	v60 =	vmul.f32 v40, v40;
	v62 =	vadd.f32 v36, v39;
	v63 =	vadd.f32 v38, v37;
	[tilespmem:$0x1FE20] =	vst v0;
	v0 =	vld [tilespmem:$0x1FBE0]  }
0x1ed: {  	v52 =	vmul.f32 v6, v6;
	v49 =	vadd.f32 v29, v28;
	v57 =	vadd.f32 v6, v16  }
0x1ee: {  	v3 =	vadd.f32 v51, v54;
	[tilespmem:$0x1FB40] =	vst v17;
	v9 =	vadd.f32 v17, v18;
	v17 =	vmul.f32 v17, v17  }
0x1ef: {  	v54 =	vadd.f32 v40, v41;
	v51 =	vmul.f32 v39, v39;
	[tilespmem:$0x1FB30] =	vst v18;
	v18 =	vmul.f32 v16, v16  }
0x1f0: {  	v4 =	vadd.f32 v22, v55;
	v55 =	vmul.f32 v24, v24;
	v15 =	vadd.f32 v17, v58  }
0x1f1: {  	[tilespmem:$0x1FB50] =	vst v16;
	v16 =	vadd.f32 v52, v18;
	v56 =	vmul.f32 v43, v43;
	v0 =	vmul.f32 v12, v0  }
0x1f2: {  	v58 =	vadd.f32 v54, v53;
	v52 =	vmul.f32 v36, v36;
	v53 =	vmul.f32 v37, v37  }
0x1f3: {  	v54 =	vmul.f32 v38, v38;
	v17 =	vadd.f32 v56, v55;
	v56 =	vadd.f32 v63, v62;
	[tilespmem:$0x1FE30] =	vst v0;
	v0 =	vld [tilespmem:$0x1FBF0]  }
0x1f4: {  	v50 =	vmul.f32 v33, v33;
	v63 =	vadd.f32 v52, v51;
	v55 =	vadd.f32 v34, v33  }
0x1f5: {  	v62 =	vadd.f32 v54, v53;
	v61 =	vadd.f32 v57, v9;
	v57 =	vmul.f32 v41, v41  }
0x1f6: {  	v51 =	vmul.f32 v34, v34;
	v52 =	vmul.f32 v35, v35;
	v54 =	vadd.f32 v30, v25  }
0x1f7: {  	v53 =	vmul.f32 v32, v32;
	v18 =	vadd.f32 v60, v57;
	v57 =	vadd.f32 v32, v35  }
0x1f8: {  	v60 =	vadd.f32 v51, v50;
	v51 =	vmul.f32 v28, v28;
	v0 =	vmul.f32 v12, v0  }
0x1f9: {  	v55 =	vadd.f32 v57, v55;
	v57 =	vadd.f32 v53, v52;
	v53 =	vmul.f32 v25, v25  }
0x1fa: {  	v52 =	vadd.f32 v49, v54;
	v54 =	vmul.f32 v30, v30;
	[tilespmem:$0x1FE40] =	vst v0;
	v0 =	vmul.f32 v29, v29  }
0x1fb: {  	v8 =	vmul.f32 v26, v26;
	v59 =	vmul.f32 v27, v27  }
0x1fc: {  	v54 =	vadd.f32 v54, v53;
	v50 =	vmul.f32 v47, v10;
	v53 =	vadd.f32 v0, v51  }
0x1fd: {  	v51 =	vadd.f32 v8, v59;
	v8 =	vmul.f32 v19, v19;
	v59 =	vmul.f32 v13, v13  }
0x1fe: {  	v49 =	vsub.f32 $1.500000000e+00, v50  }
0x1ff: {  	v0 =	vmul.f32 v4, v4;
	v50 =	vadd.f32 v59, v8;
	v59 =	vmul.f32 v3, v3  }
0x200: {  	[tilespmem:$0x1FC40] =	vst v3;
	v47 =	vmul.f32 v49, v10;
	v49 =	vadd.f32 v4, v3;
	v3 =	vld [tilespmem:$0x1FC60]  }
0x201: {  	v59 =	vadd.f32 v0, v59;
	v0 =	vld [tilespmem:$0x1FC80];
	_ =	sdelay $0x4  }
0x202: {  	v0 =	vmul.f32 v3, v0;
	_ =	sdelay $0x1  }
0x203: {  	[tilespmem:$0x1FE70] =	vst v0;
	v0 =	vld [tilespmem:$0x1FC90];
	_ =	sdelay $0x4  }
0x204: {  	v0 =	vmul.f32 v3, v0;
	_ =	sdelay $0x1  }
0x205: {  	[tilespmem:$0x1FE80] =	vst v0;
	v0 =	vld [tilespmem:$0x1FCA0];
	_ =	sdelay $0x4  }
0x206: {  	v0 =	vmul.f32 v3, v0;
	_ =	sdelay $0x1  }
0x207: {  	[tilespmem:$0x1FE90] =	vst v0;
	v0 =	vld [tilespmem:$0x1FCB0];
	_ =	sdelay $0x4  }
0x208: {  	v0 =	vmul.f32 v47, v0;
	_ =	sdelay $0x1  }
0x209: {  	[tilespmem:$0x1FEA0] =	vst v0;
	v0 =	vld [tilespmem:$0x1FCC0]  }
0x20a: {  	v48 =	vadd.f32 v26, v27;
	v9 =	vadd.f32 v13, v19  }
0x20b: {  	v63 =	vadd.f32 v62, v63  }
0x20c: {  	v48 =	vadd.f32 v9, v48;
	v44 =	vadd.f32 v18, v17;
	v18 =	vperm.xlane v52, v2  }
0x20d: {  	[tilespmem:$0x1FC50] =	vst v4;
	v46 =	vadd.f32 v23, v5;
	v9 =	vmul.f32 v23, v23;
	v17 =	vperm.xlane v55, v2;
	v4 =	vld [tilespmem:$0x1FC70]  }
0x20e: {  	[tilespmem:$0x1FC10] =	vst v19;
	v52 =	vadd.f32 v52, v18;
	v19 =	vmul.f32 v5, v5;
	v0 =	vmul.f32 v47, v0  }
0x20f: {  	v49 =	vadd.f32 v49, v46;
	v46 =	vadd.f32 v55, v17  }
0x210: {  	v62 =	vperm.xlane v58, v2;
	v19 =	vadd.f32 v9, v19;
	v8 =	vadd.f32 v57, v60;
	[tilespmem:$0x1FEB0] =	vst v0;
	v0 =	vld [tilespmem:$0x1FCD0]  }
0x211: {  	v9 =	vadd.f32 v16, v15;
	v16 =	vperm.xlane v56, v2;
	v50 =	vadd.f32 v50, v51  }
0x212: {  	v51 =	vadd.f32 v58, v62;
	v17 =	vperm.xlane v8, v2;
	v4 =	vmul.f32 v3, v4;
	v3 =	vld [tilespmem:$0x1FCE0]  }
0x213: {  	v60 =	vperm.xlane v49, v2;
	v62 =	vperm.xlane v44, v2;
	v45 =	vadd.f32 v59, v19  }
0x214: {  	v19 =	vperm.xlane v48, v2;
	v8 =	vadd.f32 v17, v8;
	v17 =	vperm.xlane v51, v11  }
0x215: {  	v49 =	vadd.f32 v49, v60;
	v44 =	vadd.f32 v62, v44;
	v0 =	vmul.f32 v47, v0  }
0x216: {  	v48 =	vadd.f32 v48, v19;
	v19 =	vperm.xlane v50, v2;
	v22 =	vadd.f32 v51, v17  }
0x217: {  	v3 =	vmul.f32 v47, v3;
	v47 =	vadd.f32 v53, v54;
	[tilespmem:$0x1FEC0] =	vst v0;
	v0 =	vperm.xlane v61, v2  }
0x218: {  	v60 =	vadd.f32 v19, v50;
	v53 =	vadd.f32 v56, v16;
	v16 =	vperm.xlane v63, v2  }
0x219: {  	v19 =	vperm.xlane v46, v11;
	[tilespmem:$0x1FED0] =	vst v3;
	v3 =	vld [tilespmem:$0x1FF20];
	v18 =	vperm.xlane v47, v2;
	v0 =	vadd.f32 v61, v0  }
0x21a: {  	v54 =	vadd.f32 v16, v63;
	v16 =	vperm.xlane v45, v2;
	v61 =	vperm.xlane v9, v2;
	v2 =	vld [tilespmem:$0x1FCF0]  }
0x21b: {  	v50 =	vperm.xlane v49, v11;
	v57 =	vadd.f32 v18, v47;
	v47 =	vperm.xlane v0, v11  }
0x21c: {  	v20 =	vadd.f32 v46, v19;
	v62 =	vadd.f32 v16, v45;
	v45 =	vperm.xlane v52, v11  }
0x21d: {  	v18 =	vperm.xlane v53, v11;
	v59 =	vadd.f32 v0, v47;
	v47 =	vperm.xlane v48, v11  }
0x21e: {  	v46 =	vperm.xlane v54, v11;
	v9 =	vadd.f32 v61, v9;
	v15 =	vadd.f32 v52, v45;
	v0 =	vld [tilespmem:$0x1FD10]  }
0x21f: {  	v45 =	vperm.xlane v44, v11;
	v16 =	vadd.f32 v48, v47;
	v48 =	vmul.f32 v2, v3;
	v2 =	vld [tilespmem:$0x1FD00]  }
0x220: {  	[tilespmem:$0x1FE60] =	vst v4;
	v4 =	vmov v11;
	v51 =	vperm.xlane v9, v11;
	v47 =	vperm.xlane v8, v11;
	v11 =	vld [tilespmem:$0x1FF10];
	_ =	sdelay $0x1  }
0x221: {  	v42 =	vld [tilespmem:$0x1FF50]  }
0x222: {  	[tilespmem:$0x1FC30] =	vst v5;
	v5 =	vld [tilespmem:$0x1FD30]  }
0x223: {  	v17 =	vadd.f32 v49, v50;
	v49 =	vmul.f32 v2, v3;
	v2 =	vld [tilespmem:$0x1FF30]  }
0x224: {  	v50 =	vmul.f32 v0, v11;
	v0 =	vld [tilespmem:$0x1FD20];
	_ =	sdelay $0x3  }
0x225: {  	[tilespmem:$0x1FC20] =	vst v13;
	v13 =	vadd.f32 v53, v18;
	v53 =	vmul.f32 v5, v42;
	v5 =	vld [tilespmem:$0x1FD40]  }
0x226: {  	v18 =	vadd.f32 v51, v9;
	v51 =	vmul.f32 v0, v2;
	v0 =	vld [tilespmem:$0x1FF40]  }
0x227: {  	[tilespmem:$0x1FB60] =	vst v6;
	v6 =	vld [tilespmem:$0x1FC00];
	_ =	sdelay $0x3  }
0x228: {  	v21 =	vadd.f32 v47, v8;
	v8 =	vmul.f32 v5, v2;
	v5 =	vmovc v2;
	v2 =	vadd.f32 v49, v0  }
0x229: {  	v6 =	vmul.f32 v12, v6;
	_ =	sdelay $0x1  }
0x22a: {  	[tilespmem:$0x1FE50] =	vst v6;
	v6 =	vld [tilespmem:$0x1FF70]  }
0x22b: {  	v55 =	vadd.f32 v48, v0;
	[tilespmem:$0x1FEE0] =	vst v2;
	v2 =	vmov v0;
	v0 =	vld [tilespmem:$0x1FD50];
	_ =	sdelay $0x1  }
0x22c: {  	v12 =	vld [tilespmem:$0x1FF80];
	_ =	sdelay $0x2  }
0x22d: {  	v58 =	vmul.f32 v0, v42;
	v0 =	vadd.f32 v51, v6  }
0x22e: {  	v10 =	vld [tilespmem:$0x1FF60]  }
0x22f: {  	[tilespmem:$0x1FEF0] =	vst v0;
	v0 =	vadd.f32 v53, v12;
	_ =	sdelay $0x1  }
0x230: {  	[tilespmem:$0x1FF00] =	vst v0;
	v0 =	vmul.f32 v31, v11  }
0x231: {  	v61 =	vadd.f32 v8, v6;
	v8 =	vld [tilespmem:$0x1FD60]  }
0x232: {  	v54 =	vadd.f32 v46, v54;
	v46 =	vadd.f32 v0, v10;
	v0 =	vld [tilespmem:$0x1FD80];
	_ =	sdelay $0x2  }
0x233: {  	v56 =	vadd.f32 v50, v10  }
0x234: {  	s9 =	simm.s32 $0x8500;
	v8 =	vmul.f32 v8, v3  }
0x235: {  	v9 =	vld [tilespmem:$0x1FD70];
	[tilespmem:s9+$0x1B0] =	vst v56;
	v0 =	vmul.f32 v0, v42  }
0x236: {  	v47 =	vadd.f32 v8, v2;
	v8 =	vld [tilespmem:$0x1FD90];
	[tilespmem:s9+$0xFFFFFE80] =	vst v55  }
0x237: {  	v48 =	vadd.f32 v0, v12;
	v0 =	vld [tilespmem:$0x1FDA0];
	_ =	sdelay $0x4  }
0x238: {  	v51 =	vmul.f32 v0, v3;
	v0 =	vld [tilespmem:$0x1FDB0];
	[tilespmem:s9+$0xFFFFFE90] =	vst v61  }
0x239: {  	v63 =	vmul.f32 v8, v11;
	v8 =	vld [tilespmem:$0x1FDC0];
	_ =	sdelay $0x2  }
0x23a: {  	v19 =	vadd.f32 v45, v44;
	v44 =	vadd.f32 v58, v12  }
0x23b: {  	v0 =	vmul.f32 v0, v5  }
0x23c: {  	v61 =	vmul.f32 v8, v42;
	v8 =	vld [tilespmem:$0x1FDD0];
	[tilespmem:s9+$0xFFFFFEA0] =	vst v44  }
0x23d: {  	v49 =	vadd.f32 v0, v6;
	v0 =	vld [tilespmem:$0x1FDE0];
	_ =	sdelay $0x3  }
0x23e: {  	[tilespmem:s9+$0xFFFFFEB0] =	vst v46  }
0x23f: {  	v45 =	vadd.f32 v63, v10;
	v63 =	vmul.f32 v0, v3;
	v0 =	vld [tilespmem:$0x1FDF0];
	_ =	sdelay $0x3  }
0x240: {  	[tilespmem:s9+$0xFFFFFF00] =	vst v47  }
0x241: {  	v44 =	vadd.f32 v51, v2;
	v51 =	vmul.f32 v0, v5;
	v0 =	vld [tilespmem:$0x1FE00]  }
0x242: {  	v9 =	vmul.f32 v9, v5;
	_ =	sdelay $0x1  }
0x243: {  	v9 =	vadd.f32 v9, v6  }
0x244: {  	v8 =	vmul.f32 v8, v11  }
0x245: {  	v46 =	vadd.f32 v61, v12;
	v61 =	vmul.f32 v0, v42;
	v0 =	vld [tilespmem:$0x1FE10];
	[tilespmem:s9+$0xFFFFFF10] =	vst v9  }
0x246: {  	v50 =	vadd.f32 v8, v10;
	v8 =	vld [tilespmem:$0x1FE20];
	_ =	sdelay $0x3  }
0x247: {  	v0 =	vmul.f32 v0, v11  }
0x248: {  	v47 =	vadd.f32 v63, v2;
	v63 =	vmul.f32 v8, v3;
	v8 =	vld [tilespmem:$0x1FE30];
	[tilespmem:s9+$0xFFFFFF20] =	vst v48  }
0x249: {  	v58 =	vadd.f32 v0, v10;
	v0 =	vld [tilespmem:$0x1FE40];
	_ =	sdelay $0x3  }
0x24a: {  	[tilespmem:s9+$0xFFFFFF30] =	vst v45  }
0x24b: {  	v48 =	vadd.f32 v61, v12;
	v61 =	vmul.f32 v0, v42;
	v0 =	vld [tilespmem:$0x1FE50];
	_ =	sdelay $0x3  }
0x24c: {  	[tilespmem:s9+$0xFFFFFF80] =	vst v44  }
0x24d: {  	v45 =	vadd.f32 v63, v2;
	v63 =	vmul.f32 v0, v11;
	v0 =	vld [tilespmem:$0x1FE60];
	_ =	sdelay $0x1  }
0x24e: {  	v8 =	vmul.f32 v8, v5;
	_ =	sdelay $0x1  }
0x24f: {  	v52 =	vadd.f32 v8, v6;
	[tilespmem:s9+$0xFFFFFF90] =	vst v49  }
0x250: {  	v53 =	vadd.f32 v61, v12;
	v8 =	vld [tilespmem:$0x1FE70];
	[tilespmem:s9+$0xFFFFFFA0] =	vst v46;
	v61 =	vmul.f32 v0, v3;
	v0 =	vperm.xlane v57, v4  }
0x251: {  	[tilespmem:s9+$0xFFFFFFB0] =	vst v50  }
0x252: {  	v9 =	vadd.f32 v51, v6;
	v51 =	vadd.f32 v0, v57;
	v0 =	vld [tilespmem:$0x1FE80];
	_ =	sdelay $0x2  }
0x253: {  	[tilespmem:s9+$0x0] =	vst v47  }
0x254: {  	[tilespmem:s9+$0x10] =	vst v9  }
0x255: {  	v50 =	vmul.f32 v0, v42;
	v0 =	vld [tilespmem:$0x1FE90];
	_ =	sdelay $0x1  }
0x256: {  	[tilespmem:s9+$0x20] =	vst v48  }
0x257: {  	[tilespmem:s9+$0x30] =	vst v58  }
0x258: {  	[tilespmem:s9+$0x80] =	vst v45  }
0x259: {  	v9 =	vmul.f32 v0, v11;
	v0 =	vld [tilespmem:$0x1FEA0];
	_ =	sdelay $0x1  }
0x25a: {  	v49 =	vadd.f32 v63, v10;
	v63 =	vperm.xlane v59, v1  }
0x25b: {  	v57 =	vperm.xlane v13, v1  }
0x25c: {  	v31 =	vadd.f32 v59, v63;
	v63 =	vperm.xlane v22, v1;
	[tilespmem:s9+$0x90] =	vst v52  }
0x25d: {  	v56 =	vmul.f32 v8, v5;
	v13 =	vadd.f32 v13, v57;
	v57 =	vmul.f32 v0, v3;
	v3 =	vld [tilespmem:$0x1FEB0]  }
0x25e: {  	v59 =	vperm.xlane v20, v1;
	v46 =	vadd.f32 v61, v2;
	[tilespmem:s9+$0xA0] =	vst v53  }
0x25f: {  	v61 =	vperm.xlane v62, v4;
	v44 =	vadd.f32 v56, v6;
	v56 =	vadd.f32 v22, v63;
	[tilespmem:s9+$0xB0] =	vst v49  }
0x260: {  	v58 =	vperm.xlane v16, v1;
	v0 =	vmov v16;
	v16 =	vadd.f32 v57, v2;
	v2 =	vld [tilespmem:$0x1FEC0];
	[tilespmem:s9+$0x100] =	vst v46  }
0x261: {  	v63 =	vperm.xlane v15, v1;
	v55 =	vadd.f32 v61, v62;
	v62 =	vadd.f32 v9, v10;
	[tilespmem:s9+$0x110] =	vst v44  }
0x262: {  	v9 =	vmovc v15;
	v15 =	vadd.f32 v20, v59;
	v59 =	vmul.f32 v3, v5;
	v5 =	vadd.f32 v0, v58;
	v0 =	vld [tilespmem:$0x1FED0]  }
0x263: {  	v50 =	vadd.f32 v50, v12;
	_ =	sdelay $0x1  }
0x264: {  	v61 =	vadd.f32 v9, v63;
	v63 =	vperm.xlane v17, v1;
	[tilespmem:s9+$0x120] =	vst v50  }
0x265: {  	[tilespmem:s9+$0x130] =	vst v62  }
0x266: {  	v45 =	vadd.f32 v17, v63;
	v63 =	vadd.f32 v59, v6;
	v59 =	vmul.f32 v0, v11;
	v0 =	vld [tilespmem:$0x1FEE0]  }
0x267: {  	v8 =	vperm.xlane v60, v4  }
0x268: {  	v53 =	vperm.xlane v18, v1  }
0x269: {  	v8 =	vadd.f32 v8, v60;
	v57 =	vperm.xlane v19, v1  }
0x26a: {  	v9 =	vperm.xlane v56, v14;
	v47 =	vadd.f32 v53, v18;
	v17 =	vperm.xlane v21, v1  }
0x26b: {  	v18 =	vperm.xlane v51, v1;
	v48 =	vadd.f32 v57, v19;
	v19 =	vperm.xlane v8, v1;
	[tilespmem:s9+$0x180] =	vst v0  }
0x26c: {  	v58 =	vperm.xlane v54, v1;
	v0 =	vperm.xlane v55, v1;
	v1 =	vld [tilespmem:$0x1FEF0];
	_ =	sdelay $0x1  }
0x26d: {  	v56 =	vadd.f32 v56, v9  }
0x26e: {  	v52 =	vadd.f32 v18, v51;
	v18 =	vperm.xlane v15, v14;
	v49 =	vmul.f32 v2, v42  }
0x26f: {  	v46 =	vadd.f32 v58, v54;
	v42 =	vperm.xlane v31, v14;
	v54 =	vadd.f32 v19, v8  }
0x270: {  	s11 =	simm.s32 $0xF;
	v19 =	vperm.xlane v61, v14;
	v8 =	vperm.xlane v45, v14;
	v60 =	vadd.f32 v49, v12;
	[tilespmem:s9+$0x190] =	vst v1  }
0x271: {  	v49 =	vadd.f32 v17, v21;
	v53 =	vadd.f32 v0, v55;
	v55 =	vmov s11;
	v1 =	vld [tilespmem:$0x1FF00]  }
0x272: {  	v17 =	vperm.xlane v13, v14;
	v44 =	vadd.f32 v31, v42;
	v42 =	vperm.xlane v5, v14;
	[tilespmem:s9+$0xFFFFFE00] =	vst v16  }
0x273: {  	v50 =	vperm.xlane v46, v14;
	v58 =	vadd.f32 v61, v19;
	v62 =	vadd.f32 v59, v10;
	[tilespmem:s9+$0xFFFFFE10] =	vst v63  }
0x274: {  	v61 =	vperm.xlane v52, v14;
	v57 =	vperm.xlane v54, v14;
	v51 =	vadd.f32 v13, v17;
	[tilespmem:s9+$0xFFFFFE20] =	vst v60  }
0x275: {  	v59 =	vadd.f32 v5, v42;
	v0 =	vperm.xlane v47, v14;
	v63 =	vperm.xlane v48, v14;
	[tilespmem:s9+$0xFFFFFE30] =	vst v62  }
0x276: {  	s10 =	simm.s32 $0x10;
	v62 =	vadd.f32 v15, v18;
	v60 =	vperm.xlane v49, v14;
	v9 =	vld.idx.msk [tilespmem:v55+s20+$0x0], $0xffff;
	[tilespmem:s9+$0x1A0] =	vst v1  }
.LBB2_3:
0x277: {  	_ = 	snop  }
0x278: {  	v19 =	vld.idx.msk [tilespmem:v55+s4+$0x0], $0xffff  }
0x279: {  	v56 =	vmul.f32 $1.562500000e-02, v56;
	v3 =	vld [tilespmem:$0x1FFB0]  }
0x27a: {  	v11 =	vmul.f32 $1.562500000e-02, v51;
	v16 =	vshll.u32 v55, $0x7;
	v6 =	vld [tilespmem:$0x1FFE0];
	v8 =	vadd.f32 v45, v8  }
0x27b: {  	v0 =	vadd.f32 v0, v47;
	v47 =	vlaneseq.u32;
	v9 =	vshll.u32 v9, $0x6  }
0x27c: {  	v51 =	vmul.f32 $1.562500000e-02, v62;
	v52 =	vadd.f32 v61, v52;
	v61 =	vor.u32 v47, v9  }
0x27d: {  	v54 =	vadd.f32 v57, v54;
	v62 =	vshll.u32 v19, $0x6;
	v57 =	vor.u32 v7, v9  }
0x27e: {  	v42 =	vsub.f32 v43, v56;
	v17 =	vor.u32 v3, v9;
	v43 =	vand.u32 $0x40, v62  }
0x27f: {  	v10 =	vperm.xlane v53, v14;
	v9 =	vor.u32 v6, v9;
	v18 =	vor.u32 v16, v43  }
0x280: {  	v12 =	vadd.f32 v50, v46;
	v46 =	vmul.f32 $1.562500000e-02, v59;
	v19 =	vor.u32 v47, v18  }
0x281: {  	v45 =	vmul.f32 $1.562500000e-02, v8;
	v8 =	vadd.f32 v10, v53;
	v59 =	vor.u32 v7, v18;
	v53 =	vld.idx.msk [tilespmem:v61+s16+$0x0], $0xffff  }
0x282: {  	v16 =	vor.u32 v3, v18;
	v57 =	vld.idx.msk [tilespmem:v57+s16+$0x0], $0xffff  }
0x283: {  	v63 =	vadd.f32 v63, v48;
	v60 =	vadd.f32 v60, v49;
	v55 =	vld.idx.msk [tilespmem:v17+s16+$0x0], $0xffff;
	v17 =	vor.u32 v6, v18  }
0x284: {  	[tilespmem:$0x1F880] =	vst v23;
	v50 =	vmul.f32 $1.562500000e-02, v58;
	v23 =	vsub.f32 v24, v56;
	v48 =	vsub.f32 v41, v56;
	v9 =	vld.idx.msk [tilespmem:v9+s16+$0x0], $0xffff  }
0x285: {  	v49 =	vsub.f32 v40, v56;
	v56 =	vmul.f32 v56, v56;
	v12 =	vmul.f32 $1.562500000e-02, v12;
	v58 =	vld.idx.msk [tilespmem:v19+s23+$0x0], $0xffff  }
0x286: {  	v52 =	vmul.f32 $1.562500000e-02, v52;
	v43 =	vsub.f32 v39, v11;
	v39 =	vsub.f32 v36, v11;
	v59 =	vld.idx.msk [tilespmem:v59+s23+$0x0], $0xffff  }
0x287: {  	v36 =	vsub.f32 v37, v11;
	v37 =	vsub.f32 v38, v11;
	v11 =	vmul.f32 v11, v11;
	v62 =	vld.idx.msk [tilespmem:v16+s23+$0x0], $0xffff  }
0x288: {  	v8 =	vmul.f32 $1.562500000e-02, v8;
	v61 =	vmul.f32 $1.562500000e-02, v63;
	v16 =	vld.idx.msk [tilespmem:v17+s23+$0x0], $0xffff  }
0x289: {  	v11 =	vsub.f32 v12, v11;
	v12 =	vmul.f32 v45, v45;
	v19 =	vmul.f32 v50, v50  }
0x28a: {  	v60 =	vmul.f32 $1.562500000e-02, v60;
	v38 =	vsub.f32 v35, v51;
	v56 =	vsub.f32 v61, v56  }
0x28b: {  	v18 =	vmul.f32 v51, v51;
	v8 =	vsub.f32 v8, v12;
	v35 =	vsub.f32 v52, v19  }
0x28c: {  	v12 =	vmax.f32 v56, $0.0e+00;
	v56 =	vadd.f32 v53, v58;
	v57 =	vadd.f32 v57, v59  }
0x28d: {  	v55 =	vadd.f32 v55, v62;
	v52 =	vadd.f32 v9, v16  }
0x28e: {  	v5 =	vld [tilespmem:$0x1FFD0];
	v60 =	vsub.f32 v60, v18  }
0x28f: {  	v53 =	vadd.f32 v57, v56;
	v18 =	vadd.f32 v52, v55;
	_ =	sdelay $0x1  }
0x290: {  	v58 =	vmul.f32 v56, v56;
	v59 =	vmul.f32 v57, v57;
	v53 =	vadd.f32 v18, v53  }
0x291: {  	v17 =	vmax.f32 v60, $0.0e+00;
	v19 =	vmul.f32 v55, v55;
	v61 =	vmul.f32 v52, v52  }
0x292: {  	v44 =	vmul.f32 $1.562500000e-02, v44;
	v9 =	vadd.f32 $9.999999960e-13, v17;
	v17 =	vperm.xlane v53, v5  }
0x293: {  	v58 =	vadd.f32 v59, v58;
	v16 =	vadd.f32 v61, v19  }
0x294: {  	v0 =	vmul.f32 $1.562500000e-02, v0;
	v10 =	vmul.f32 v44, v44;
	v53 =	vadd.f32 v53, v17  }
0x295: {  	v2 =	vld [tilespmem:$0x1FFC0];
	v54 =	vmul.f32 $1.562500000e-02, v54;
	v58 =	vadd.f32 v16, v58  }
0x296: {  	v0 =	vsub.f32 v0, v10;
	v10 =	vmul.f32 v46, v46;
	v14 =	vperm.xlane v53, v4  }
0x297: {  	v18 =	vperm.xlane v58, v5  }
0x298: {  	v10 =	vsub.f32 v54, v10;
	v14 =	vadd.f32 v53, v14  }
0x299: {  	v1 =	vld [tilespmem:$0x1FF90];
	v41 =	vsub.f32 v33, v51;
	v0 =	vmax.f32 v0, $0.0e+00;
	v58 =	vadd.f32 v18, v58  }
0x29a: {  	v0 =	vadd.f32 $9.999999960e-13, v0;
	v10 =	vmax.f32 v10, $0.0e+00;
	v16 =	vperm.xlane v14, v2  }
0x29b: {  	v40 =	vsub.f32 v34, v51;
	v10 =	vadd.f32 $9.999999960e-13, v10;
	v53 =	vperm.xlane v58, v4  }
0x29c: {  	v63 =	vshra.s32 v0, $0x1;
	v0 =	vmul.f32 $5.000000000e-01, v0;
	v14 =	vadd.f32 v14, v16  }
0x29d: {  	v54 =	vsub.s32 $0x5F3759DF, v63;
	v35 =	vmax.f32 v35, $0.0e+00;
	v53 =	vadd.f32 v53, v58  }
0x29e: {  	v8 =	vmax.f32 v8, $0.0e+00;
	v35 =	vadd.f32 $9.999999960e-13, v35;
	v22 =	vperm.xlane v14, v1;
	v1 =	vld [tilespmem:$0x1FF90]  }
0x29f: {  	v15 =	vmul.f32 v54, v0;
	v8 =	vadd.f32 $9.999999960e-13, v8;
	v16 =	vperm.xlane v53, v2  }
0x2a0: {  	v13 =	vmul.f32 $5.000000000e-01, v35;
	v62 =	vshra.s32 v9, $0x1;
	v9 =	vmul.f32 $5.000000000e-01, v9  }
0x2a1: {  	v19 =	vshra.s32 v35, $0x1;
	v35 =	vshra.s32 v10, $0x1;
	v16 =	vadd.f32 v16, v53  }
0x2a2: {  	v12 =	vadd.f32 $9.999999960e-13, v12;
	v62 =	vsub.s32 $0x5F3759DF, v62;
	v18 =	vsub.s32 $0x5F3759DF, v35  }
0x2a3: {  	v35 =	vmul.f32 v62, v9;
	v14 =	vadd.f32 v14, v22;
	v22 =	vperm.xlane v16, v1  }
0x2a4: {  	v59 =	vshra.s32 v8, $0x1;
	v10 =	vmul.f32 $5.000000000e-01, v10;
	v53 =	vsub.f32 v32, v51  }
0x2a5: {  	v51 =	vmul.f32 v62, v35;
	v14 =	vmul.f32 $1.562500000e-02, v14;
	v16 =	vadd.f32 v22, v16  }
0x2a6: {  	v8 =	vmul.f32 $5.000000000e-01, v8;
	v59 =	vsub.s32 $0x5F3759DF, v59;
	v20 =	vmul.f32 v18, v10  }
0x2a7: {  	v22 =	vsub.f32 $1.500000000e+00, v51;
	v51 =	vmul.f32 v14, v14;
	v16 =	vmul.f32 $1.562500000e-02, v16  }
0x2a8: {  	v15 =	vmul.f32 v54, v15;
	v60 =	vshra.s32 v12, $0x1;
	v21 =	vmul.f32 v59, v8  }
0x2a9: {  	v12 =	vmul.f32 $5.000000000e-01, v12;
	v20 =	vmul.f32 v18, v20;
	v16 =	vsub.f32 v16, v51  }
0x2aa: {  	v15 =	vsub.f32 $1.500000000e+00, v15;
	v60 =	vsub.s32 $0x5F3759DF, v60;
	v21 =	vmul.f32 v59, v21  }
0x2ab: {  	v58 =	vmul.f32 v60, v12;
	v20 =	vsub.f32 $1.500000000e+00, v20;
	v16 =	vmax.f32 v16, $0.0e+00  }
0x2ac: {  	v21 =	vsub.f32 $1.500000000e+00, v21;
	v16 =	vadd.f32 $9.999999960e-13, v16  }
0x2ad: {  	v63 =	vsub.s32 $0x5F3759DF, v19;
	v58 =	vmul.f32 v60, v58;
	v18 =	vmul.f32 v18, v20  }
0x2ae: {  	v20 =	vmul.f32 v59, v21;
	v21 =	vshra.s32 v16, $0x1;
	v16 =	vmul.f32 $5.000000000e-01, v16  }
0x2af: {  	v19 =	vmul.f32 v63, v13;
	v58 =	vsub.f32 $1.500000000e+00, v58;
	v21 =	vsub.s32 $0x5F3759DF, v21  }
0x2b0: {  	v1 =	vld [tilespmem:$0x1FC10];
	v22 =	vmul.f32 v62, v22;
	v62 =	vmul.f32 v21, v16  }
0x2b1: {  	v51 =	vmul.f32 v54, v15;
	v15 =	vmul.f32 v60, v58  }
0x2b2: {  	v54 =	vsub.f32 v28, v50;
	v28 =	vsub.f32 v29, v50;
	v29 =	vmul.f32 v21, v62  }
0x2b3: {  	v19 =	vmul.f32 v63, v19  }
0x2b4: {  	v31 =	vsub.f32 v25, v50;
	v12 =	vmul.f32 v15, v12;
	v29 =	vsub.f32 $1.500000000e+00, v29  }
0x2b5: {  	v19 =	vsub.f32 $1.500000000e+00, v19;
	v25 =	vsub.f32 v1, v46;
	v1 =	vld [tilespmem:$0x1FC20]  }
0x2b6: {  	v11 =	vmax.f32 v11, $0.0e+00;
	v12 =	vmul.f32 v12, v15;
	v21 =	vmul.f32 v21, v29  }
0x2b7: {  	v11 =	vadd.f32 $9.999999960e-13, v11;
	v19 =	vmul.f32 v63, v19  }
0x2b8: {  	v12 =	vsub.f32 $1.500000000e+00, v12;
	v16 =	vmul.f32 v21, v16  }
0x2b9: {  	v61 =	vshra.s32 v11, $0x1;
	v11 =	vmul.f32 $5.000000000e-01, v11;
	v13 =	vmul.f32 v19, v13  }
0x2ba: {  	v12 =	vmul.f32 v12, v15;
	v15 =	vmul.f32 v16, v21;
	v16 =	vsub.f32 v1, v46;
	v1 =	vld [tilespmem:$0x1FC30]  }
0x2bb: {  	v61 =	vsub.s32 $0x5F3759DF, v61;
	v13 =	vmul.f32 v13, v19  }
0x2bc: {  	v17 =	vmul.f32 v61, v11  }
0x2bd: {  	v13 =	vsub.f32 $1.500000000e+00, v13  }
0x2be: {  	v17 =	vmul.f32 v61, v17  }
0x2bf: {  	v13 =	vmul.f32 v13, v19;
	v19 =	vsub.f32 v1, v45;
	v1 =	vld [tilespmem:$0x1F880]  }
0x2c0: {  	v17 =	vsub.f32 $1.500000000e+00, v17;
	_ =	sdelay $0x1  }
0x2c1: {  	v17 =	vmul.f32 v61, v17;
	v8 =	vmul.f32 v20, v8;
	_ =	sdelay $0x1  }
0x2c2: {  	v11 =	vmul.f32 v17, v11;
	v8 =	vmul.f32 v8, v20;
	v29 =	vsub.f32 v1, v45;
	v1 =	vld [tilespmem:$0x1FC40]  }
0x2c3: {  	v10 =	vmul.f32 v18, v10  }
0x2c4: {  	v11 =	vmul.f32 v11, v17;
	v8 =	vsub.f32 $1.500000000e+00, v8  }
0x2c5: {  	v10 =	vmul.f32 v10, v18  }
0x2c6: {  	v11 =	vsub.f32 $1.500000000e+00, v11;
	v24 =	vmul.f32 v8, v20;
	v9 =	vmul.f32 v22, v9  }
0x2c7: {  	v8 =	vsub.f32 $1.500000000e+00, v15;
	v15 =	vmul.f32 v12, v42;
	v42 =	vsub.f32 v1, v45;
	v1 =	vld [tilespmem:$0x1FC50]  }
0x2c8: {  	v11 =	vmul.f32 v11, v17;
	v10 =	vsub.f32 $1.500000000e+00, v10;
	v56 =	vsub.f32 v56, v14;
	v58 =	vld [tilespmem:$0x1FF20]  }
0x2c9: {  	v61 =	vld [tilespmem:$0x1FF60];
	v57 =	vsub.f32 v57, v14;
	v0 =	vmul.f32 v51, v0;
	v9 =	vmul.f32 v9, v22  }
0x2ca: {  	v59 =	vld [tilespmem:$0x1FF30];
	v55 =	vsub.f32 v55, v14;
	v10 =	vmul.f32 v10, v18;
	v14 =	vsub.f32 v52, v14  }
0x2cb: {  	v60 =	vld [tilespmem:$0x1FF50];
	v0 =	vmul.f32 v0, v51;
	v9 =	vsub.f32 $1.500000000e+00, v9;
	v63 =	vmul.f32 v12, v23  }
0x2cc: {  	v23 =	vmul.f32 v11, v43;
	v8 =	vmul.f32 v8, v21;
	v43 =	vsub.f32 v1, v45;
	v1 =	vld [tilespmem:$0x1FF10]  }
0x2cd: {  	v30 =	vsub.f32 v30, v50;
	v50 =	vld [tilespmem:$0x1FF40];
	v9 =	vmul.f32 v9, v22;
	v17 =	vmul.f32 v63, v58  }
0x2ce: {  	v63 =	vld [tilespmem:$0x1FF80];
	v20 =	vmul.f32 v8, v56;
	v14 =	vmul.f32 v8, v14  }
0x2cf: {  	v27 =	vsub.f32 v27, v46;
	v62 =	vld [tilespmem:$0x1FF70];
	v21 =	vmul.f32 v8, v57;
	v8 =	vmul.f32 v8, v55  }
0x2d0: {  	s11 =	sadd.s32 $0x1, s10;
	v26 =	vsub.f32 v26, v46;
	v46 =	vmul.f32 v12, v48;
	v20 =	vmul.f32 v20, v58  }
0x2d1: {  	v33 =	vmov s11;
	v8 =	vmul.f32 v8, v60;
	v14 =	vmul.f32 v14, v1  }
0x2d2: {  	v12 =	vmul.f32 v12, v49;
	v15 =	vmul.f32 v15, v59;
	v22 =	vadd.f32 v20, v50  }
0x2d3: {  	v18 =	vmul.f32 v46, v60;
	v20 =	vadd.f32 v8, v63;
	v14 =	vadd.f32 v14, v61  }
0x2d4: {  	s9 =	sadd.s32 $0x400, s9;
	v8 =	vadd.f32 v15, v62;
	v15 =	vmul.f32 v11, v39;
	v12 =	vmul.f32 v12, v1  }
0x2d5: {  	v55 =	vmul.f32 v11, v36;
	v39 =	vmul.f32 v23, v58;
	[tilespmem:s9+$0x1B0] =	vst v14;
	v14 =	vadd.f32 v18, v63  }
0x2d6: {  	v11 =	vmul.f32 v11, v37;
	[tilespmem:s9+$0xFFFFFE90] =	vst v8;
	v8 =	vadd.f32 v12, v61;
	v12 =	vmul.f32 v15, v59  }
0x2d7: {  	v56 =	vmul.f32 v9, v41;
	v15 =	vmul.f32 v55, v60;
	[tilespmem:s9+$0xFFFFFEA0] =	vst v14;
	v14 =	vadd.f32 v39, v50  }
0x2d8: {  	v11 =	vmul.f32 v11, v1;
	[tilespmem:s9+$0xFFFFFEB0] =	vst v8;
	v8 =	vadd.f32 v12, v62;
	v12 =	vmul.f32 v9, v40  }
0x2d9: {  	v57 =	vmul.f32 v9, v38;
	[tilespmem:s9+$0xFFFFFF00] =	vst v14;
	v14 =	vadd.f32 v15, v63;
	v15 =	vmul.f32 v56, v58  }
0x2da: {  	v9 =	vmul.f32 v9, v53;
	[tilespmem:s9+$0xFFFFFF10] =	vst v8;
	v8 =	vadd.f32 v11, v61;
	v11 =	vmul.f32 v12, v59  }
0x2db: {  	[tilespmem:s9+$0xFFFFFF20] =	vst v14;
	v12 =	vadd.f32 v15, v50;
	v14 =	vmul.f32 v57, v60;
	v15 =	vmul.f32 v13, v31  }
0x2dc: {  	v9 =	vmul.f32 v9, v1;
	[tilespmem:s9+$0xFFFFFF30] =	vst v8;
	v8 =	vadd.f32 v11, v62;
	v11 =	vmul.f32 v13, v30  }
0x2dd: {  	[tilespmem:s9+$0xFFFFFF80] =	vst v12;
	v12 =	vadd.f32 v14, v63;
	v14 =	vmul.f32 v15, v58;
	v15 =	vmul.f32 v13, v54  }
0x2de: {  	[tilespmem:s9+$0xFFFFFF90] =	vst v8;
	v8 =	vadd.f32 v9, v61;
	v9 =	vmul.f32 v11, v59;
	v11 =	vmul.f32 v13, v28  }
0x2df: {  	[tilespmem:s9+$0xFFFFFFA0] =	vst v12;
	v12 =	vadd.f32 v14, v50;
	v13 =	vmul.f32 v15, v60;
	v14 =	vmul.f32 v10, v27  }
0x2e0: {  	[tilespmem:s9+$0xFFFFFFB0] =	vst v8;
	v8 =	vadd.f32 v9, v62;
	v9 =	vmul.f32 v11, v1;
	v11 =	vmul.f32 v10, v26  }
0x2e1: {  	s11 =	sadd.s32 $0x2, s10;
	[tilespmem:s9+$0x0] =	vst v12;
	v12 =	vadd.f32 v13, v63;
	v13 =	vmul.f32 v14, v58;
	v14 =	vmul.f32 v10, v25  }
0x2e2: {  	v34 =	vmov s10;
	v35 =	vmov s11;
	v0 =	vsub.f32 $1.500000000e+00, v0;
	[tilespmem:s9+$0x10] =	vst v8  }
0x2e3: {  	s11 =	sadd.s32 $0x3, s10;
	v8 =	vadd.f32 v9, v61;
	v9 =	vmul.f32 v11, v59;
	[tilespmem:s9+$0x20] =	vst v12;
	v12 =	vmul.f32 v14, v60;
	v14 =	vld [tilespmem:$0x1FB30]  }
0x2e4: {  	v32 =	vmov s11;
	v11 =	vadd.f32 v13, v50;
	v13 =	vmul.f32 v24, v19  }
0x2e5: {  	v0 =	vmul.f32 v0, v51;
	v10 =	vmul.f32 v10, v16;
	[tilespmem:s9+$0x30] =	vst v8;
	v8 =	vadd.f32 v9, v62  }
0x2e6: {  	s11 =	sadd.s32 $0x4, s10;
	[tilespmem:s9+$0x80] =	vst v11;
	v11 =	vadd.f32 v12, v63;
	v12 =	vmul.f32 v13, v58;
	v13 =	vmul.f32 v24, v42  }
0x2e7: {  	v9 =	vmul.f32 v10, v1;
	v10 =	vmul.f32 v24, v29;
	v19 =	vmov s11  }
0x2e8: {  	[tilespmem:s9+$0xA0] =	vst v11;
	v11 =	vadd.f32 v12, v50;
	v12 =	vmul.f32 v13, v60;
	v14 =	vsub.f32 v14, v44  }
0x2e9: {  	v17 =	vadd.f32 v17, v50;
	[tilespmem:s9+$0x90] =	vst v8;
	v8 =	vadd.f32 v9, v61;
	v9 =	vmul.f32 v10, v59;
	v13 =	vld [tilespmem:$0x1FB40]  }
0x2ea: {  	v10 =	vmul.f32 v24, v43;
	[tilespmem:s9+$0x100] =	vst v11;
	v11 =	vadd.f32 v12, v63;
	v12 =	vmul.f32 v0, v14;
	v14 =	vld [tilespmem:$0x1FB50]  }
0x2eb: {  	[tilespmem:s9+$0xFFFFFE80] =	vst v17;
	v15 =	vld [tilespmem:$0x1FB60];
	s11 =	sadd.s32 $0x5, s10  }
0x2ec: {  	v17 =	vmov s11;
	[tilespmem:s9+$0xB0] =	vst v8;
	v8 =	vadd.f32 v9, v62;
	v9 =	vmul.f32 v10, v1;
	v10 =	vld.idx.msk [tilespmem:v34+s20+$0x0], $0xffff  }
0x2ed: {  	s11 =	sadd.s32 $0x6, s10;
	v37 =	vld.idx.msk [tilespmem:v19+s4+$0x0], $0xffff  }
0x2ee: {  	v21 =	vmul.f32 v21, v59;
	v16 =	vmov s11;
	v30 =	vld.idx.msk [tilespmem:v19+s20+$0x0], $0xffff;
	v13 =	vsub.f32 v13, v44  }
0x2ef: {  	[tilespmem:s9+$0x110] =	vst v8;
	v8 =	vadd.f32 v9, v61;
	v9 =	vld.idx.msk [tilespmem:v34+s4+$0x0], $0xffff;
	v14 =	vsub.f32 v14, v44  }
0x2f0: {  	v15 =	vsub.f32 v15, v44;
	[tilespmem:s9+$0x120] =	vst v11;
	v11 =	vld.idx.msk [tilespmem:v33+s20+$0x0], $0xffff;
	v13 =	vmul.f32 v0, v13  }
0x2f1: {  	v19 =	vshll.u32 v19, $0x7;
	v36 =	vld.idx.msk [tilespmem:v17+s4+$0x0], $0xffff;
	v12 =	vmul.f32 v12, v58;
	v14 =	vmul.f32 v0, v14  }
0x2f2: {  	[tilespmem:s9+$0x130] =	vst v8;
	v8 =	vld.idx.msk [tilespmem:v35+s20+$0x0], $0xffff;
	v37 =	vshll.u32 v37, $0x6;
	v13 =	vmul.f32 v13, v59;
	v0 =	vmul.f32 v0, v15  }
0x2f3: {  	v31 =	vld.idx.msk [tilespmem:v16+s4+$0x0], $0xffff;
	v12 =	vadd.f32 v12, v50;
	v37 =	vand.u32 $0x40, v37;
	v14 =	vmul.f32 v14, v60  }
0x2f4: {  	v19 =	vor.u32 v19, v37;
	v59 =	vld.idx.msk [tilespmem:v17+s20+$0x0], $0xffff;
	v13 =	vadd.f32 v13, v62;
	v0 =	vmul.f32 v0, v1  }
0x2f5: {  	[tilespmem:s9+$0xFFFFFE00] =	vst v12;
	v11 =	vshll.u32 v11, $0x6;
	v39 =	vor.u32 v3, v19;
	v15 =	vld.idx.msk [tilespmem:v32+s20+$0x0], $0xffff;
	v12 =	vadd.f32 v14, v63  }
0x2f6: {  	v10 =	vshll.u32 v10, $0x6;
	v23 =	vor.u32 v47, v11;
	v60 =	vld.idx.msk [tilespmem:v35+s4+$0x0], $0xffff;
	[tilespmem:s9+$0xFFFFFE10] =	vst v13;
	v0 =	vadd.f32 v0, v61  }
0x2f7: {  	v13 =	vld.idx.msk [tilespmem:v33+s4+$0x0], $0xffff;
	[tilespmem:s9+$0xFFFFFE20] =	vst v12;
	v12 =	vor.u32 v47, v10  }
0x2f8: {  	v21 =	vadd.f32 v21, v62;
	v8 =	vshll.u32 v8, $0x6;
	v61 =	vld.idx.msk [tilespmem:v32+s4+$0x0], $0xffff;
	[tilespmem:s9+$0xFFFFFE30] =	vst v0;
	v0 =	vor.u32 v7, v10  }
0x2f9: {  	v28 =	vor.u32 v7, v8;
	v14 =	vld.idx.msk [tilespmem:v16+s20+$0x0], $0xffff  }
0x2fa: {  	[tilespmem:s9+$0x190] =	vst v21;
	v21 =	vor.u32 v3, v10;
	v1 =	vld.idx.msk [tilespmem:v39+s23+$0x0], $0xffff;
	v10 =	vor.u32 v6, v10  }
0x2fb: {  	v24 =	vld.idx.msk [tilespmem:v23+s16+$0x0], $0xffff  }
0x2fc: {  	[tilespmem:s9+$0x1A0] =	vst v20;
	v20 =	vld.idx.msk [tilespmem:v12+s16+$0x0], $0xffff;
	v12 =	vor.u32 v7, v11  }
0x2fd: {  	v62 =	vshll.u32 v35, $0x7;
	v43 =	vshll.u32 v61, $0x6;
	v18 =	vld.idx.msk [tilespmem:v0+s16+$0x0], $0xffff;
	v0 =	vor.u32 v3, v11  }
0x2fe: {  	v32 =	vshll.u32 v32, $0x7;
	v28 =	vld.idx.msk [tilespmem:v28+s16+$0x0], $0xffff;
	v35 =	vand.u32 $0x40, v43;
	v11 =	vor.u32 v6, v11  }
0x2ff: {  	[tilespmem:s9+$0x180] =	vst v22;
	v22 =	vld.idx.msk [tilespmem:v10+s16+$0x0], $0xffff;
	v10 =	vor.u32 v47, v8;
	v32 =	vor.u32 v32, v35  }
0x300: {  	v21 =	vld.idx.msk [tilespmem:v21+s16+$0x0], $0xffff;
	v35 =	vor.u32 v47, v32  }
0x301: {  	v61 =	vor.u32 v7, v32;
	v40 =	vor.u32 v3, v32;
	v32 =	vor.u32 v6, v32;
	v23 =	vld.idx.msk [tilespmem:v12+s16+$0x0], $0xffff  }
0x302: {  	v12 =	vor.u32 v3, v8;
	v25 =	vld.idx.msk [tilespmem:v0+s16+$0x0], $0xffff  }
0x303: {  	v0 =	vor.u32 v6, v8;
	v8 =	vshll.u32 v15, $0x6;
	v26 =	vld.idx.msk [tilespmem:v11+s16+$0x0], $0xffff  }
0x304: {  	v27 =	vld.idx.msk [tilespmem:v10+s16+$0x0], $0xffff;
	v11 =	vor.u32 v47, v8  }
0x305: {  	v10 =	vor.u32 v7, v8;
	v35 =	vld.idx.msk [tilespmem:v35+s23+$0x0], $0xffff  }
0x306: {  	v15 =	vor.u32 v3, v8;
	v32 =	vld.idx.msk [tilespmem:v32+s23+$0x0], $0xffff  }
0x307: {  	v8 =	vor.u32 v6, v8;
	v29 =	vld.idx.msk [tilespmem:v12+s16+$0x0], $0xffff;
	v12 =	vshll.u32 v30, $0x6  }
0x308: {  	v30 =	vld.idx.msk [tilespmem:v0+s16+$0x0], $0xffff;
	v0 =	vor.u32 v47, v12  }
0x309: {  	v44 =	vld.idx.msk [tilespmem:v11+s16+$0x0], $0xffff;
	v11 =	vor.u32 v7, v12  }
0x30a: {  	v45 =	vld.idx.msk [tilespmem:v10+s16+$0x0], $0xffff;
	v10 =	vor.u32 v3, v12  }
0x30b: {  	v46 =	vld.idx.msk [tilespmem:v15+s16+$0x0], $0xffff;
	v12 =	vor.u32 v6, v12;
	v15 =	vshll.u32 v59, $0x6  }
0x30c: {  	v42 =	vld.idx.msk [tilespmem:v8+s16+$0x0], $0xffff;
	v8 =	vor.u32 v47, v15  }
0x30d: {  	v48 =	vld.idx.msk [tilespmem:v0+s16+$0x0], $0xffff;
	v0 =	vor.u32 v7, v15  }
0x30e: {  	v49 =	vld.idx.msk [tilespmem:v11+s16+$0x0], $0xffff;
	v11 =	vor.u32 v3, v15  }
0x30f: {  	v14 =	vshll.u32 v14, $0x6;
	v50 =	vld.idx.msk [tilespmem:v10+s16+$0x0], $0xffff;
	v10 =	vor.u32 v6, v15  }
0x310: {  	v51 =	vld.idx.msk [tilespmem:v12+s16+$0x0], $0xffff;
	v12 =	vor.u32 v47, v14  }
0x311: {  	v9 =	vshll.u32 v9, $0x6;
	v52 =	vld.idx.msk [tilespmem:v8+s16+$0x0], $0xffff;
	v8 =	vor.u32 v7, v14  }
0x312: {  	v9 =	vand.u32 $0x40, v9;
	v15 =	vshll.u32 v34, $0x7;
	v53 =	vld.idx.msk [tilespmem:v0+s16+$0x0], $0xffff;
	v0 =	vor.u32 v3, v14  }
0x313: {  	v9 =	vor.u32 v15, v9;
	v54 =	vld.idx.msk [tilespmem:v11+s16+$0x0], $0xffff;
	v11 =	vor.u32 v6, v14  }
0x314: {  	v14 =	vor.u32 v47, v9;
	v55 =	vld.idx.msk [tilespmem:v10+s16+$0x0], $0xffff  }
0x315: {  	v13 =	vshll.u32 v13, $0x6;
	v10 =	vor.u32 v7, v9;
	v56 =	vld.idx.msk [tilespmem:v12+s16+$0x0], $0xffff  }
0x316: {  	v13 =	vand.u32 $0x40, v13;
	v15 =	vshll.u32 v33, $0x7;
	v12 =	vor.u32 v3, v9;
	v57 =	vld.idx.msk [tilespmem:v8+s16+$0x0], $0xffff  }
0x317: {  	v8 =	vor.u32 v6, v9;
	v9 =	vor.u32 v15, v13;
	v59 =	vld.idx.msk [tilespmem:v0+s16+$0x0], $0xffff  }
0x318: {  	v13 =	vor.u32 v7, v9;
	v58 =	vld.idx.msk [tilespmem:v11+s16+$0x0], $0xffff  }
0x319: {  	v15 =	vor.u32 v3, v9;
	v11 =	vld.idx.msk [tilespmem:v14+s23+$0x0], $0xffff  }
0x31a: {  	v37 =	vor.u32 v47, v19;
	v10 =	vld.idx.msk [tilespmem:v10+s23+$0x0], $0xffff  }
0x31b: {  	v0 =	vor.u32 v47, v9;
	v14 =	vshll.u32 v60, $0x6;
	v12 =	vld.idx.msk [tilespmem:v12+s23+$0x0], $0xffff  }
0x31c: {  	v9 =	vor.u32 v6, v9;
	v14 =	vand.u32 $0x40, v14;
	v8 =	vld.idx.msk [tilespmem:v8+s23+$0x0], $0xffff  }
0x31d: {  	v41 =	vor.u32 v7, v19;
	v19 =	vor.u32 v6, v19;
	v14 =	vor.u32 v62, v14;
	v13 =	vld.idx.msk [tilespmem:v13+s23+$0x0], $0xffff  }
0x31e: {  	v15 =	vld.idx.msk [tilespmem:v15+s23+$0x0], $0xffff;
	v33 =	vor.u32 v47, v14  }
0x31f: {  	v62 =	vld.idx.msk [tilespmem:v37+s23+$0x0], $0xffff;
	v60 =	vor.u32 v3, v14  }
0x320: {  	v31 =	vshll.u32 v31, $0x6;
	v0 =	vld.idx.msk [tilespmem:v0+s23+$0x0], $0xffff  }
0x321: {  	v36 =	vshll.u32 v36, $0x6;
	v31 =	vand.u32 $0x40, v31;
	v16 =	vshll.u32 v16, $0x7;
	v9 =	vld.idx.msk [tilespmem:v9+s23+$0x0], $0xffff  }
0x322: {  	v16 =	vor.u32 v16, v31;
	v63 =	vor.u32 v7, v14;
	v31 =	vadd.f32 v20, v11;
	v11 =	vld.idx.msk [tilespmem:v19+s23+$0x0], $0xffff  }
0x323: {  	v36 =	vand.u32 $0x40, v36;
	v17 =	vshll.u32 v17, $0x7;
	v14 =	vor.u32 v6, v14;
	v33 =	vld.idx.msk [tilespmem:v33+s23+$0x0], $0xffff  }
0x324: {  	v17 =	vor.u32 v17, v36;
	v38 =	vld.idx.msk [tilespmem:v60+s23+$0x0], $0xffff  }
0x325: {  	v36 =	vor.u32 v47, v17;
	v60 =	vld.idx.msk [tilespmem:v61+s23+$0x0], $0xffff  }
0x326: {  	v32 =	vadd.f32 v42, v32;
	v61 =	vld.idx.msk [tilespmem:v40+s23+$0x0], $0xffff;
	v40 =	vor.u32 v3, v17  }
0x327: {  	v37 =	vor.u32 v7, v17;
	v19 =	vor.u32 v47, v16;
	v47 =	vadd.f32 v18, v10;
	v34 =	vld.idx.msk [tilespmem:v63+s23+$0x0], $0xffff  }
0x328: {  	v20 =	vadd.f32 v21, v12;
	v18 =	vadd.f32 v22, v8;
	v14 =	vld.idx.msk [tilespmem:v14+s23+$0x0], $0xffff  }
0x329: {  	v12 =	vor.u32 v7, v16;
	v43 =	vadd.f32 v23, v13;
	v63 =	vld.idx.msk [tilespmem:v41+s23+$0x0], $0xffff;
	v41 =	vadd.f32 v25, v15  }
0x32a: {  	v10 =	vld.idx.msk [tilespmem:v36+s23+$0x0], $0xffff;
	v25 =	vadd.f32 v48, v62;
	v24 =	vadd.f32 v24, v0  }
0x32b: {  	v13 =	vld.idx.msk [tilespmem:v40+s23+$0x0], $0xffff;
	v40 =	vadd.f32 v26, v9;
	v39 =	vadd.f32 v27, v33  }
0x32c: {  	v15 =	vor.u32 v6, v16;
	v0 =	vld.idx.msk [tilespmem:v37+s23+$0x0], $0xffff;
	v36 =	vadd.f32 v28, v34;
	v37 =	vadd.f32 v29, v38  }
0x32d: {  	v8 =	vor.u32 v3, v16;
	v16 =	vld.idx.msk [tilespmem:v19+s23+$0x0], $0xffff;
	v38 =	vadd.f32 v30, v14;
	v33 =	vadd.f32 v44, v35  }
0x32e: {  	v12 =	vld.idx.msk [tilespmem:v12+s23+$0x0], $0xffff;
	v34 =	vadd.f32 v45, v60;
	v35 =	vadd.f32 v46, v61  }
0x32f: {  	v17 =	vor.u32 v6, v17;
	v30 =	vadd.f32 v49, v63;
	v28 =	vadd.f32 v50, v1  }
0x330: {  	v27 =	vadd.f32 v52, v10;
	v1 =	vmul.f32 v31, v31;
	v10 =	vmul.f32 v20, v20  }
0x331: {  	v14 =	vld.idx.msk [tilespmem:v15+s23+$0x0], $0xffff;
	v29 =	vadd.f32 v51, v11;
	v11 =	vmul.f32 v18, v18;
	v15 =	vmul.f32 v43, v43  }
0x332: {  	v8 =	vld.idx.msk [tilespmem:v8+s23+$0x0], $0xffff;
	v63 =	vmul.f32 v32, v32;
	v26 =	vadd.f32 v53, v0;
	v42 =	vadd.f32 v56, v16  }
0x333: {  	v23 =	vadd.f32 v57, v12;
	v0 =	vadd.f32 v47, v31;
	v16 =	vmul.f32 v41, v41  }
0x334: {  	v9 =	vld.idx.msk [tilespmem:v17+s23+$0x0], $0xffff;
	v12 =	vadd.f32 v43, v24;
	v17 =	vmul.f32 v40, v40;
	v19 =	vmul.f32 v39, v39  }
0x335: {  	v21 =	vmul.f32 v36, v36;
	v22 =	vmul.f32 v37, v37;
	v45 =	vadd.f32 v34, v33  }
0x336: {  	v62 =	vmul.f32 v38, v38;
	v51 =	vadd.f32 v30, v25;
	v52 =	vadd.f32 v29, v28  }
0x337: {  	[tilespmem:$0x1FB50] =	vst v20;
	v49 =	vmul.f32 v35, v35;
	v3 =	vadd.f32 v59, v8;
	v8 =	vadd.f32 v18, v20  }
0x338: {  	[tilespmem:$0x1FB60] =	vst v18;
	v46 =	vmul.f32 v33, v33;
	v18 =	vadd.f32 v36, v39;
	v20 =	vadd.f32 v38, v37  }
0x339: {  	v48 =	vmul.f32 v34, v34;
	v63 =	vadd.f32 v63, v49;
	v61 =	vadd.f32 v54, v13  }
0x33a: {  	v53 =	vmul.f32 v25, v25;
	v60 =	vadd.f32 v55, v9;
	v6 =	vadd.f32 v58, v14  }
0x33b: {  	[tilespmem:$0x1FB40] =	vst v47;
	v9 =	vmul.f32 v47, v47;
	v14 =	vadd.f32 v40, v41;
	v47 =	vadd.f32 v32, v35  }
0x33c: {  	v56 =	vmul.f32 v28, v28;
	v55 =	vadd.f32 v26, v27;
	v58 =	vadd.f32 v23, v42  }
0x33d: {  	v13 =	vmul.f32 v24, v24;
	v0 =	vadd.f32 v8, v0;
	v57 =	vadd.f32 v60, v61  }
0x33e: {  	v54 =	vmul.f32 v30, v30;
	v59 =	vadd.f32 v6, v3;
	v1 =	vadd.f32 v9, v1  }
0x33f: {  	v8 =	vmul.f32 v29, v29;
	v9 =	vadd.f32 v11, v10;
	v11 =	vadd.f32 v14, v12  }
0x340: {  	v10 =	vmul.f32 v27, v27;
	v12 =	vadd.f32 v15, v13;
	v14 =	vadd.f32 v17, v16  }
0x341: {  	v13 =	vmul.f32 v26, v26;
	v15 =	vadd.f32 v20, v18;
	v17 =	vadd.f32 v21, v19  }
0x342: {  	[tilespmem:$0x1FC10] =	vst v61;
	v16 =	vmul.f32 v61, v61;
	v61 =	vadd.f32 v62, v22;
	v20 =	vadd.f32 v47, v45  }
0x343: {  	v62 =	vmul.f32 v60, v60;
	v21 =	vadd.f32 v48, v46;
	v45 =	vadd.f32 v52, v51  }
0x344: {  	v22 =	vmul.f32 v42, v42;
	v53 =	vadd.f32 v54, v53;
	v8 =	vadd.f32 v8, v56  }
0x345: {  	v52 =	vmul.f32 v23, v23;
	v56 =	vadd.f32 v57, v55;
	v10 =	vadd.f32 v13, v10  }
0x346: {  	v54 =	vmul.f32 v3, v3;
	v16 =	vadd.f32 v62, v16;
	v57 =	vadd.f32 v59, v58  }
0x347: {  	v13 =	vmul.f32 v6, v6;
	v22 =	vadd.f32 v52, v22;
	v1 =	vadd.f32 v9, v1  }
0x348: {  	v9 =	vperm.xlane v0, v5;
	v12 =	vadd.f32 v14, v12;
	v14 =	vperm.xlane v11, v5  }
0x349: {  	v17 =	vadd.f32 v61, v17;
	v58 =	vperm.xlane v15, v5;
	v21 =	vadd.f32 v63, v21  }
0x34a: {  	[tilespmem:$0x1FC20] =	vst v60;
	v59 =	vperm.xlane v20, v5;
	v8 =	vadd.f32 v8, v53;
	v60 =	vperm.xlane v45, v5  }
0x34b: {  	v13 =	vadd.f32 v13, v54;
	v10 =	vadd.f32 v16, v10;
	v61 =	vperm.xlane v56, v5  }
0x34c: {  	v0 =	vadd.f32 v0, v9;
	v11 =	vadd.f32 v11, v14;
	v14 =	vperm.xlane v12, v5  }
0x34d: {  	v15 =	vadd.f32 v15, v58;
	v62 =	vperm.xlane v17, v5;
	v20 =	vadd.f32 v20, v59  }
0x34e: {  	v63 =	vperm.xlane v21, v5;
	v45 =	vadd.f32 v45, v60;
	v52 =	vperm.xlane v8, v5  }
0x34f: {  	v9 =	vadd.f32 v13, v22;
	v13 =	vperm.xlane v57, v5;
	v22 =	vperm.xlane v1, v5  }
0x350: {  	v16 =	vadd.f32 v56, v61;
	v53 =	vperm.xlane v10, v5;
	v54 =	vperm.xlane v0, v4  }
0x351: {  	v55 =	vperm.xlane v11, v4;
	v12 =	vadd.f32 v14, v12;
	v17 =	vadd.f32 v62, v17  }
0x352: {  	v14 =	vperm.xlane v15, v4;
	v21 =	vadd.f32 v63, v21;
	v8 =	vadd.f32 v52, v8  }
0x353: {  	v56 =	vperm.xlane v20, v4;
	v13 =	vadd.f32 v57, v13;
	v1 =	vadd.f32 v22, v1  }
0x354: {  	v22 =	vperm.xlane v9, v5;
	v57 =	vperm.xlane v45, v4;
	v10 =	vadd.f32 v53, v10  }
0x355: {  	v58 =	vperm.xlane v16, v4;
	v0 =	vadd.f32 v0, v54;
	v14 =	vadd.f32 v15, v14  }
0x356: {  	v15 =	vperm.xlane v17, v4;
	v18 =	vadd.f32 v20, v56;
	v20 =	vperm.xlane v21, v4  }
0x357: {  	v11 =	vadd.f32 v11, v55;
	v61 =	vperm.xlane v8, v4;
	v59 =	vperm.xlane v13, v4  }
0x358: {  	v9 =	vadd.f32 v22, v9;
	v60 =	vperm.xlane v1, v4;
	v44 =	vadd.f32 v45, v57  }
0x359: {  	v22 =	vperm.xlane v12, v4;
	v16 =	vadd.f32 v16, v58;
	v8 =	vadd.f32 v61, v8  }
0x35a: {  	v62 =	vperm.xlane v10, v4;
	v52 =	vperm.xlane v11, v2;
	v1 =	vadd.f32 v60, v1  }
0x35b: {  	v13 =	vadd.f32 v13, v59;
	v12 =	vadd.f32 v22, v12;
	v59 =	vperm.xlane v8, v2  }
0x35c: {  	v63 =	vperm.xlane v0, v2;
	v15 =	vadd.f32 v15, v17;
	v61 =	vld [tilespmem:$0x1FF90];
	v56 =	vperm.xlane v1, v2  }
0x35d: {  	v11 =	vadd.f32 v11, v52;
	v57 =	vperm.xlane v12, v2;
	v52 =	vadd.f32 v59, v8;
	v8 =	vld [tilespmem:$0x1FF90]  }
0x35e: {  	v20 =	vadd.f32 v20, v21;
	v22 =	vperm.xlane v14, v2;
	v47 =	vadd.f32 v56, v1;
	v1 =	vld [tilespmem:$0x1FF90]  }
0x35f: {  	v53 =	vperm.xlane v18, v2;
	v0 =	vadd.f32 v0, v63;
	v48 =	vadd.f32 v57, v12;
	v12 =	vld [tilespmem:$0x1FF90]  }
0x360: {  	v54 =	vperm.xlane v16, v2;
	v14 =	vadd.f32 v14, v22;
	v22 =	vperm.xlane v15, v2  }
0x361: {  	v21 =	vperm.xlane v44, v2;
	v10 =	vadd.f32 v62, v10;
	v63 =	vld [tilespmem:$0x1FF90];
	v62 =	vperm.xlane v0, v61  }
0x362: {  	[tilespmem:$0x1FC30] =	vst v42;
	v42 =	vperm.xlane v9, v4;
	v16 =	vadd.f32 v16, v54;
	v46 =	vadd.f32 v22, v15;
	v15 =	vld [tilespmem:$0x1FF90]  }
0x363: {  	v21 =	vadd.f32 v44, v21;
	v44 =	vadd.f32 v0, v62;
	v0 =	vld [tilespmem:$0x1FF90];
	v1 =	vperm.xlane v11, v1  }
0x364: {  	v17 =	vadd.f32 v18, v53;
	v19 =	vperm.xlane v16, v8;
	v8 =	vld [tilespmem:$0x1FF90];
	v12 =	vperm.xlane v14, v12  }
0x365: {  	v55 =	vperm.xlane v13, v2;
	v9 =	vadd.f32 v42, v9;
	v56 =	vadd.f32 v11, v1;
	v1 =	vld [tilespmem:$0x1FF90]  }
0x366: {  	s11 =	sadd.s32 $0x7, s10;
	v58 =	vperm.xlane v20, v2;
	v60 =	vperm.xlane v10, v2;
	v51 =	vadd.f32 v14, v12;
	v14 =	vld [tilespmem:$0x1FF90]  }
0x367: {  	p1 =	slt.u32 s10, $0x78;
	v45 =	vadd.f32 v13, v55;
	v13 =	vperm.xlane v9, v2;
	v55 =	vmov s11  }
.Ltmp0:
0x368: {  	v49 =	vadd.f32 v58, v20;
	v54 =	vadd.f32 v60, v10;
	v18 =	vperm.xlane v21, v63;
	(pc) =	sbr.rel @p1 .LBB2_3-.Ltmp0, $4  }
0x369: {  	[tilespmem:$0x1FB30] =	vst v31;
	v53 =	vadd.f32 v13, v9;
	v15 =	vperm.xlane v17, v15;
	v0 =	vperm.xlane v47, v0  }
0x36a: {  	[tilespmem:$0x1FC40] =	vst v3;
	v58 =	vadd.f32 v21, v18;
	v8 =	vperm.xlane v45, v8;
	v63 =	vperm.xlane v48, v1  }
0x36b: {  	[tilespmem:$0x1FC50] =	vst v6;
	v59 =	vadd.f32 v16, v19;
	v50 =	vperm.xlane v46, v14;
	v60 =	vperm.xlane v49, v14  }
0x36c: {  	s10 =	sadd.s32 $0x8, s10;
	v9 =	vld.idx.msk [tilespmem:v55+s20+$0x0], $0xffff;
	v62 =	vadd.f32 v17, v15;
	v61 =	vperm.xlane v52, v14;
	v57 =	vperm.xlane v54, v14  }
0x36d: {  	_ =	sdelay $0x2  }
0x36e: {  	v3 =	vlaneseq.u32;
	v12 =	vshll.u32 v55, $0x7;
	v6 =	vmul.f32 $1.562500000e-02, v44  }
0x36f: {  	v1 =	vld.idx.msk [tilespmem:v55+s4+$0x0], $0xffff;
	v8 =	vadd.f32 v45, v8;
	v42 =	vperm.xlane v53, v14;
	v0 =	vadd.f32 v0, v47  }
0x370: {  	v5 =	vld [tilespmem:$0x1FFB0];
	v56 =	vmul.f32 $1.562500000e-02, v56;
	v17 =	vadd.f32 v63, v48;
	v51 =	vmul.f32 $1.562500000e-02, v51  }
0x371: {  	v2 =	vld [tilespmem:$0x1FFE0];
	v18 =	vadd.f32 v50, v46;
	v19 =	vadd.f32 v60, v49;
	v47 =	vmul.f32 $1.562500000e-02, v58  }
0x372: {  	v46 =	vmul.f32 $1.562500000e-02, v59;
	v50 =	vmul.f32 $1.562500000e-02, v62;
	v9 =	vshll.u32 v9, $0x6  }
0x373: {  	v20 =	vadd.f32 v61, v52;
	v21 =	vadd.f32 v57, v54;
	v10 =	vor.u32 v3, v9  }
0x374: {  	v45 =	vmul.f32 $1.562500000e-02, v8;
	v1 =	vshll.u32 v1, $0x6;
	v11 =	vor.u32 v7, v9  }
0x375: {  	v0 =	vmul.f32 $1.562500000e-02, v0;
	v13 =	vor.u32 v5, v9;
	v1 =	vand.u32 $0x40, v1  }
0x376: {  	v44 =	vmovc v14;
	v14 =	vadd.f32 v42, v53;
	v9 =	vor.u32 v2, v9;
	v1 =	vor.u32 v12, v1  }
0x377: {  	v17 =	vmul.f32 $1.562500000e-02, v17;
	v42 =	vsub.f32 v24, v56;
	v12 =	vor.u32 v3, v1  }
0x378: {  	v22 =	vmul.f32 v56, v56;
	v43 =	vsub.f32 v43, v56;
	v15 =	vor.u32 v7, v1;
	v10 =	vld.idx.msk [tilespmem:v10+s16+$0x0], $0xffff  }
0x379: {  	v19 =	vmul.f32 $1.562500000e-02, v19;
	v48 =	vsub.f32 v41, v56;
	v16 =	vor.u32 v5, v1;
	v11 =	vld.idx.msk [tilespmem:v11+s16+$0x0], $0xffff  }
0x37a: {  	v57 =	vmul.f32 v47, v47;
	v61 =	vmul.f32 v46, v46;
	v1 =	vor.u32 v2, v1;
	v13 =	vld.idx.msk [tilespmem:v13+s16+$0x0], $0xffff  }
0x37b: {  	v40 =	vsub.f32 v40, v56;
	v30 =	vsub.f32 v30, v47;
	v31 =	vmul.f32 v50, v50;
	v9 =	vld.idx.msk [tilespmem:v9+s16+$0x0], $0xffff  }
0x37c: {  	v27 =	vsub.f32 v27, v46;
	v20 =	vmul.f32 $1.562500000e-02, v20;
	v60 =	vmul.f32 $1.562500000e-02, v21;
	v12 =	vld.idx.msk [tilespmem:v12+s23+$0x0], $0xffff  }
0x37d: {  	v32 =	vsub.f32 v32, v50;
	v31 =	vsub.f32 v19, v31;
	v7 =	vmul.f32 v6, v6;
	v5 =	vld.idx.msk [tilespmem:v15+s23+$0x0], $0xffff  }
0x37e: {  	v18 =	vmul.f32 $1.562500000e-02, v18;
	v20 =	vsub.f32 v20, v57;
	v8 =	vsub.f32 v60, v61;
	v16 =	vld.idx.msk [tilespmem:v16+s23+$0x0], $0xffff  }
0x37f: {  	v62 =	vmul.f32 $1.562500000e-02, v14;
	v14 =	vmax.f32 v31, $0.0e+00;
	v0 =	vsub.f32 v0, v7;
	v1 =	vld.idx.msk [tilespmem:v1+s23+$0x0], $0xffff  }
0x380: {  	v20 =	vmax.f32 v20, $0.0e+00;
	v8 =	vmax.f32 v8, $0.0e+00;
	v14 =	vadd.f32 $9.999999960e-13, v14  }
0x381: {  	v8 =	vadd.f32 $9.999999960e-13, v8;
	v0 =	vmax.f32 v0, $0.0e+00;
	v15 =	vsub.f32 v17, v22  }
0x382: {  	v24 =	vmul.f32 v51, v51;
	v0 =	vadd.f32 $9.999999960e-13, v0;
	v22 =	vadd.f32 $9.999999960e-13, v20  }
0x383: {  	v49 =	vmul.f32 v45, v45;
	v52 =	vadd.f32 v10, v12;
	v53 =	vadd.f32 v11, v5  }
0x384: {  	v57 =	vshra.s32 v14, $0x1;
	v54 =	vadd.f32 v13, v16;
	v55 =	vadd.f32 v9, v1  }
0x385: {  	v14 =	vmul.f32 $5.000000000e-01, v14;
	v5 =	vsub.f32 v18, v24;
	v10 =	vadd.f32 v53, v52  }
0x386: {  	v61 =	vld [tilespmem:$0x1FFD0];
	v7 =	vadd.f32 v55, v54;
	v12 =	vmul.f32 v52, v52;
	v24 =	vmul.f32 v53, v53  }
0x387: {  	v60 =	vmax.f32 v15, $0.0e+00;
	v16 =	vmul.f32 v54, v54;
	v41 =	vmul.f32 v55, v55  }
0x388: {  	v3 =	vshra.s32 v0, $0x1;
	v1 =	vsub.f32 v62, v49;
	v10 =	vadd.f32 v7, v10  }
0x389: {  	v15 =	vsub.s32 $0x5F3759DF, v3;
	v58 =	vadd.f32 v24, v12;
	v59 =	vadd.f32 v41, v16  }
0x38a: {  	v13 =	vadd.f32 $9.999999960e-13, v60;
	v49 =	vmul.f32 $5.000000000e-01, v0;
	v60 =	vshra.s32 v8, $0x1  }
0x38b: {  	v8 =	vmul.f32 $5.000000000e-01, v8;
	v11 =	vadd.f32 v59, v58;
	v62 =	vperm.xlane v10, v61  }
0x38c: {  	v20 =	vsub.s32 $0x5F3759DF, v60;
	v9 =	vmax.f32 v5, $0.0e+00;
	v1 =	vmax.f32 v1, $0.0e+00  }
0x38d: {  	v9 =	vadd.f32 $9.999999960e-13, v9;
	v10 =	vadd.f32 v10, v62;
	v5 =	vperm.xlane v11, v61  }
0x38e: {  	v24 =	vshra.s32 v13, $0x1;
	v13 =	vmul.f32 $5.000000000e-01, v13;
	v12 =	vmul.f32 $5.000000000e-01, v22;
	v62 =	vld [tilespmem:$0x1FFC0]  }
0x38f: {  	v41 =	vshra.s32 v9, $0x1;
	v21 =	vperm.xlane v10, v4;
	v11 =	vadd.f32 v5, v11  }
0x390: {  	v9 =	vmul.f32 $5.000000000e-01, v9;
	v59 =	vshra.s32 v22, $0x1;
	v5 =	vadd.f32 $9.999999960e-13, v1  }
0x391: {  	v1 =	vsub.s32 $0x5F3759DF, v24;
	v10 =	vadd.f32 v10, v21;
	v4 =	vperm.xlane v11, v4  }
0x392: {  	v16 =	vsub.s32 $0x5F3759DF, v41;
	v19 =	vsub.s32 $0x5F3759DF, v59;
	v7 =	vmul.f32 v1, v13  }
0x393: {  	v60 =	vmul.f32 v19, v12;
	v31 =	vperm.xlane v10, v62;
	v11 =	vadd.f32 v4, v11  }
0x394: {  	v18 =	vsub.s32 $0x5F3759DF, v57;
	v24 =	vmul.f32 v16, v9;
	v21 =	vmul.f32 v1, v7  }
0x395: {  	v4 =	vmul.f32 v15, v49;
	v10 =	vadd.f32 v10, v31;
	v58 =	vperm.xlane v11, v62  }
0x396: {  	v0 =	vmul.f32 $5.000000000e-01, v5;
	v3 =	vmul.f32 v16, v24;
	v21 =	vsub.f32 $1.500000000e+00, v21  }
0x397: {  	v22 =	vmul.f32 v15, v4;
	v61 =	vperm.xlane v10, v44;
	v11 =	vadd.f32 v58, v11  }
0x398: {  	v17 =	vshra.s32 v5, $0x1;
	v7 =	vmul.f32 v19, v60;
	v1 =	vmul.f32 v1, v21  }
0x399: {  	v22 =	vsub.f32 $1.500000000e+00, v22;
	v10 =	vadd.f32 v10, v61;
	v5 =	vperm.xlane v11, v44  }
0x39a: {  	v58 =	vsub.f32 $1.500000000e+00, v7;
	v13 =	vmul.f32 v1, v13;
	v44 =	vmul.f32 v18, v14  }
0x39b: {  	v41 =	vmul.f32 v15, v22;
	v10 =	vmul.f32 $1.562500000e-02, v10;
	v11 =	vadd.f32 v5, v11  }
0x39c: {  	v23 =	vsub.f32 v23, v45;
	v61 =	vmul.f32 v20, v8;
	v19 =	vmul.f32 v19, v58  }
0x39d: {  	v22 =	vsub.f32 $1.500000000e+00, v3;
	v11 =	vmul.f32 $1.562500000e-02, v11;
	v31 =	vmul.f32 v10, v10  }
0x39e: {  	v17 =	vsub.s32 $0x5F3759DF, v17;
	v13 =	vmul.f32 v13, v1;
	v4 =	vmul.f32 v18, v44  }
0x39f: {  	v5 =	vmul.f32 v17, v0;
	v16 =	vmul.f32 v16, v22;
	v11 =	vsub.f32 v11, v31  }
0x3a0: {  	v15 =	vmul.f32 v20, v61;
	v12 =	vmul.f32 v19, v12;
	v13 =	vsub.f32 $1.500000000e+00, v13  }
0x3a1: {  	v57 =	vsub.f32 $1.500000000e+00, v4;
	v21 =	vmul.f32 v17, v5;
	v11 =	vmax.f32 v11, $0.0e+00  }
0x3a2: {  	v9 =	vmul.f32 v16, v9;
	v15 =	vsub.f32 $1.500000000e+00, v15;
	v11 =	vadd.f32 $9.999999960e-13, v11  }
0x3a3: {  	v4 =	vsub.f32 v36, v51;
	v5 =	vsub.f32 v37, v51;
	v12 =	vmul.f32 v12, v19  }
0x3a4: {  	v1 =	vmul.f32 v13, v1;
	v24 =	vshra.s32 v11, $0x1;
	v11 =	vmul.f32 $5.000000000e-01, v11  }
0x3a5: {  	v18 =	vmul.f32 v18, v57;
	v9 =	vmul.f32 v9, v16;
	v22 =	vsub.s32 $0x5F3759DF, v24  }
0x3a6: {  	v52 =	vsub.f32 v52, v10;
	v15 =	vmul.f32 v20, v15;
	v31 =	vmul.f32 v22, v11  }
0x3a7: {  	v21 =	vsub.f32 $1.500000000e+00, v21;
	v57 =	vmul.f32 v1, v42;
	v58 =	vmul.f32 v1, v43  }
0x3a8: {  	v53 =	vsub.f32 v53, v10;
	v59 =	vmul.f32 v1, v48;
	v44 =	vmul.f32 v22, v31  }
0x3a9: {  	v12 =	vsub.f32 $1.500000000e+00, v12;
	v1 =	vmul.f32 v1, v40;
	v17 =	vmul.f32 v17, v21  }
0x3aa: {  	v9 =	vsub.f32 $1.500000000e+00, v9;
	v14 =	vmul.f32 v18, v14;
	v60 =	vsub.f32 $1.500000000e+00, v44  }
0x3ab: {  	v20 =	vsub.f32 v39, v51;
	v39 =	vld [tilespmem:$0x1FC20];
	v8 =	vmul.f32 v15, v8;
	v12 =	vmul.f32 v12, v19  }
0x3ac: {  	v56 =	vsub.f32 v54, v10;
	v40 =	vld [tilespmem:$0x1FC30];
	v9 =	vmul.f32 v9, v16;
	v61 =	vmul.f32 v22, v60  }
0x3ad: {  	v10 =	vsub.f32 v55, v10;
	v0 =	vmul.f32 v17, v0;
	v14 =	vmul.f32 v14, v18  }
0x3ae: {  	v13 =	vsub.f32 v33, v50;
	v8 =	vmul.f32 v8, v15;
	v11 =	vmul.f32 v61, v11  }
0x3af: {  	v43 =	vld [tilespmem:$0x1FC50];
	v16 =	vsub.f32 v34, v50;
	v0 =	vmul.f32 v0, v17;
	v14 =	vsub.f32 $1.500000000e+00, v14  }
0x3b0: {  	v8 =	vsub.f32 $1.500000000e+00, v8;
	v24 =	vsub.f32 v39, v46;
	v39 =	vld [tilespmem:$0x1FF10];
	v11 =	vmul.f32 v11, v61  }
0x3b1: {  	v42 =	vld [tilespmem:$0x1FC40];
	v21 =	vsub.f32 v40, v45;
	v20 =	vmul.f32 v9, v20;
	v14 =	vmul.f32 v14, v18  }
0x3b2: {  	v36 =	vmul.f32 v9, v5;
	v8 =	vmul.f32 v8, v15;
	v11 =	vsub.f32 $1.500000000e+00, v11  }
0x3b3: {  	v5 =	vld [tilespmem:$0x1FF60];
	v18 =	vsub.f32 v28, v47;
	v13 =	vmul.f32 v14, v13;
	v16 =	vmul.f32 v14, v16  }
0x3b4: {  	v44 =	vsub.f32 v38, v51;
	v38 =	vsub.f32 v43, v45;
	v43 =	vld [tilespmem:$0x1FF20];
	v11 =	vmul.f32 v11, v61  }
0x3b5: {  	v40 =	vld [tilespmem:$0x1FF40];
	v18 =	vmul.f32 v12, v18;
	v51 =	vsub.f32 v35, v50;
	v1 =	vmul.f32 v1, v39  }
0x3b6: {  	v35 =	vsub.f32 v42, v45;
	v42 =	vld [tilespmem:$0x1FF30];
	v22 =	vmul.f32 v9, v4;
	v10 =	vmul.f32 v11, v10  }
0x3b7: {  	v31 =	vsub.f32 v25, v47;
	v9 =	vmul.f32 v9, v44;
	v45 =	vmul.f32 v14, v51  }
0x3b8: {  	v26 =	vsub.f32 v26, v46;
	v14 =	vmul.f32 v14, v32;
	v10 =	vmul.f32 v10, v39  }
0x3b9: {  	v19 =	vsub.f32 v29, v47;
	v50 =	vmul.f32 v12, v31;
	v60 =	vld [tilespmem:$0x1FC10];
	v28 =	vmul.f32 v57, v43  }
0x3ba: {  	v9 =	vmul.f32 v9, v39;
	v14 =	vmul.f32 v14, v39;
	v10 =	vadd.f32 v10, v5  }
0x3bb: {  	s9 =	sadd.s32 $0x400, s9;
	v29 =	vmul.f32 v58, v42;
	v20 =	vmul.f32 v20, v43;
	v28 =	vadd.f32 v28, v40  }
0x3bc: {  	v37 =	vld [tilespmem:$0x1FF50];
	v1 =	vadd.f32 v1, v5;
	v13 =	vmul.f32 v13, v43;
	v57 =	vmul.f32 v50, v43;
	[tilespmem:s9+$0x1B0] =	vst v10  }
0x3bd: {  	v9 =	vadd.f32 v9, v5;
	v20 =	vadd.f32 v20, v40;
	v15 =	vmul.f32 v11, v52;
	v3 =	vld [tilespmem:$0x1FF70];
	[tilespmem:s9+$0xFFFFFE80] =	vst v28  }
0x3be: {  	v61 =	vsub.f32 v60, v46;
	v52 =	vmul.f32 v12, v30;
	v12 =	vmul.f32 v12, v19;
	v4 =	vld [tilespmem:$0x1FF80];
	[tilespmem:s9+$0xFFFFFEB0] =	vst v1  }
0x3bf: {  	v58 =	vmul.f32 v8, v27;
	v13 =	vadd.f32 v13, v40;
	v60 =	vmul.f32 v8, v26;
	[tilespmem:s9+$0xFFFFFF00] =	vst v20  }
0x3c0: {  	v7 =	vadd.f32 v14, v5;
	v61 =	vmul.f32 v8, v61;
	v27 =	vmul.f32 v12, v39;
	[tilespmem:s9+$0xFFFFFF30] =	vst v9  }
0x3c1: {  	v8 =	vmul.f32 v8, v24;
	v24 =	vadd.f32 v57, v40;
	v28 =	vmul.f32 v58, v43;
	[tilespmem:s9+$0xFFFFFF80] =	vst v13  }
0x3c2: {  	v0 =	vsub.f32 $1.500000000e+00, v0;
	v32 =	vadd.f32 v27, v5;
	[tilespmem:s9+$0xFFFFFFB0] =	vst v7  }
0x3c3: {  	v47 =	vmul.f32 v22, v42;
	[tilespmem:s9+$0x0] =	vst v24;
	v12 =	vadd.f32 v28, v40  }
0x3c4: {  	v0 =	vmul.f32 v0, v17;
	v16 =	vmul.f32 v16, v42;
	[tilespmem:s9+$0x30] =	vst v32;
	v44 =	vadd.f32 v29, v3  }
0x3c5: {  	v17 =	vmul.f32 v11, v53;
	v10 =	vmul.f32 v52, v42;
	[tilespmem:s9+$0x80] =	vst v12;
	v51 =	vadd.f32 v47, v3  }
0x3c6: {  	v11 =	vmul.f32 v11, v56;
	v30 =	vmul.f32 v60, v42;
	v56 =	vadd.f32 v16, v3;
	[tilespmem:s9+$0xFFFFFE90] =	vst v44  }
0x3c7: {  	v34 =	vmul.f32 v59, v37;
	v26 =	vadd.f32 v10, v3;
	[tilespmem:s9+$0xFFFFFF10] =	vst v51  }
0x3c8: {  	v48 =	vmul.f32 v36, v37;
	v36 =	vadd.f32 v30, v3;
	[tilespmem:s9+$0xFFFFFF90] =	vst v56  }
0x3c9: {  	v55 =	vmul.f32 v45, v37;
	v46 =	vadd.f32 v34, v4;
	[tilespmem:s9+$0x10] =	vst v26  }
0x3ca: {  	v25 =	vmul.f32 v18, v37;
	v53 =	vadd.f32 v48, v4;
	[tilespmem:s9+$0x90] =	vst v36  }
0x3cb: {  	v31 =	vmul.f32 v0, v21;
	v8 =	vmul.f32 v8, v39;
	v59 =	vadd.f32 v55, v4;
	[tilespmem:s9+$0xFFFFFEA0] =	vst v46  }
0x3cc: {  	v29 =	vadd.f32 v25, v4;
	v34 =	vmul.f32 v0, v35;
	v35 =	vmul.f32 v61, v37;
	[tilespmem:s9+$0xFFFFFF20] =	vst v53  }
0x3cd: {  	v54 =	vmul.f32 v41, v49;
	v33 =	vmul.f32 v0, v23;
	v8 =	vadd.f32 v8, v5;
	[tilespmem:s9+$0xFFFFFFA0] =	vst v59  }
0x3ce: {  	v0 =	vmul.f32 v0, v38;
	v44 =	vmul.f32 v31, v43;
	[tilespmem:s9+$0x20] =	vst v29;
	v38 =	vadd.f32 v35, v4  }
0x3cf: {  	v45 =	vld [tilespmem:$0x1FB30];
	[tilespmem:s9+$0xB0] =	vst v8  }
0x3d0: {  	v1 =	vmul.f32 v54, v41;
	v47 =	vadd.f32 v44, v40;
	[tilespmem:s9+$0xA0] =	vst v38  }
0x3d1: {  	v49 =	vld [tilespmem:$0x1FB40]  }
0x3d2: {  	v15 =	vmul.f32 v15, v43;
	v1 =	vsub.f32 $1.500000000e+00, v1;
	v51 =	vld [tilespmem:$0x1FB50];
	[tilespmem:s9+$0x100] =	vst v47  }
0x3d3: {  	v11 =	vmul.f32 v11, v37;
	v10 =	vmul.f32 v33, v42;
	v53 =	vld [tilespmem:$0x1FB60]  }
0x3d4: {  	v1 =	vmul.f32 v1, v41;
	v48 =	vmul.f32 v34, v37  }
0x3d5: {  	v10 =	vadd.f32 v10, v3;
	v0 =	vmul.f32 v0, v39;
	v46 =	vsub.f32 v45, v6  }
0x3d6: {  	v55 =	vmul.f32 v17, v42;
	v13 =	vadd.f32 v48, v4;
	v50 =	vsub.f32 v49, v6  }
0x3d7: {  	v0 =	vadd.f32 v0, v5;
	[tilespmem:s9+$0x110] =	vst v10;
	v52 =	vsub.f32 v51, v6;
	v9 =	vmul.f32 v1, v46  }
0x3d8: {  	v56 =	vadd.f32 v15, v40;
	[tilespmem:s9+$0x120] =	vst v13;
	v54 =	vsub.f32 v53, v6;
	v8 =	vmul.f32 v1, v50  }
0x3d9: {  	v57 =	vadd.f32 v55, v3;
	[tilespmem:s9+$0x130] =	vst v0;
	v9 =	vmul.f32 v9, v43;
	v58 =	vmul.f32 v1, v52  }
0x3da: {  	v11 =	vadd.f32 v11, v4;
	[tilespmem:s9+$0x180] =	vst v56;
	v1 =	vmul.f32 v1, v54;
	v8 =	vmul.f32 v8, v42  }
0x3db: {  	[tilespmem:s9+$0x190] =	vst v57;
	v59 =	vadd.f32 v9, v40;
	v60 =	vmul.f32 v58, v37  }
0x3dc: {  	p1 =	sne.s32 s2, $0x1F;
	[tilespmem:s9+$0x1A0] =	vst v11;
	v1 =	vmul.f32 v1, v39;
	v8 =	vadd.f32 v8, v3  }
.Ltmp1:
0x3dd: {  	[tilespmem:s9+$0xFFFFFE00] =	vst v59;
	v61 =	vadd.f32 v60, v4;
	(pc) =	sbr.rel @p1 .LBB2_6-.Ltmp1, $4  }
0x3de: {  	v1 =	vadd.f32 v1, v5;
	[tilespmem:s9+$0xFFFFFE10] =	vst v8  }
0x3df: {  	s10 =	sshll.u32 s2, $0xC;
	[tilespmem:s9+$0xFFFFFE20] =	vst v61  }
0x3e0: {  	s11 =	sadd.s32 s10, s12;
	[tilespmem:s9+$0xFFFFFE30] =	vst v1  }
0x3e1: {  	v63 =	vmov v2;
	[hbm4b:s11+s4] =	stream.linear.scatter [tilespmem:s29], [sflag:$0x3], $0x4000, $0x38;
	[tilespmem:$0x18400] =	vst v63  }
.Ltmp2:
0x3e2: {  	(pc) =	sbr.rel .LBB2_7-.Ltmp2, $4  }
0x3e3: {  	_ = 	snop  }
0x3e4: {  	_ =	swait.ge [sflag:s30], $0x4000  }
0x3e5: {  	[sflag:s30] =	ssyncset.done $0x0  }
0x3e6: {  	[sflag:s30] =	ssyncadd.s32 $0xFFFFC000  }
.LBB2_6:
0x3e7: {  	s9 =	sadd.s32 s19, s13  }
0x3e8: {  	s9 =	sshrl.u32 s9, $0x3  }
0x3e9: {  	s10 =	sadd.s32 s5, s9  }
0x3ea: {  	[tilespmem:s4], [sflag:$0x5] =	stream.linear.gather [hbm4b:s10+s4], $0x80, $0x38;
	[tilespmem:$0x18400] =	vst v63  }
0x3eb: {  	_ =	swait.ge [sflag:s17], $0x80  }
0x3ec: {  	[sflag:s17] =	ssyncset.done $0x0  }
0x3ed: {  	s9 =	sadd.s32 s6, s9;
	[sflag:s17] =	ssyncadd.s32 $0xFFFFFF80  }
0x3ee: {  	[tilespmem:s20], [sflag:$0x5] =	stream.linear.gather [hbm4b:s9+s4], $0x80, $0x38;
	[tilespmem:$0x18400] =	vst v63  }
0x3ef: {  	_ =	swait.ge [sflag:s17], $0x80  }
0x3f0: {  	[sflag:s17] =	ssyncset.done $0x0  }
0x3f1: {  	[sflag:s17] =	ssyncadd.s32 $0xFFFFFF80  }
0x3f2: {  	v0 =	vld [tilespmem:$0x0]  }
0x3f3: {  	v1 =	vld [tilespmem:$0x10]  }
0x3f4: {  	v8 =	vld [tilespmem:$0x20]  }
0x3f5: {  	v9 =	vld [tilespmem:$0x30]  }
0x3f6: {  	v10 =	vld [tilespmem:$0x40]  }
0x3f7: {  	v11 =	vld [tilespmem:$0x50];
	v0 =	vshrl.u32 v0, $0x1  }
0x3f8: {  	v54 =	vld [tilespmem:$0x60];
	v53 =	vshrl.u32 v1, $0x1;
	[tilespmem:$0x200] =	vst v0  }
0x3f9: {  	v56 =	vld [tilespmem:$0x70];
	v55 =	vshrl.u32 v8, $0x1;
	[tilespmem:$0x210] =	vst v53  }
0x3fa: {  	v57 =	vshrl.u32 v9, $0x1;
	[tilespmem:$0x220] =	vst v55  }
0x3fb: {  	v58 =	vshrl.u32 v10, $0x1;
	[tilespmem:$0x230] =	vst v57  }
0x3fc: {  	v59 =	vshrl.u32 v11, $0x1;
	[tilespmem:$0x240] =	vst v58  }
0x3fd: {  	v60 =	vshrl.u32 v54, $0x1;
	[tilespmem:$0x250] =	vst v59  }
0x3fe: {  	v61 =	vshrl.u32 v56, $0x1;
	[tilespmem:$0x260] =	vst v60  }
.Ltmp3:
0x3ff: {  	[tilespmem:$0x270] =	vst v61;
	(pc) =	sbr.rel @p0 .LBB2_8-.Ltmp3, $4  }
0x400: {  	[tilespmem:s23], [sflag:$0x1] =	stream.indirect.gather [hbm4b:s8+s21], $0x80, s22, s21, $0xb8;
	[tilespmem:$0x18400] =	vst v63  }
0x401: {  	_ =	swait.ge [sflag:s30], $0x4000  }
0x402: {  	[sflag:s30] =	ssyncset.done $0x0  }
0x403: {  	[sflag:s30] =	ssyncadd.s32 $0xFFFFC000  }
.LBB2_7:
0x404: {  	_ =	swait.ge [sflag:s31], $0x4000  }
0x405: {  	[sflag:s31] =	ssyncset.done $0x0  }
0x406: {  	[sflag:s31] =	ssyncadd.s32 $0xFFFFC000  }
.LBB2_8:
0x407: {  	s9 =	simm.s32 $0x0  }
0x408: {  	v0 =	vmov s9  }
0x409: {  	s11 =	simm.s32 $0x1  }
0x40a: {  	s19 =	simm.s32 $0x2;
	v1 =	vmov s11  }
0x40b: {  	s10 =	simm.s32 $0x3;
	v3 =	vld [tilespmem:$0x1FFA0];
	v8 =	vmov s19  }
0x40c: {  	v4 =	vld [tilespmem:$0x1FFB0];
	v9 =	vmov s10  }
0x40d: {  	v10 =	vld.idx.msk [tilespmem:v0+s24+$0x0], $0xffff  }
0x40e: {  	v12 =	vld.idx.msk [tilespmem:v0+s21+$0x0], $0xffff  }
0x40f: {  	s11 =	simm.s32 $0x4;
	v13 =	vld.idx.msk [tilespmem:v1+s24+$0x0], $0xffff  }
0x410: {  	s19 =	simm.s32 $0x5;
	v11 =	vmov s11;
	v14 =	vld.idx.msk [tilespmem:v8+s24+$0x0], $0xffff  }
0x411: {  	s10 =	simm.s32 $0x6;
	v17 =	vmov s19;
	v15 =	vld.idx.msk [tilespmem:v9+s24+$0x0], $0xffff  }
0x412: {  	v16 =	vmov s10;
	v21 =	vld.idx.msk [tilespmem:v1+s21+$0x0], $0xffff  }
0x413: {  	v23 =	vld.idx.msk [tilespmem:v8+s21+$0x0], $0xffff  }
0x414: {  	v25 =	vld.idx.msk [tilespmem:v9+s21+$0x0], $0xffff  }
0x415: {  	v52 =	vlaneseq.u32;
	v18 =	vld.idx.msk [tilespmem:v11+s24+$0x0], $0xffff;
	v10 =	vshll.u32 v10, $0x6  }
0x416: {  	v19 =	vld.idx.msk [tilespmem:v17+s24+$0x0], $0xffff;
	v22 =	vor.u32 v52, v10  }
0x417: {  	v20 =	vld.idx.msk [tilespmem:v16+s24+$0x0], $0xffff;
	v24 =	vor.u32 v3, v10  }
0x418: {  	v27 =	vld.idx.msk [tilespmem:v11+s21+$0x0], $0xffff;
	v26 =	vor.u32 v4, v10  }
0x419: {  	v28 =	vld.idx.msk [tilespmem:v17+s21+$0x0], $0xffff;
	v13 =	vshll.u32 v13, $0x6;
	v10 =	vor.u32 v63, v10  }
0x41a: {  	v30 =	vld.idx.msk [tilespmem:v16+s21+$0x0], $0xffff;
	v29 =	vor.u32 v52, v13  }
0x41b: {  	v31 =	vor.u32 v3, v13;
	v22 =	vld.idx.msk [tilespmem:v22+s16+$0x0], $0xffff  }
0x41c: {  	v32 =	vor.u32 v4, v13;
	v24 =	vld.idx.msk [tilespmem:v24+s16+$0x0], $0xffff  }
0x41d: {  	v14 =	vshll.u32 v14, $0x6;
	v13 =	vor.u32 v63, v13;
	v26 =	vld.idx.msk [tilespmem:v26+s16+$0x0], $0xffff  }
0x41e: {  	v33 =	vor.u32 v52, v14;
	v10 =	vld.idx.msk [tilespmem:v10+s16+$0x0], $0xffff  }
0x41f: {  	v34 =	vor.u32 v3, v14;
	v29 =	vld.idx.msk [tilespmem:v29+s16+$0x0], $0xffff  }
0x420: {  	v35 =	vor.u32 v4, v14;
	v31 =	vld.idx.msk [tilespmem:v31+s16+$0x0], $0xffff  }
0x421: {  	v15 =	vshll.u32 v15, $0x6;
	v14 =	vor.u32 v63, v14;
	v36 =	vld.idx.msk [tilespmem:v32+s16+$0x0], $0xffff  }
0x422: {  	v54 =	vor.u32 v52, v15;
	v13 =	vld.idx.msk [tilespmem:v13+s16+$0x0], $0xffff  }
0x423: {  	v37 =	vor.u32 v3, v15;
	v33 =	vld.idx.msk [tilespmem:v33+s16+$0x0], $0xffff  }
0x424: {  	v38 =	vor.u32 v4, v15;
	v34 =	vld.idx.msk [tilespmem:v34+s16+$0x0], $0xffff  }
0x425: {  	v15 =	vor.u32 v63, v15;
	v18 =	vshll.u32 v18, $0x6;
	v39 =	vld.idx.msk [tilespmem:v35+s16+$0x0], $0xffff  }
0x426: {  	v55 =	vor.u32 v52, v18;
	v14 =	vld.idx.msk [tilespmem:v14+s16+$0x0], $0xffff  }
0x427: {  	v56 =	vor.u32 v3, v18;
	v40 =	vld.idx.msk [tilespmem:v54+s16+$0x0], $0xffff  }
0x428: {  	v41 =	vor.u32 v4, v18;
	v37 =	vld.idx.msk [tilespmem:v37+s16+$0x0], $0xffff  }
0x429: {  	v19 =	vshll.u32 v19, $0x6;
	v18 =	vor.u32 v63, v18;
	v47 =	vld.idx.msk [tilespmem:v38+s16+$0x0], $0xffff  }
0x42a: {  	v57 =	vor.u32 v52, v19;
	v15 =	vld.idx.msk [tilespmem:v15+s16+$0x0], $0xffff  }
0x42b: {  	v0 =	vshll.u32 v0, $0x7;
	v1 =	vshll.u32 v1, $0x7;
	v58 =	vor.u32 v3, v19;
	v48 =	vld.idx.msk [tilespmem:v55+s16+$0x0], $0xffff  }
0x42c: {  	v8 =	vshll.u32 v8, $0x7;
	v20 =	vshll.u32 v20, $0x6;
	v59 =	vor.u32 v4, v19;
	v49 =	vld.idx.msk [tilespmem:v56+s16+$0x0], $0xffff  }
0x42d: {  	v9 =	vshll.u32 v9, $0x7;
	v12 =	vshll.u32 v12, $0x6;
	v60 =	vor.u32 v52, v20;
	v50 =	vld.idx.msk [tilespmem:v41+s16+$0x0], $0xffff  }
0x42e: {  	v11 =	vshll.u32 v11, $0x7;
	v12 =	vand.u32 $0x40, v12;
	v61 =	vor.u32 v3, v20;
	v18 =	vld.idx.msk [tilespmem:v18+s16+$0x0], $0xffff  }
0x42f: {  	v21 =	vshll.u32 v21, $0x6;
	v45 =	vor.u32 v4, v20;
	v0 =	vor.u32 v0, v12;
	v51 =	vld.idx.msk [tilespmem:v57+s16+$0x0], $0xffff  }
0x430: {  	v23 =	vshll.u32 v23, $0x6;
	v21 =	vand.u32 $0x40, v21;
	v46 =	vor.u32 v52, v0;
	v2 =	vld.idx.msk [tilespmem:v58+s16+$0x0], $0xffff  }
0x431: {  	v23 =	vand.u32 $0x40, v23;
	v1 =	vor.u32 v1, v21;
	v42 =	vor.u32 v3, v0;
	v12 =	vld.idx.msk [tilespmem:v59+s16+$0x0], $0xffff  }
0x432: {  	v25 =	vshll.u32 v25, $0x6;
	v8 =	vor.u32 v8, v23;
	v43 =	vor.u32 v4, v1;
	v54 =	vld.idx.msk [tilespmem:v60+s16+$0x0], $0xffff  }
0x433: {  	v25 =	vand.u32 $0x40, v25;
	v27 =	vshll.u32 v27, $0x6;
	v23 =	vor.u32 v52, v8;
	v55 =	vld.idx.msk [tilespmem:v61+s16+$0x0], $0xffff  }
0x434: {  	v9 =	vor.u32 v9, v25;
	v27 =	vand.u32 $0x40, v27;
	v44 =	vor.u32 v3, v8;
	v21 =	vld.idx.msk [tilespmem:v45+s16+$0x0], $0xffff  }
0x435: {  	v25 =	vor.u32 v52, v9;
	v11 =	vor.u32 v11, v27;
	v32 =	vld.idx.msk [tilespmem:v46+s26+$0x0], $0xffff  }
0x436: {  	v27 =	vor.u32 v52, v11;
	v42 =	vld.idx.msk [tilespmem:v42+s26+$0x0], $0xffff  }
0x437: {  	v57 =	vor.u32 v4, v0;
	v43 =	vld.idx.msk [tilespmem:v43+s26+$0x0], $0xffff  }
0x438: {  	v0 =	vor.u32 v63, v0;
	v23 =	vld.idx.msk [tilespmem:v23+s26+$0x0], $0xffff  }
0x439: {  	v58 =	vor.u32 v52, v1;
	v53 =	vld.idx.msk [tilespmem:v44+s26+$0x0], $0xffff  }
0x43a: {  	v59 =	vor.u32 v3, v1;
	v25 =	vld.idx.msk [tilespmem:v25+s26+$0x0], $0xffff  }
0x43b: {  	v1 =	vor.u32 v63, v1;
	v27 =	vld.idx.msk [tilespmem:v27+s26+$0x0], $0xffff  }
0x43c: {  	v45 =	vor.u32 v4, v8;
	v41 =	vld.idx.msk [tilespmem:v57+s26+$0x0], $0xffff  }
0x43d: {  	v8 =	vor.u32 v63, v8;
	v0 =	vld.idx.msk [tilespmem:v0+s26+$0x0], $0xffff  }
0x43e: {  	v28 =	vshll.u32 v28, $0x6;
	v60 =	vor.u32 v4, v9;
	v35 =	vld.idx.msk [tilespmem:v58+s26+$0x0], $0xffff  }
0x43f: {  	v17 =	vshll.u32 v17, $0x7;
	v28 =	vand.u32 $0x40, v28;
	v56 =	vor.u32 v3, v11;
	v38 =	vld.idx.msk [tilespmem:v59+s26+$0x0], $0xffff  }
0x440: {  	v17 =	vor.u32 v17, v28;
	v61 =	vor.u32 v4, v11;
	v1 =	vld.idx.msk [tilespmem:v1+s26+$0x0], $0xffff  }
0x441: {  	v44 =	vor.u32 v3, v17;
	v45 =	vld.idx.msk [tilespmem:v45+s26+$0x0], $0xffff  }
0x442: {  	v11 =	vor.u32 v63, v11;
	v8 =	vld.idx.msk [tilespmem:v8+s26+$0x0], $0xffff  }
0x443: {  	v16 =	vshll.u32 v16, $0x7;
	v30 =	vshll.u32 v30, $0x6;
	v46 =	vor.u32 v3, v9;
	v58 =	vld.idx.msk [tilespmem:v60+s26+$0x0], $0xffff  }
0x444: {  	v19 =	vor.u32 v63, v19;
	v30 =	vand.u32 $0x40, v30;
	v9 =	vor.u32 v63, v9;
	v56 =	vld.idx.msk [tilespmem:v56+s26+$0x0], $0xffff  }
0x445: {  	v16 =	vor.u32 v16, v30;
	v60 =	vld.idx.msk [tilespmem:v61+s26+$0x0], $0xffff;
	v6 =	vadd.f32 v22, v32;
	v30 =	vadd.f32 v24, v42  }
0x446: {  	v20 =	vor.u32 v63, v20;
	v24 =	vld.idx.msk [tilespmem:v44+s26+$0x0], $0xffff;
	v44 =	vadd.f32 v36, v43;
	v42 =	vadd.f32 v33, v23  }
0x447: {  	v28 =	vor.u32 v52, v17;
	v11 =	vld.idx.msk [tilespmem:v11+s26+$0x0], $0xffff;
	v43 =	vadd.f32 v34, v53;
	v40 =	vadd.f32 v40, v25  }
0x448: {  	v59 =	vor.u32 v4, v17;
	v57 =	vld.idx.msk [tilespmem:v46+s26+$0x0], $0xffff;
	v61 =	vadd.f32 v26, v41;
	v7 =	vadd.f32 v10, v0  }
0x449: {  	v17 =	vor.u32 v63, v17;
	v9 =	vld.idx.msk [tilespmem:v9+s26+$0x0], $0xffff;
	v32 =	vadd.f32 v29, v35;
	v35 =	vadd.f32 v31, v38  }
0x44a: {  	v22 =	vor.u32 v52, v16;
	v46 =	vadd.f32 v13, v1;
	v45 =	vadd.f32 v39, v45  }
0x44b: {  	v5 =	vmovc v63;
	v25 =	vmul.f32 v40, v40;
	v41 =	vadd.f32 v14, v8;
	v39 =	vadd.f32 v47, v58  }
0x44c: {  	v19 =	vld.idx.msk [tilespmem:v19+s16+$0x0], $0xffff;
	v13 =	vor.u32 v63, v16;
	v53 =	vadd.f32 v49, v56;
	v63 =	vadd.f32 v50, v60  }
0x44d: {  	v0 =	vld.idx.msk [tilespmem:v28+s26+$0x0], $0xffff;
	v10 =	vor.u32 v3, v16;
	v58 =	vadd.f32 v18, v11;
	v38 =	vadd.f32 v37, v57  }
0x44e: {  	v26 =	vor.u32 v4, v16;
	v1 =	vld.idx.msk [tilespmem:v59+s26+$0x0], $0xffff;
	v34 =	vadd.f32 v15, v9;
	v57 =	vadd.f32 v48, v27  }
0x44f: {  	v16 =	vld.idx.msk [tilespmem:v17+s26+$0x0], $0xffff;
	v60 =	vadd.f32 v2, v24;
	v11 =	vmul.f32 v7, v7;
	v14 =	vmul.f32 v35, v35  }
0x450: {  	v8 =	vld.idx.msk [tilespmem:v22+s26+$0x0], $0xffff;
	v15 =	vadd.f32 v46, v44;
	v17 =	vmul.f32 v46, v46;
	v22 =	vmul.f32 v45, v45  }
0x451: {  	v20 =	vld.idx.msk [tilespmem:v20+s16+$0x0], $0xffff;
	v23 =	vmul.f32 v41, v41;
	v28 =	vmul.f32 v39, v39;
	v31 =	vadd.f32 v58, v63  }
0x452: {  	v36 =	vmul.f32 v53, v53;
	v24 =	vadd.f32 v38, v40;
	v27 =	vadd.f32 v34, v39;
	v10 =	vld.idx.msk [tilespmem:v10+s26+$0x0], $0xffff  }
0x453: {  	v48 =	vmul.f32 v63, v63;
	v9 =	vld.idx.msk [tilespmem:v26+s26+$0x0], $0xffff;
	v59 =	vadd.f32 v51, v0;
	v56 =	vadd.f32 v12, v1  }
0x454: {  	v29 =	vmul.f32 v34, v34;
	v13 =	vld.idx.msk [tilespmem:v13+s26+$0x0], $0xffff;
	v47 =	vadd.f32 v19, v16;
	v0 =	vadd.f32 v30, v6  }
0x455: {  	v1 =	vmul.f32 v6, v6;
	v54 =	vadd.f32 v54, v8;
	v8 =	vmul.f32 v30, v30  }
0x456: {  	v33 =	vmul.f32 v57, v57;
	[tilespmem:$0x1F320] =	vst v30;
	v12 =	vadd.f32 v35, v32;
	v30 =	vadd.f32 v53, v57  }
0x457: {  	[tilespmem:$0x1F310] =	vst v6;
	v16 =	vmul.f32 v44, v44;
	v37 =	vadd.f32 v60, v59;
	v1 =	vadd.f32 v8, v1  }
0x458: {  	[tilespmem:$0x1F340] =	vst v7;
	v19 =	vmul.f32 v42, v42;
	v2 =	vadd.f32 v55, v10;
	v50 =	vadd.f32 v21, v9  }
0x459: {  	[tilespmem:$0x1F330] =	vst v61;
	v26 =	vmul.f32 v38, v38;
	v51 =	vadd.f32 v20, v13;
	v9 =	vadd.f32 v7, v61  }
0x45a: {  	[tilespmem:$0x1F2B0] =	vst v60;
	v10 =	vmul.f32 v61, v61;
	v13 =	vmul.f32 v32, v32;
	v55 =	vadd.f32 v43, v42  }
0x45b: {  	v20 =	vmul.f32 v43, v43;
	v21 =	vadd.f32 v41, v45;
	v61 =	vmovc v47;
	v47 =	vadd.f32 v47, v56  }
0x45c: {  	v7 =	vmovc v60;
	v60 =	vmul.f32 v61, v61;
	v49 =	vadd.f32 v2, v54;
	v0 =	vadd.f32 v9, v0  }
0x45d: {  	v6 =	vmov v50;
	[tilespmem:$0x1F2F0] =	vst v50;
	v50 =	vadd.f32 v51, v50;
	v8 =	vadd.f32 v11, v10  }
0x45e: {  	v9 =	vmul.f32 v58, v58;
	v11 =	vadd.f32 v15, v12;
	v12 =	vadd.f32 v14, v13  }
0x45f: {  	[tilespmem:$0x1F2A0] =	vst v59;
	v10 =	vmul.f32 v59, v59;
	v14 =	vadd.f32 v17, v16;
	v15 =	vadd.f32 v21, v55  }
0x460: {  	[tilespmem:$0x1F2C0] =	vst v56;
	v55 =	vmul.f32 v56, v56;
	v56 =	vadd.f32 v20, v19;
	v59 =	vadd.f32 v23, v22  }
0x461: {  	v13 =	vmul.f32 v7, v7;
	v20 =	vadd.f32 v27, v24;
	v21 =	vadd.f32 v26, v25  }
0x462: {  	v22 =	vmul.f32 v54, v54;
	v23 =	vadd.f32 v29, v28;
	v24 =	vadd.f32 v31, v30  }
0x463: {  	v26 =	vadd.f32 v36, v33;
	v28 =	vadd.f32 v47, v37;
	v27 =	vmul.f32 v6, v6;
	v6 =	vld [tilespmem:$0x1FFD0]  }
0x464: {  	v25 =	vmul.f32 v2, v2;
	v9 =	vadd.f32 v9, v48;
	v10 =	vadd.f32 v13, v10  }
0x465: {  	[tilespmem:$0x1F300] =	vst v51;
	v13 =	vmul.f32 v51, v51;
	v16 =	vadd.f32 v60, v55;
	v51 =	vadd.f32 v50, v49  }
0x466: {  	v22 =	vadd.f32 v25, v22;
	v1 =	vadd.f32 v8, v1  }
0x467: {  	v12 =	vadd.f32 v14, v12;
	v17 =	vadd.f32 v59, v56  }
0x468: {  	v21 =	vadd.f32 v23, v21;
	v8 =	vperm.xlane v0, v6;
	v14 =	vperm.xlane v11, v6  }
0x469: {  	[tilespmem:$0x1F2D0] =	vst v54;
	v10 =	vadd.f32 v16, v10;
	v54 =	vperm.xlane v15, v6;
	v23 =	vperm.xlane v20, v6  }
0x46a: {  	v13 =	vadd.f32 v13, v27;
	v25 =	vperm.xlane v24, v6;
	v55 =	vperm.xlane v28, v6  }
0x46b: {  	v9 =	vadd.f32 v9, v26;
	v56 =	vperm.xlane v17, v6;
	v26 =	vperm.xlane v10, v6  }
0x46c: {  	v7 =	vld [tilespmem:$0x1FFF0];
	v0 =	vadd.f32 v0, v8;
	v8 =	vadd.f32 v13, v22;
	v13 =	vperm.xlane v51, v6  }
0x46d: {  	v22 =	vperm.xlane v1, v6;
	v11 =	vadd.f32 v11, v14;
	v15 =	vadd.f32 v15, v54  }
0x46e: {  	v14 =	vperm.xlane v12, v6;
	v20 =	vadd.f32 v20, v23;
	v24 =	vadd.f32 v24, v25  }
0x46f: {  	v23 =	vperm.xlane v21, v6;
	v16 =	vadd.f32 v28, v55;
	v17 =	vadd.f32 v56, v17  }
0x470: {  	v25 =	vperm.xlane v9, v6;
	v10 =	vadd.f32 v26, v10;
	v13 =	vadd.f32 v51, v13  }
0x471: {  	v59 =	vperm.xlane v0, v7;
	v1 =	vadd.f32 v22, v1;
	v22 =	vperm.xlane v8, v6  }
0x472: {  	v27 =	vperm.xlane v11, v7;
	v12 =	vadd.f32 v14, v12;
	v14 =	vperm.xlane v15, v7  }
0x473: {  	v60 =	vperm.xlane v20, v7;
	v21 =	vadd.f32 v23, v21;
	v23 =	vperm.xlane v24, v7  }
0x474: {  	v9 =	vadd.f32 v25, v9;
	v25 =	vperm.xlane v16, v7;
	v26 =	vperm.xlane v13, v7  }
0x475: {  	v8 =	vadd.f32 v22, v8;
	v0 =	vadd.f32 v0, v59;
	v33 =	vperm.xlane v1, v7  }
0x476: {  	v11 =	vadd.f32 v11, v27;
	v22 =	vperm.xlane v12, v7;
	v14 =	vadd.f32 v15, v14  }
0x477: {  	v15 =	vperm.xlane v17, v7;
	v18 =	vadd.f32 v20, v60;
	v20 =	vperm.xlane v21, v7  }
0x478: {  	v23 =	vadd.f32 v24, v23;
	v24 =	vperm.xlane v9, v7;
	v16 =	vadd.f32 v16, v25  }
0x479: {  	v12 =	vadd.f32 v22, v12;
	v22 =	vperm.xlane v14, v62;
	v15 =	vadd.f32 v15, v17  }
0x47a: {  	v25 =	vperm.xlane v10, v7;
	v27 =	vperm.xlane v0, v62;
	v13 =	vadd.f32 v13, v26  }
0x47b: {  	[tilespmem:$0x1F2E0] =	vst v2;
	v2 =	vld [tilespmem:$0x1FF90];
	v26 =	vperm.xlane v8, v7;
	v14 =	vadd.f32 v14, v22;
	v22 =	vperm.xlane v15, v62  }
0x47c: {  	s11 =	simm.s32 $0x7;
	v1 =	vadd.f32 v33, v1;
	v36 =	vperm.xlane v11, v62;
	v37 =	vperm.xlane v18, v62  }
0x47d: {  	v20 =	vadd.f32 v20, v21;
	v15 =	vadd.f32 v22, v15;
	v22 =	vmov s11  }
0x47e: {  	v0 =	vadd.f32 v0, v27;
	v27 =	vperm.xlane v1, v62;
	v11 =	vadd.f32 v11, v36  }
0x47f: {  	v21 =	vperm.xlane v23, v62;
	v9 =	vadd.f32 v24, v9;
	v24 =	vperm.xlane v16, v62  }
0x480: {  	v10 =	vadd.f32 v25, v10;
	v1 =	vadd.f32 v27, v1;
	v27 =	vperm.xlane v11, v2  }
0x481: {  	v25 =	vperm.xlane v13, v62;
	v8 =	vadd.f32 v26, v8;
	v17 =	vadd.f32 v18, v37  }
0x482: {  	v48 =	vperm.xlane v20, v62;
	v21 =	vadd.f32 v23, v21;
	v11 =	vadd.f32 v11, v27;
	v27 =	vld.idx.msk [tilespmem:v22+s24+$0x0], $0xffff  }
0x483: {  	v23 =	vperm.xlane v9, v62;
	v16 =	vadd.f32 v16, v24;
	v24 =	vperm.xlane v10, v62  }
0x484: {  	v13 =	vadd.f32 v13, v25;
	v25 =	vperm.xlane v8, v62;
	v26 =	vperm.xlane v0, v2  }
0x485: {  	v49 =	vperm.xlane v14, v2;
	v28 =	vperm.xlane v17, v2;
	v18 =	vadd.f32 v48, v20  }
0x486: {  	v20 =	vperm.xlane v21, v2;
	v9 =	vadd.f32 v23, v9;
	v23 =	vperm.xlane v16, v2  }
0x487: {  	v10 =	vadd.f32 v24, v10;
	v24 =	vperm.xlane v13, v2;
	v51 =	vshll.u32 v27, $0x6  }
0x488: {  	v8 =	vadd.f32 v25, v8;
	v20 =	vadd.f32 v21, v20;
	v60 =	vor.u32 v52, v51  }
0x489: {  	v0 =	vadd.f32 v0, v26;
	v23 =	vadd.f32 v16, v23;
	v11 =	vmul.f32 $1.562500000e-02, v11  }
0x48a: {  	v14 =	vadd.f32 v14, v49;
	v21 =	vperm.xlane v9, v2;
	v56 =	vmul.f32 $1.562500000e-02, v20  }
0x48b: {  	v37 =	vmul.f32 $1.562500000e-02, v23;
	v23 =	vsub.f32 v32, v11;
	v20 =	vor.u32 v3, v51  }
0x48c: {  	v33 =	vmul.f32 $1.562500000e-02, v0;
	v13 =	vadd.f32 v13, v24;
	v24 =	vperm.xlane v8, v2;
	v0 =	vld.idx.msk [tilespmem:v22+s21+$0x0], $0xffff  }
0x48d: {  	v9 =	vadd.f32 v21, v9;
	v21 =	vshll.u32 v22, $0x7;
	v19 =	vld.idx.msk [tilespmem:v60+s16+$0x0], $0xffff;
	[tilespmem:$0x1F3F0] =	vst v23;
	v23 =	vsub.f32 v35, v11  }
0x48e: {  	v8 =	vadd.f32 v24, v8;
	v24 =	vsub.f32 v44, v11;
	v22 =	vor.u32 v4, v51  }
0x48f: {  	v25 =	vperm.xlane v1, v2;
	v14 =	vmul.f32 $1.562500000e-02, v14;
	[tilespmem:$0x1F400] =	vst v23  }
0x490: {  	v17 =	vadd.f32 v17, v28;
	v20 =	vld.idx.msk [tilespmem:v20+s16+$0x0], $0xffff;
	[tilespmem:$0x1F410] =	vst v24;
	v24 =	vsub.f32 v46, v11  }
0x491: {  	v1 =	vadd.f32 v25, v1;
	v25 =	vsub.f32 v42, v14;
	v0 =	vshll.u32 v0, $0x6  }
0x492: {  	v16 =	vmul.f32 $1.562500000e-02, v17;
	v0 =	vand.u32 $0x40, v0;
	v17 =	vor.u32 v5, v51;
	[tilespmem:$0x1F420] =	vst v24  }
0x493: {  	v0 =	vor.u32 v21, v0;
	v22 =	vld.idx.msk [tilespmem:v22+s16+$0x0], $0xffff;
	[tilespmem:$0x1F480] =	vst v25;
	v25 =	vsub.f32 v43, v14  }
0x494: {  	v47 =	vperm.xlane v12, v62;
	v36 =	vmul.f32 $1.562500000e-02, v13;
	v13 =	vor.u32 v52, v0  }
0x495: {  	[tilespmem:$0x1F490] =	vst v25;
	v25 =	vsub.f32 v45, v14  }
0x496: {  	v12 =	vadd.f32 v47, v12;
	v21 =	vor.u32 v3, v0  }
0x497: {  	v23 =	vor.u32 v4, v0;
	v17 =	vld.idx.msk [tilespmem:v17+s16+$0x0], $0xffff;
	[tilespmem:$0x1F4A0] =	vst v25;
	v25 =	vsub.f32 v41, v14  }
0x498: {  	v26 =	vperm.xlane v12, v2  }
0x499: {  	v13 =	vld.idx.msk [tilespmem:v13+s26+$0x0], $0xffff;
	[tilespmem:$0x1F4B0] =	vst v25;
	v25 =	vsub.f32 v40, v16  }
0x49a: {  	v12 =	vadd.f32 v26, v12;
	v26 =	vsub.f32 v38, v16;
	v0 =	vor.u32 v5, v0  }
0x49b: {  	v50 =	vperm.xlane v15, v2;
	v21 =	vld.idx.msk [tilespmem:v21+s26+$0x0], $0xffff;
	[tilespmem:$0x1F4C0] =	vst v25  }
0x49c: {  	v23 =	vld.idx.msk [tilespmem:v23+s26+$0x0], $0xffff;
	[tilespmem:$0x1F4D0] =	vst v26;
	v26 =	vsub.f32 v39, v16  }
0x49d: {  	v29 =	vperm.xlane v10, v2;
	v15 =	vadd.f32 v50, v15  }
0x49e: {  	v1 =	vmul.f32 $1.562500000e-02, v1;
	v12 =	vmul.f32 $1.562500000e-02, v12;
	[tilespmem:$0x1F4E0] =	vst v26  }
0x49f: {  	v10 =	vadd.f32 v29, v10;
	v15 =	vmul.f32 $1.562500000e-02, v15;
	v11 =	vmul.f32 v11, v11;
	v0 =	vld.idx.msk [tilespmem:v0+s26+$0x0], $0xffff  }
0x4a0: {  	v24 =	vmul.f32 v33, v33;
	v14 =	vmul.f32 v14, v14  }
0x4a1: {  	v28 =	vperm.xlane v18, v2;
	v10 =	vmul.f32 $1.562500000e-02, v10;
	v11 =	vsub.f32 v12, v11  }
0x4a2: {  	v8 =	vmul.f32 $1.562500000e-02, v8;
	v1 =	vsub.f32 v1, v24;
	v12 =	vsub.f32 v15, v14  }
0x4a3: {  	v24 =	vmul.f32 v37, v37;
	v40 =	vadd.f32 v19, v13;
	v41 =	vadd.f32 v20, v21  }
0x4a4: {  	v15 =	vmul.f32 v36, v36;
	v38 =	vadd.f32 v22, v23;
	v39 =	vadd.f32 v17, v0  }
0x4a5: {  	v47 =	vmul.f32 v40, v40;
	v0 =	vmax.f32 v1, $0.0e+00;
	v1 =	vsub.f32 v10, v24  }
0x4a6: {  	v48 =	vmul.f32 v41, v41;
	v10 =	vadd.f32 v41, v40;
	v13 =	vadd.f32 v39, v38  }
0x4a7: {  	v8 =	vsub.f32 v8, v15;
	v15 =	vmul.f32 v38, v38;
	v49 =	vmul.f32 v39, v39  }
0x4a8: {  	v18 =	vadd.f32 v28, v18;
	v10 =	vadd.f32 v13, v10  }
0x4a9: {  	v13 =	vadd.f32 v48, v47;
	v15 =	vadd.f32 v49, v15  }
0x4aa: {  	v18 =	vmul.f32 $1.562500000e-02, v18;
	v9 =	vmul.f32 $1.562500000e-02, v9;
	v11 =	vmax.f32 v11, $0.0e+00  }
0x4ab: {  	s19 =	simm.s32 $0x8;
	v25 =	vmul.f32 v16, v16;
	v13 =	vadd.f32 v15, v13;
	v15 =	vperm.xlane v10, v6  }
0x4ac: {  	v60 =	vmov s19;
	v11 =	vadd.f32 $9.999999960e-13, v11;
	v12 =	vmax.f32 v12, $0.0e+00  }
0x4ad: {  	v14 =	vsub.f32 v18, v25;
	v10 =	vadd.f32 v10, v15;
	v15 =	vperm.xlane v13, v6  }
0x4ae: {  	v12 =	vadd.f32 $9.999999960e-13, v12;
	v8 =	vmax.f32 v8, $0.0e+00;
	v26 =	vmul.f32 v56, v56  }
0x4af: {  	v14 =	vmax.f32 v14, $0.0e+00;
	v51 =	vperm.xlane v10, v7;
	v13 =	vadd.f32 v15, v13  }
0x4b0: {  	v55 =	vshra.s32 v12, $0x1;
	v14 =	vadd.f32 $9.999999960e-13, v14;
	v0 =	vadd.f32 $9.999999960e-13, v0  }
0x4b1: {  	v20 =	vmul.f32 $5.000000000e-01, v12;
	v10 =	vadd.f32 v10, v51;
	v15 =	vperm.xlane v13, v7  }
0x4b2: {  	v12 =	vshra.s32 v14, $0x1;
	v21 =	vmul.f32 $5.000000000e-01, v14;
	v54 =	vmul.f32 $5.000000000e-01, v0  }
0x4b3: {  	v50 =	vshra.s32 v0, $0x1;
	v14 =	vperm.xlane v10, v62;
	v13 =	vadd.f32 v15, v13  }
0x4b4: {  	v0 =	vadd.f32 $9.999999960e-13, v8;
	v8 =	vshra.s32 v11, $0x1;
	v11 =	vmul.f32 $5.000000000e-01, v11;
	[tilespmem:$0x1F540] =	vst v54  }
0x4b5: {  	v17 =	vsub.s32 $0x5F3759DF, v50;
	v59 =	vld.idx.msk [tilespmem:v60+s24+$0x0], $0xffff;
	v10 =	vadd.f32 v10, v14;
	v14 =	vperm.xlane v13, v62  }
0x4b6: {  	v9 =	vsub.f32 v9, v26;
	v8 =	vsub.s32 $0x5F3759DF, v8;
	v15 =	vmul.f32 v17, v54  }
0x4b7: {  	s11 =	simm.s32 $0xA;
	v23 =	vmul.f32 v8, v11;
	v26 =	vperm.xlane v10, v2;
	v13 =	vadd.f32 v14, v13  }
0x4b8: {  	v16 =	vsub.f32 v34, v16;
	v49 =	vmov s11;
	v14 =	vmul.f32 v17, v15  }
0x4b9: {  	s10 =	simm.s32 $0x9;
	v15 =	vmul.f32 v8, v23;
	v10 =	vadd.f32 v10, v26;
	v23 =	vperm.xlane v13, v2  }
0x4ba: {  	v48 =	vmov s10;
	v19 =	vshll.u32 v59, $0x6;
	v14 =	vsub.f32 $1.500000000e+00, v14  }
0x4bb: {  	[tilespmem:$0x1F530] =	vst v16;
	v16 =	vmul.f32 $1.562500000e-02, v10;
	v10 =	vadd.f32 v23, v13;
	v13 =	vor.u32 v52, v19;
	_ =	sdelay $0x1  }
0x4bc: {  	v14 =	vmul.f32 v17, v14  }
0x4bd: {  	v12 =	vsub.s32 $0x5F3759DF, v12;
	v29 =	vld.idx.msk [tilespmem:v49+s24+$0x0], $0xffff  }
0x4be: {  	v25 =	vmul.f32 v12, v21;
	v26 =	vld.idx.msk [tilespmem:v48+s24+$0x0], $0xffff;
	[tilespmem:$0x1F550] =	vst v14  }
0x4bf: {  	v13 =	vld.idx.msk [tilespmem:v13+s16+$0x0], $0xffff  }
0x4c0: {  	v23 =	vmul.f32 v12, v25;
	v25 =	vor.u32 v3, v19;
	_ =	sdelay $0x3  }
0x4c1: {  	[tilespmem:$0x1F350] =	vst v13  }
0x4c2: {  	v32 =	vld.idx.msk [tilespmem:v25+s16+$0x0], $0xffff  }
0x4c3: {  	v28 =	vor.u32 v4, v19;
	_ =	sdelay $0x3  }
0x4c4: {  	[tilespmem:$0x1F360] =	vst v32  }
0x4c5: {  	v45 =	vld.idx.msk [tilespmem:v28+s16+$0x0], $0xffff  }
0x4c6: {  	v30 =	vor.u32 v5, v19;
	_ =	sdelay $0x3  }
0x4c7: {  	[tilespmem:$0x1F370] =	vst v45  }
0x4c8: {  	v26 =	vshll.u32 v26, $0x6;
	v19 =	vld.idx.msk [tilespmem:v30+s16+$0x0], $0xffff  }
0x4c9: {  	v35 =	vor.u32 v4, v26;
	_ =	sdelay $0x1  }
0x4ca: {  	s19 =	simm.s32 $0xB;
	v18 =	vsub.s32 $0x5F3759DF, v55;
	v15 =	vsub.f32 $1.500000000e+00, v15  }
0x4cb: {  	v46 =	vmov s19;
	v24 =	vmul.f32 v18, v20  }
0x4cc: {  	v8 =	vmul.f32 v8, v15;
	v23 =	vsub.f32 $1.500000000e+00, v23;
	v14 =	vor.u32 v52, v26;
	[tilespmem:$0x1F380] =	vst v19  }
0x4cd: {  	v15 =	vor.u32 v3, v26;
	v28 =	vshra.s32 v0, $0x1;
	v19 =	vmul.f32 $5.000000000e-01, v0;
	v0 =	vld.idx.msk [tilespmem:v35+s16+$0x0], $0xffff  }
0x4ce: {  	v12 =	vmul.f32 v12, v23;
	v23 =	vor.u32 v5, v26  }
0x4cf: {  	v24 =	vmul.f32 v18, v24  }
0x4d0: {  	v26 =	vld.idx.msk [tilespmem:v46+s24+$0x0], $0xffff  }
0x4d1: {  	v24 =	vsub.f32 $1.500000000e+00, v24;
	v42 =	vld.idx.msk [tilespmem:v14+s16+$0x0], $0xffff  }
0x4d2: {  	v10 =	vmul.f32 $1.562500000e-02, v10;
	v27 =	vmul.f32 v16, v16;
	v43 =	vld.idx.msk [tilespmem:v15+s16+$0x0], $0xffff;
	[tilespmem:$0x1F390] =	vst v0  }
0x4d3: {  	v13 =	vmul.f32 v18, v24;
	v24 =	vshll.u32 v29, $0x6;
	v0 =	vld.idx.msk [tilespmem:v23+s16+$0x0], $0xffff  }
0x4d4: {  	v10 =	vsub.f32 v10, v27;
	v27 =	vor.u32 v52, v24;
	_ =	sdelay $0x3  }
0x4d5: {  	[tilespmem:$0x1F3A0] =	vst v0  }
0x4d6: {  	v0 =	vld.idx.msk [tilespmem:v27+s16+$0x0], $0xffff  }
0x4d7: {  	v15 =	vor.u32 v3, v24;
	_ =	sdelay $0x3  }
0x4d8: {  	s10 =	simm.s32 $0xC;
	[tilespmem:$0x1F3B0] =	vst v0  }
0x4d9: {  	v55 =	vmov s10;
	v0 =	vld.idx.msk [tilespmem:v15+s16+$0x0], $0xffff  }
0x4da: {  	v47 =	vor.u32 v4, v24;
	_ =	sdelay $0x3  }
0x4db: {  	v30 =	vsub.s32 $0x5F3759DF, v28;
	v28 =	vld.idx.msk [tilespmem:v55+s24+$0x0], $0xffff;
	[tilespmem:$0x1F3C0] =	vst v0  }
0x4dc: {  	v9 =	vmax.f32 v9, $0.0e+00;
	v0 =	vld.idx.msk [tilespmem:v47+s16+$0x0], $0xffff  }
0x4dd: {  	v9 =	vadd.f32 $9.999999960e-13, v9;
	v24 =	vor.u32 v5, v24;
	_ =	sdelay $0x1  }
0x4de: {  	v22 =	vmul.f32 $5.000000000e-01, v9;
	v9 =	vshra.s32 v9, $0x1;
	v1 =	vmax.f32 v1, $0.0e+00  }
0x4df: {  	v9 =	vsub.s32 $0x5F3759DF, v9;
	v1 =	vadd.f32 $9.999999960e-13, v1  }
0x4e0: {  	s11 =	simm.s32 $0xD;
	v25 =	vmul.f32 v9, v22;
	[tilespmem:$0x1F3D0] =	vst v0  }
0x4e1: {  	v34 =	vshra.s32 v1, $0x1;
	v1 =	vmul.f32 $5.000000000e-01, v1;
	v18 =	vmov s11;
	v0 =	vld.idx.msk [tilespmem:v24+s16+$0x0], $0xffff  }
0x4e2: {  	v14 =	vmul.f32 v9, v25;
	v25 =	vsub.s32 $0x5F3759DF, v34;
	v23 =	vshll.u32 v26, $0x6  }
0x4e3: {  	v29 =	vor.u32 v52, v23;
	v27 =	vmul.f32 v25, v1  }
0x4e4: {  	v14 =	vsub.f32 $1.500000000e+00, v14;
	v31 =	vor.u32 v3, v23;
	v15 =	vmul.f32 v30, v19  }
0x4e5: {  	v51 =	vor.u32 v4, v23;
	v27 =	vmul.f32 v25, v27  }
0x4e6: {  	v9 =	vmul.f32 v9, v14;
	v14 =	vmul.f32 v30, v15;
	v15 =	vor.u32 v5, v23;
	[tilespmem:$0x1F3E0] =	vst v0  }
0x4e7: {  	v23 =	vsub.f32 $1.500000000e+00, v27;
	v27 =	vld.idx.msk [tilespmem:v18+s24+$0x0], $0xffff  }
0x4e8: {  	v0 =	vsub.f32 v57, v56;
	v32 =	vld.idx.msk [tilespmem:v29+s16+$0x0], $0xffff  }
0x4e9: {  	v34 =	vld.idx.msk [tilespmem:v31+s16+$0x0], $0xffff  }
0x4ea: {  	v35 =	vld.idx.msk [tilespmem:v51+s16+$0x0], $0xffff;
	[tilespmem:$0x1F560] =	vst v0  }
0x4eb: {  	v0 =	vld.idx.msk [tilespmem:v15+s16+$0x0], $0xffff  }
0x4ec: {  	s19 =	simm.s32 $0xE;
	v10 =	vmax.f32 v10, $0.0e+00  }
0x4ed: {  	v17 =	vmov s19;
	v10 =	vadd.f32 $9.999999960e-13, v10;
	_ =	sdelay $0x1  }
0x4ee: {  	v26 =	vshra.s32 v10, $0x1;
	v10 =	vmul.f32 $5.000000000e-01, v10  }
0x4ef: {  	v26 =	vsub.s32 $0x5F3759DF, v26;
	[tilespmem:$0x1F430] =	vst v0;
	v0 =	vsub.f32 v53, v56  }
0x4f0: {  	v50 =	vmul.f32 v26, v10;
	v59 =	vmul.f32 v25, v23;
	v54 =	vshll.u32 v28, $0x6  }
0x4f1: {  	v25 =	vor.u32 v3, v54;
	v45 =	vld.idx.msk [tilespmem:v17+s24+$0x0], $0xffff;
	[tilespmem:$0x1F570] =	vst v0;
	v0 =	vsub.f32 v63, v56;
	_ =	sdelay $0x1  }
0x4f2: {  	v24 =	vmul.f32 v26, v50;
	[tilespmem:$0x1F580] =	vst v0;
	v0 =	vsub.f32 v58, v56;
	_ =	sdelay $0x1  }
0x4f3: {  	v14 =	vsub.f32 $1.500000000e+00, v14;
	v23 =	vsub.f32 $1.500000000e+00, v24;
	v63 =	vld.idx.msk [tilespmem:v60+s21+$0x0], $0xffff;
	[tilespmem:$0x1F590] =	vst v0  }
0x4f4: {  	v24 =	vor.u32 v52, v54;
	v0 =	vld.idx.msk [tilespmem:v25+s16+$0x0], $0xffff  }
0x4f5: {  	v14 =	vmul.f32 v30, v14;
	v30 =	vmul.f32 v26, v23;
	v23 =	vor.u32 v4, v54;
	_ =	sdelay $0x3  }
0x4f6: {  	v26 =	vld.idx.msk [tilespmem:v24+s16+$0x0], $0xffff;
	[tilespmem:$0x1F440] =	vst v0  }
0x4f7: {  	v27 =	vshll.u32 v27, $0x6;
	v0 =	vld.idx.msk [tilespmem:v23+s16+$0x0], $0xffff  }
0x4f8: {  	v47 =	vor.u32 v52, v27;
	_ =	sdelay $0x3  }
0x4f9: {  	v11 =	vmul.f32 v8, v11;
	[tilespmem:$0x1F450] =	vst v0  }
0x4fa: {  	v44 =	vor.u32 v5, v54;
	v0 =	vld.idx.msk [tilespmem:v47+s16+$0x0], $0xffff  }
0x4fb: {  	v11 =	vmul.f32 v11, v8;
	v23 =	vor.u32 v4, v27;
	_ =	sdelay $0x1  }
0x4fc: {  	v11 =	vsub.f32 $1.500000000e+00, v11;
	_ =	sdelay $0x1  }
0x4fd: {  	v53 =	vmul.f32 v11, v8;
	v11 =	vmul.f32 v13, v20;
	v29 =	vld.idx.msk [tilespmem:v44+s16+$0x0], $0xffff;
	[tilespmem:$0x1F460] =	vst v0  }
0x4fe: {  	v20 =	vmul.f32 v12, v21;
	v21 =	vmul.f32 v9, v22;
	v22 =	vor.u32 v3, v27;
	v0 =	vld.idx.msk [tilespmem:v23+s16+$0x0], $0xffff  }
0x4ff: {  	v1 =	vmul.f32 v59, v1;
	v56 =	vor.u32 v5, v27;
	v57 =	vshll.u32 v45, $0x6  }
0x500: {  	v51 =	vor.u32 v52, v57  }
0x501: {  	v50 =	vshll.u32 v60, $0x7;
	v54 =	vmul.f32 v1, v59;
	v1 =	vld [tilespmem:$0x1F2A0];
	v60 =	vor.u32 v3, v57  }
0x502: {  	v24 =	vshll.u32 v63, $0x6;
	v63 =	vld.idx.msk [tilespmem:v48+s21+$0x0], $0xffff  }
0x503: {  	v31 =	vld.idx.msk [tilespmem:v22+s16+$0x0], $0xffff;
	v23 =	vor.u32 v4, v57;
	[tilespmem:$0x1F470] =	vst v0  }
0x504: {  	v20 =	vmul.f32 v20, v12;
	v24 =	vand.u32 $0x40, v24;
	v0 =	vsub.f32 $1.500000000e+00, v54;
	v54 =	vld.idx.msk [tilespmem:v56+s16+$0x0], $0xffff  }
0x505: {  	v24 =	vor.u32 v50, v24;
	v50 =	vld.idx.msk [tilespmem:v51+s16+$0x0], $0xffff  }
0x506: {  	v22 =	vsub.f32 $1.500000000e+00, v20;
	v47 =	vld.idx.msk [tilespmem:v60+s16+$0x0], $0xffff  }
0x507: {  	v1 =	vsub.f32 v1, v37;
	v51 =	vld.idx.msk [tilespmem:v49+s21+$0x0], $0xffff  }
0x508: {  	v44 =	vmul.f32 v22, v12;
	v22 =	vshll.u32 v48, $0x7;
	v48 =	vld.idx.msk [tilespmem:v23+s16+$0x0], $0xffff  }
0x509: {  	[tilespmem:$0x1F5A0] =	vst v1;
	v1 =	vld [tilespmem:$0x1F2B0]  }
0x50a: {  	v56 =	vor.u32 v52, v24;
	_ =	sdelay $0x3  }
0x50b: {  	v1 =	vsub.f32 v1, v37  }
0x50c: {  	v23 =	vld.idx.msk [tilespmem:v56+s26+$0x0], $0xffff  }
0x50d: {  	v21 =	vmul.f32 v21, v9;
	[tilespmem:$0x1F5B0] =	vst v1;
	v1 =	vld [tilespmem:$0x1F2C0];
	_ =	sdelay $0x1  }
0x50e: {  	v21 =	vsub.f32 $1.500000000e+00, v21;
	_ =	sdelay $0x1  }
0x50f: {  	v45 =	vmul.f32 v21, v9;
	v21 =	vor.u32 v3, v24  }
0x510: {  	v10 =	vmul.f32 v30, v10;
	v1 =	vsub.f32 v1, v37  }
0x511: {  	v59 =	vmul.f32 v0, v59;
	v0 =	vmul.f32 v14, v19  }
0x512: {  	v10 =	vmul.f32 v10, v30;
	v63 =	vshll.u32 v63, $0x6;
	[tilespmem:$0x1F5C0] =	vst v1;
	v1 =	vsub.f32 v61, v37  }
0x513: {  	v11 =	vmul.f32 v11, v13;
	v19 =	vand.u32 $0x40, v63;
	v0 =	vmul.f32 v0, v14  }
0x514: {  	v10 =	vsub.f32 $1.500000000e+00, v10;
	v19 =	vor.u32 v22, v19;
	v21 =	vld.idx.msk [tilespmem:v21+s26+$0x0], $0xffff;
	[tilespmem:$0x1F5E0] =	vst v1  }
0x515: {  	v58 =	vsub.f32 $1.500000000e+00, v11;
	v56 =	vor.u32 v52, v19;
	v0 =	vsub.f32 $1.500000000e+00, v0;
	v37 =	vld.idx.msk [tilespmem:v46+s21+$0x0], $0xffff  }
0x516: {  	v11 =	vmul.f32 v10, v30;
	v61 =	vor.u32 v3, v19  }
0x517: {  	v20 =	vmul.f32 v58, v13;
	v51 =	vshll.u32 v51, $0x6;
	v58 =	vmul.f32 v0, v14;
	v0 =	vld [tilespmem:$0x1F2D0]  }
0x518: {  	v60 =	vor.u32 v4, v24;
	v49 =	vshll.u32 v49, $0x7;
	v51 =	vand.u32 $0x40, v51  }
0x519: {  	v24 =	vor.u32 v5, v24;
	v22 =	vsub.f32 v39, v16;
	v10 =	vor.u32 v49, v51  }
0x51a: {  	v49 =	vsub.f32 v40, v16;
	v51 =	vsub.f32 v41, v16;
	v15 =	vld.idx.msk [tilespmem:v56+s26+$0x0], $0xffff;
	v41 =	vshll.u32 v37, $0x6  }
0x51b: {  	v56 =	vsub.f32 v38, v16;
	v37 =	vld.idx.msk [tilespmem:v61+s26+$0x0], $0xffff;
	v61 =	vshll.u32 v46, $0x7;
	v16 =	vand.u32 $0x40, v41  }
0x51c: {  	v63 =	vor.u32 v4, v19;
	v16 =	vor.u32 v61, v16;
	v61 =	vsub.f32 v0, v36;
	v0 =	vld [tilespmem:$0x1F2E0]  }
0x51d: {  	v19 =	vor.u32 v5, v19  }
0x51e: {  	v60 =	vld.idx.msk [tilespmem:v60+s26+$0x0], $0xffff  }
0x51f: {  	v24 =	vld.idx.msk [tilespmem:v24+s26+$0x0], $0xffff  }
0x520: {  	v30 =	vld.idx.msk [tilespmem:v55+s21+$0x0], $0xffff  }
0x521: {  	v39 =	vld.idx.msk [tilespmem:v63+s26+$0x0], $0xffff;
	v0 =	vsub.f32 v0, v36  }
0x522: {  	v38 =	vld.idx.msk [tilespmem:v19+s26+$0x0], $0xffff  }
0x523: {  	[tilespmem:$0x1F640] =	vst v0;
	v0 =	vld [tilespmem:$0x1F2F0];
	_ =	sdelay $0x4  }
0x524: {  	v0 =	vsub.f32 v0, v36;
	_ =	sdelay $0x1  }
0x525: {  	[tilespmem:$0x1F650] =	vst v0;
	v0 =	vld [tilespmem:$0x1F300];
	_ =	sdelay $0x4  }
0x526: {  	v0 =	vsub.f32 v0, v36  }
0x527: {  	v63 =	vld.idx.msk [tilespmem:v18+s21+$0x0], $0xffff  }
0x528: {  	v40 =	vor.u32 v52, v10;
	[tilespmem:$0x1F660] =	vst v0;
	v0 =	vld [tilespmem:$0x1F310];
	_ =	sdelay $0x4  }
0x529: {  	v36 =	vld.idx.msk [tilespmem:v40+s26+$0x0], $0xffff;
	v0 =	vsub.f32 v0, v33  }
0x52a: {  	v40 =	vshll.u32 v55, $0x7;
	v55 =	vld.idx.msk [tilespmem:v17+s21+$0x0], $0xffff  }
0x52b: {  	[tilespmem:$0x1F670] =	vst v0;
	v0 =	vld [tilespmem:$0x1F320]  }
0x52c: {  	v41 =	vor.u32 v3, v10;
	_ =	sdelay $0x3  }
0x52d: {  	v0 =	vsub.f32 v0, v33  }
0x52e: {  	v14 =	vld.idx.msk [tilespmem:v41+s26+$0x0], $0xffff  }
0x52f: {  	[tilespmem:$0x1F680] =	vst v0;
	v0 =	vld [tilespmem:$0x1F330];
	_ =	sdelay $0x4  }
0x530: {  	v0 =	vsub.f32 v0, v33;
	_ =	sdelay $0x1  }
0x531: {  	[tilespmem:$0x1F690] =	vst v0;
	v0 =	vld [tilespmem:$0x1F340];
	_ =	sdelay $0x1  }
0x532: {  	v19 =	vor.u32 v4, v10  }
0x533: {  	v41 =	vor.u32 v4, v16;
	_ =	sdelay $0x1  }
0x534: {  	v0 =	vsub.f32 v0, v33;
	_ =	sdelay $0x1  }
0x535: {  	v12 =	vld.idx.msk [tilespmem:v19+s26+$0x0], $0xffff;
	[tilespmem:$0x1F6A0] =	vst v0  }
0x536: {  	v1 =	vor.u32 v3, v16;
	v13 =	vld.idx.msk [tilespmem:v41+s26+$0x0], $0xffff  }
0x537: {  	v46 =	vor.u32 v5, v10;
	v10 =	vshll.u32 v30, $0x6;
	v41 =	vld [tilespmem:$0x1F360]  }
0x538: {  	v10 =	vand.u32 $0x40, v10;
	v63 =	vshll.u32 v63, $0x6  }
0x539: {  	v30 =	vor.u32 v52, v16;
	v18 =	vshll.u32 v18, $0x7;
	v19 =	vand.u32 $0x40, v63  }
0x53a: {  	v8 =	vld [tilespmem:$0x1F350];
	v17 =	vshll.u32 v17, $0x7;
	v0 =	vor.u32 v18, v19;
	v18 =	vshll.u32 v55, $0x6  }
0x53b: {  	v40 =	vor.u32 v40, v10;
	v16 =	vor.u32 v5, v16;
	v10 =	vld.idx.msk [tilespmem:v1+s26+$0x0], $0xffff;
	v18 =	vand.u32 $0x40, v18  }
0x53c: {  	v1 =	vor.u32 v17, v18;
	v18 =	vadd.f32 v41, v21;
	v41 =	vld [tilespmem:$0x1F380];
	_ =	sdelay $0x3  }
0x53d: {  	v19 =	vadd.f32 v8, v23;
	v23 =	vld.idx.msk [tilespmem:v16+s26+$0x0], $0xffff  }
0x53e: {  	v16 =	vadd.f32 v41, v24;
	v24 =	vld [tilespmem:$0x1F390];
	_ =	sdelay $0x2  }
0x53f: {  	v9 =	vor.u32 v5, v40;
	v33 =	vld.idx.msk [tilespmem:v46+s26+$0x0], $0xffff  }
0x540: {  	v63 =	vor.u32 v3, v40;
	v55 =	vor.u32 v4, v40;
	v46 =	vor.u32 v52, v40;
	v40 =	vld [tilespmem:$0x1F370]  }
0x541: {  	v25 =	vadd.f32 v24, v39;
	v24 =	vld [tilespmem:$0x1F3A0];
	_ =	sdelay $0x4  }
0x542: {  	v17 =	vadd.f32 v40, v60;
	v40 =	vadd.f32 v24, v38;
	v24 =	vld [tilespmem:$0x1F3B0];
	_ =	sdelay $0x4  }
0x543: {  	v39 =	vadd.f32 v24, v36;
	v24 =	vld [tilespmem:$0x1F3C0];
	_ =	sdelay $0x4  }
0x544: {  	v28 =	vadd.f32 v24, v14;
	v14 =	vld [tilespmem:$0x1F3D0];
	_ =	sdelay $0x3  }
0x545: {  	v43 =	vadd.f32 v43, v37;
	v21 =	vld.idx.msk [tilespmem:v46+s26+$0x0], $0xffff  }
0x546: {  	v46 =	vor.u32 v3, v0;
	v37 =	vadd.f32 v14, v12;
	v12 =	vor.u32 v3, v1;
	v3 =	vld [tilespmem:$0x1F3E0];
	_ =	sdelay $0x4  }
0x547: {  	v8 =	vor.u32 v52, v0;
	v27 =	vadd.f32 v3, v33;
	v3 =	vld [tilespmem:$0x1F3F0]  }
0x548: {  	v30 =	vld.idx.msk [tilespmem:v30+s26+$0x0], $0xffff  }
0x549: {  	v42 =	vadd.f32 v42, v15;
	v15 =	vld.idx.msk [tilespmem:v63+s26+$0x0], $0xffff  }
0x54a: {  	v9 =	vld.idx.msk [tilespmem:v9+s26+$0x0], $0xffff  }
0x54b: {  	v55 =	vld.idx.msk [tilespmem:v55+s26+$0x0], $0xffff  }
0x54c: {  	v8 =	vld.idx.msk [tilespmem:v8+s26+$0x0], $0xffff;
	v3 =	vmul.f32 v53, v3  }
0x54d: {  	v14 =	vld.idx.msk [tilespmem:v46+s26+$0x0], $0xffff  }
0x54e: {  	[tilespmem:$0x1F6B0] =	vst v3;
	v3 =	vld [tilespmem:$0x1F400]  }
0x54f: {  	v41 =	vor.u32 v4, v0;
	_ =	sdelay $0x3  }
0x550: {  	v3 =	vmul.f32 v53, v3  }
0x551: {  	v41 =	vld.idx.msk [tilespmem:v41+s26+$0x0], $0xffff  }
0x552: {  	[tilespmem:$0x1F700] =	vst v3;
	v3 =	vld [tilespmem:$0x1F410];
	_ =	sdelay $0x4  }
0x553: {  	v36 =	vmul.f32 v53, v3;
	v3 =	vld [tilespmem:$0x1F420]  }
0x554: {  	v0 =	vor.u32 v5, v0;
	_ =	sdelay $0x3  }
0x555: {  	v3 =	vmul.f32 v53, v3  }
0x556: {  	v0 =	vld.idx.msk [tilespmem:v0+s26+$0x0], $0xffff  }
0x557: {  	[tilespmem:$0x1F710] =	vst v3;
	v3 =	vld [tilespmem:$0x1F430];
	_ =	sdelay $0x4  }
0x558: {  	v33 =	vadd.f32 v32, v30;
	v32 =	vadd.f32 v3, v23;
	v3 =	vld [tilespmem:$0x1F440]  }
0x559: {  	v52 =	vor.u32 v52, v1;
	_ =	sdelay $0x2  }
0x55a: {  	v34 =	vadd.f32 v34, v10  }
0x55b: {  	v10 =	vor.u32 v5, v57;
	v57 =	vld [tilespmem:$0x1F470];
	v30 =	vadd.f32 v3, v15;
	v3 =	vmul.f32 v11, v49  }
0x55c: {  	v35 =	vadd.f32 v35, v13;
	v13 =	vld.idx.msk [tilespmem:v52+s26+$0x0], $0xffff  }
0x55d: {  	[tilespmem:$0x1F6C0] =	vst v3;
	v3 =	vld [tilespmem:$0x1F450];
	_ =	sdelay $0x2  }
0x55e: {  	v63 =	vor.u32 v4, v1;
	v60 =	vld [tilespmem:$0x1F480]  }
0x55f: {  	v52 =	vmul.f32 v11, v22;
	v22 =	vadd.f32 v57, v41;
	v41 =	vadd.f32 v54, v0;
	v0 =	vld [tilespmem:$0x1F490]  }
0x560: {  	v3 =	vadd.f32 v3, v55;
	v55 =	vmul.f32 v11, v56;
	v56 =	vld [tilespmem:$0x1F460]  }
0x561: {  	v1 =	vor.u32 v5, v1;
	v53 =	vmul.f32 v11, v51  }
0x562: {  	v12 =	vld.idx.msk [tilespmem:v12+s26+$0x0], $0xffff;
	[tilespmem:$0x1F6D0] =	vst v52  }
0x563: {  	v4 =	vmul.f32 v20, v60;
	[tilespmem:$0x1F6E0] =	vst v53  }
0x564: {  	v15 =	vld.idx.msk [tilespmem:v63+s26+$0x0], $0xffff;
	[tilespmem:$0x1F6F0] =	vst v55  }
0x565: {  	v0 =	vmul.f32 v20, v0;
	v24 =	vadd.f32 v56, v8;
	v8 =	vld.idx.msk [tilespmem:v10+s16+$0x0], $0xffff;
	[tilespmem:$0x1F720] =	vst v4  }
0x566: {  	v1 =	vld.idx.msk [tilespmem:v1+s26+$0x0], $0xffff  }
0x567: {  	[tilespmem:$0x1F730] =	vst v0;
	v0 =	vld [tilespmem:$0x1F4A0];
	_ =	sdelay $0x4  }
0x568: {  	v0 =	vmul.f32 v20, v0;
	_ =	sdelay $0x1  }
0x569: {  	[tilespmem:$0x1F740] =	vst v0;
	v0 =	vld [tilespmem:$0x1F4B0];
	_ =	sdelay $0x4  }
0x56a: {  	v0 =	vmul.f32 v20, v0;
	_ =	sdelay $0x1  }
0x56b: {  	[tilespmem:$0x1F750] =	vst v0;
	v0 =	vld [tilespmem:$0x1F4C0];
	_ =	sdelay $0x4  }
0x56c: {  	v0 =	vmul.f32 v44, v0;
	_ =	sdelay $0x1  }
0x56d: {  	[tilespmem:$0x1F760] =	vst v0;
	v0 =	vld [tilespmem:$0x1F4D0];
	_ =	sdelay $0x4  }
0x56e: {  	v63 =	vld [tilespmem:$0x1F530];
	v0 =	vmul.f32 v44, v0;
	_ =	sdelay $0x1  }
0x56f: {  	[tilespmem:$0x1F770] =	vst v0;
	v0 =	vld [tilespmem:$0x1F4E0];
	_ =	sdelay $0x1  }
0x570: {  	v29 =	vadd.f32 v29, v9;
	v26 =	vadd.f32 v26, v21  }
0x571: {  	v9 =	vadd.f32 v16, v17;
	v23 =	vadd.f32 v31, v14;
	v4 =	vmul.f32 v44, v63  }
0x572: {  	v31 =	vadd.f32 v8, v1;
	v1 =	vmul.f32 v19, v19;
	v8 =	vmul.f32 v18, v18  }
0x573: {  	v14 =	vadd.f32 v28, v39;
	v11 =	vadd.f32 v43, v42;
	[tilespmem:$0x1F790] =	vst v4;
	v4 =	vld [tilespmem:$0x1F550];
	v0 =	vmul.f32 v44, v0  }
0x574: {  	v21 =	vadd.f32 v47, v12;
	v57 =	vadd.f32 v8, v1;
	v1 =	vld [tilespmem:$0x1F540]  }
0x575: {  	v12 =	vadd.f32 v40, v25;
	[tilespmem:$0x1F780] =	vst v0;
	v0 =	vadd.f32 v18, v19  }
0x576: {  	v20 =	vadd.f32 v48, v15;
	v15 =	vadd.f32 v27, v37  }
0x577: {  	v10 =	vmul.f32 v16, v16;
	v51 =	vadd.f32 v9, v0;
	v0 =	vmul.f32 v17, v17  }
0x578: {  	v49 =	vadd.f32 v12, v11;
	v11 =	vmul.f32 v43, v43;
	v47 =	vadd.f32 v15, v14  }
0x579: {  	v14 =	vmul.f32 v4, v1;
	v1 =	vld [tilespmem:$0x1F560];
	v55 =	vadd.f32 v10, v0;
	v0 =	vmul.f32 v42, v42;
	_ =	sdelay $0x1  }
0x57a: {  	[tilespmem:$0x1F520] =	vst v16;
	v16 =	vmul.f32 v28, v28;
	v54 =	vadd.f32 v11, v0;
	v0 =	vmul.f32 v39, v39;
	_ =	sdelay $0x1  }
0x57b: {  	[tilespmem:$0x1F510] =	vst v17;
	v17 =	vmul.f32 v27, v27;
	v52 =	vadd.f32 v16, v0;
	v0 =	vmul.f32 v37, v37  }
0x57c: {  	v38 =	vadd.f32 v50, v13;
	v1 =	vmul.f32 v45, v1  }
0x57d: {  	v50 =	vmul.f32 v34, v34;
	[tilespmem:$0x1F500] =	vst v18;
	v56 =	vadd.f32 v17, v0;
	v0 =	vmul.f32 v33, v33  }
0x57e: {  	v5 =	vmul.f32 v32, v32;
	[tilespmem:$0x1F7A0] =	vst v1;
	v1 =	vld [tilespmem:$0x1F570];
	v18 =	vadd.f32 v34, v33  }
0x57f: {  	[tilespmem:$0x1F4F0] =	vst v19;
	v19 =	vadd.f32 v32, v35;
	v50 =	vadd.f32 v50, v0;
	v0 =	vmul.f32 v35, v35;
	_ =	sdelay $0x1  }
0x580: {  	v60 =	vadd.f32 v19, v18;
	v19 =	vadd.f32 v5, v0;
	v0 =	vld [tilespmem:$0x1F5A0];
	_ =	sdelay $0x1  }
0x581: {  	v1 =	vmul.f32 v45, v1;
	_ =	sdelay $0x1  }
0x582: {  	[tilespmem:$0x1F7B0] =	vst v1;
	v1 =	vld [tilespmem:$0x1F580]  }
0x583: {  	v0 =	vmul.f32 v59, v0;
	_ =	sdelay $0x1  }
0x584: {  	[tilespmem:$0x1F7E0] =	vst v0;
	v0 =	vld [tilespmem:$0x1F5B0];
	_ =	sdelay $0x1  }
0x585: {  	v1 =	vmul.f32 v45, v1;
	_ =	sdelay $0x1  }
0x586: {  	[tilespmem:$0x1F7C0] =	vst v1;
	v1 =	vld [tilespmem:$0x1F590]  }
0x587: {  	v0 =	vmul.f32 v59, v0;
	_ =	sdelay $0x1  }
0x588: {  	v13 =	vmul.f32 v40, v40;
	v12 =	vmul.f32 v25, v25;
	[tilespmem:$0x1F7F0] =	vst v0;
	v0 =	vld [tilespmem:$0x1F5C0];
	_ =	sdelay $0x1  }
0x589: {  	v53 =	vadd.f32 v13, v12;
	v1 =	vmul.f32 v45, v1  }
0x58a: {  	v13 =	vadd.f32 v23, v24;
	v8 =	vadd.f32 v41, v22  }
0x58b: {  	v9 =	vmul.f32 v24, v24;
	[tilespmem:$0x1F7D0] =	vst v1;
	v1 =	vmul.f32 v23, v23  }
0x58c: {  	v13 =	vadd.f32 v8, v13;
	v8 =	vmul.f32 v41, v41;
	v0 =	vmul.f32 v59, v0  }
0x58d: {  	v17 =	vmul.f32 v14, v4;
	v14 =	vadd.f32 v1, v9;
	v1 =	vmul.f32 v22, v22  }
0x58e: {  	v10 =	vmul.f32 v3, v3;
	[tilespmem:$0x1F800] =	vst v0;
	v0 =	vmul.f32 v29, v29  }
0x58f: {  	v8 =	vadd.f32 v8, v1  }
0x590: {  	v1 =	vmul.f32 v20, v20;
	v15 =	vadd.f32 v0, v10;
	v0 =	vmul.f32 v31, v31;
	_ =	sdelay $0x1  }
0x591: {  	v1 =	vadd.f32 v0, v1;
	v0 =	vld [tilespmem:$0x1F640];
	_ =	sdelay $0x4  }
0x592: {  	v0 =	vmul.f32 v58, v0;
	_ =	sdelay $0x1  }
0x593: {  	[tilespmem:$0x1F820] =	vst v0;
	v0 =	vld [tilespmem:$0x1F650];
	_ =	sdelay $0x4  }
0x594: {  	v0 =	vmul.f32 v58, v0;
	_ =	sdelay $0x1  }
0x595: {  	[tilespmem:$0x1F830] =	vst v0;
	v0 =	vld [tilespmem:$0x1F660];
	_ =	sdelay $0x4  }
0x596: {  	v0 =	vmul.f32 v58, v0;
	_ =	sdelay $0x1  }
0x597: {  	[tilespmem:$0x1F840] =	vst v0;
	v0 =	vld [tilespmem:$0x1F670]  }
0x598: {  	v12 =	vmul.f32 v26, v26;
	v11 =	vmul.f32 v30, v30;
	v44 =	vsub.f32 $1.500000000e+00, v17;
	_ =	sdelay $0x1  }
0x599: {  	v46 =	vadd.f32 v11, v12;
	v12 =	vmul.f32 v44, v4;
	_ =	sdelay $0x1  }
0x59a: {  	v0 =	vmul.f32 v12, v0;
	_ =	sdelay $0x1  }
0x59b: {  	[tilespmem:$0x1F850] =	vst v0;
	v0 =	vld [tilespmem:$0x1F680];
	_ =	sdelay $0x4  }
0x59c: {  	v0 =	vmul.f32 v12, v0;
	_ =	sdelay $0x1  }
0x59d: {  	[tilespmem:$0x1F860] =	vst v0;
	v0 =	vld [tilespmem:$0x1F690]  }
0x59e: {  	v9 =	vmul.f32 v21, v21;
	v10 =	vmul.f32 v38, v38;
	_ =	sdelay $0x1  }
0x59f: {  	[tilespmem:$0x1F5D0] =	vst v3;
	v18 =	vadd.f32 v29, v3;
	v3 =	vld [tilespmem:$0x1F5E0];
	v10 =	vadd.f32 v9, v10  }
0x5a0: {  	v53 =	vadd.f32 v53, v54;
	v54 =	vadd.f32 v56, v52  }
0x5a1: {  	v1 =	vadd.f32 v1, v10;
	v10 =	vperm.xlane v60, v6;
	v0 =	vmul.f32 v12, v0  }
0x5a2: {  	v50 =	vadd.f32 v19, v50;
	v19 =	vperm.xlane v51, v6  }
0x5a3: {  	v17 =	vperm.xlane v54, v6;
	v10 =	vadd.f32 v60, v10;
	[tilespmem:$0x1F870] =	vst v0;
	v0 =	vld [tilespmem:$0x1F6A0]  }
0x5a4: {  	v3 =	vmul.f32 v59, v3;
	v8 =	vadd.f32 v8, v14;
	v14 =	vadd.f32 v51, v19  }
0x5a5: {  	v51 =	vadd.f32 v17, v54;
	v59 =	vperm.xlane v13, v6;
	v17 =	vperm.xlane v10, v7  }
0x5a6: {  	v16 =	vadd.f32 v30, v26;
	v11 =	vadd.f32 v21, v38  }
0x5a7: {  	v13 =	vadd.f32 v13, v59;
	v59 =	vadd.f32 v10, v17;
	v17 =	vld [tilespmem:$0x1FF20]  }
0x5a8: {  	v45 =	vadd.f32 v18, v16;
	v18 =	vadd.f32 v31, v20;
	v4 =	vmul.f32 v12, v0;
	v0 =	vld [tilespmem:$0x1F6B0]  }
0x5a9: {  	[tilespmem:$0x1F5F0] =	vst v41;
	v41 =	vperm.xlane v47, v6;
	v55 =	vadd.f32 v55, v57  }
0x5aa: {  	v63 =	vmul.f32 v58, v61;
	v16 =	vperm.xlane v53, v6;
	v11 =	vadd.f32 v18, v11  }
0x5ab: {  	[tilespmem:$0x1F600] =	vst v38;
	v47 =	vadd.f32 v47, v41;
	v5 =	vperm.xlane v55, v6;
	v38 =	vperm.xlane v49, v6  }
0x5ac: {  	v52 =	vperm.xlane v45, v6;
	v61 =	vperm.xlane v11, v6;
	v15 =	vadd.f32 v15, v46  }
0x5ad: {  	v46 =	vadd.f32 v49, v38;
	v49 =	vadd.f32 v5, v55;
	v55 =	vmul.f32 v0, v17;
	v0 =	vld [tilespmem:$0x1F6C0]  }
0x5ae: {  	v11 =	vadd.f32 v11, v61;
	v38 =	vperm.xlane v8, v6  }
0x5af: {  	v53 =	vadd.f32 v16, v53;
	v16 =	vperm.xlane v47, v7;
	v45 =	vadd.f32 v45, v52  }
0x5b0: {  	v52 =	vadd.f32 v38, v8;
	v5 =	vperm.xlane v46, v7;
	v38 =	vperm.xlane v11, v7  }
0x5b1: {  	v47 =	vadd.f32 v47, v16;
	v16 =	vld [tilespmem:$0x1FF10];
	v18 =	vperm.xlane v50, v6  }
0x5b2: {  	v46 =	vadd.f32 v46, v5;
	v5 =	vadd.f32 v11, v38;
	v38 =	vmul.f32 v0, v17;
	v0 =	vld [tilespmem:$0x1F6D0]  }
0x5b3: {  	v44 =	vperm.xlane v1, v6  }
0x5b4: {  	v50 =	vadd.f32 v18, v50;
	v18 =	vperm.xlane v45, v7  }
0x5b5: {  	v58 =	vadd.f32 v44, v1;
	v44 =	vperm.xlane v49, v7  }
0x5b6: {  	v61 =	vadd.f32 v45, v18;
	v18 =	vld [tilespmem:$0x1FF30]  }
0x5b7: {  	v49 =	vadd.f32 v44, v49;
	v44 =	vmul.f32 v0, v16;
	v0 =	vld [tilespmem:$0x1F6E0];
	_ =	sdelay $0x2  }
0x5b8: {  	v45 =	vperm.xlane v53, v7  }
0x5b9: {  	[tilespmem:$0x1F620] =	vst v20;
	v20 =	vld [tilespmem:$0x1FF50];
	v19 =	vperm.xlane v15, v6  }
0x5ba: {  	v53 =	vadd.f32 v45, v53;
	v45 =	vmul.f32 v0, v18;
	v0 =	vld [tilespmem:$0x1F6F0]  }
0x5bb: {  	v41 =	vperm.xlane v14, v7;
	v48 =	vadd.f32 v19, v15;
	v19 =	vperm.xlane v13, v7  }
0x5bc: {  	[tilespmem:$0x1F630] =	vst v31;
	v31 =	vld [tilespmem:$0x1FF80]  }
0x5bd: {  	v56 =	vadd.f32 v14, v41;
	v41 =	vadd.f32 v13, v19;
	v19 =	vld [tilespmem:$0x1FF40];
	_ =	sdelay $0x1  }
0x5be: {  	v0 =	vmul.f32 v0, v20  }
0x5bf: {  	v57 =	vperm.xlane v51, v7;
	v1 =	vld [tilespmem:$0x1F700]  }
0x5c0: {  	v6 =	vadd.f32 v0, v31;
	v0 =	vld [tilespmem:$0x1F710]  }
0x5c1: {  	v51 =	vadd.f32 v57, v51;
	v57 =	vadd.f32 v38, v19;
	v38 =	vld [tilespmem:$0x1FF70]  }
0x5c2: {  	[tilespmem:$0x1F610] =	vst v21;
	v21 =	vld [tilespmem:$0x1FF60];
	_ =	sdelay $0x1  }
0x5c3: {  	v1 =	vmul.f32 v1, v18  }
0x5c4: {  	v0 =	vmul.f32 v0, v16  }
0x5c5: {  	v10 =	vadd.f32 v1, v38;
	v1 =	vld [tilespmem:$0x1F720]  }
0x5c6: {  	v11 =	vadd.f32 v0, v21;
	v0 =	vld [tilespmem:$0x1F740];
	_ =	sdelay $0x2  }
0x5c7: {  	v54 =	vadd.f32 v44, v21  }
0x5c8: {  	s9 =	simm.s32 $0xC6B0;
	[tilespmem:$0x1F810] =	vst v3;
	v55 =	vadd.f32 v55, v19;
	v1 =	vmul.f32 v1, v17  }
0x5c9: {  	v3 =	vld [tilespmem:$0x1F730];
	[tilespmem:s9+$0x0] =	vst v54;
	v0 =	vmul.f32 v0, v20  }
0x5ca: {  	v12 =	vadd.f32 v1, v19;
	v1 =	vld [tilespmem:$0x1F750];
	[tilespmem:s9+$0xFFFFFCD0] =	vst v55  }
0x5cb: {  	v13 =	vadd.f32 v0, v31;
	v0 =	vld [tilespmem:$0x1F760];
	_ =	sdelay $0x4  }
0x5cc: {  	v44 =	vmul.f32 v0, v17;
	v0 =	vld [tilespmem:$0x1F770];
	[tilespmem:s9+$0xFFFFFCE0] =	vst v10  }
0x5cd: {  	v9 =	vmul.f32 v36, v20;
	v36 =	vmul.f32 v1, v16;
	v1 =	vld [tilespmem:$0x1F780];
	_ =	sdelay $0x2  }
0x5ce: {  	v9 =	vadd.f32 v9, v31;
	v60 =	vperm.xlane v50, v7  }
0x5cf: {  	v0 =	vmul.f32 v0, v18  }
0x5d0: {  	v50 =	vadd.f32 v60, v50;
	v60 =	vadd.f32 v45, v38;
	v45 =	vmul.f32 v1, v20;
	v1 =	vld [tilespmem:$0x1F790];
	[tilespmem:s9+$0xFFFFFCF0] =	vst v9  }
0x5d1: {  	v14 =	vadd.f32 v0, v38;
	v0 =	vld [tilespmem:$0x1F7A0];
	_ =	sdelay $0x3  }
0x5d2: {  	[tilespmem:s9+$0xFFFFFD00] =	vst v11  }
0x5d3: {  	v10 =	vadd.f32 v36, v21;
	v36 =	vmul.f32 v0, v17;
	v0 =	vld [tilespmem:$0x1F7B0];
	_ =	sdelay $0x3  }
0x5d4: {  	[tilespmem:s9+$0xFFFFFD50] =	vst v12  }
0x5d5: {  	v9 =	vadd.f32 v44, v19;
	v44 =	vmul.f32 v0, v18;
	v0 =	vld [tilespmem:$0x1F7C0]  }
0x5d6: {  	v8 =	vmul.f32 v3, v18;
	_ =	sdelay $0x1  }
0x5d7: {  	v8 =	vadd.f32 v8, v38  }
0x5d8: {  	v1 =	vmul.f32 v1, v16  }
0x5d9: {  	v11 =	vadd.f32 v45, v31;
	v45 =	vmul.f32 v0, v20;
	v0 =	vld [tilespmem:$0x1F7D0];
	[tilespmem:s9+$0xFFFFFD60] =	vst v8  }
0x5da: {  	v15 =	vadd.f32 v1, v21;
	v1 =	vld [tilespmem:$0x1F7E0];
	_ =	sdelay $0x3  }
0x5db: {  	v0 =	vmul.f32 v0, v16  }
0x5dc: {  	v54 =	vmul.f32 v1, v17;
	v1 =	vld [tilespmem:$0x1F7F0];
	[tilespmem:s9+$0xFFFFFD70] =	vst v13  }
0x5dd: {  	v8 =	vadd.f32 v44, v38;
	v44 =	vadd.f32 v0, v21;
	v0 =	vld [tilespmem:$0x1F800];
	_ =	sdelay $0x3  }
0x5de: {  	[tilespmem:s9+$0xFFFFFD80] =	vst v10  }
0x5df: {  	v12 =	vadd.f32 v36, v19;
	v36 =	vmul.f32 v0, v20;
	v0 =	vld [tilespmem:$0x1F810];
	_ =	sdelay $0x2  }
0x5e0: {  	[tilespmem:s9+$0xFFFFFDD0] =	vst v9  }
0x5e1: {  	[tilespmem:s9+$0xFFFFFDE0] =	vst v14  }
0x5e2: {  	v10 =	vadd.f32 v54, v19;
	v1 =	vmul.f32 v1, v18;
	v54 =	vmul.f32 v0, v16;
	v0 =	vld [tilespmem:$0x1F820];
	[tilespmem:s9+$0xFFFFFDF0] =	vst v11  }
0x5e3: {  	[tilespmem:s9+$0xFFFFFE00] =	vst v15  }
0x5e4: {  	v13 =	vadd.f32 v45, v31;
	v45 =	vadd.f32 v1, v38;
	v1 =	vld [tilespmem:$0x1F830];
	_ =	sdelay $0x2  }
0x5e5: {  	[tilespmem:s9+$0xFFFFFE50] =	vst v12  }
0x5e6: {  	[tilespmem:s9+$0xFFFFFE60] =	vst v8  }
0x5e7: {  	v15 =	vmul.f32 v1, v20;
	v1 =	vld [tilespmem:$0x1F840];
	[tilespmem:s9+$0xFFFFFE70] =	vst v13  }
0x5e8: {  	[tilespmem:s9+$0xFFFFFE80] =	vst v44  }
0x5e9: {  	[tilespmem:s9+$0xFFFFFED0] =	vst v10  }
0x5ea: {  	v55 =	vmul.f32 v63, v17;
	v63 =	vperm.xlane v56, v62;
	v3 =	vld [tilespmem:$0x1F850]  }
0x5eb: {  	v9 =	vadd.f32 v36, v31;
	v36 =	vperm.xlane v48, v7  }
0x5ec: {  	v56 =	vadd.f32 v56, v63;
	v63 =	vperm.xlane v46, v62  }
0x5ed: {  	v11 =	vadd.f32 v55, v19;
	v55 =	vadd.f32 v36, v48;
	v36 =	vperm.xlane v58, v7  }
0x5ee: {  	v14 =	vadd.f32 v54, v21;
	v54 =	vmul.f32 v0, v18;
	v0 =	vperm.xlane v52, v7;
	[tilespmem:s9+$0xFFFFFEE0] =	vst v45  }
0x5ef: {  	v48 =	vperm.xlane v41, v62;
	v58 =	vadd.f32 v36, v58;
	v10 =	vmul.f32 v3, v17;
	v3 =	vld [tilespmem:$0x1F860]  }
0x5f0: {  	v0 =	vadd.f32 v0, v52;
	v12 =	vadd.f32 v54, v38;
	v54 =	vperm.xlane v5, v62  }
0x5f1: {  	v36 =	vperm.xlane v47, v62;
	v13 =	vadd.f32 v15, v31;
	v15 =	vadd.f32 v46, v63  }
0x5f2: {  	v63 =	vperm.xlane v59, v62;
	v45 =	vadd.f32 v5, v54;
	v5 =	vperm.xlane v53, v62;
	[tilespmem:s9+$0xFFFFFEF0] =	vst v9  }
0x5f3: {  	v8 =	vmul.f32 v1, v16;
	v1 =	vadd.f32 v47, v36;
	v36 =	vperm.xlane v61, v62;
	[tilespmem:s9+$0xFFFFFF00] =	vst v14  }
0x5f4: {  	v59 =	vadd.f32 v59, v63;
	v63 =	vperm.xlane v49, v62;
	v52 =	vmul.f32 v3, v18;
	v3 =	vld [tilespmem:$0x1F870]  }
0x5f5: {  	v17 =	vperm.xlane v51, v62;
	v61 =	vadd.f32 v61, v36;
	v9 =	vadd.f32 v10, v19  }
0x5f6: {  	v36 =	vperm.xlane v15, v2;
	v10 =	vadd.f32 v41, v48;
	v48 =	vadd.f32 v5, v53  }
0x5f7: {  	v8 =	vadd.f32 v8, v21;
	v19 =	vperm.xlane v58, v62;
	v41 =	vperm.xlane v59, v2;
	[tilespmem:s9+$0xFFFFFF50] =	vst v11  }
0x5f8: {  	v47 =	vadd.f32 v63, v49;
	v63 =	vperm.xlane v48, v2;
	[tilespmem:s9+$0xFFFFFF60] =	vst v12;
	v12 =	vmul.f32 v4, v16  }
0x5f9: {  	v46 =	vadd.f32 v17, v51;
	v18 =	vperm.xlane v50, v62;
	[tilespmem:s9+$0xFFFFFF80] =	vst v8;
	v14 =	vmul.f32 v3, v20  }
0x5fa: {  	v53 =	vadd.f32 v19, v58;
	v8 =	vperm.xlane v0, v62;
	[tilespmem:s9+$0xFFFFFC50] =	vst v9;
	v9 =	vperm.xlane v61, v2  }
0x5fb: {  	[tilespmem:s9+$0xFFFFFF70] =	vst v13;
	v11 =	vadd.f32 v52, v38;
	v13 =	vadd.f32 v14, v31;
	v14 =	vperm.xlane v55, v62  }
0x5fc: {  	s10 =	simm.s32 $0xF;
	v12 =	vadd.f32 v12, v21;
	v54 =	vadd.f32 v8, v0;
	v38 =	vperm.xlane v1, v2  }
0x5fd: {  	[tilespmem:s9+$0xFFFFFFD0] =	vst v57;
	v8 =	vperm.xlane v45, v2;
	v52 =	vadd.f32 v14, v55;
	v55 =	vmov s10  }
0x5fe: {  	[tilespmem:s9+$0xFFFFFFE0] =	vst v60;
	v49 =	vadd.f32 v18, v50;
	v0 =	vperm.xlane v47, v2;
	v14 =	vperm.xlane v56, v2  }
0x5ff: {  	[tilespmem:s9+$0xFFFFFFF0] =	vst v6;
	v50 =	vperm.xlane v46, v2;
	v58 =	vadd.f32 v61, v9;
	v51 =	vadd.f32 v1, v38  }
0x600: {  	[tilespmem:s9+$0xFFFFFC60] =	vst v11;
	v60 =	vperm.xlane v49, v2;
	v44 =	vadd.f32 v56, v14;
	v14 =	vperm.xlane v10, v2  }
0x601: {  	[tilespmem:s9+$0xFFFFFC80] =	vst v12;
	v57 =	vperm.xlane v54, v2;
	v62 =	vadd.f32 v59, v41;
	v56 =	vadd.f32 v15, v36  }
0x602: {  	[tilespmem:s9+$0xFFFFFC70] =	vst v13;
	s10 =	simm.s32 $0x10;
	v61 =	vperm.xlane v52, v2;
	v13 =	vmov v2;
	v59 =	vadd.f32 v10, v14;
	v9 =	vld.idx.msk [tilespmem:v55+s24+$0x0], $0xffff  }
.LBB2_9:
0x603: {  	v44 =	vmul.f32 $1.562500000e-02, v44;
	v10 =	vmul.f32 $1.562500000e-02, v56;
	v12 =	vld.idx.msk [tilespmem:v55+s21+$0x0], $0xffff  }
0x604: {  	v11 =	vadd.f32 v63, v48;
	v4 =	vlaneseq.u32;
	v36 =	vmovc v22;
	v22 =	vld [tilespmem:$0x1FFA0];
	v1 =	vadd.f32 v45, v8  }
0x605: {  	v5 =	vld [tilespmem:$0x1FFB0];
	v8 =	vperm.xlane v53, v13;
	v0 =	vadd.f32 v0, v47;
	v13 =	vmul.f32 $1.562500000e-02, v51  }
0x606: {  	v6 =	vld [tilespmem:$0x1FFE0];
	v14 =	vadd.f32 v50, v46;
	v51 =	vmul.f32 $1.562500000e-02, v62;
	v15 =	vadd.f32 v60, v49  }
0x607: {  	v45 =	vmul.f32 $1.562500000e-02, v1;
	v1 =	vadd.f32 v8, v53;
	v8 =	vshll.u32 v9, $0x6  }
0x608: {  	v50 =	vmul.f32 $1.562500000e-02, v58;
	v52 =	vadd.f32 v61, v52;
	v19 =	vor.u32 v4, v8  }
0x609: {  	v46 =	vmul.f32 $1.562500000e-02, v59;
	v12 =	vshll.u32 v12, $0x6;
	v60 =	vor.u32 v22, v8  }
0x60a: {  	v61 =	vshll.u32 v55, $0x7;
	v62 =	vor.u32 v5, v8;
	v12 =	vand.u32 $0x40, v12  }
0x60b: {  	v54 =	vadd.f32 v57, v54;
	v8 =	vor.u32 v6, v8;
	v12 =	vor.u32 v61, v12  }
0x60c: {  	v47 =	vsub.f32 v42, v10;
	v42 =	vsub.f32 v43, v10;
	v63 =	vor.u32 v4, v12  }
0x60d: {  	v48 =	vsub.f32 v25, v10;
	v49 =	vsub.f32 v40, v10;
	v18 =	vor.u32 v22, v12;
	v53 =	vld.idx.msk [tilespmem:v19+s16+$0x0], $0xffff  }
0x60e: {  	v11 =	vmul.f32 $1.562500000e-02, v11;
	v10 =	vmul.f32 v10, v10;
	v56 =	vld.idx.msk [tilespmem:v60+s16+$0x0], $0xffff;
	v19 =	vor.u32 v5, v12  }
0x60f: {  	v0 =	vmul.f32 $1.562500000e-02, v0;
	v43 =	vsub.f32 v39, v13;
	v55 =	vld.idx.msk [tilespmem:v62+s16+$0x0], $0xffff;
	v12 =	vor.u32 v6, v12  }
0x610: {  	v39 =	vsub.f32 v28, v13;
	v2 =	vsub.f32 v37, v13;
	v14 =	vmul.f32 $1.562500000e-02, v14;
	v8 =	vld.idx.msk [tilespmem:v8+s16+$0x0], $0xffff  }
0x611: {  	v15 =	vmul.f32 $1.562500000e-02, v15;
	v52 =	vmul.f32 $1.562500000e-02, v52;
	v38 =	vsub.f32 v35, v51;
	v57 =	vld.idx.msk [tilespmem:v63+s26+$0x0], $0xffff  }
0x612: {  	v54 =	vmul.f32 $1.562500000e-02, v54;
	v9 =	vmul.f32 v44, v44;
	v10 =	vsub.f32 v11, v10;
	v58 =	vld.idx.msk [tilespmem:v18+s26+$0x0], $0xffff  }
0x613: {  	[tilespmem:$0x1F280] =	vst v2;
	v2 =	vsub.f32 v27, v13;
	v13 =	vmul.f32 v13, v13;
	v1 =	vmul.f32 $1.562500000e-02, v1;
	v59 =	vld.idx.msk [tilespmem:v19+s26+$0x0], $0xffff  }
0x614: {  	v0 =	vsub.f32 v0, v9;
	v9 =	vmul.f32 v46, v46;
	v60 =	vmul.f32 v51, v51;
	v12 =	vld.idx.msk [tilespmem:v12+s26+$0x0], $0xffff  }
0x615: {  	v61 =	vmul.f32 v50, v50;
	v11 =	vsub.f32 v14, v13;
	v13 =	vmul.f32 v45, v45  }
0x616: {  	v9 =	vsub.f32 v54, v9;
	v14 =	vsub.f32 v15, v60  }
0x617: {  	v1 =	vsub.f32 v1, v13;
	v15 =	vsub.f32 v52, v61  }
0x618: {  	v13 =	vmax.f32 v14, $0.0e+00;
	v14 =	vadd.f32 v53, v57;
	v35 =	vadd.f32 v56, v58  }
0x619: {  	v54 =	vadd.f32 v55, v59;
	v52 =	vadd.f32 v8, v12  }
0x61a: {  	v7 =	vld [tilespmem:$0x1FFD0];
	v8 =	vadd.f32 $9.999999960e-13, v13  }
0x61b: {  	v12 =	vadd.f32 v35, v14;
	v13 =	vadd.f32 v52, v54;
	_ =	sdelay $0x1  }
0x61c: {  	v53 =	vmul.f32 v14, v14;
	v62 =	vmul.f32 v35, v35;
	v12 =	vadd.f32 v13, v12  }
0x61d: {  	v41 =	vld [tilespmem:$0x1FFF0];
	v63 =	vmul.f32 v54, v54;
	v16 =	vmul.f32 v52, v52  }
0x61e: {  	v18 =	vperm.xlane v12, v7  }
0x61f: {  	v53 =	vadd.f32 v62, v53;
	v17 =	vadd.f32 v16, v63  }
0x620: {  	v10 =	vmax.f32 v10, $0.0e+00;
	v12 =	vadd.f32 v12, v18  }
0x621: {  	v3 =	vld [tilespmem:$0x1FFC0];
	v10 =	vadd.f32 $9.999999960e-13, v10;
	v0 =	vmax.f32 v0, $0.0e+00;
	v53 =	vadd.f32 v17, v53  }
0x622: {  	v0 =	vadd.f32 $9.999999960e-13, v0;
	v9 =	vmax.f32 v9, $0.0e+00;
	v18 =	vperm.xlane v12, v41  }
0x623: {  	v11 =	vmax.f32 v11, $0.0e+00;
	v9 =	vadd.f32 $9.999999960e-13, v9;
	v19 =	vperm.xlane v53, v7  }
0x624: {  	v11 =	vadd.f32 $9.999999960e-13, v11;
	v1 =	vmax.f32 v1, $0.0e+00;
	v12 =	vadd.f32 v12, v18  }
0x625: {  	[tilespmem:$0x1F290] =	vst v2;
	v2 =	vld [tilespmem:$0x1FF90];
	v1 =	vadd.f32 $9.999999960e-13, v1;
	v60 =	vshra.s32 v9, $0x1;
	v53 =	vadd.f32 v19, v53  }
0x626: {  	v9 =	vmul.f32 $5.000000000e-01, v9;
	v15 =	vmax.f32 v15, $0.0e+00;
	v63 =	vperm.xlane v12, v3  }
0x627: {  	v60 =	vsub.s32 $0x5F3759DF, v60;
	v15 =	vadd.f32 $9.999999960e-13, v15;
	v19 =	vperm.xlane v53, v41  }
0x628: {  	v56 =	vshra.s32 v10, $0x1;
	v10 =	vmul.f32 $5.000000000e-01, v10;
	v12 =	vadd.f32 v12, v63  }
0x629: {  	v57 =	vshra.s32 v11, $0x1;
	v11 =	vmul.f32 $5.000000000e-01, v11;
	v53 =	vadd.f32 v19, v53  }
0x62a: {  	v56 =	vsub.s32 $0x5F3759DF, v56;
	v57 =	vsub.s32 $0x5F3759DF, v57;
	v21 =	vperm.xlane v12, v2;
	v2 =	vld [tilespmem:$0x1FF90]  }
0x62b: {  	v55 =	vshra.s32 v1, $0x1;
	v1 =	vmul.f32 $5.000000000e-01, v1;
	v63 =	vperm.xlane v53, v3  }
0x62c: {  	v59 =	vshra.s32 v15, $0x1;
	v61 =	vmul.f32 v56, v10;
	v55 =	vsub.s32 $0x5F3759DF, v55  }
0x62d: {  	v15 =	vmul.f32 $5.000000000e-01, v15;
	v20 =	vmul.f32 v55, v1;
	v63 =	vadd.f32 v63, v53  }
0x62e: {  	v61 =	vmul.f32 v56, v61;
	v13 =	vshra.s32 v0, $0x1;
	v16 =	vmul.f32 v57, v11  }
0x62f: {  	v0 =	vmul.f32 $5.000000000e-01, v0;
	v12 =	vadd.f32 v12, v21;
	v21 =	vperm.xlane v63, v2  }
0x630: {  	v59 =	vsub.s32 $0x5F3759DF, v59;
	v20 =	vmul.f32 v55, v20;
	v16 =	vmul.f32 v57, v16  }
0x631: {  	v13 =	vsub.s32 $0x5F3759DF, v13;
	v12 =	vmul.f32 $1.562500000e-02, v12;
	v21 =	vadd.f32 v21, v63  }
0x632: {  	v62 =	vmul.f32 v13, v0;
	v16 =	vsub.f32 $1.500000000e+00, v16;
	v18 =	vmul.f32 v59, v15  }
0x633: {  	v53 =	vsub.f32 v32, v51;
	v32 =	vmul.f32 v12, v12;
	v21 =	vmul.f32 $1.562500000e-02, v21  }
0x634: {  	v37 =	vsub.f32 v33, v51;
	v16 =	vmul.f32 v57, v16;
	v19 =	vmul.f32 v60, v9  }
0x635: {  	v62 =	vmul.f32 v13, v62;
	v18 =	vmul.f32 v59, v18;
	v21 =	vsub.f32 v21, v32  }
0x636: {  	v40 =	vsub.f32 v34, v51;
	v11 =	vmul.f32 v16, v11;
	v19 =	vmul.f32 v60, v19;
	v2 =	vld [tilespmem:$0x1F5D0]  }
0x637: {  	v18 =	vsub.f32 $1.500000000e+00, v18;
	v51 =	vsub.f32 $1.500000000e+00, v62;
	v21 =	vmax.f32 v21, $0.0e+00  }
0x638: {  	v11 =	vmul.f32 v11, v16;
	v19 =	vsub.f32 $1.500000000e+00, v19;
	v21 =	vadd.f32 $9.999999960e-13, v21  }
0x639: {  	v61 =	vsub.f32 $1.500000000e+00, v61;
	v18 =	vmul.f32 v59, v18;
	v51 =	vmul.f32 v13, v51  }
0x63a: {  	v19 =	vmul.f32 v60, v19;
	v59 =	vshra.s32 v21, $0x1;
	v21 =	vmul.f32 $5.000000000e-01, v21  }
0x63b: {  	v63 =	vsub.f32 v54, v12;
	v54 =	vsub.f32 v2, v50;
	v2 =	vld [tilespmem:$0x1F5F0];
	v60 =	vsub.s32 $0x5F3759DF, v59  }
0x63c: {  	v20 =	vsub.f32 $1.500000000e+00, v20;
	v13 =	vmul.f32 v56, v61;
	v61 =	vmul.f32 v60, v21  }
0x63d: {  	v58 =	vshra.s32 v8, $0x1;
	v8 =	vmul.f32 $5.000000000e-01, v8;
	v11 =	vsub.f32 $1.500000000e+00, v11  }
0x63e: {  	v28 =	vsub.f32 v29, v50;
	v20 =	vmul.f32 v55, v20;
	v29 =	vmul.f32 v60, v61  }
0x63f: {  	v11 =	vmul.f32 v11, v16;
	v9 =	vmul.f32 v19, v9  }
0x640: {  	v10 =	vmul.f32 v13, v10;
	v16 =	vsub.f32 v2, v46;
	v2 =	vld [tilespmem:$0x1F600];
	v29 =	vsub.f32 $1.500000000e+00, v29  }
0x641: {  	v1 =	vmul.f32 v20, v1;
	v9 =	vmul.f32 v9, v19  }
0x642: {  	v58 =	vsub.s32 $0x5F3759DF, v58;
	v10 =	vmul.f32 v10, v13;
	v29 =	vmul.f32 v60, v29  }
0x643: {  	v17 =	vmul.f32 v58, v8;
	v9 =	vsub.f32 $1.500000000e+00, v9  }
0x644: {  	v1 =	vmul.f32 v1, v20;
	v10 =	vsub.f32 $1.500000000e+00, v10;
	v21 =	vmul.f32 v29, v21  }
0x645: {  	v17 =	vmul.f32 v58, v17;
	v9 =	vmul.f32 v9, v19;
	v19 =	vsub.f32 v2, v45;
	v2 =	vld [tilespmem:$0x1F610]  }
0x646: {  	v1 =	vsub.f32 $1.500000000e+00, v1;
	v10 =	vmul.f32 v10, v13;
	v13 =	vmul.f32 v21, v29  }
0x647: {  	v27 =	vsub.f32 v24, v46  }
0x648: {  	v17 =	vsub.f32 $1.500000000e+00, v17;
	v24 =	vmul.f32 v1, v20;
	v1 =	vsub.f32 $1.500000000e+00, v13;
	_ =	sdelay $0x1  }
0x649: {  	v17 =	vmul.f32 v58, v17;
	v1 =	vmul.f32 v1, v29;
	v29 =	vsub.f32 v2, v45;
	v2 =	vld [tilespmem:$0x1F620];
	_ =	sdelay $0x1  }
0x64a: {  	v31 =	vsub.f32 v26, v50;
	v26 =	vsub.f32 v23, v46;
	v8 =	vmul.f32 v17, v8  }
0x64b: {  	v25 =	vsub.f32 v36, v46;
	v14 =	vsub.f32 v14, v12  }
0x64c: {  	v8 =	vmul.f32 v8, v17;
	v62 =	vsub.f32 v35, v12;
	v12 =	vsub.f32 v52, v12;
	v46 =	vld [tilespmem:$0x1FF20]  }
0x64d: {  	v59 =	vmul.f32 v10, v47;
	v13 =	vmul.f32 v10, v42;
	v42 =	vsub.f32 v2, v45;
	v2 =	vld [tilespmem:$0x1F630]  }
0x64e: {  	v36 =	vld [tilespmem:$0x1FF50];
	v14 =	vmul.f32 v1, v14;
	v12 =	vmul.f32 v1, v12  }
0x64f: {  	v8 =	vsub.f32 $1.500000000e+00, v8;
	v20 =	vmul.f32 v1, v62;
	v1 =	vmul.f32 v1, v63;
	v63 =	vld [tilespmem:$0x1FF30]  }
0x650: {  	v58 =	vld [tilespmem:$0x1FF70]  }
0x651: {  	v8 =	vmul.f32 v8, v17;
	v17 =	vmul.f32 v59, v46;
	v59 =	vld [tilespmem:$0x1FF80]  }
0x652: {  	v61 =	vsub.f32 v2, v45;
	v2 =	vld [tilespmem:$0x1FF10]  }
0x653: {  	v60 =	vmul.f32 v10, v48;
	v62 =	vld [tilespmem:$0x1FF40]  }
0x654: {  	v57 =	vld [tilespmem:$0x1FF60];
	v1 =	vmul.f32 v1, v36;
	v20 =	vmul.f32 v20, v63  }
0x655: {  	v10 =	vmul.f32 v10, v49;
	v13 =	vmul.f32 v13, v63  }
0x656: {  	v14 =	vmul.f32 v14, v46;
	v21 =	vadd.f32 v20, v58;
	v20 =	vadd.f32 v1, v59  }
0x657: {  	v1 =	vadd.f32 v13, v58;
	v13 =	vmul.f32 v11, v39;
	v10 =	vmul.f32 v10, v2  }
0x658: {  	s9 =	sadd.s32 $0x400, s9;
	v15 =	vmul.f32 v18, v15;
	v56 =	vadd.f32 v14, v62;
	v14 =	vmul.f32 v60, v36;
	v60 =	vld [tilespmem:$0x1F280]  }
0x659: {  	[tilespmem:s9+$0xFFFFFCE0] =	vst v1;
	v12 =	vmul.f32 v12, v2;
	v1 =	vadd.f32 v10, v57;
	v10 =	vmul.f32 v13, v63;
	v13 =	vld [tilespmem:$0x1F290]  }
0x65a: {  	v15 =	vmul.f32 v15, v18;
	v17 =	vadd.f32 v17, v62  }
0x65b: {  	v23 =	vmul.f32 v11, v43;
	v12 =	vadd.f32 v12, v57  }
0x65c: {  	v15 =	vsub.f32 $1.500000000e+00, v15;
	[tilespmem:s9+$0xFFFFFCD0] =	vst v17  }
0x65d: {  	v17 =	vmul.f32 v11, v60;
	[tilespmem:s9+$0x0] =	vst v12;
	v12 =	vadd.f32 v14, v59;
	v14 =	vmul.f32 v23, v46  }
0x65e: {  	v30 =	vsub.f32 v30, v50;
	v15 =	vmul.f32 v15, v18;
	v11 =	vmul.f32 v11, v13  }
0x65f: {  	[tilespmem:s9+$0xFFFFFCF0] =	vst v12;
	v12 =	vadd.f32 v14, v62;
	v14 =	vmul.f32 v8, v37;
	v13 =	vmul.f32 v17, v36  }
0x660: {  	[tilespmem:s9+$0xFFFFFD00] =	vst v1;
	v1 =	vadd.f32 v10, v58;
	v10 =	vmul.f32 v11, v2;
	v11 =	vmul.f32 v8, v40  }
0x661: {  	[tilespmem:s9+$0xFFFFFD50] =	vst v12;
	v12 =	vadd.f32 v13, v59;
	v13 =	vmul.f32 v14, v46;
	v14 =	vmul.f32 v8, v38  }
0x662: {  	[tilespmem:s9+$0xFFFFFD60] =	vst v1;
	v8 =	vmul.f32 v8, v53;
	v1 =	vadd.f32 v10, v57;
	v10 =	vmul.f32 v11, v63  }
0x663: {  	[tilespmem:s9+$0xFFFFFD70] =	vst v12;
	v11 =	vadd.f32 v13, v62;
	v12 =	vmul.f32 v14, v36;
	v13 =	vmul.f32 v15, v31  }
0x664: {  	v8 =	vmul.f32 v8, v2;
	[tilespmem:s9+$0xFFFFFD80] =	vst v1;
	v1 =	vadd.f32 v10, v58;
	v10 =	vmul.f32 v15, v30  }
0x665: {  	[tilespmem:s9+$0xFFFFFDD0] =	vst v11;
	v11 =	vadd.f32 v12, v59;
	v12 =	vmul.f32 v13, v46;
	v13 =	vmul.f32 v15, v54  }
0x666: {  	[tilespmem:s9+$0xFFFFFDE0] =	vst v1;
	v1 =	vadd.f32 v8, v57;
	v8 =	vmul.f32 v10, v63;
	v10 =	vmul.f32 v15, v28  }
0x667: {  	[tilespmem:s9+$0xFFFFFDF0] =	vst v11;
	v11 =	vadd.f32 v12, v62;
	v12 =	vmul.f32 v13, v36;
	v13 =	vmul.f32 v9, v27  }
0x668: {  	v0 =	vmul.f32 v51, v0;
	[tilespmem:s9+$0xFFFFFE00] =	vst v1;
	v1 =	vadd.f32 v8, v58;
	v8 =	vmul.f32 v10, v2  }
0x669: {  	s19 =	sadd.s32 $0x2, s10;
	[tilespmem:s9+$0xFFFFFE50] =	vst v11;
	v11 =	vadd.f32 v12, v59;
	v12 =	vmul.f32 v13, v46;
	v13 =	vmul.f32 v9, v25  }
0x66a: {  	v35 =	vmov s19;
	v10 =	vmul.f32 v9, v26;
	[tilespmem:s9+$0xFFFFFE60] =	vst v1  }
0x66b: {  	v0 =	vmul.f32 v0, v51;
	v1 =	vadd.f32 v8, v57;
	[tilespmem:s9+$0xFFFFFE70] =	vst v11;
	v11 =	vmul.f32 v13, v36;
	v13 =	vld [tilespmem:$0x1F4F0]  }
0x66c: {  	s19 =	sadd.s32 $0x3, s10;
	v8 =	vmul.f32 v10, v63;
	v10 =	vadd.f32 v12, v62;
	v12 =	vmul.f32 v24, v19  }
0x66d: {  	v34 =	vmov s10;
	v0 =	vsub.f32 $1.500000000e+00, v0;
	v32 =	vmov s19  }
0x66e: {  	s19 =	sadd.s32 $0x4, s10;
	[tilespmem:s9+$0xFFFFFED0] =	vst v10;
	v10 =	vadd.f32 v11, v59;
	v11 =	vmul.f32 v12, v46;
	v12 =	vmul.f32 v24, v42  }
0x66f: {  	v0 =	vmul.f32 v0, v51;
	v9 =	vmul.f32 v9, v16;
	v19 =	vmov s19  }
0x670: {  	s19 =	sadd.s32 $0x5, s10;
	[tilespmem:s9+$0xFFFFFEF0] =	vst v10;
	v10 =	vadd.f32 v11, v62;
	v11 =	vmul.f32 v12, v36;
	v13 =	vsub.f32 v13, v44  }
0x671: {  	v14 =	vld [tilespmem:$0x1F520];
	v17 =	vmov s19;
	[tilespmem:s9+$0xFFFFFE80] =	vst v1;
	v1 =	vadd.f32 v8, v58;
	v8 =	vmul.f32 v9, v2  }
0x672: {  	s11 =	sadd.s32 $0x1, s10;
	v9 =	vmul.f32 v24, v29;
	[tilespmem:s9+$0xFFFFFF50] =	vst v10;
	v10 =	vadd.f32 v11, v59;
	v11 =	vmul.f32 v0, v13;
	v13 =	vld [tilespmem:$0x1F510]  }
0x673: {  	v33 =	vmov s11;
	[tilespmem:s9+$0xFFFFFEE0] =	vst v1;
	v12 =	vld [tilespmem:$0x1F500]  }
0x674: {  	v1 =	vadd.f32 v8, v57;
	v8 =	vmul.f32 v9, v63;
	v9 =	vmul.f32 v24, v61;
	v15 =	vld.idx.msk [tilespmem:v19+s24+$0x0], $0xffff  }
0x675: {  	v37 =	vld.idx.msk [tilespmem:v19+s21+$0x0], $0xffff  }
0x676: {  	s19 =	sadd.s32 $0x6, s10;
	[tilespmem:s9+$0xFFFFFF00] =	vst v1;
	v1 =	vadd.f32 v8, v58;
	v8 =	vmul.f32 v9, v2;
	v9 =	vld.idx.msk [tilespmem:v34+s24+$0x0], $0xffff  }
0x677: {  	v14 =	vsub.f32 v14, v44;
	v16 =	vmov s19;
	v61 =	vld.idx.msk [tilespmem:v17+s24+$0x0], $0xffff;
	v13 =	vsub.f32 v13, v44  }
0x678: {  	[tilespmem:s9+$0xFFFFFF60] =	vst v1;
	v1 =	vadd.f32 v8, v57;
	v8 =	vld.idx.msk [tilespmem:v34+s21+$0x0], $0xffff;
	v12 =	vsub.f32 v12, v44  }
0x679: {  	[tilespmem:s9+$0xFFFFFF70] =	vst v10;
	v10 =	vld.idx.msk [tilespmem:v33+s24+$0x0], $0xffff;
	v11 =	vmul.f32 v11, v46;
	v13 =	vmul.f32 v0, v13  }
0x67a: {  	[tilespmem:s9+$0xFFFFFF80] =	vst v1;
	v1 =	vld.idx.msk [tilespmem:v35+s24+$0x0], $0xffff;
	v12 =	vmul.f32 v0, v12;
	v0 =	vmul.f32 v0, v14  }
0x67b: {  	v37 =	vshll.u32 v37, $0x6;
	v11 =	vadd.f32 v11, v62;
	v62 =	vld.idx.msk [tilespmem:v35+s21+$0x0], $0xffff;
	v13 =	vmul.f32 v13, v36  }
0x67c: {  	v19 =	vshll.u32 v19, $0x7;
	v31 =	vld.idx.msk [tilespmem:v16+s21+$0x0], $0xffff;
	v37 =	vand.u32 $0x40, v37;
	v0 =	vmul.f32 v0, v2  }
0x67d: {  	v19 =	vor.u32 v19, v37;
	v12 =	vmul.f32 v12, v63;
	[tilespmem:s9+$0xFFFFFC50] =	vst v11;
	v11 =	vadd.f32 v13, v59  }
0x67e: {  	v9 =	vshll.u32 v9, $0x6;
	v63 =	vld.idx.msk [tilespmem:v32+s21+$0x0], $0xffff;
	v43 =	vor.u32 v5, v19;
	v0 =	vadd.f32 v0, v57  }
0x67f: {  	v14 =	vld.idx.msk [tilespmem:v32+s24+$0x0], $0xffff;
	v12 =	vadd.f32 v12, v58;
	[tilespmem:s9+$0xFFFFFC70] =	vst v11;
	v11 =	vor.u32 v4, v9  }
0x680: {  	v10 =	vshll.u32 v10, $0x6;
	v36 =	vld.idx.msk [tilespmem:v17+s21+$0x0], $0xffff;
	[tilespmem:s9+$0xFFFFFC80] =	vst v0;
	v0 =	vor.u32 v22, v9  }
0x681: {  	v23 =	vor.u32 v4, v10;
	[tilespmem:s9+$0xFFFFFC60] =	vst v12;
	v12 =	vld.idx.msk [tilespmem:v33+s21+$0x0], $0xffff  }
0x682: {  	[tilespmem:s9+$0xFFFFFFE0] =	vst v21;
	v21 =	vor.u32 v5, v9;
	v13 =	vld.idx.msk [tilespmem:v16+s24+$0x0], $0xffff;
	v9 =	vor.u32 v6, v9  }
0x683: {  	v2 =	vld.idx.msk [tilespmem:v43+s26+$0x0], $0xffff  }
0x684: {  	[tilespmem:s9+$0xFFFFFFF0] =	vst v20;
	v20 =	vld.idx.msk [tilespmem:v11+s16+$0x0], $0xffff;
	v11 =	vor.u32 v22, v10  }
0x685: {  	v18 =	vld.idx.msk [tilespmem:v0+s16+$0x0], $0xffff;
	v0 =	vor.u32 v5, v10  }
0x686: {  	v1 =	vshll.u32 v1, $0x6;
	v24 =	vld.idx.msk [tilespmem:v23+s16+$0x0], $0xffff;
	v10 =	vor.u32 v6, v10  }
0x687: {  	v42 =	vld.idx.msk [tilespmem:v9+s16+$0x0], $0xffff;
	v9 =	vor.u32 v4, v1  }
0x688: {  	v28 =	vor.u32 v22, v1;
	v21 =	vld.idx.msk [tilespmem:v21+s16+$0x0], $0xffff  }
0x689: {  	v23 =	vld.idx.msk [tilespmem:v11+s16+$0x0], $0xffff;
	v11 =	vor.u32 v5, v1  }
0x68a: {  	v25 =	vld.idx.msk [tilespmem:v0+s16+$0x0], $0xffff;
	v0 =	vor.u32 v6, v1;
	v1 =	vshll.u32 v14, $0x6  }
0x68b: {  	v26 =	vld.idx.msk [tilespmem:v10+s16+$0x0], $0xffff;
	v10 =	vor.u32 v4, v1  }
0x68c: {  	v27 =	vld.idx.msk [tilespmem:v9+s16+$0x0], $0xffff;
	v9 =	vor.u32 v22, v1  }
0x68d: {  	v28 =	vld.idx.msk [tilespmem:v28+s16+$0x0], $0xffff;
	v14 =	vor.u32 v5, v1  }
0x68e: {  	v1 =	vor.u32 v6, v1;
	v29 =	vld.idx.msk [tilespmem:v11+s16+$0x0], $0xffff;
	v11 =	vshll.u32 v15, $0x6  }
0x68f: {  	v30 =	vld.idx.msk [tilespmem:v0+s16+$0x0], $0xffff;
	v0 =	vor.u32 v4, v11  }
0x690: {  	v44 =	vld.idx.msk [tilespmem:v10+s16+$0x0], $0xffff;
	v10 =	vor.u32 v22, v11  }
0x691: {  	v45 =	vld.idx.msk [tilespmem:v9+s16+$0x0], $0xffff;
	v9 =	vor.u32 v5, v11  }
0x692: {  	v46 =	vld.idx.msk [tilespmem:v14+s16+$0x0], $0xffff;
	v11 =	vor.u32 v6, v11;
	v14 =	vshll.u32 v61, $0x6  }
0x693: {  	v47 =	vld.idx.msk [tilespmem:v1+s16+$0x0], $0xffff;
	v1 =	vor.u32 v4, v14  }
0x694: {  	v48 =	vld.idx.msk [tilespmem:v0+s16+$0x0], $0xffff;
	v0 =	vor.u32 v22, v14  }
0x695: {  	v32 =	vshll.u32 v32, $0x7;
	v49 =	vld.idx.msk [tilespmem:v10+s16+$0x0], $0xffff;
	v10 =	vor.u32 v5, v14  }
0x696: {  	v13 =	vshll.u32 v13, $0x6;
	v61 =	vshll.u32 v63, $0x6;
	v50 =	vld.idx.msk [tilespmem:v9+s16+$0x0], $0xffff;
	v9 =	vor.u32 v6, v14  }
0x697: {  	v51 =	vld.idx.msk [tilespmem:v11+s16+$0x0], $0xffff;
	v11 =	vor.u32 v4, v13;
	v14 =	vshll.u32 v34, $0x7;
	v34 =	vand.u32 $0x40, v61  }
0x698: {  	v52 =	vld.idx.msk [tilespmem:v1+s16+$0x0], $0xffff;
	v1 =	vor.u32 v22, v13;
	v32 =	vor.u32 v32, v34  }
0x699: {  	v34 =	vor.u32 v4, v32;
	v53 =	vld.idx.msk [tilespmem:v0+s16+$0x0], $0xffff  }
0x69a: {  	v39 =	vor.u32 v5, v32;
	v54 =	vld.idx.msk [tilespmem:v10+s16+$0x0], $0xffff  }
0x69b: {  	v8 =	vshll.u32 v8, $0x6;
	v63 =	vor.u32 v22, v32;
	v32 =	vor.u32 v6, v32;
	v55 =	vld.idx.msk [tilespmem:v9+s16+$0x0], $0xffff  }
0x69c: {  	[tilespmem:s9+$0xFFFFFFD0] =	vst v56;
	v8 =	vand.u32 $0x40, v8;
	v0 =	vor.u32 v5, v13;
	v56 =	vld.idx.msk [tilespmem:v11+s16+$0x0], $0xffff  }
0x69d: {  	v8 =	vor.u32 v14, v8;
	v10 =	vor.u32 v6, v13;
	v57 =	vld.idx.msk [tilespmem:v1+s16+$0x0], $0xffff  }
0x69e: {  	v13 =	vor.u32 v4, v8;
	v34 =	vld.idx.msk [tilespmem:v34+s26+$0x0], $0xffff  }
0x69f: {  	v12 =	vshll.u32 v12, $0x6;
	v9 =	vor.u32 v22, v8;
	v61 =	vld.idx.msk [tilespmem:v39+s26+$0x0], $0xffff  }
0x6a0: {  	v12 =	vand.u32 $0x40, v12;
	v14 =	vshll.u32 v33, $0x7;
	v11 =	vor.u32 v5, v8;
	v32 =	vld.idx.msk [tilespmem:v32+s26+$0x0], $0xffff  }
0x6a1: {  	v1 =	vor.u32 v6, v8;
	v8 =	vor.u32 v14, v12;
	v59 =	vld.idx.msk [tilespmem:v0+s16+$0x0], $0xffff  }
0x6a2: {  	v12 =	vor.u32 v22, v8;
	v58 =	vld.idx.msk [tilespmem:v10+s16+$0x0], $0xffff  }
0x6a3: {  	v36 =	vshll.u32 v36, $0x6;
	v14 =	vor.u32 v5, v8;
	v10 =	vld.idx.msk [tilespmem:v13+s26+$0x0], $0xffff  }
0x6a4: {  	v17 =	vshll.u32 v17, $0x7;
	v36 =	vand.u32 $0x40, v36;
	v0 =	vor.u32 v4, v8;
	v9 =	vld.idx.msk [tilespmem:v9+s26+$0x0], $0xffff  }
0x6a5: {  	v17 =	vor.u32 v17, v36;
	v13 =	vshll.u32 v62, $0x6;
	v11 =	vld.idx.msk [tilespmem:v11+s26+$0x0], $0xffff;
	v8 =	vor.u32 v6, v8  }
0x6a6: {  	v36 =	vor.u32 v4, v17;
	v15 =	vshll.u32 v35, $0x7;
	v13 =	vand.u32 $0x40, v13;
	v1 =	vld.idx.msk [tilespmem:v1+s26+$0x0], $0xffff  }
0x6a7: {  	v39 =	vor.u32 v5, v17;
	v13 =	vor.u32 v15, v13;
	v12 =	vld.idx.msk [tilespmem:v12+s26+$0x0], $0xffff  }
0x6a8: {  	v14 =	vld.idx.msk [tilespmem:v14+s26+$0x0], $0xffff;
	v15 =	vor.u32 v4, v13  }
0x6a9: {  	v31 =	vshll.u32 v31, $0x6;
	v60 =	vor.u32 v22, v13;
	v0 =	vld.idx.msk [tilespmem:v0+s26+$0x0], $0xffff  }
0x6aa: {  	v31 =	vand.u32 $0x40, v31;
	v16 =	vshll.u32 v16, $0x7;
	v62 =	vor.u32 v5, v13;
	v8 =	vld.idx.msk [tilespmem:v8+s26+$0x0], $0xffff  }
0x6ab: {  	v16 =	vor.u32 v16, v31;
	v13 =	vor.u32 v6, v13;
	v31 =	vadd.f32 v18, v9;
	v9 =	vld.idx.msk [tilespmem:v36+s26+$0x0], $0xffff  }
0x6ac: {  	v37 =	vor.u32 v4, v19;
	v43 =	vadd.f32 v23, v12;
	v12 =	vld.idx.msk [tilespmem:v39+s26+$0x0], $0xffff  }
0x6ad: {  	v15 =	vld.idx.msk [tilespmem:v15+s26+$0x0], $0xffff  }
0x6ae: {  	v40 =	vor.u32 v22, v19;
	v33 =	vld.idx.msk [tilespmem:v60+s26+$0x0], $0xffff  }
0x6af: {  	v19 =	vor.u32 v6, v19;
	v35 =	vld.idx.msk [tilespmem:v62+s26+$0x0], $0xffff  }
0x6b0: {  	v38 =	vadd.f32 v20, v10;
	v20 =	vadd.f32 v21, v11;
	v11 =	vor.u32 v22, v16;
	v13 =	vld.idx.msk [tilespmem:v13+s26+$0x0], $0xffff  }
0x6b1: {  	v32 =	vadd.f32 v47, v32;
	v62 =	vld.idx.msk [tilespmem:v37+s26+$0x0], $0xffff;
	v37 =	vor.u32 v22, v17  }
0x6b2: {  	v18 =	vadd.f32 v42, v1;
	v25 =	vadd.f32 v25, v14;
	v60 =	vld.idx.msk [tilespmem:v63+s26+$0x0], $0xffff  }
0x6b3: {  	v4 =	vor.u32 v4, v16;
	v63 =	vld.idx.msk [tilespmem:v40+s26+$0x0], $0xffff;
	v42 =	vadd.f32 v24, v0;
	v40 =	vadd.f32 v26, v8  }
0x6b4: {  	v10 =	vld.idx.msk [tilespmem:v19+s26+$0x0], $0xffff;
	v1 =	vor.u32 v5, v16;
	v24 =	vadd.f32 v52, v9;
	v22 =	vadd.f32 v54, v12  }
0x6b5: {  	v14 =	vor.u32 v6, v16;
	v11 =	vld.idx.msk [tilespmem:v11+s26+$0x0], $0xffff;
	v39 =	vadd.f32 v27, v15;
	v28 =	vadd.f32 v28, v33  }
0x6b6: {  	v17 =	vor.u32 v6, v17;
	v0 =	vld.idx.msk [tilespmem:v37+s26+$0x0], $0xffff;
	v37 =	vadd.f32 v29, v35;
	v27 =	vadd.f32 v30, v13  }
0x6b7: {  	v9 =	vmul.f32 v20, v20;
	v33 =	vadd.f32 v44, v34;
	v34 =	vadd.f32 v45, v60  }
0x6b8: {  	[tilespmem:$0x1F520] =	vst v18;
	v12 =	vmul.f32 v42, v42;
	v35 =	vadd.f32 v46, v61;
	v26 =	vadd.f32 v48, v62  }
0x6b9: {  	v16 =	vmul.f32 v40, v40;
	v15 =	vld.idx.msk [tilespmem:v4+s26+$0x0], $0xffff;
	v30 =	vadd.f32 v49, v63;
	v4 =	vadd.f32 v50, v2  }
0x6ba: {  	v1 =	vld.idx.msk [tilespmem:v1+s26+$0x0], $0xffff;
	v29 =	vadd.f32 v51, v10;
	v2 =	vadd.f32 v18, v20;
	v10 =	vmul.f32 v18, v18  }
0x6bb: {  	v13 =	vld.idx.msk [tilespmem:v14+s26+$0x0], $0xffff;
	v14 =	vmul.f32 v43, v43;
	v50 =	vmul.f32 v32, v32;
	v61 =	vadd.f32 v57, v11  }
0x6bc: {  	v8 =	vld.idx.msk [tilespmem:v17+s26+$0x0], $0xffff;
	v11 =	vadd.f32 v43, v42;
	v17 =	vadd.f32 v28, v39;
	v18 =	vmul.f32 v39, v39  }
0x6bd: {  	[tilespmem:$0x1F510] =	vst v20;
	v19 =	vadd.f32 v27, v37;
	v20 =	vmul.f32 v28, v28;
	v21 =	vmul.f32 v37, v37  }
0x6be: {  	v44 =	vmul.f32 v27, v27;
	v45 =	vadd.f32 v34, v33;
	v46 =	vmul.f32 v33, v33  }
0x6bf: {  	v47 =	vadd.f32 v32, v35;
	v48 =	vmul.f32 v34, v34;
	v51 =	vadd.f32 v30, v26  }
0x6c0: {  	v49 =	vmul.f32 v35, v35;
	v52 =	vadd.f32 v29, v4;
	v60 =	vadd.f32 v59, v1  }
0x6c1: {  	v5 =	vmul.f32 v30, v30;
	v23 =	vadd.f32 v53, v0;
	v63 =	vadd.f32 v55, v8  }
0x6c2: {  	v36 =	vmul.f32 v4, v4;
	v62 =	vadd.f32 v56, v15;
	v0 =	vadd.f32 v31, v38  }
0x6c3: {  	[tilespmem:$0x1F4F0] =	vst v38;
	v1 =	vmul.f32 v38, v38;
	v38 =	vadd.f32 v58, v13;
	v13 =	vadd.f32 v40, v25  }
0x6c4: {  	v8 =	vmul.f32 v31, v31;
	v55 =	vadd.f32 v23, v24;
	v57 =	vadd.f32 v63, v22  }
0x6c5: {  	v15 =	vmul.f32 v25, v25;
	v58 =	vadd.f32 v61, v62;
	v0 =	vadd.f32 v2, v0  }
0x6c6: {  	v53 =	vmul.f32 v26, v26;
	v59 =	vadd.f32 v38, v60;
	v1 =	vadd.f32 v8, v1  }
0x6c7: {  	v2 =	vmul.f32 v29, v29;
	v8 =	vadd.f32 v10, v9;
	v10 =	vadd.f32 v13, v11  }
0x6c8: {  	v9 =	vmul.f32 v24, v24;
	v11 =	vadd.f32 v14, v12;
	v13 =	vadd.f32 v16, v15  }
0x6c9: {  	v12 =	vmul.f32 v23, v23;
	v14 =	vadd.f32 v19, v17;
	v16 =	vadd.f32 v20, v18  }
0x6ca: {  	v15 =	vmul.f32 v22, v22;
	v17 =	vadd.f32 v44, v21;
	v19 =	vadd.f32 v47, v45  }
0x6cb: {  	v20 =	vadd.f32 v48, v46;
	[tilespmem:$0x1F600] =	vst v62;
	v21 =	vmul.f32 v62, v62;
	v62 =	vadd.f32 v50, v49  }
0x6cc: {  	[tilespmem:$0x1F5F0] =	vst v63;
	v18 =	vmul.f32 v63, v63;
	v63 =	vadd.f32 v52, v51;
	v5 =	vadd.f32 v5, v53  }
0x6cd: {  	[tilespmem:$0x1F5D0] =	vst v4;
	v4 =	vmul.f32 v61, v61;
	v2 =	vadd.f32 v2, v36;
	v52 =	vadd.f32 v57, v55  }
0x6ce: {  	v36 =	vmul.f32 v60, v60;
	v9 =	vadd.f32 v12, v9;
	v15 =	vadd.f32 v18, v15  }
0x6cf: {  	v12 =	vmul.f32 v38, v38;
	v53 =	vadd.f32 v59, v58;
	v21 =	vadd.f32 v4, v21  }
0x6d0: {  	v1 =	vadd.f32 v8, v1;
	v8 =	vperm.xlane v0, v7;
	v11 =	vadd.f32 v13, v11  }
0x6d1: {  	v13 =	vperm.xlane v10, v7;
	v16 =	vadd.f32 v17, v16;
	v54 =	vperm.xlane v14, v7  }
0x6d2: {  	v20 =	vadd.f32 v62, v20;
	v55 =	vperm.xlane v19, v7;
	v12 =	vadd.f32 v12, v36  }
0x6d3: {  	v56 =	vperm.xlane v63, v7;
	v2 =	vadd.f32 v2, v5;
	v9 =	vadd.f32 v15, v9  }
0x6d4: {  	v15 =	vperm.xlane v52, v7;
	v0 =	vadd.f32 v0, v8;
	v10 =	vadd.f32 v10, v13  }
0x6d5: {  	v13 =	vperm.xlane v11, v7;
	v14 =	vadd.f32 v14, v54;
	v57 =	vperm.xlane v16, v7  }
0x6d6: {  	v58 =	vperm.xlane v20, v7;
	v8 =	vadd.f32 v12, v21;
	v12 =	vperm.xlane v53, v7  }
0x6d7: {  	[tilespmem:$0x1F610] =	vst v61;
	v19 =	vadd.f32 v19, v55;
	v21 =	vperm.xlane v1, v7;
	v59 =	vperm.xlane v2, v7  }
0x6d8: {  	[tilespmem:$0x1F620] =	vst v60;
	v45 =	vadd.f32 v63, v56;
	v60 =	vperm.xlane v9, v7;
	v61 =	vperm.xlane v0, v41  }
0x6d9: {  	v11 =	vadd.f32 v13, v11;
	v1 =	vadd.f32 v21, v1;
	v21 =	vperm.xlane v8, v7  }
0x6da: {  	v15 =	vadd.f32 v52, v15;
	v62 =	vperm.xlane v10, v41;
	v13 =	vperm.xlane v14, v41  }
0x6db: {  	v16 =	vadd.f32 v57, v16;
	v8 =	vadd.f32 v21, v8;
	v21 =	vperm.xlane v11, v41  }
0x6dc: {  	v63 =	vperm.xlane v19, v41;
	v20 =	vadd.f32 v58, v20;
	v12 =	vadd.f32 v53, v12  }
0x6dd: {  	[tilespmem:$0x1F630] =	vst v38;
	v38 =	vperm.xlane v1, v41;
	v56 =	vperm.xlane v8, v41;
	v11 =	vadd.f32 v21, v11  }
0x6de: {  	v4 =	vperm.xlane v45, v41;
	v2 =	vadd.f32 v59, v2;
	v10 =	vadd.f32 v10, v62  }
0x6df: {  	v1 =	vadd.f32 v38, v1;
	v62 =	vadd.f32 v56, v8;
	v8 =	vperm.xlane v11, v3  }
0x6e0: {  	v5 =	vperm.xlane v15, v41;
	v9 =	vadd.f32 v60, v9;
	v13 =	vadd.f32 v14, v13  }
0x6e1: {  	v0 =	vadd.f32 v0, v61;
	v61 =	vperm.xlane v1, v3;
	v48 =	vadd.f32 v8, v11;
	v8 =	vld [tilespmem:$0x1FF90]  }
0x6e2: {  	v14 =	vperm.xlane v16, v41;
	v17 =	vadd.f32 v19, v63;
	v21 =	vperm.xlane v13, v3  }
0x6e3: {  	v52 =	vperm.xlane v20, v41;
	v36 =	vperm.xlane v12, v41;
	v47 =	vadd.f32 v61, v1;
	v1 =	vld [tilespmem:$0x1FF90]  }
0x6e4: {  	v44 =	vadd.f32 v45, v4;
	v57 =	vperm.xlane v10, v3;
	v13 =	vadd.f32 v13, v21  }
0x6e5: {  	v53 =	vperm.xlane v2, v41;
	v15 =	vadd.f32 v15, v5;
	v12 =	vadd.f32 v12, v36;
	v36 =	vld [tilespmem:$0x1FF90]  }
0x6e6: {  	v54 =	vperm.xlane v9, v41;
	v10 =	vadd.f32 v10, v57;
	v11 =	vperm.xlane v13, v8;
	v8 =	vld [tilespmem:$0x1FF90]  }
0x6e7: {  	v55 =	vperm.xlane v0, v3;
	v14 =	vadd.f32 v14, v16;
	v58 =	vperm.xlane v17, v3  }
0x6e8: {  	v19 =	vadd.f32 v52, v20;
	v2 =	vadd.f32 v53, v2;
	v1 =	vperm.xlane v10, v1  }
0x6e9: {  	v0 =	vadd.f32 v0, v55;
	v63 =	vperm.xlane v14, v3;
	v16 =	vadd.f32 v17, v58  }
0x6ea: {  	v20 =	vperm.xlane v44, v3;
	v21 =	vperm.xlane v2, v3;
	v56 =	vadd.f32 v10, v1;
	v1 =	vld [tilespmem:$0x1FF90]  }
0x6eb: {  	v46 =	vadd.f32 v63, v14;
	v38 =	vperm.xlane v0, v36;
	v14 =	vperm.xlane v16, v8;
	v8 =	vld [tilespmem:$0x1FF90]  }
0x6ec: {  	v59 =	vperm.xlane v15, v3;
	v9 =	vadd.f32 v54, v9;
	v52 =	vadd.f32 v21, v2;
	v2 =	vld [tilespmem:$0x1FF90]  }
0x6ed: {  	s19 =	sadd.s32 $0x7, s10;
	v4 =	vperm.xlane v19, v3;
	v20 =	vadd.f32 v44, v20;
	v44 =	vadd.f32 v0, v38;
	v0 =	vld [tilespmem:$0x1FF90]  }
0x6ee: {  	v55 =	vmov s19;
	v60 =	vperm.xlane v12, v3;
	v51 =	vadd.f32 v13, v11;
	v13 =	vld [tilespmem:$0x1FF90]  }
0x6ef: {  	v15 =	vadd.f32 v15, v59;
	v5 =	vperm.xlane v9, v3;
	v63 =	vperm.xlane v48, v1;
	v1 =	vld [tilespmem:$0x1FF90]  }
0x6f0: {  	p0 =	slt.u32 s10, $0x78;
	v45 =	vadd.f32 v12, v60;
	v12 =	vperm.xlane v62, v3;
	v41 =	vperm.xlane v20, v8;
	v8 =	vld [tilespmem:$0x1FF90]  }
.Ltmp4:
0x6f1: {  	v49 =	vadd.f32 v4, v19;
	v2 =	vperm.xlane v15, v2;
	(pc) =	sbr.rel @p0 .LBB2_9-.Ltmp4, $4  }
0x6f2: {  	v54 =	vadd.f32 v5, v9;
	v53 =	vadd.f32 v12, v62  }
0x6f3: {  	v59 =	vadd.f32 v15, v2;
	v0 =	vperm.xlane v47, v0;
	v60 =	vperm.xlane v49, v13  }
0x6f4: {  	[tilespmem:$0x1F500] =	vst v31;
	v62 =	vadd.f32 v16, v14;
	v61 =	vperm.xlane v52, v13;
	v57 =	vperm.xlane v54, v13  }
0x6f5: {  	s10 =	sadd.s32 $0x8, s10;
	v9 =	vld.idx.msk [tilespmem:v55+s24+$0x0], $0xffff;
	v50 =	vperm.xlane v46, v1;
	v58 =	vadd.f32 v20, v41;
	v8 =	vperm.xlane v45, v8  }
0x6f6: {  	_ =	sdelay $0x3  }
0x6f7: {  	v1 =	vld.idx.msk [tilespmem:v55+s21+$0x0], $0xffff  }
0x6f8: {  	v41 =	vld [tilespmem:$0x1FFA0]  }
0x6f9: {  	v4 =	vld [tilespmem:$0x1FFB0]  }
0x6fa: {  	v5 =	vld [tilespmem:$0x1FFE0]  }
0x6fb: {  	v3 =	vlaneseq.u32;
	v2 =	vshll.u32 v9, $0x6  }
0x6fc: {  	v11 =	vshll.u32 v55, $0x7;
	v44 =	vmul.f32 $1.562500000e-02, v44;
	v9 =	vor.u32 v3, v2  }
0x6fd: {  	v13 =	vperm.xlane v53, v13;
	v1 =	vshll.u32 v1, $0x6;
	v10 =	vor.u32 v41, v2  }
0x6fe: {  	v0 =	vadd.f32 v0, v47;
	v12 =	vor.u32 v4, v2;
	v1 =	vand.u32 $0x40, v1  }
0x6ff: {  	v56 =	vmul.f32 $1.562500000e-02, v56;
	v2 =	vor.u32 v5, v2;
	v1 =	vor.u32 v11, v1  }
0x700: {  	v16 =	vadd.f32 v63, v48;
	v51 =	vmul.f32 $1.562500000e-02, v51;
	v11 =	vor.u32 v3, v1  }
0x701: {  	v18 =	vadd.f32 v60, v49;
	v19 =	vadd.f32 v61, v52;
	v14 =	vor.u32 v41, v1;
	v9 =	vld.idx.msk [tilespmem:v9+s16+$0x0], $0xffff  }
0x702: {  	v20 =	vadd.f32 v57, v54;
	v17 =	vadd.f32 v50, v46;
	v15 =	vor.u32 v4, v1;
	v10 =	vld.idx.msk [tilespmem:v10+s16+$0x0], $0xffff  }
0x703: {  	v50 =	vmul.f32 $1.562500000e-02, v62;
	v47 =	vmul.f32 $1.562500000e-02, v58;
	v1 =	vor.u32 v5, v1;
	v12 =	vld.idx.msk [tilespmem:v12+s16+$0x0], $0xffff  }
0x704: {  	v8 =	vadd.f32 v45, v8;
	v46 =	vmul.f32 $1.562500000e-02, v59;
	v0 =	vmul.f32 $1.562500000e-02, v0;
	v2 =	vld.idx.msk [tilespmem:v2+s16+$0x0], $0xffff  }
0x705: {  	v13 =	vadd.f32 v13, v53;
	v16 =	vmul.f32 $1.562500000e-02, v16;
	v21 =	vmul.f32 v56, v56;
	v11 =	vld.idx.msk [tilespmem:v11+s26+$0x0], $0xffff  }
0x706: {  	v42 =	vsub.f32 v42, v56;
	v31 =	vmul.f32 v51, v51;
	v45 =	vmul.f32 $1.562500000e-02, v8;
	v8 =	vld.idx.msk [tilespmem:v14+s26+$0x0], $0xffff  }
0x707: {  	v43 =	vsub.f32 v43, v56;
	v18 =	vmul.f32 $1.562500000e-02, v18;
	v19 =	vmul.f32 $1.562500000e-02, v19;
	v15 =	vld.idx.msk [tilespmem:v15+s26+$0x0], $0xffff  }
0x708: {  	v48 =	vsub.f32 v25, v56;
	v38 =	vmul.f32 $1.562500000e-02, v20;
	v36 =	vmul.f32 v47, v47;
	v1 =	vld.idx.msk [tilespmem:v1+s26+$0x0], $0xffff  }
0x709: {  	v40 =	vsub.f32 v40, v56;
	v32 =	vsub.f32 v32, v50;
	v14 =	vmul.f32 v44, v44  }
0x70a: {  	v17 =	vmul.f32 $1.562500000e-02, v17;
	v30 =	vsub.f32 v30, v47;
	v19 =	vsub.f32 v19, v36  }
0x70b: {  	v58 =	vmul.f32 v45, v45;
	v0 =	vsub.f32 v0, v14;
	v14 =	vsub.f32 v16, v21  }
0x70c: {  	v3 =	vmul.f32 v50, v50;
	v52 =	vadd.f32 v9, v11;
	v53 =	vadd.f32 v10, v8  }
0x70d: {  	v0 =	vmax.f32 v0, $0.0e+00;
	v54 =	vadd.f32 v12, v15;
	v55 =	vadd.f32 v2, v1  }
0x70e: {  	v1 =	vmul.f32 $1.562500000e-02, v13;
	v2 =	vsub.f32 v17, v31;
	v13 =	vsub.f32 v18, v3  }
0x70f: {  	v8 =	vmul.f32 v46, v46;
	v0 =	vadd.f32 $9.999999960e-13, v0;
	v9 =	vadd.f32 v53, v52  }
0x710: {  	v6 =	vld [tilespmem:$0x1FFD0];
	v10 =	vadd.f32 v55, v54;
	v11 =	vmul.f32 v52, v52;
	v12 =	vmul.f32 v53, v53  }
0x711: {  	v15 =	vmul.f32 v54, v54;
	v49 =	vmul.f32 v55, v55;
	v8 =	vsub.f32 v38, v8  }
0x712: {  	v1 =	vsub.f32 v1, v58;
	v2 =	vmax.f32 v2, $0.0e+00;
	v9 =	vadd.f32 v10, v9  }
0x713: {  	v13 =	vmax.f32 v13, $0.0e+00;
	v10 =	vadd.f32 v12, v11;
	v11 =	vadd.f32 v49, v15  }
0x714: {  	v7 =	vld [tilespmem:$0x1FFF0];
	v2 =	vadd.f32 $9.999999960e-13, v2;
	v13 =	vadd.f32 $9.999999960e-13, v13  }
0x715: {  	v12 =	vmax.f32 v14, $0.0e+00;
	v10 =	vadd.f32 v11, v10;
	v11 =	vperm.xlane v9, v6  }
0x716: {  	v14 =	vmax.f32 v19, $0.0e+00;
	v8 =	vmax.f32 v8, $0.0e+00;
	v1 =	vmax.f32 v1, $0.0e+00  }
0x717: {  	v49 =	vmul.f32 $5.000000000e-01, v0;
	v9 =	vadd.f32 v9, v11;
	v11 =	vperm.xlane v10, v6  }
0x718: {  	v8 =	vadd.f32 $9.999999960e-13, v8;
	v62 =	vshra.s32 v13, $0x1;
	v13 =	vmul.f32 $5.000000000e-01, v13  }
0x719: {  	v59 =	vld [tilespmem:$0x1FFC0];
	v17 =	vsub.s32 $0x5F3759DF, v62;
	v15 =	vperm.xlane v9, v7;
	v10 =	vadd.f32 v11, v10  }
0x71a: {  	v12 =	vadd.f32 $9.999999960e-13, v12;
	v31 =	vshra.s32 v8, $0x1;
	v62 =	vmul.f32 v17, v13  }
0x71b: {  	v8 =	vmul.f32 $5.000000000e-01, v8;
	v9 =	vadd.f32 v9, v15;
	v15 =	vperm.xlane v10, v7  }
0x71c: {  	v19 =	vsub.s32 $0x5F3759DF, v31;
	v31 =	vmul.f32 v17, v62;
	v62 =	vsub.f32 v39, v51  }
0x71d: {  	v36 =	vld [tilespmem:$0x1FF90];
	v11 =	vadd.f32 $9.999999960e-13, v14;
	v14 =	vshra.s32 v0, $0x1;
	v10 =	vadd.f32 v15, v10  }
0x71e: {  	v0 =	vadd.f32 $9.999999960e-13, v1;
	v1 =	vshra.s32 v12, $0x1;
	v61 =	vperm.xlane v9, v59  }
0x71f: {  	v12 =	vmul.f32 $5.000000000e-01, v12;
	v14 =	vsub.s32 $0x5F3759DF, v14;
	v63 =	vperm.xlane v10, v59;
	v59 =	vld [tilespmem:$0x1FF90]  }
0x720: {  	v1 =	vsub.s32 $0x5F3759DF, v1;
	v57 =	vsub.f32 $1.500000000e+00, v31;
	v9 =	vadd.f32 v9, v61  }
0x721: {  	v25 =	vshra.s32 v11, $0x1;
	v11 =	vmul.f32 $5.000000000e-01, v11;
	v38 =	vshra.s32 v0, $0x1  }
0x722: {  	v0 =	vmul.f32 $5.000000000e-01, v0;
	v20 =	vperm.xlane v9, v36;
	v10 =	vadd.f32 v63, v10  }
0x723: {  	v58 =	vmul.f32 v14, v49;
	v18 =	vsub.s32 $0x5F3759DF, v25;
	v17 =	vmul.f32 v17, v57  }
0x724: {  	v15 =	vshra.s32 v2, $0x1;
	v9 =	vadd.f32 v9, v20;
	v20 =	vperm.xlane v10, v59  }
0x725: {  	v2 =	vmul.f32 $5.000000000e-01, v2;
	v21 =	vmul.f32 v14, v58;
	v15 =	vsub.s32 $0x5F3759DF, v15  }
0x726: {  	v13 =	vmul.f32 v17, v13;
	v9 =	vmul.f32 $1.562500000e-02, v9;
	v10 =	vadd.f32 v20, v10  }
0x727: {  	v31 =	vsub.f32 v26, v47;
	v61 =	vmul.f32 v15, v2;
	v63 =	vmul.f32 v18, v11  }
0x728: {  	v26 =	vsub.f32 v23, v46;
	v3 =	vmul.f32 v9, v9;
	v10 =	vmul.f32 $1.562500000e-02, v10  }
0x729: {  	v16 =	vsub.s32 $0x5F3759DF, v38;
	v13 =	vmul.f32 v13, v17;
	v38 =	vmul.f32 v18, v63  }
0x72a: {  	v60 =	vmul.f32 v1, v12;
	v21 =	vsub.f32 $1.500000000e+00, v21;
	v10 =	vsub.f32 v10, v3  }
0x72b: {  	v25 =	vmul.f32 v15, v61;
	v13 =	vsub.f32 $1.500000000e+00, v13;
	v58 =	vsub.f32 $1.500000000e+00, v38  }
0x72c: {  	v36 =	vmul.f32 v16, v0;
	v20 =	vmul.f32 v1, v60;
	v10 =	vmax.f32 v10, $0.0e+00  }
0x72d: {  	v13 =	vmul.f32 v13, v17;
	v18 =	vmul.f32 v18, v58;
	v10 =	vadd.f32 $9.999999960e-13, v10  }
0x72e: {  	v20 =	vsub.f32 $1.500000000e+00, v20;
	v3 =	vmul.f32 v14, v21;
	v21 =	vsub.f32 $1.500000000e+00, v25  }
0x72f: {  	v11 =	vmul.f32 v18, v11;
	v59 =	vshra.s32 v10, $0x1;
	v10 =	vmul.f32 $5.000000000e-01, v10  }
0x730: {  	v14 =	vmul.f32 v19, v8;
	v15 =	vmul.f32 v15, v21;
	v21 =	vsub.s32 $0x5F3759DF, v59  }
0x731: {  	v53 =	vsub.f32 v53, v9;
	v1 =	vmul.f32 v1, v20;
	v60 =	vmul.f32 v21, v10  }
0x732: {  	v54 =	vsub.f32 v54, v9;
	v20 =	vmul.f32 v16, v36;
	v14 =	vmul.f32 v19, v14  }
0x733: {  	v36 =	vsub.f32 v37, v51;
	v12 =	vmul.f32 v1, v12;
	v61 =	vmul.f32 v21, v60  }
0x734: {  	v11 =	vmul.f32 v11, v18;
	v20 =	vsub.f32 $1.500000000e+00, v20;
	v14 =	vsub.f32 $1.500000000e+00, v14  }
0x735: {  	v2 =	vmul.f32 v15, v2;
	v12 =	vmul.f32 v12, v1;
	v63 =	vsub.f32 $1.500000000e+00, v61  }
0x736: {  	v11 =	vsub.f32 $1.500000000e+00, v11;
	v16 =	vmul.f32 v16, v20;
	v14 =	vmul.f32 v19, v14  }
0x737: {  	v37 =	vsub.f32 v27, v51;
	v2 =	vmul.f32 v2, v15;
	v25 =	vmul.f32 v21, v63  }
0x738: {  	v11 =	vmul.f32 v11, v18;
	v12 =	vsub.f32 $1.500000000e+00, v12;
	v8 =	vmul.f32 v14, v8  }
0x739: {  	v0 =	vmul.f32 v16, v0;
	v2 =	vsub.f32 $1.500000000e+00, v2;
	v10 =	vmul.f32 v25, v10  }
0x73a: {  	v39 =	vld [tilespmem:$0x1FF30];
	v27 =	vsub.f32 v24, v46;
	v1 =	vmul.f32 v12, v1;
	v8 =	vmul.f32 v8, v14  }
0x73b: {  	v38 =	vld [tilespmem:$0x1FF10];
	v12 =	vsub.f32 v33, v50;
	v2 =	vmul.f32 v2, v15;
	v10 =	vmul.f32 v10, v25  }
0x73c: {  	v59 =	vld [tilespmem:$0x1F5F0];
	v0 =	vmul.f32 v0, v16;
	v58 =	vmul.f32 v1, v48;
	v8 =	vsub.f32 $1.500000000e+00, v8  }
0x73d: {  	v19 =	vmul.f32 v2, v62;
	v21 =	vsub.f32 v28, v51;
	v51 =	vld [tilespmem:$0x1F5D0];
	v10 =	vsub.f32 $1.500000000e+00, v10  }
0x73e: {  	v33 =	vsub.f32 v35, v50;
	v60 =	vld [tilespmem:$0x1F600];
	v36 =	vmul.f32 v2, v36;
	v8 =	vmul.f32 v8, v14  }
0x73f: {  	v48 =	vld [tilespmem:$0x1FF60];
	v14 =	vsub.f32 v52, v9;
	v9 =	vsub.f32 v55, v9;
	v10 =	vmul.f32 v10, v25  }
0x740: {  	v15 =	vsub.f32 v34, v50;
	v21 =	vmul.f32 v2, v21;
	v2 =	vmul.f32 v2, v37;
	v37 =	vld [tilespmem:$0x1FF20]  }
0x741: {  	v0 =	vsub.f32 $1.500000000e+00, v0;
	v56 =	vmul.f32 v1, v42;
	v50 =	vld [tilespmem:$0x1FF50];
	v9 =	vmul.f32 v10, v9  }
0x742: {  	v57 =	vmul.f32 v1, v43;
	v1 =	vmul.f32 v1, v40;
	v17 =	vsub.f32 v51, v47;
	v51 =	vld [tilespmem:$0x1FF40]  }
0x743: {  	v18 =	vsub.f32 v29, v47;
	v12 =	vmul.f32 v13, v12;
	v9 =	vmul.f32 v9, v38  }
0x744: {  	v24 =	vsub.f32 v59, v46;
	v61 =	vld [tilespmem:$0x1F610];
	v0 =	vmul.f32 v0, v16;
	v29 =	vmul.f32 v57, v39  }
0x745: {  	v15 =	vmul.f32 v13, v15;
	v28 =	vmul.f32 v56, v37;
	v9 =	vadd.f32 v9, v48  }
0x746: {  	s9 =	sadd.s32 $0x400, s9;
	v62 =	vld [tilespmem:$0x1F620];
	v1 =	vmul.f32 v1, v38;
	v57 =	vmul.f32 v11, v31;
	v20 =	vsub.f32 v60, v45  }
0x747: {  	v15 =	vmul.f32 v15, v39;
	v34 =	vmul.f32 v58, v50;
	v47 =	vld [tilespmem:$0x1F630];
	v28 =	vadd.f32 v28, v51;
	[tilespmem:s9+$0x0] =	vst v9  }
0x748: {  	v1 =	vadd.f32 v1, v48;
	v2 =	vmul.f32 v2, v38;
	v19 =	vmul.f32 v19, v37;
	v52 =	vld [tilespmem:$0x1FF70]  }
0x749: {  	v23 =	vsub.f32 v61, v45;
	v12 =	vmul.f32 v12, v37;
	v14 =	vmul.f32 v10, v14;
	[tilespmem:s9+$0xFFFFFCD0] =	vst v28  }
0x74a: {  	v16 =	vmul.f32 v10, v53;
	v10 =	vmul.f32 v10, v54;
	v19 =	vadd.f32 v19, v51;
	v54 =	vld [tilespmem:$0x1FF80]  }
0x74b: {  	v60 =	vmul.f32 v8, v27;
	v61 =	vmul.f32 v8, v26;
	v2 =	vadd.f32 v2, v48;
	[tilespmem:s9+$0xFFFFFD00] =	vst v1  }
0x74c: {  	v63 =	vsub.f32 v62, v45;
	v56 =	vmul.f32 v36, v50;
	v12 =	vadd.f32 v12, v51;
	[tilespmem:s9+$0xFFFFFD50] =	vst v19  }
0x74d: {  	v17 =	vmul.f32 v11, v17;
	v53 =	vmul.f32 v13, v33;
	[tilespmem:s9+$0xFFFFFD80] =	vst v2;
	v9 =	vadd.f32 v29, v52  }
0x74e: {  	v25 =	vsub.f32 v22, v46;
	v13 =	vmul.f32 v13, v32;
	[tilespmem:s9+$0xFFFFFDD0] =	vst v12;
	v2 =	vadd.f32 v15, v52  }
0x74f: {  	v59 =	vmul.f32 v53, v50;
	v55 =	vadd.f32 v34, v54;
	[tilespmem:s9+$0xFFFFFCE0] =	vst v9;
	v9 =	vmul.f32 v21, v39  }
0x750: {  	v13 =	vmul.f32 v13, v38;
	v15 =	vmul.f32 v57, v37;
	v58 =	vadd.f32 v56, v54;
	[tilespmem:s9+$0xFFFFFDE0] =	vst v2  }
0x751: {  	v12 =	vadd.f32 v59, v54;
	[tilespmem:s9+$0xFFFFFCF0] =	vst v55;
	v1 =	vadd.f32 v9, v52;
	v9 =	vmul.f32 v11, v30  }
0x752: {  	v62 =	vmul.f32 v8, v25;
	v2 =	vmul.f32 v8, v24;
	v8 =	vadd.f32 v13, v48;
	[tilespmem:s9+$0xFFFFFD70] =	vst v58  }
0x753: {  	[tilespmem:s9+$0xFFFFFDF0] =	vst v12;
	v12 =	vadd.f32 v15, v51;
	v11 =	vmul.f32 v11, v18;
	v9 =	vmul.f32 v9, v39  }
0x754: {  	v13 =	vmul.f32 v17, v50;
	[tilespmem:s9+$0xFFFFFE00] =	vst v8  }
0x755: {  	[tilespmem:s9+$0xFFFFFE50] =	vst v12;
	v8 =	vadd.f32 v9, v52;
	v9 =	vmul.f32 v11, v38  }
0x756: {  	v12 =	vadd.f32 v13, v54;
	[tilespmem:s9+$0xFFFFFD60] =	vst v1;
	v1 =	vmul.f32 v3, v49;
	v11 =	vmul.f32 v60, v37  }
0x757: {  	v13 =	vmul.f32 v61, v39;
	[tilespmem:s9+$0xFFFFFE60] =	vst v8;
	v8 =	vadd.f32 v9, v48  }
0x758: {  	[tilespmem:s9+$0xFFFFFE70] =	vst v12;
	v1 =	vmul.f32 v1, v3;
	v11 =	vadd.f32 v11, v51  }
0x759: {  	[tilespmem:s9+$0xFFFFFE80] =	vst v8;
	v8 =	vadd.f32 v13, v52  }
0x75a: {  	v1 =	vsub.f32 $1.500000000e+00, v1;
	[tilespmem:s9+$0xFFFFFED0] =	vst v11  }
0x75b: {  	v12 =	vmul.f32 v62, v50;
	[tilespmem:s9+$0xFFFFFEE0] =	vst v8  }
0x75c: {  	v2 =	vmul.f32 v2, v38;
	v1 =	vmul.f32 v1, v3;
	v3 =	vld [tilespmem:$0x1F4F0]  }
0x75d: {  	v11 =	vadd.f32 v12, v54  }
0x75e: {  	v2 =	vadd.f32 v2, v48  }
0x75f: {  	v15 =	vmul.f32 v0, v20;
	[tilespmem:s9+$0xFFFFFEF0] =	vst v11  }
0x760: {  	[tilespmem:s9+$0xFFFFFF00] =	vst v2  }
0x761: {  	v12 =	vmul.f32 v15, v37;
	v8 =	vsub.f32 v3, v44;
	v3 =	vld [tilespmem:$0x1F510];
	_ =	sdelay $0x1  }
0x762: {  	v11 =	vadd.f32 v12, v51  }
0x763: {  	v22 =	vsub.f32 v47, v45;
	v9 =	vmul.f32 v0, v23;
	v2 =	vld [tilespmem:$0x1F500]  }
0x764: {  	v63 =	vmul.f32 v0, v63;
	[tilespmem:s9+$0xFFFFFF50] =	vst v11  }
0x765: {  	v0 =	vmul.f32 v0, v22;
	v9 =	vmul.f32 v9, v39;
	v13 =	vsub.f32 v3, v44;
	v3 =	vld [tilespmem:$0x1F520]  }
0x766: {  	v14 =	vmul.f32 v14, v37;
	v12 =	vmul.f32 v63, v50  }
0x767: {  	v10 =	vmul.f32 v10, v50;
	v0 =	vmul.f32 v0, v38;
	v9 =	vadd.f32 v9, v52  }
0x768: {  	v12 =	vadd.f32 v12, v54;
	v2 =	vsub.f32 v2, v44;
	v8 =	vmul.f32 v1, v8  }
0x769: {  	v10 =	vadd.f32 v10, v54;
	v0 =	vadd.f32 v0, v48;
	[tilespmem:s9+$0xFFFFFF60] =	vst v9;
	v9 =	vmul.f32 v16, v39  }
0x76a: {  	v2 =	vmul.f32 v1, v2;
	v8 =	vmul.f32 v8, v37;
	[tilespmem:s9+$0xFFFFFF70] =	vst v12;
	v11 =	vsub.f32 v3, v44  }
0x76b: {  	v12 =	vadd.f32 v14, v51;
	v14 =	vld [tilespmem:$0x1FF90];
	[tilespmem:s9+$0xFFFFFF80] =	vst v0;
	v0 =	vadd.f32 v9, v52;
	v9 =	vmul.f32 v1, v13  }
0x76c: {  	v2 =	vmul.f32 v2, v39;
	[tilespmem:s9+$0xFFFFFFF0] =	vst v10;
	v1 =	vmul.f32 v1, v11  }
0x76d: {  	s2 =	sadd.s32 $0x1, s2;
	[tilespmem:s9+$0xFFFFFFE0] =	vst v0;
	v0 =	vadd.f32 v8, v51;
	v8 =	vmul.f32 v9, v50  }
0x76e: {  	p0 =	sne.s32 s2, $0x20;
	[tilespmem:s9+$0xFFFFFFD0] =	vst v12;
	v2 =	vadd.f32 v2, v52;
	v1 =	vmul.f32 v1, v38  }
.Ltmp5:
0x76f: {  	[tilespmem:s9+$0xFFFFFC50] =	vst v0;
	v0 =	vadd.f32 v8, v54;
	(pc) =	sbr.rel @p0 .LBB2_2-.Ltmp5, $4  }
0x770: {  	[tilespmem:s9+$0xFFFFFC60] =	vst v2;
	v1 =	vadd.f32 v1, v48  }
0x771: {  	s10 =	sshll.u32 s18, $0x4;
	[tilespmem:s9+$0xFFFFFC70] =	vst v0  }
0x772: {  	s19 =	sadd.s32 s3, s10;
	[tilespmem:s9+$0xFFFFFC80] =	vst v1  }
0x773: {  	v62 =	vmovc v5;
	v63 =	vlaneseq.u32;
	v13 =	vmovc v4;
	v3 =	vmov v41;
	v11 =	vmov v7;
	[hbm4b:s19+s4] =	stream.linear.scatter [tilespmem:s0], [sflag:$0x4], $0x4000, $0x38;
	[tilespmem:$0x18400] =	vst v63  }
0x774: {  	s1 =	sadd.s32 $0x1, s1  }
0x775: {  	_ =	swait.ge [sflag:s7], $0x4000;
	p0 =	sne.s32 s1, s14  }
.Ltmp6:
0x776: {  	[sflag:s7] =	ssyncset.done $0x0;
	(pc) =	sbr.rel @p0 .LBB2_1-.Ltmp6, $4  }
0x777: {  	[sflag:s7] =	ssyncadd.s32 $0xFFFFC000  }
0x778: {  	_ =	swait.ge [sflag:s31], $0x4000  }
0x779: {  	[sflag:s31] =	ssyncset.done $0x0  }
0x77a: {  	[sflag:s31] =	ssyncadd.s32 $0xFFFFC000  }
0x77b: {  	_ =	sfence.sel $0x180000  }
0x77c: {  	[bflag:$0x0] =	sbarrier.arrive $0xFFFF  }
0x77d: {  	_ =	strace $0x90000047  }
0x77e: {  	s0 =	stileid.u32;
	[bflag:$0x2] =	sbarrier.arrive $0xFFFF  }
0x77f: {  	p0 =	sne.s32 s0, $0x0;
	s0 =	rddreg [dreg:$0x4]  }
0x780: {  	s0 =	sadd.s32 @!p0 $0x100000, s0  }
0x781: {  	[sflag:s0] =	ssyncadd.tile.s32 @!p0 $0x1;
	_ =	shalt  }
.Lfunc_end2:
_tile_overlayer_lowered:
.L_overlay_start_2:
0x782: {  	(tag) =	ssettag $0x2  }
0x783: {  	s0 =	rddreg [dreg:$0x0];
	s2 =	stileid.u32  }
0x784: {  	s1 =	rddreg [dreg:$0x1];
	p0 =	sne.s32 s2, $0x0  }
0x785: {  	s3 =	rddreg [dreg:$0x2];
	[bflag:$0x3] =	sbarrier.arrive $0xFFFF;
	s2 =	simm.s32 @!p0 $0x1C05  }
0x786: {  	[timem:s3], [sflag:s2] =	dma.local @!p0 [hbm:s0], s1  }
0x787: {  	s0 =	simm.s32 @!p0 $0x5  }
0x788: {  	_ =	swait.ge @!p0 [sflag:s0], s1  }
0x789: {  	s1 =	ssub.s32 @!p0 $0x0, s1;
	[sflag:s0] =	ssyncset.done @!p0 $0x0  }
0x78a: {  	[sflag:s0] =	ssyncadd.s32 @!p0 s1  }
0x78b: {  	[bflag:$0x3] =	sbarrier.arrive $0xFFFF  }
0x78c: {  	_ =	shalt  }

</sc_bundles>
